<compile_context>
chip_gen: v7x
topology: tpu7x:2x2x1
jax: 0.10.2.dev20260603
libtpu: 0.0.44.dev20260713+nightly
codegen_flags: <defaults>
</compile_context>

<pallas_src>
import jax
import jax.numpy as jnp
from jax import lax
from jax.experimental import pallas as pl
from jax.experimental.pallas import tpu as pltpu
from jax.experimental.pallas import tpu_sc as plsc

N_NODES = 50000
E_EDGES = 800000
H = 64
HH = 32
R = 4
NB_BASES = 30

CHUNK = 128
ROWS = 6400
E_PAD = ROWS * CHUNK
RN = R * N_NODES
RN_PAD = 200704
NPAD = 51200
KB = 40
NT = 16
SB = 8
SB1 = 2



def _w_kernel(comp1_ref, b1flat_ref, b2ct_ref, comp2t_ref, w1_ref, w2_ref):
    w1_ref[...] = jnp.dot(comp1_ref[...], b1flat_ref[...],
                          preferred_element_type=jnp.float32)
    w2_ref[...] = jnp.dot(b2ct_ref[...], comp2t_ref[...],
                          preferred_element_type=jnp.float32)


BN1 = 2000


def _dense1_kernel(x_ref, w1_ref, root_ref, bias_ref, tab_ref, rp_ref):
    xb = x_ref[...]
    for r in range(R):
        tab_ref[0, r] = jnp.dot(xb, w1_ref[0, r],
                                preferred_element_type=jnp.float32)
    rp_ref[0] = jnp.dot(xb, root_ref[0],
                        preferred_element_type=jnp.float32) + bias_ref[0]


def _invc_kernel(parts_ref, invc_ref):
    p = parts_ref[0] + parts_ref[1]
    inv = 1.0 / jnp.maximum(p, 1.0)
    nrows = RN_PAD // 128
    g = (lax.broadcasted_iota(jnp.int32, (nrows, 128), 0) * 128
         + lax.broadcasted_iota(jnp.int32, (nrows, 128), 1))
    invc_ref[...] = jnp.where(g < RN, inv, 0.0)


def _dense2_kernel(a0_ref, a1_ref, wa_ref, wb_ref, bias_ref, out_ref):
    out_ref[...] = (
        jnp.dot(a0_ref[0], wa_ref[...], preferred_element_type=jnp.float32)
        + jnp.dot(a1_ref[0], wb_ref[...], preferred_element_type=jnp.float32)
        + bias_ref[...])


def _fin_kernel(a_ref, o_ref):
    o_ref[...] = a_ref[0] + a_ref[1]



_MESH = plsc.VectorSubcoreMesh(core_axis_name="c", subcore_axis_name="s")


def _counts_body(cidx_hbm, out_hbm, acc_sh, cbuf, ones, zbuf, sem):
    c = lax.axis_index("c")
    s = lax.axis_index("s")
    nz = RN_PAD // NT

    def zf(i, _):
        zbuf[pl.ds(i * 16, 16)] = jnp.zeros((16,), jnp.float32)
        return 0
    lax.fori_loop(0, nz // 16, zf, 0)
    pltpu.sync_copy(zbuf, acc_sh.at[pl.ds(s * nz, nz)])

    def of(i, _):
        ones[pl.ds(i * 16, 16)] = jnp.ones((16,), jnp.float32)
        return 0
    lax.fori_loop(0, CHUNK // 16, of, 0)
    plsc.subcore_barrier()

    base = (c * NT + s) * (ROWS // (2 * NT))

    def blk(b, _):
        pltpu.sync_copy(cidx_hbm.at[pl.ds(base + b * KB, KB)], cbuf)

        def ch(j, _):
            pltpu.sync_copy(ones, acc_sh.at[cbuf.at[j]], add=True)
            return 0
        lax.fori_loop(0, KB, ch, 0)
        return 0
    lax.fori_loop(0, (ROWS // (2 * NT)) // KB, blk, 0)

    plsc.subcore_barrier()
    pltpu.sync_copy(acc_sh.at[pl.ds(s * nz, nz)], zbuf)
    pltpu.sync_copy(zbuf, out_hbm.at[c, pl.ds(s * nz, nz)])


def _l1_body(gidx_hbm, cidx_hbm, dst_hbm, tab_hbm, invc_hbm, rootp_hbm,
             out_hbm, acc_sh, gA, cA, dA, gB, cB, dB, rowsA, rowsB,
             cvA, cvB, semgA, semgB, semsA, semsB):
    c = lax.axis_index("c")
    s = lax.axis_index("s")
    nr = NPAD // NT
    BR = 200

    def ini(i, _):
        o = s * nr + i * BR
        pltpu.sync_copy(rootp_hbm.at[c, pl.ds(o, BR)],
                        rowsA.at[pl.ds(0, BR)])
        pltpu.sync_copy(rowsA.at[pl.ds(0, BR)], acc_sh.at[pl.ds(o, BR)])
        return 0
    lax.fori_loop(0, nr // BR, ini, 0)
    plsc.subcore_barrier()

    def fire(o, g, cc, dd, rows, cv, semg):
        pltpu.sync_copy(gidx_hbm.at[pl.ds(o, SB1)], g)
        pltpu.sync_copy(cidx_hbm.at[pl.ds(o, SB1)], cc)
        pltpu.sync_copy(dst_hbm.at[pl.ds(o, SB1)], dd)
        ds_ = []
        for k in range(SB1):
            ds_.append(pltpu.async_copy(
                tab_hbm.at[c].at[g.at[k]],
                rows.at[pl.ds(k * CHUNK, CHUNK)], semg))
            ds_.append(pltpu.async_copy(
                invc_hbm.at[cc.at[k]],
                cv.at[pl.ds(k * CHUNK, CHUNK)], semg))
        return ds_

    def scale(rows, cv):
        def sck(k, _):
            sv16 = cv[pl.ds(k * 16, 16)]
            for e16 in range(16):
                e = k * 16 + e16
                sv = sv16[e16]
                rows[e, pl.ds(0, 16)] = rows[e, pl.ds(0, 16)] * sv
                rows[e, pl.ds(16, 16)] = rows[e, pl.ds(16, 16)] * sv
            return 0
        lax.fori_loop(0, SB1 * CHUNK // 16, sck, 0)

    def scat(rows, dd, sems):
        ds_ = []
        for k in range(SB1):
            ds_.append(pltpu.async_copy(
                rows.at[pl.ds(k * CHUNK, CHUNK)],
                acc_sh.at[dd.at[k]], sems, add=True))
        return ds_

    base = s * (ROWS // NT)
    npairs = (ROWS // NT) // SB1 // 2

    def body(b2, _):
        o0 = base + (2 * b2) * SB1
        dsA = fire(o0, gA, cA, dA, rowsA, cvA, semgA)
        dsB = fire(o0 + SB1, gB, cB, dB, rowsB, cvB, semgB)
        for d in dsA:
            d.wait()
        scale(rowsA, cvA)
        scA = scat(rowsA, dA, semsA)
        for d in dsB:
            d.wait()
        scale(rowsB, cvB)
        scB = scat(rowsB, dB, semsB)
        for d in scA:
            d.wait()
        for d in scB:
            d.wait()
        return 0
    lax.fori_loop(0, npairs, body, 0)

    plsc.subcore_barrier()

    def fin(i, _):
        o = s * nr + i * BR
        pltpu.sync_copy(acc_sh.at[pl.ds(o, BR)], rowsA.at[pl.ds(0, BR)])
        pltpu.sync_copy(rowsA.at[pl.ds(0, BR)], out_hbm.at[c, pl.ds(o, BR)])
        return 0
    lax.fori_loop(0, nr // BR, fin, 0)


def _l2_body(gidx_hbm, cidx_hbm, dst_hbm, ytab_hbm, invc_hbm, zpad_hbm,
             out_hbm, acc_sh, gA, cA, dA, gB, cB, dB, ybA, ybB,
             cvA, cvB, zb, semgA, semgB, semsA, semsB):
    c = lax.axis_index("c")
    s = lax.axis_index("s")
    nz = NPAD // NT

    @pl.when(c == 0)
    def _():
        pltpu.sync_copy(zpad_hbm.at[pl.ds(s * nz, nz)], zb)

    @pl.when(c == 1)
    def _():
        def zf(i, _):
            zb[pl.ds(i * 16, 16)] = jnp.zeros((16,), jnp.float32)
            return 0
        lax.fori_loop(0, nz // 16, zf, 0)

    pltpu.sync_copy(zb, acc_sh.at[pl.ds(s * nz, nz)])
    plsc.subcore_barrier()

    def fire(o, g, cc, dd, yb, cv, semg):
        pltpu.sync_copy(gidx_hbm.at[pl.ds(o, SB)], g)
        pltpu.sync_copy(cidx_hbm.at[pl.ds(o, SB)], cc)
        pltpu.sync_copy(dst_hbm.at[pl.ds(o, SB)], dd)
        ds_ = []
        for k in range(SB):
            ds_.append(pltpu.async_copy(
                ytab_hbm.at[g.at[k]], yb.at[pl.ds(k * CHUNK, CHUNK)], semg))
            ds_.append(pltpu.async_copy(
                invc_hbm.at[cc.at[k]], cv.at[pl.ds(k * CHUNK, CHUNK)], semg))
        return ds_

    def scale(yb, cv):
        def mv(k, _):
            yb[pl.ds(k * 16, 16)] = (yb[pl.ds(k * 16, 16)]
                                     * cv[pl.ds(k * 16, 16)])
            return 0
        lax.fori_loop(0, SB * CHUNK // 16, mv, 0)

    def scat(yb, dd, sems):
        ds_ = []
        for k in range(SB):
            ds_.append(pltpu.async_copy(
                yb.at[pl.ds(k * CHUNK, CHUNK)],
                acc_sh.at[dd.at[k]], sems, add=True))
        return ds_

    base = (c * NT + s) * (ROWS // (2 * NT))
    nblk = (ROWS // (2 * NT)) // SB

    def body(b2, _):
        o0 = base + (2 * b2) * SB
        dsA = fire(o0, gA, cA, dA, ybA, cvA, semgA)
        dsB = fire(o0 + SB, gB, cB, dB, ybB, cvB, semgB)
        for d in dsA:
            d.wait()
        scale(ybA, cvA)
        scA = scat(ybA, dA, semsA)
        for d in dsB:
            d.wait()
        scale(ybB, cvB)
        scB = scat(ybB, dB, semsB)
        for d in scA:
            d.wait()
        for d in scB:
            d.wait()
        return 0
    lax.fori_loop(0, nblk // 2, body, 0)

    oL = base + (nblk - 1) * SB
    dsA = fire(oL, gA, cA, dA, ybA, cvA, semgA)
    for d in dsA:
        d.wait()
    scale(ybA, cvA)
    for d in scat(ybA, dA, semsA):
        d.wait()

    plsc.subcore_barrier()
    pltpu.sync_copy(acc_sh.at[pl.ds(s * nz, nz)], zb)
    pltpu.sync_copy(zb, out_hbm.at[c, pl.ds(s * nz, nz)])



_counts = pl.kernel(
    _counts_body,
    out_type=jax.ShapeDtypeStruct((2, RN_PAD), jnp.float32),
    mesh=_MESH,
    compiler_params=pltpu.CompilerParams(use_tc_tiling_on_sc=False),
    scratch_types=[
        pltpu.VMEM_SHARED((RN_PAD,), jnp.float32),
        pltpu.VMEM((KB, CHUNK), jnp.int32),
        pltpu.VMEM((CHUNK,), jnp.float32),
        pltpu.VMEM((RN_PAD // NT,), jnp.float32),
        pltpu.SemaphoreType.DMA,
    ],
)

_l1 = pl.kernel(
    _l1_body,
    out_type=jax.ShapeDtypeStruct((2, NPAD, HH), jnp.float32),
    mesh=_MESH,
    compiler_params=pltpu.CompilerParams(use_tc_tiling_on_sc=False),
    scratch_types=[
        pltpu.VMEM_SHARED((NPAD, HH), jnp.float32),
        pltpu.VMEM((SB1, CHUNK), jnp.int32),
        pltpu.VMEM((SB1, CHUNK), jnp.int32),
        pltpu.VMEM((SB1, CHUNK), jnp.int32),
        pltpu.VMEM((SB1, CHUNK), jnp.int32),
        pltpu.VMEM((SB1, CHUNK), jnp.int32),
        pltpu.VMEM((SB1, CHUNK), jnp.int32),
        pltpu.VMEM((SB1 * CHUNK, HH), jnp.float32),
        pltpu.VMEM((SB1 * CHUNK, HH), jnp.float32),
        pltpu.VMEM((SB1 * CHUNK,), jnp.float32),
        pltpu.VMEM((SB1 * CHUNK,), jnp.float32),
        pltpu.SemaphoreType.DMA,
        pltpu.SemaphoreType.DMA,
        pltpu.SemaphoreType.DMA,
        pltpu.SemaphoreType.DMA,
    ],
)

_l2 = pl.kernel(
    _l2_body,
    out_type=jax.ShapeDtypeStruct((2, NPAD), jnp.float32),
    mesh=_MESH,
    compiler_params=pltpu.CompilerParams(use_tc_tiling_on_sc=False),
    scratch_types=[
        pltpu.VMEM_SHARED((NPAD,), jnp.float32),
        pltpu.VMEM((SB, CHUNK), jnp.int32),
        pltpu.VMEM((SB, CHUNK), jnp.int32),
        pltpu.VMEM((SB, CHUNK), jnp.int32),
        pltpu.VMEM((SB, CHUNK), jnp.int32),
        pltpu.VMEM((SB, CHUNK), jnp.int32),
        pltpu.VMEM((SB, CHUNK), jnp.int32),
        pltpu.VMEM((SB * CHUNK,), jnp.float32),
        pltpu.VMEM((SB * CHUNK,), jnp.float32),
        pltpu.VMEM((SB * CHUNK,), jnp.float32),
        pltpu.VMEM((SB * CHUNK,), jnp.float32),
        pltpu.VMEM((NPAD // NT,), jnp.float32),
        pltpu.SemaphoreType.DMA,
        pltpu.SemaphoreType.DMA,
        pltpu.SemaphoreType.DMA,
        pltpu.SemaphoreType.DMA,
    ],
)


@jax.jit
def kernel(x_user, x_item, edge_index, edge_type, emb_user, emb_item,
           comp1, bases1, root1, bias1, comp2, bases2, root2, bias2):
    x = jnp.concatenate([jnp.take(emb_user, x_user, axis=0),
                         jnp.take(emb_item, x_item, axis=0)], axis=0)
    src = edge_index[0]
    dst = edge_index[1]
    et = edge_type
    npe = E_PAD - E_EDGES
    gidx = jnp.concatenate(
        [et * N_NODES + src, jnp.zeros((npe,), jnp.int32)]).reshape(ROWS, CHUNK)
    cidx = jnp.concatenate(
        [et * N_NODES + dst, jnp.full((npe,), RN, jnp.int32)]).reshape(ROWS, CHUNK)
    dstp = jnp.concatenate(
        [dst, jnp.zeros((npe,), jnp.int32)]).reshape(ROWS, CHUNK)

    w1flat, w2ct = pl.pallas_call(
        _w_kernel,
        out_shape=[jax.ShapeDtypeStruct((R, H * H), jnp.float32),
                   jax.ShapeDtypeStruct((H, R), jnp.float32)],
    )(comp1, bases1.reshape(NB_BASES, H * H),
      bases2[:, :, 1].T, comp2.T)
    w1h = w1flat.reshape(R, H, 2, HH).transpose(2, 0, 1, 3)
    root1h = root1.reshape(H, 2, HH).transpose(1, 0, 2)
    bias1h = bias1.reshape(2, 1, HH)

    nblk = N_NODES // BN1
    tab, rootp = pl.pallas_call(
        _dense1_kernel,
        grid=(2, nblk),
        in_specs=[
            pl.BlockSpec((BN1, H), lambda h, i: (i, 0)),
            pl.BlockSpec((1, R, H, HH), lambda h, i: (h, 0, 0, 0)),
            pl.BlockSpec((1, H, HH), lambda h, i: (h, 0, 0)),
            pl.BlockSpec((1, 1, HH), lambda h, i: (h, 0, 0)),
        ],
        out_specs=[
            pl.BlockSpec((1, R, BN1, HH), lambda h, i: (h, 0, i, 0)),
            pl.BlockSpec((1, BN1, HH), lambda h, i: (h, i, 0)),
        ],
        out_shape=[jax.ShapeDtypeStruct((2, R, N_NODES, HH), jnp.float32),
                   jax.ShapeDtypeStruct((2, N_NODES, HH), jnp.float32)],
    )(x, w1h, root1h, bias1h)
    tab = tab.reshape(2, RN, HH)

    parts = _counts(cidx)
    invc = pl.pallas_call(
        _invc_kernel,
        out_shape=jax.ShapeDtypeStruct((RN_PAD // 128, 128), jnp.float32),
    )(parts.reshape(2, RN_PAD // 128, 128)).reshape(RN_PAD)

    rootp_pad = jnp.pad(rootp, ((0, 0), (0, NPAD - N_NODES), (0, 0)))
    x1parts = _l1(gidx, cidx, dstp, tab, invc, rootp_pad)

    w2all = jnp.concatenate(
        [w2ct, root2[:, 1:2], jnp.zeros((H, 3), jnp.float32)], axis=1)
    bvec = jnp.concatenate(
        [jnp.zeros((4,), jnp.float32), bias2[1:2],
         jnp.zeros((3,), jnp.float32)]).reshape(1, 8)
    bn2 = NPAD // NT
    d2 = pl.pallas_call(
        _dense2_kernel,
        grid=(NT,),
        in_specs=[
            pl.BlockSpec((1, bn2, HH), lambda i: (0, i, 0)),
            pl.BlockSpec((1, bn2, HH), lambda i: (1, i, 0)),
            pl.BlockSpec((HH, 8), lambda i: (0, 0)),
            pl.BlockSpec((HH, 8), lambda i: (1, 0)),
            pl.BlockSpec((1, 8), lambda i: (0, 0)),
        ],
        out_specs=pl.BlockSpec((bn2, 8), lambda i: (i, 0)),
        out_shape=jax.ShapeDtypeStruct((NPAD, 8), jnp.float32),
    )(x1parts, x1parts, w2all, w2all, bvec)

    ytab = d2[:N_NODES, :R].T.reshape(RN)
    zpad = d2[:, R]

    l2parts = _l2(gidx, cidx, dstp, ytab, invc, zpad)

    out = pl.pallas_call(
        _fin_kernel,
        out_shape=jax.ShapeDtypeStruct((NPAD // 128, 128), jnp.float32),
    )(l2parts.reshape(2, NPAD // 128, 128)).reshape(NPAD)
    return out[:N_NODES]

# --- scband reference (transcript-rebuilt; emitter-appended) ---
"""Pipeline reference for scband-rgcn-21096879358045 (READ-ONLY COPY).

The authoritative reference and input builder live on the scoring server;
editing this copy changes nothing except your own understanding.
"""

import jax, jax.numpy as jnp
import numpy as np

NUM_USER = 30000
NUM_ITEM = 20000
N = NUM_USER + NUM_ITEM
E = 800000
H = 64
OUT = 2
R = 4
NB = 30


def setup_inputs(seed: int = 0) -> dict:
    key = jax.random.key(seed)
    ks = jax.random.split(key, 14)
    x_user = jnp.arange(NUM_USER, dtype=jnp.int32)
    x_item = jnp.arange(NUM_ITEM, dtype=jnp.int32)
    edge_index = jax.random.randint(ks[0], (2, E), 0, N, dtype=jnp.int32)
    edge_type = jax.random.randint(ks[1], (E,), 0, R, dtype=jnp.int32)
    s = 1.0 / np.sqrt(H)
    emb_user = jax.random.normal(ks[2], (NUM_USER, H), dtype=jnp.float32) * s
    emb_item = jax.random.normal(ks[3], (NUM_ITEM, H), dtype=jnp.float32) * s
    # layer 1: H -> H, basis decomposition with NB bases
    bases1 = jax.random.normal(ks[4], (NB, H, H), dtype=jnp.float32) * s
    comp1 = jax.random.normal(ks[5], (R, NB), dtype=jnp.float32) * (1.0 / np.sqrt(NB))
    root1 = jax.random.normal(ks[6], (H, H), dtype=jnp.float32) * s
    bias1 = jnp.zeros((H,), dtype=jnp.float32)
    # layer 2: H -> OUT
    bases2 = jax.random.normal(ks[7], (NB, H, OUT), dtype=jnp.float32) * s
    comp2 = jax.random.normal(ks[8], (R, NB), dtype=jnp.float32) * (1.0 / np.sqrt(NB))
    root2 = jax.random.normal(ks[9], (H, OUT), dtype=jnp.float32) * s
    bias2 = jnp.zeros((OUT,), dtype=jnp.float32)
    return {
        "x_user": x_user, "x_item": x_item,
        "edge_index": edge_index, "edge_type": edge_type,
        "emb_user": emb_user, "emb_item": emb_item,
        "comp1": comp1, "bases1": bases1, "root1": root1, "bias1": bias1,
        "comp2": comp2, "bases2": bases2, "root2": root2, "bias2": bias2,
    }


def _rgcn_conv(x, edge_index, edge_type, comp, bases, root, bias):
    # weight[r] = sum_b comp[r, b] * bases[b]  (basis decomposition, as in PyG RGCNConv)
    weight = jnp.einsum('rb,bio->rio', comp, bases)
    src = edge_index[0]
    dst = edge_index[1]
    n = x.shape[0]
    out = x @ root + bias
    for r in range(R):
        mask = (edge_type == r).astype(x.dtype)  # [E]
        xr = x @ weight[r]                        # [N, out]
        msg = jnp.take(xr, src, axis=0) * mask[:, None]
        summed = jax.ops.segment_sum(msg, dst, num_segments=n)
        count = jax.ops.segment_sum(mask, dst, num_segments=n)
        out = out + summed / jnp.maximum(count, 1.0)[:, None]
    return out


def reference(x_user, x_item, edge_index, edge_type, emb_user, emb_item,
              comp1, bases1, root1, bias1, comp2, bases2, root2, bias2):
    # x = cat([emb[node_type](x_dict[node_type]) for node_type in x_dict])
    x = jnp.concatenate([jnp.take(emb_user, x_user, axis=0),
                         jnp.take(emb_item, x_item, axis=0)], axis=0)
    x = _rgcn_conv(x, edge_index, edge_type, comp1, bases1, root1, bias1)
    x = _rgcn_conv(x, edge_index, edge_type, comp2, bases2, root2, bias2)
    return x[:, 1]

if __name__ == "__main__":
    import jax
    _d = setup_inputs()
    print(jax.jit(kernel)(*tuple(_d.values())))

</pallas_src>

<mosaic_0001>
#map = affine_map<(d0, d1) -> (0, 0)>
module attributes {stable_mosaic.version = 14 : i64} {
  func.func @_counts_body(%arg0: i32, %arg1: i32, %arg2: memref<6400x128xi32, #tpu.memory_space<hbm>>, %arg3: memref<2x200704xf32, #tpu.memory_space<hbm>>, %arg4: memref<200704xf32, #tpu.memory_space<vmem_shared>>, %arg5: memref<40x128xi32, #tpu.memory_space<vmem>>, %arg6: memref<128xf32, #tpu.memory_space<vmem>>, %arg7: memref<12544xf32, #tpu.memory_space<vmem>>, %arg8: memref<!tpu.dma_semaphore, #tpu.memory_space<semaphore_mem>>) attributes {dimension_semantics = [#tpu.dimension_semantics<core_parallel>, #tpu.dimension_semantics<subcore_parallel>], iteration_bounds = array<i64: 2, 16>, scalar_prefetch = 0 : i64, scratch_operands = 5 : i64, tpu.core_type = #tpu.core_type<sc_vector_subcore>, window_params = [{transform_indices = #map}, {transform_indices = #map}]} {
    %scan3A = arith.constant 0 : i32
    %scan3A_0 = arith.constant 0 : i32
    %scan3A_1 = arith.constant 784 : i32
    %scan3A_2 = arith.addi %scan3A_0, %scan3A_1 : i32
    %scan3A_3 = arith.constant 1 : i32
    %scan3A_4 = scf.for %scan3A_30 = %scan3A_0 to %scan3A_2 step %scan3A_3 iter_args(%scan3A_31 = %scan3A) -> (i32)  : i32 {
      %broadcast_in_dim3A = arith.constant 0.000000e+00 : f32
      %broadcast_in_dim3A_32 = vector.broadcast %broadcast_in_dim3A : f32 to vector<16xf32>
      %mul3A_33 = arith.constant 16 : i32
      %mul3A_34 = arith.muli %scan3A_30, %mul3A_33 : i32
      %swap3A = arith.index_cast %mul3A_34 : i32 to index
      %swap3A_35 = tpu.vector_load %arg7[%swap3A] {strides = array<i32>} : memref<12544xf32, #tpu.memory_space<vmem>>, vector<16xf32>,
      %swap3A_36 = vector.shape_cast %swap3A_35 : vector<16xf32> to vector<16xf32>
      %swap3A_37 = vector.shape_cast %broadcast_in_dim3A_32 : vector<16xf32> to vector<16xf32>
      tpu.vector_store %arg7[%swap3A], %swap3A_37 {strides = array<i32>} : memref<12544xf32, #tpu.memory_space<vmem>>, vector<16xf32>,
      %scan3A_38 = arith.constant 0 : i32
      scf.yield %scan3A_38 : i32
    }
    %scan3A_5 = arith.constant 784 : i32
    %mul3A = arith.constant 12544 : i32
    %mul3A_6 = arith.muli %arg1, %mul3A : i32
    "tpu.region"() ({
      %run_scoped3A = tpu.sem_alloc : memref<!tpu.dma_semaphore, #tpu.memory_space<semaphore_mem>>
      %dma_start3A = tpu.memref_slice %arg4[%mul3A_6] : memref<200704xf32, #tpu.memory_space<vmem_shared>> -> memref<12544xf32, #tpu.memory_space<vmem_shared>>
      %dma_start3A_30 = tpu.memref_slice %arg4[%mul3A_6] : memref<200704xf32, #tpu.memory_space<vmem_shared>> -> memref<12544xf32, #tpu.memory_space<vmem_shared>>
      tpu.enqueue_dma source(%arg7 : memref<12544xf32, #tpu.memory_space<vmem>>) target(%dma_start3A_30 : memref<12544xf32, #tpu.memory_space<vmem_shared>>) target_semaphore(%run_scoped3A : memref<!tpu.dma_semaphore, #tpu.memory_space<semaphore_mem>>)
      %dma_wait3A = tpu.memref_slice %arg4[%mul3A_6] : memref<200704xf32, #tpu.memory_space<vmem_shared>> -> memref<12544xf32, #tpu.memory_space<vmem_shared>>
      %dma_wait3A_31 = tpu.memref_slice %arg4[%mul3A_6] : memref<200704xf32, #tpu.memory_space<vmem_shared>> -> memref<12544xf32, #tpu.memory_space<vmem_shared>>
      tpu.wait_dma2 semaphore(%run_scoped3A : memref<!tpu.dma_semaphore, #tpu.memory_space<semaphore_mem>>) src(%arg7 : memref<12544xf32, #tpu.memory_space<vmem>>) dst(%dma_wait3A_31 : memref<12544xf32, #tpu.memory_space<vmem_shared>>)
      tpu.yield
    }) : () -> ()
    %scan3A_7 = arith.constant 0 : i32
    %scan3A_8 = arith.constant 0 : i32
    %scan3A_9 = arith.constant 8 : i32
    %scan3A_10 = arith.addi %scan3A_8, %scan3A_9 : i32
    %scan3A_11 = arith.constant 1 : i32
    %scan3A_12 = scf.for %scan3A_30 = %scan3A_8 to %scan3A_10 step %scan3A_11 iter_args(%scan3A_31 = %scan3A_7) -> (i32)  : i32 {
      %broadcast_in_dim3A = arith.constant 1.000000e+00 : f32
      %broadcast_in_dim3A_32 = vector.broadcast %broadcast_in_dim3A : f32 to vector<16xf32>
      %mul3A_33 = arith.constant 16 : i32
      %mul3A_34 = arith.muli %scan3A_30, %mul3A_33 : i32
      %swap3A = arith.index_cast %mul3A_34 : i32 to index
      %swap3A_35 = tpu.vector_load %arg6[%swap3A] {strides = array<i32>} : memref<128xf32, #tpu.memory_space<vmem>>, vector<16xf32>,
      %swap3A_36 = vector.shape_cast %swap3A_35 : vector<16xf32> to vector<16xf32>
      %swap3A_37 = vector.shape_cast %broadcast_in_dim3A_32 : vector<16xf32> to vector<16xf32>
      tpu.vector_store %arg6[%swap3A], %swap3A_37 {strides = array<i32>} : memref<128xf32, #tpu.memory_space<vmem>>, vector<16xf32>,
      %scan3A_38 = arith.constant 0 : i32
      scf.yield %scan3A_38 : i32
    }
    %scan3A_13 = arith.constant 8 : i32
    %barrier3A = arith.constant 0 : index
    tpu.barrier barrier_id(%barrier3A)
    %mul3A_14 = arith.constant 16 : i32
    %mul3A_15 = arith.muli %arg0, %mul3A_14 : i32
    %add3A = arith.addi %mul3A_15, %arg1 : i32
    %mul3A_16 = arith.constant 200 : i32
    %mul3A_17 = arith.muli %add3A, %mul3A_16 : i32
    %scan3A_18 = arith.constant 0 : i32
    %scan3A_19 = arith.constant 0 : i32
    %scan3A_20 = arith.constant 5 : i32
    %scan3A_21 = arith.addi %scan3A_19, %scan3A_20 : i32
    %scan3A_22 = arith.constant 1 : i32
    %scan3A_23 = scf.for %scan3A_30 = %scan3A_19 to %scan3A_21 step %scan3A_22 iter_args(%scan3A_31 = %scan3A_18) -> (i32)  : i32 {
      %mul3A_32 = arith.constant 40 : i32
      %mul3A_33 = arith.muli %scan3A_30, %mul3A_32 : i32
      %add3A_34 = arith.addi %mul3A_17, %mul3A_33 : i32
      "tpu.region"() ({
        %run_scoped3A = tpu.sem_alloc : memref<!tpu.dma_semaphore, #tpu.memory_space<semaphore_mem>>
        %dma_start3A = arith.constant 0 : i32
        %dma_start3A_43 = tpu.memref_slice %arg2[%add3A_34, %dma_start3A] : memref<6400x128xi32, #tpu.memory_space<hbm>> -> memref<40x128xi32, #tpu.memory_space<hbm>>
        %dma_start3A_44 = arith.constant 0 : i32
        %dma_start3A_45 = tpu.memref_slice %arg2[%add3A_34, %dma_start3A_44] : memref<6400x128xi32, #tpu.memory_space<hbm>> -> memref<40x128xi32, #tpu.memory_space<hbm>>
        tpu.enqueue_dma source(%dma_start3A_45 : memref<40x128xi32, #tpu.memory_space<hbm>>) target(%arg5 : memref<40x128xi32, #tpu.memory_space<vmem>>) target_semaphore(%run_scoped3A : memref<!tpu.dma_semaphore, #tpu.memory_space<semaphore_mem>>)
        %dma_wait3A = arith.constant 0 : i32
        %dma_wait3A_46 = tpu.memref_slice %arg2[%add3A_34, %dma_wait3A] : memref<6400x128xi32, #tpu.memory_space<hbm>> -> memref<40x128xi32, #tpu.memory_space<hbm>>
        %dma_wait3A_47 = arith.constant 0 : i32
        %dma_wait3A_48 = tpu.memref_slice %arg2[%add3A_34, %dma_wait3A_47] : memref<6400x128xi32, #tpu.memory_space<hbm>> -> memref<40x128xi32, #tpu.memory_space<hbm>>
        tpu.wait_dma2 semaphore(%run_scoped3A : memref<!tpu.dma_semaphore, #tpu.memory_space<semaphore_mem>>) src(%dma_wait3A_48 : memref<40x128xi32, #tpu.memory_space<hbm>>) dst(%arg5 : memref<40x128xi32, #tpu.memory_space<vmem>>)
        tpu.yield
      }) : () -> ()
      %scan3A_35 = arith.constant 0 : i32
      %scan3A_36 = arith.constant 0 : i32
      %scan3A_37 = arith.constant 40 : i32
      %scan3A_38 = arith.addi %scan3A_36, %scan3A_37 : i32
      %scan3A_39 = arith.constant 1 : i32
      %scan3A_40 = scf.for %scan3A_43 = %scan3A_36 to %scan3A_38 step %scan3A_39 iter_args(%scan3A_44 = %scan3A_35) -> (i32)  : i32 {
        "tpu.region"() ({
          %run_scoped3A = tpu.sem_alloc : memref<!tpu.dma_semaphore, #tpu.memory_space<semaphore_mem>>
          %dma_start3A = arith.constant 0 : i32
          %dma_start3A_46 = tpu.memref_slice %arg5[%scan3A_43, %dma_start3A] : memref<40x128xi32, #tpu.memory_space<vmem>> -> memref<1x128xi32, #tpu.memory_space<vmem>>
          %dma_start3A_47 = tpu.memref_squeeze %dma_start3A_46 : memref<1x128xi32, #tpu.memory_space<vmem>> -> memref<128xi32, #tpu.memory_space<vmem>>
          %dma_start3A_48 = arith.constant 0 : i32
          %dma_start3A_49 = tpu.memref_slice %arg4[%dma_start3A_48] : memref<200704xf32, #tpu.memory_space<vmem_shared>> -> memref<200704xf32, #tpu.memory_space<vmem_shared>>
          tpu.enqueue_indirect_dma source(%arg6 : memref<128xf32, #tpu.memory_space<vmem>>) target(%dma_start3A_49 : memref<200704xf32, #tpu.memory_space<vmem_shared>>) offsets(%dma_start3A_47 : memref<128xi32, #tpu.memory_space<vmem>>) semaphore(%run_scoped3A : memref<!tpu.dma_semaphore, #tpu.memory_space<semaphore_mem>>) {add = true}
          %dma_wait3A = arith.constant 0 : i32
          %dma_wait3A_50 = tpu.memref_slice %arg5[%scan3A_43, %dma_wait3A] : memref<40x128xi32, #tpu.memory_space<vmem>> -> memref<1x128xi32, #tpu.memory_space<vmem>>
          %dma_wait3A_51 = tpu.memref_squeeze %dma_wait3A_50 : memref<1x128xi32, #tpu.memory_space<vmem>> -> memref<128xi32, #tpu.memory_space<vmem>>
          %dma_wait3A_52 = arith.constant 0 : i32
          %dma_wait3A_53 = tpu.memref_slice %arg4[%dma_wait3A_52] : memref<200704xf32, #tpu.memory_space<vmem_shared>> -> memref<200704xf32, #tpu.memory_space<vmem_shared>>
          tpu.wait_indirect_dma semaphore(%run_scoped3A : memref<!tpu.dma_semaphore, #tpu.memory_space<semaphore_mem>>) src(%arg6 : memref<128xf32, #tpu.memory_space<vmem>>) dst(%dma_wait3A_53 : memref<200704xf32, #tpu.memory_space<vmem_shared>>)
          tpu.yield
        }) : () -> ()
        %scan3A_45 = arith.constant 0 : i32
        scf.yield %scan3A_45 : i32
      }
      %scan3A_41 = arith.constant 40 : i32
      %scan3A_42 = arith.constant 0 : i32
      scf.yield %scan3A_42 : i32
    }
    %scan3A_24 = arith.constant 5 : i32
    %barrier3A_25 = arith.constant 0 : index
    tpu.barrier barrier_id(%barrier3A_25)
    %mul3A_26 = arith.constant 12544 : i32
    %mul3A_27 = arith.muli %arg1, %mul3A_26 : i32
    "tpu.region"() ({
      %run_scoped3A = tpu.sem_alloc : memref<!tpu.dma_semaphore, #tpu.memory_space<semaphore_mem>>
      %dma_start3A = tpu.memref_slice %arg4[%mul3A_27] : memref<200704xf32, #tpu.memory_space<vmem_shared>> -> memref<12544xf32, #tpu.memory_space<vmem_shared>>
      %dma_start3A_30 = tpu.memref_slice %arg4[%mul3A_27] : memref<200704xf32, #tpu.memory_space<vmem_shared>> -> memref<12544xf32, #tpu.memory_space<vmem_shared>>
      tpu.enqueue_dma source(%dma_start3A_30 : memref<12544xf32, #tpu.memory_space<vmem_shared>>) target(%arg7 : memref<12544xf32, #tpu.memory_space<vmem>>) target_semaphore(%run_scoped3A : memref<!tpu.dma_semaphore, #tpu.memory_space<semaphore_mem>>)
      %dma_wait3A = tpu.memref_slice %arg4[%mul3A_27] : memref<200704xf32, #tpu.memory_space<vmem_shared>> -> memref<12544xf32, #tpu.memory_space<vmem_shared>>
      %dma_wait3A_31 = tpu.memref_slice %arg4[%mul3A_27] : memref<200704xf32, #tpu.memory_space<vmem_shared>> -> memref<12544xf32, #tpu.memory_space<vmem_shared>>
      tpu.wait_dma2 semaphore(%run_scoped3A : memref<!tpu.dma_semaphore, #tpu.memory_space<semaphore_mem>>) src(%dma_wait3A_31 : memref<12544xf32, #tpu.memory_space<vmem_shared>>) dst(%arg7 : memref<12544xf32, #tpu.memory_space<vmem>>)
      tpu.yield
    }) : () -> ()
    %mul3A_28 = arith.constant 12544 : i32
    %mul3A_29 = arith.muli %arg1, %mul3A_28 : i32
    "tpu.region"() ({
      %run_scoped3A = tpu.sem_alloc : memref<!tpu.dma_semaphore, #tpu.memory_space<semaphore_mem>>
      %dma_start3A = tpu.memref_slice %arg3[%arg0, %mul3A_29] : memref<2x200704xf32, #tpu.memory_space<hbm>> -> memref<1x12544xf32, #tpu.memory_space<hbm>>
      %dma_start3A_30 = tpu.memref_squeeze %dma_start3A : memref<1x12544xf32, #tpu.memory_space<hbm>> -> memref<12544xf32, #tpu.memory_space<hbm>>
      %dma_start3A_31 = tpu.memref_slice %arg3[%arg0, %mul3A_29] : memref<2x200704xf32, #tpu.memory_space<hbm>> -> memref<1x12544xf32, #tpu.memory_space<hbm>>
      %dma_start3A_32 = tpu.memref_squeeze %dma_start3A_31 : memref<1x12544xf32, #tpu.memory_space<hbm>> -> memref<12544xf32, #tpu.memory_space<hbm>>
      tpu.enqueue_dma source(%arg7 : memref<12544xf32, #tpu.memory_space<vmem>>) target(%dma_start3A_32 : memref<12544xf32, #tpu.memory_space<hbm>>) target_semaphore(%run_scoped3A : memref<!tpu.dma_semaphore, #tpu.memory_space<semaphore_mem>>)
      %dma_wait3A = tpu.memref_slice %arg3[%arg0, %mul3A_29] : memref<2x200704xf32, #tpu.memory_space<hbm>> -> memref<1x12544xf32, #tpu.memory_space<hbm>>
      %dma_wait3A_33 = tpu.memref_squeeze %dma_wait3A : memref<1x12544xf32, #tpu.memory_space<hbm>> -> memref<12544xf32, #tpu.memory_space<hbm>>
      %dma_wait3A_34 = tpu.memref_slice %arg3[%arg0, %mul3A_29] : memref<2x200704xf32, #tpu.memory_space<hbm>> -> memref<1x12544xf32, #tpu.memory_space<hbm>>
      %dma_wait3A_35 = tpu.memref_squeeze %dma_wait3A_34 : memref<1x12544xf32, #tpu.memory_space<hbm>> -> memref<12544xf32, #tpu.memory_space<hbm>>
      tpu.wait_dma2 semaphore(%run_scoped3A : memref<!tpu.dma_semaphore, #tpu.memory_space<semaphore_mem>>) src(%arg7 : memref<12544xf32, #tpu.memory_space<vmem>>) dst(%dma_wait3A_35 : memref<12544xf32, #tpu.memory_space<hbm>>)
      tpu.yield
    }) : () -> ()
    return
  }
}

#map = affine_map<(d0, d1) -> (0, 0)>
#map1 = affine_map<(d0, d1) -> (0, 0, 0)>
#map2 = affine_map<(d0, d1) -> (0)>
module attributes {stable_mosaic.version = 14 : i64} {
  func.func @_l1_body(%arg0: i32, %arg1: i32, %arg2: memref<6400x128xi32, #tpu.memory_space<hbm>>, %arg3: memref<6400x128xi32, #tpu.memory_space<hbm>>, %arg4: memref<6400x128xi32, #tpu.memory_space<hbm>>, %arg5: memref<2x200000x32xf32, #tpu.memory_space<hbm>>, %arg6: memref<200704xf32, #tpu.memory_space<hbm>>, %arg7: memref<2x51200x32xf32, #tpu.memory_space<hbm>>, %arg8: memref<2x51200x32xf32, #tpu.memory_space<hbm>>, %arg9: memref<51200x32xf32, #tpu.memory_space<vmem_shared>>, %arg10: memref<2x128xi32, #tpu.memory_space<vmem>>, %arg11: memref<2x128xi32, #tpu.memory_space<vmem>>, %arg12: memref<2x128xi32, #tpu.memory_space<vmem>>, %arg13: memref<2x128xi32, #tpu.memory_space<vmem>>, %arg14: memref<2x128xi32, #tpu.memory_space<vmem>>, %arg15: memref<2x128xi32, #tpu.memory_space<vmem>>, %arg16: memref<256x32xf32, #tpu.memory_space<vmem>>, %arg17: memref<256x32xf32, #tpu.memory_space<vmem>>, %arg18: memref<256xf32, #tpu.memory_space<vmem>>, %arg19: memref<256xf32, #tpu.memory_space<vmem>>, %arg20: memref<!tpu.dma_semaphore, #tpu.memory_space<semaphore_mem>>, %arg21: memref<!tpu.dma_semaphore, #tpu.memory_space<semaphore_mem>>, %arg22: memref<!tpu.dma_semaphore, #tpu.memory_space<semaphore_mem>>, %arg23: memref<!tpu.dma_semaphore, #tpu.memory_space<semaphore_mem>>) attributes {dimension_semantics = [#tpu.dimension_semantics<core_parallel>, #tpu.dimension_semantics<subcore_parallel>], iteration_bounds = array<i64: 2, 16>, scalar_prefetch = 0 : i64, scratch_operands = 15 : i64, tpu.core_type = #tpu.core_type<sc_vector_subcore>, window_params = [{transform_indices = #map}, {transform_indices = #map}, {transform_indices = #map}, {transform_indices = #map1}, {transform_indices = #map2}, {transform_indices = #map1}, {transform_indices = #map1}]} {
    %scan3A = arith.constant 0 : i32
    %scan3A_0 = arith.constant 0 : i32
    %scan3A_1 = arith.constant 16 : i32
    %scan3A_2 = arith.addi %scan3A_0, %scan3A_1 : i32
    %scan3A_3 = arith.constant 1 : i32
    %scan3A_4 = scf.for %scan3A_22 = %scan3A_0 to %scan3A_2 step %scan3A_3 iter_args(%scan3A_23 = %scan3A) -> (i32)  : i32 {
      %mul3A_24 = arith.constant 3200 : i32
      %mul3A_25 = arith.muli %arg1, %mul3A_24 : i32
      %mul3A_26 = arith.constant 200 : i32
      %mul3A_27 = arith.muli %scan3A_22, %mul3A_26 : i32
      %add3A = arith.addi %mul3A_25, %mul3A_27 : i32
      "tpu.region"() ({
        %run_scoped3A = tpu.sem_alloc : memref<!tpu.dma_semaphore, #tpu.memory_space<semaphore_mem>>
        %dma_start3A = arith.constant 0 : i32
        %dma_start3A_29 = arith.constant 0 : i32
        %dma_start3A_30 = tpu.memref_slice %arg16[%dma_start3A, %dma_start3A_29] : memref<256x32xf32, #tpu.memory_space<vmem>> -> memref<200x32xf32, #tpu.memory_space<vmem>>
        %dma_start3A_31 = arith.constant 0 : i32
        %dma_start3A_32 = tpu.memref_slice %arg7[%arg0, %add3A, %dma_start3A_31] : memref<2x51200x32xf32, #tpu.memory_space<hbm>> -> memref<1x200x32xf32, #tpu.memory_space<hbm>>
        %dma_start3A_33 = tpu.memref_squeeze %dma_start3A_32 : memref<1x200x32xf32, #tpu.memory_space<hbm>> -> memref<200x32xf32, #tpu.memory_space<hbm>>
        %dma_start3A_34 = arith.constant 0 : i32
        %dma_start3A_35 = arith.constant 0 : i32
        %dma_start3A_36 = tpu.memref_slice %arg16[%dma_start3A_34, %dma_start3A_35] : memref<256x32xf32, #tpu.memory_space<vmem>> -> memref<200x32xf32, #tpu.memory_space<vmem>>
        %dma_start3A_37 = arith.constant 0 : i32
        %dma_start3A_38 = tpu.memref_slice %arg7[%arg0, %add3A, %dma_start3A_37] : memref<2x51200x32xf32, #tpu.memory_space<hbm>> -> memref<1x200x32xf32, #tpu.memory_space<hbm>>
        %dma_start3A_39 = tpu.memref_squeeze %dma_start3A_38 : memref<1x200x32xf32, #tpu.memory_space<hbm>> -> memref<200x32xf32, #tpu.memory_space<hbm>>
        tpu.enqueue_dma source(%dma_start3A_39 : memref<200x32xf32, #tpu.memory_space<hbm>>) target(%dma_start3A_36 : memref<200x32xf32, #tpu.memory_space<vmem>>) target_semaphore(%run_scoped3A : memref<!tpu.dma_semaphore, #tpu.memory_space<semaphore_mem>>)
        %dma_wait3A = arith.constant 0 : i32
        %dma_wait3A_40 = arith.constant 0 : i32
        %dma_wait3A_41 = tpu.memref_slice %arg16[%dma_wait3A, %dma_wait3A_40] : memref<256x32xf32, #tpu.memory_space<vmem>> -> memref<200x32xf32, #tpu.memory_space<vmem>>
        %dma_wait3A_42 = arith.constant 0 : i32
        %dma_wait3A_43 = tpu.memref_slice %arg7[%arg0, %add3A, %dma_wait3A_42] : memref<2x51200x32xf32, #tpu.memory_space<hbm>> -> memref<1x200x32xf32, #tpu.memory_space<hbm>>
        %dma_wait3A_44 = tpu.memref_squeeze %dma_wait3A_43 : memref<1x200x32xf32, #tpu.memory_space<hbm>> -> memref<200x32xf32, #tpu.memory_space<hbm>>
        %dma_wait3A_45 = arith.constant 0 : i32
        %dma_wait3A_46 = arith.constant 0 : i32
        %dma_wait3A_47 = tpu.memref_slice %arg16[%dma_wait3A_45, %dma_wait3A_46] : memref<256x32xf32, #tpu.memory_space<vmem>> -> memref<200x32xf32, #tpu.memory_space<vmem>>
        %dma_wait3A_48 = arith.constant 0 : i32
        %dma_wait3A_49 = tpu.memref_slice %arg7[%arg0, %add3A, %dma_wait3A_48] : memref<2x51200x32xf32, #tpu.memory_space<hbm>> -> memref<1x200x32xf32, #tpu.memory_space<hbm>>
        %dma_wait3A_50 = tpu.memref_squeeze %dma_wait3A_49 : memref<1x200x32xf32, #tpu.memory_space<hbm>> -> memref<200x32xf32, #tpu.memory_space<hbm>>
        tpu.wait_dma2 semaphore(%run_scoped3A : memref<!tpu.dma_semaphore, #tpu.memory_space<semaphore_mem>>) src(%dma_wait3A_50 : memref<200x32xf32, #tpu.memory_space<hbm>>) dst(%dma_wait3A_47 : memref<200x32xf32, #tpu.memory_space<vmem>>)
        tpu.yield
      }) : () -> ()
      "tpu.region"() ({
        %run_scoped3A = tpu.sem_alloc : memref<!tpu.dma_semaphore, #tpu.memory_space<semaphore_mem>>
        %dma_start3A = arith.constant 0 : i32
        %dma_start3A_29 = arith.constant 0 : i32
        %dma_start3A_30 = tpu.memref_slice %arg16[%dma_start3A, %dma_start3A_29] : memref<256x32xf32, #tpu.memory_space<vmem>> -> memref<200x32xf32, #tpu.memory_space<vmem>>
        %dma_start3A_31 = arith.constant 0 : i32
        %dma_start3A_32 = tpu.memref_slice %arg9[%add3A, %dma_start3A_31] : memref<51200x32xf32, #tpu.memory_space<vmem_shared>> -> memref<200x32xf32, #tpu.memory_space<vmem_shared>>
        %dma_start3A_33 = arith.constant 0 : i32
        %dma_start3A_34 = tpu.memref_slice %arg9[%add3A, %dma_start3A_33] : memref<51200x32xf32, #tpu.memory_space<vmem_shared>> -> memref<200x32xf32, #tpu.memory_space<vmem_shared>>
        %dma_start3A_35 = arith.constant 0 : i32
        %dma_start3A_36 = arith.constant 0 : i32
        %dma_start3A_37 = tpu.memref_slice %arg16[%dma_start3A_35, %dma_start3A_36] : memref<256x32xf32, #tpu.memory_space<vmem>> -> memref<200x32xf32, #tpu.memory_space<vmem>>
        tpu.enqueue_dma source(%dma_start3A_37 : memref<200x32xf32, #tpu.memory_space<vmem>>) target(%dma_start3A_34 : memref<200x32xf32, #tpu.memory_space<vmem_shared>>) target_semaphore(%run_scoped3A : memref<!tpu.dma_semaphore, #tpu.memory_space<semaphore_mem>>)
        %dma_wait3A = arith.constant 0 : i32
        %dma_wait3A_38 = arith.constant 0 : i32
        %dma_wait3A_39 = tpu.memref_slice %arg16[%dma_wait3A, %dma_wait3A_38] : memref<256x32xf32, #tpu.memory_space<vmem>> -> memref<200x32xf32, #tpu.memory_space<vmem>>
        %dma_wait3A_40 = arith.constant 0 : i32
        %dma_wait3A_41 = tpu.memref_slice %arg9[%add3A, %dma_wait3A_40] : memref<51200x32xf32, #tpu.memory_space<vmem_shared>> -> memref<200x32xf32, #tpu.memory_space<vmem_shared>>
        %dma_wait3A_42 = arith.constant 0 : i32
        %dma_wait3A_43 = tpu.memref_slice %arg9[%add3A, %dma_wait3A_42] : memref<51200x32xf32, #tpu.memory_space<vmem_shared>> -> memref<200x32xf32, #tpu.memory_space<vmem_shared>>
        %dma_wait3A_44 = arith.constant 0 : i32
        %dma_wait3A_45 = arith.constant 0 : i32
        %dma_wait3A_46 = tpu.memref_slice %arg16[%dma_wait3A_44, %dma_wait3A_45] : memref<256x32xf32, #tpu.memory_space<vmem>> -> memref<200x32xf32, #tpu.memory_space<vmem>>
        tpu.wait_dma2 semaphore(%run_scoped3A : memref<!tpu.dma_semaphore, #tpu.memory_space<semaphore_mem>>) src(%dma_wait3A_46 : memref<200x32xf32, #tpu.memory_space<vmem>>) dst(%dma_wait3A_43 : memref<200x32xf32, #tpu.memory_space<vmem_shared>>)
        tpu.yield
      }) : () -> ()
      %scan3A_28 = arith.constant 0 : i32
      scf.yield %scan3A_28 : i32
    }
    %scan3A_5 = arith.constant 16 : i32
    %barrier3A = arith.constant 0 : index
    tpu.barrier barrier_id(%barrier3A)
    %mul3A = arith.constant 400 : i32
    %mul3A_6 = arith.muli %arg1, %mul3A : i32
    %scan3A_7 = arith.constant 0 : i32
    %scan3A_8 = arith.constant 0 : i32
    %scan3A_9 = arith.constant 100 : i32
    %scan3A_10 = arith.addi %scan3A_8, %scan3A_9 : i32
    %scan3A_11 = arith.constant 1 : i32
    %scan3A_12 = scf.for %scan3A_22 = %scan3A_8 to %scan3A_10 step %scan3A_11 iter_args(%scan3A_23 = %scan3A_7) -> (i32)  : i32 {
      %mul3A_24 = arith.constant 2 : i32
      %mul3A_25 = arith.muli %mul3A_24, %scan3A_22 : i32
      %mul3A_26 = arith.constant 2 : i32
      %mul3A_27 = arith.muli %mul3A_25, %mul3A_26 : i32
      %add3A = arith.addi %mul3A_6, %mul3A_27 : i32
      "tpu.region"() ({
        %run_scoped3A = tpu.sem_alloc : memref<!tpu.dma_semaphore, #tpu.memory_space<semaphore_mem>>
        %dma_start3A_299 = arith.constant 0 : i32
        %dma_start3A_300 = tpu.memref_slice %arg2[%add3A, %dma_start3A_299] : memref<6400x128xi32, #tpu.memory_space<hbm>> -> memref<2x128xi32, #tpu.memory_space<hbm>>
        %dma_start3A_301 = arith.constant 0 : i32
        %dma_start3A_302 = tpu.memref_slice %arg2[%add3A, %dma_start3A_301] : memref<6400x128xi32, #tpu.memory_space<hbm>> -> memref<2x128xi32, #tpu.memory_space<hbm>>
        tpu.enqueue_dma source(%dma_start3A_302 : memref<2x128xi32, #tpu.memory_space<hbm>>) target(%arg10 : memref<2x128xi32, #tpu.memory_space<vmem>>) target_semaphore(%run_scoped3A : memref<!tpu.dma_semaphore, #tpu.memory_space<semaphore_mem>>)
        %dma_wait3A_303 = arith.constant 0 : i32
        %dma_wait3A_304 = tpu.memref_slice %arg2[%add3A, %dma_wait3A_303] : memref<6400x128xi32, #tpu.memory_space<hbm>> -> memref<2x128xi32, #tpu.memory_space<hbm>>
        %dma_wait3A_305 = arith.constant 0 : i32
        %dma_wait3A_306 = tpu.memref_slice %arg2[%add3A, %dma_wait3A_305] : memref<6400x128xi32, #tpu.memory_space<hbm>> -> memref<2x128xi32, #tpu.memory_space<hbm>>
        tpu.wait_dma2 semaphore(%run_scoped3A : memref<!tpu.dma_semaphore, #tpu.memory_space<semaphore_mem>>) src(%dma_wait3A_306 : memref<2x128xi32, #tpu.memory_space<hbm>>) dst(%arg10 : memref<2x128xi32, #tpu.memory_space<vmem>>)
        tpu.yield
      }) : () -> ()
      "tpu.region"() ({
        %run_scoped3A = tpu.sem_alloc : memref<!tpu.dma_semaphore, #tpu.memory_space<semaphore_mem>>
        %dma_start3A_299 = arith.constant 0 : i32
        %dma_start3A_300 = tpu.memref_slice %arg3[%add3A, %dma_start3A_299] : memref<6400x128xi32, #tpu.memory_space<hbm>> -> memref<2x128xi32, #tpu.memory_space<hbm>>
        %dma_start3A_301 = arith.constant 0 : i32
        %dma_start3A_302 = tpu.memref_slice %arg3[%add3A, %dma_start3A_301] : memref<6400x128xi32, #tpu.memory_space<hbm>> -> memref<2x128xi32, #tpu.memory_space<hbm>>
        tpu.enqueue_dma source(%dma_start3A_302 : memref<2x128xi32, #tpu.memory_space<hbm>>) target(%arg11 : memref<2x128xi32, #tpu.memory_space<vmem>>) target_semaphore(%run_scoped3A : memref<!tpu.dma_semaphore, #tpu.memory_space<semaphore_mem>>)
        %dma_wait3A_303 = arith.constant 0 : i32
        %dma_wait3A_304 = tpu.memref_slice %arg3[%add3A, %dma_wait3A_303] : memref<6400x128xi32, #tpu.memory_space<hbm>> -> memref<2x128xi32, #tpu.memory_space<hbm>>
        %dma_wait3A_305 = arith.constant 0 : i32
        %dma_wait3A_306 = tpu.memref_slice %arg3[%add3A, %dma_wait3A_305] : memref<6400x128xi32, #tpu.memory_space<hbm>> -> memref<2x128xi32, #tpu.memory_space<hbm>>
        tpu.wait_dma2 semaphore(%run_scoped3A : memref<!tpu.dma_semaphore, #tpu.memory_space<semaphore_mem>>) src(%dma_wait3A_306 : memref<2x128xi32, #tpu.memory_space<hbm>>) dst(%arg11 : memref<2x128xi32, #tpu.memory_space<vmem>>)
        tpu.yield
      }) : () -> ()
      "tpu.region"() ({
        %run_scoped3A = tpu.sem_alloc : memref<!tpu.dma_semaphore, #tpu.memory_space<semaphore_mem>>
        %dma_start3A_299 = arith.constant 0 : i32
        %dma_start3A_300 = tpu.memref_slice %arg4[%add3A, %dma_start3A_299] : memref<6400x128xi32, #tpu.memory_space<hbm>> -> memref<2x128xi32, #tpu.memory_space<hbm>>
        %dma_start3A_301 = arith.constant 0 : i32
        %dma_start3A_302 = tpu.memref_slice %arg4[%add3A, %dma_start3A_301] : memref<6400x128xi32, #tpu.memory_space<hbm>> -> memref<2x128xi32, #tpu.memory_space<hbm>>
        tpu.enqueue_dma source(%dma_start3A_302 : memref<2x128xi32, #tpu.memory_space<hbm>>) target(%arg12 : memref<2x128xi32, #tpu.memory_space<vmem>>) target_semaphore(%run_scoped3A : memref<!tpu.dma_semaphore, #tpu.memory_space<semaphore_mem>>)
        %dma_wait3A_303 = arith.constant 0 : i32
        %dma_wait3A_304 = tpu.memref_slice %arg4[%add3A, %dma_wait3A_303] : memref<6400x128xi32, #tpu.memory_space<hbm>> -> memref<2x128xi32, #tpu.memory_space<hbm>>
        %dma_wait3A_305 = arith.constant 0 : i32
        %dma_wait3A_306 = tpu.memref_slice %arg4[%add3A, %dma_wait3A_305] : memref<6400x128xi32, #tpu.memory_space<hbm>> -> memref<2x128xi32, #tpu.memory_space<hbm>>
        tpu.wait_dma2 semaphore(%run_scoped3A : memref<!tpu.dma_semaphore, #tpu.memory_space<semaphore_mem>>) src(%dma_wait3A_306 : memref<2x128xi32, #tpu.memory_space<hbm>>) dst(%arg12 : memref<2x128xi32, #tpu.memory_space<vmem>>)
        tpu.yield
      }) : () -> ()
      %dma_start3A = arith.constant 0 : i32
      %dma_start3A_28 = arith.constant 0 : i32
      %dma_start3A_29 = arith.constant 0 : i32
      %dma_start3A_30 = tpu.memref_slice %arg16[%dma_start3A_28, %dma_start3A_29] : memref<256x32xf32, #tpu.memory_space<vmem>> -> memref<128x32xf32, #tpu.memory_space<vmem>>
      %dma_start3A_31 = arith.constant 0 : i32
      %dma_start3A_32 = tpu.memref_slice %arg10[%dma_start3A, %dma_start3A_31] : memref<2x128xi32, #tpu.memory_space<vmem>> -> memref<1x128xi32, #tpu.memory_space<vmem>>
      %dma_start3A_33 = tpu.memref_squeeze %dma_start3A_32 : memref<1x128xi32, #tpu.memory_space<vmem>> -> memref<128xi32, #tpu.memory_space<vmem>>
      %dma_start3A_34 = arith.constant 0 : i32
      %dma_start3A_35 = arith.constant 0 : i32
      %dma_start3A_36 = tpu.memref_slice %arg5[%arg0, %dma_start3A_34, %dma_start3A_35] : memref<2x200000x32xf32, #tpu.memory_space<hbm>> -> memref<1x200000x32xf32, #tpu.memory_space<hbm>>
      %dma_start3A_37 = tpu.memref_squeeze %dma_start3A_36 : memref<1x200000x32xf32, #tpu.memory_space<hbm>> -> memref<200000x32xf32, #tpu.memory_space<hbm>>
      %dma_start3A_38 = arith.constant 0 : i32
      %dma_start3A_39 = arith.constant 0 : i32
      %dma_start3A_40 = tpu.memref_slice %dma_start3A_37[%dma_start3A_38, %dma_start3A_39] : memref<200000x32xf32, #tpu.memory_space<hbm>> -> memref<200000x32xf32, #tpu.memory_space<hbm>>
      tpu.enqueue_indirect_dma source(%dma_start3A_40 : memref<200000x32xf32, #tpu.memory_space<hbm>>) target(%dma_start3A_30 : memref<128x32xf32, #tpu.memory_space<vmem>>) offsets(%dma_start3A_33 : memref<128xi32, #tpu.memory_space<vmem>>) semaphore(%arg20 : memref<!tpu.dma_semaphore, #tpu.memory_space<semaphore_mem>>)
      %dma_start3A_41 = arith.constant 0 : i32
      %dma_start3A_42 = arith.constant 0 : i32
      %dma_start3A_43 = tpu.memref_slice %arg18[%dma_start3A_42] : memref<256xf32, #tpu.memory_space<vmem>> -> memref<128xf32, #tpu.memory_space<vmem>>
      %dma_start3A_44 = arith.constant 0 : i32
      %dma_start3A_45 = tpu.memref_slice %arg11[%dma_start3A_41, %dma_start3A_44] : memref<2x128xi32, #tpu.memory_space<vmem>> -> memref<1x128xi32, #tpu.memory_space<vmem>>
      %dma_start3A_46 = tpu.memref_squeeze %dma_start3A_45 : memref<1x128xi32, #tpu.memory_space<vmem>> -> memref<128xi32, #tpu.memory_space<vmem>>
      %dma_start3A_47 = arith.constant 0 : i32
      %dma_start3A_48 = tpu.memref_slice %arg6[%dma_start3A_47] : memref<200704xf32, #tpu.memory_space<hbm>> -> memref<200704xf32, #tpu.memory_space<hbm>>
      tpu.enqueue_indirect_dma source(%dma_start3A_48 : memref<200704xf32, #tpu.memory_space<hbm>>) target(%dma_start3A_43 : memref<128xf32, #tpu.memory_space<vmem>>) offsets(%dma_start3A_46 : memref<128xi32, #tpu.memory_space<vmem>>) semaphore(%arg20 : memref<!tpu.dma_semaphore, #tpu.memory_space<semaphore_mem>>)
      %dma_start3A_49 = arith.constant 1 : i32
      %dma_start3A_50 = arith.constant 128 : i32
      %dma_start3A_51 = arith.constant 0 : i32
      %dma_start3A_52 = tpu.memref_slice %arg16[%dma_start3A_50, %dma_start3A_51] : memref<256x32xf32, #tpu.memory_space<vmem>> -> memref<128x32xf32, #tpu.memory_space<vmem>>
      %dma_start3A_53 = arith.constant 0 : i32
      %dma_start3A_54 = tpu.memref_slice %arg10[%dma_start3A_49, %dma_start3A_53] : memref<2x128xi32, #tpu.memory_space<vmem>> -> memref<1x128xi32, #tpu.memory_space<vmem>>
      %dma_start3A_55 = tpu.memref_squeeze %dma_start3A_54 : memref<1x128xi32, #tpu.memory_space<vmem>> -> memref<128xi32, #tpu.memory_space<vmem>>
      %dma_start3A_56 = arith.constant 0 : i32
      %dma_start3A_57 = arith.constant 0 : i32
      %dma_start3A_58 = tpu.memref_slice %arg5[%arg0, %dma_start3A_56, %dma_start3A_57] : memref<2x200000x32xf32, #tpu.memory_space<hbm>> -> memref<1x200000x32xf32, #tpu.memory_space<hbm>>
      %dma_start3A_59 = tpu.memref_squeeze %dma_start3A_58 : memref<1x200000x32xf32, #tpu.memory_space<hbm>> -> memref<200000x32xf32, #tpu.memory_space<hbm>>
      %dma_start3A_60 = arith.constant 0 : i32
      %dma_start3A_61 = arith.constant 0 : i32
      %dma_start3A_62 = tpu.memref_slice %dma_start3A_59[%dma_start3A_60, %dma_start3A_61] : memref<200000x32xf32, #tpu.memory_space<hbm>> -> memref<200000x32xf32, #tpu.memory_space<hbm>>
      tpu.enqueue_indirect_dma source(%dma_start3A_62 : memref<200000x32xf32, #tpu.memory_space<hbm>>) target(%dma_start3A_52 : memref<128x32xf32, #tpu.memory_space<vmem>>) offsets(%dma_start3A_55 : memref<128xi32, #tpu.memory_space<vmem>>) semaphore(%arg20 : memref<!tpu.dma_semaphore, #tpu.memory_space<semaphore_mem>>)
      %dma_start3A_63 = arith.constant 1 : i32
      %dma_start3A_64 = arith.constant 128 : i32
      %dma_start3A_65 = tpu.memref_slice %arg18[%dma_start3A_64] : memref<256xf32, #tpu.memory_space<vmem>> -> memref<128xf32, #tpu.memory_space<vmem>>
      %dma_start3A_66 = arith.constant 0 : i32
      %dma_start3A_67 = tpu.memref_slice %arg11[%dma_start3A_63, %dma_start3A_66] : memref<2x128xi32, #tpu.memory_space<vmem>> -> memref<1x128xi32, #tpu.memory_space<vmem>>
      %dma_start3A_68 = tpu.memref_squeeze %dma_start3A_67 : memref<1x128xi32, #tpu.memory_space<vmem>> -> memref<128xi32, #tpu.memory_space<vmem>>
      %dma_start3A_69 = arith.constant 0 : i32
      %dma_start3A_70 = tpu.memref_slice %arg6[%dma_start3A_69] : memref<200704xf32, #tpu.memory_space<hbm>> -> memref<200704xf32, #tpu.memory_space<hbm>>
      tpu.enqueue_indirect_dma source(%dma_start3A_70 : memref<200704xf32, #tpu.memory_space<hbm>>) target(%dma_start3A_65 : memref<128xf32, #tpu.memory_space<vmem>>) offsets(%dma_start3A_68 : memref<128xi32, #tpu.memory_space<vmem>>) semaphore(%arg20 : memref<!tpu.dma_semaphore, #tpu.memory_space<semaphore_mem>>)
      %add3A_71 = arith.constant 2 : i32
      %add3A_72 = arith.addi %add3A, %add3A_71 : i32
      "tpu.region"() ({
        %run_scoped3A = tpu.sem_alloc : memref<!tpu.dma_semaphore, #tpu.memory_space<semaphore_mem>>
        %dma_start3A_299 = arith.constant 0 : i32
        %dma_start3A_300 = tpu.memref_slice %arg2[%add3A_72, %dma_start3A_299] : memref<6400x128xi32, #tpu.memory_space<hbm>> -> memref<2x128xi32, #tpu.memory_space<hbm>>
        %dma_start3A_301 = arith.constant 0 : i32
        %dma_start3A_302 = tpu.memref_slice %arg2[%add3A_72, %dma_start3A_301] : memref<6400x128xi32, #tpu.memory_space<hbm>> -> memref<2x128xi32, #tpu.memory_space<hbm>>
        tpu.enqueue_dma source(%dma_start3A_302 : memref<2x128xi32, #tpu.memory_space<hbm>>) target(%arg13 : memref<2x128xi32, #tpu.memory_space<vmem>>) target_semaphore(%run_scoped3A : memref<!tpu.dma_semaphore, #tpu.memory_space<semaphore_mem>>)
        %dma_wait3A_303 = arith.constant 0 : i32
        %dma_wait3A_304 = tpu.memref_slice %arg2[%add3A_72, %dma_wait3A_303] : memref<6400x128xi32, #tpu.memory_space<hbm>> -> memref<2x128xi32, #tpu.memory_space<hbm>>
        %dma_wait3A_305 = arith.constant 0 : i32
        %dma_wait3A_306 = tpu.memref_slice %arg2[%add3A_72, %dma_wait3A_305] : memref<6400x128xi32, #tpu.memory_space<hbm>> -> memref<2x128xi32, #tpu.memory_space<hbm>>
        tpu.wait_dma2 semaphore(%run_scoped3A : memref<!tpu.dma_semaphore, #tpu.memory_space<semaphore_mem>>) src(%dma_wait3A_306 : memref<2x128xi32, #tpu.memory_space<hbm>>) dst(%arg13 : memref<2x128xi32, #tpu.memory_space<vmem>>)
        tpu.yield
      }) : () -> ()
      "tpu.region"() ({
        %run_scoped3A = tpu.sem_alloc : memref<!tpu.dma_semaphore, #tpu.memory_space<semaphore_mem>>
        %dma_start3A_299 = arith.constant 0 : i32
        %dma_start3A_300 = tpu.memref_slice %arg3[%add3A_72, %dma_start3A_299] : memref<6400x128xi32, #tpu.memory_space<hbm>> -> memref<2x128xi32, #tpu.memory_space<hbm>>
        %dma_start3A_301 = arith.constant 0 : i32
        %dma_start3A_302 = tpu.memref_slice %arg3[%add3A_72, %dma_start3A_301] : memref<6400x128xi32, #tpu.memory_space<hbm>> -> memref<2x128xi32, #tpu.memory_space<hbm>>
        tpu.enqueue_dma source(%dma_start3A_302 : memref<2x128xi32, #tpu.memory_space<hbm>>) target(%arg14 : memref<2x128xi32, #tpu.memory_space<vmem>>) target_semaphore(%run_scoped3A : memref<!tpu.dma_semaphore, #tpu.memory_space<semaphore_mem>>)
        %dma_wait3A_303 = arith.constant 0 : i32
        %dma_wait3A_304 = tpu.memref_slice %arg3[%add3A_72, %dma_wait3A_303] : memref<6400x128xi32, #tpu.memory_space<hbm>> -> memref<2x128xi32, #tpu.memory_space<hbm>>
        %dma_wait3A_305 = arith.constant 0 : i32
        %dma_wait3A_306 = tpu.memref_slice %arg3[%add3A_72, %dma_wait3A_305] : memref<6400x128xi32, #tpu.memory_space<hbm>> -> memref<2x128xi32, #tpu.memory_space<hbm>>
        tpu.wait_dma2 semaphore(%run_scoped3A : memref<!tpu.dma_semaphore, #tpu.memory_space<semaphore_mem>>) src(%dma_wait3A_306 : memref<2x128xi32, #tpu.memory_space<hbm>>) dst(%arg14 : memref<2x128xi32, #tpu.memory_space<vmem>>)
        tpu.yield
      }) : () -> ()
      "tpu.region"() ({
        %run_scoped3A = tpu.sem_alloc : memref<!tpu.dma_semaphore, #tpu.memory_space<semaphore_mem>>
        %dma_start3A_299 = arith.constant 0 : i32
        %dma_start3A_300 = tpu.memref_slice %arg4[%add3A_72, %dma_start3A_299] : memref<6400x128xi32, #tpu.memory_space<hbm>> -> memref<2x128xi32, #tpu.memory_space<hbm>>
        %dma_start3A_301 = arith.constant 0 : i32
        %dma_start3A_302 = tpu.memref_slice %arg4[%add3A_72, %dma_start3A_301] : memref<6400x128xi32, #tpu.memory_space<hbm>> -> memref<2x128xi32, #tpu.memory_space<hbm>>
        tpu.enqueue_dma source(%dma_start3A_302 : memref<2x128xi32, #tpu.memory_space<hbm>>) target(%arg15 : memref<2x128xi32, #tpu.memory_space<vmem>>) target_semaphore(%run_scoped3A : memref<!tpu.dma_semaphore, #tpu.memory_space<semaphore_mem>>)
        %dma_wait3A_303 = arith.constant 0 : i32
        %dma_wait3A_304 = tpu.memref_slice %arg4[%add3A_72, %dma_wait3A_303] : memref<6400x128xi32, #tpu.memory_space<hbm>> -> memref<2x128xi32, #tpu.memory_space<hbm>>
        %dma_wait3A_305 = arith.constant 0 : i32
        %dma_wait3A_306 = tpu.memref_slice %arg4[%add3A_72, %dma_wait3A_305] : memref<6400x128xi32, #tpu.memory_space<hbm>> -> memref<2x128xi32, #tpu.memory_space<hbm>>
        tpu.wait_dma2 semaphore(%run_scoped3A : memref<!tpu.dma_semaphore, #tpu.memory_space<semaphore_mem>>) src(%dma_wait3A_306 : memref<2x128xi32, #tpu.memory_space<hbm>>) dst(%arg15 : memref<2x128xi32, #tpu.memory_space<vmem>>)
        tpu.yield
      }) : () -> ()
      %dma_start3A_73 = arith.constant 0 : i32
      %dma_start3A_74 = arith.constant 0 : i32
      %dma_start3A_75 = arith.constant 0 : i32
      %dma_start3A_76 = tpu.memref_slice %arg17[%dma_start3A_74, %dma_start3A_75] : memref<256x32xf32, #tpu.memory_space<vmem>> -> memref<128x32xf32, #tpu.memory_space<vmem>>
      %dma_start3A_77 = arith.constant 0 : i32
      %dma_start3A_78 = tpu.memref_slice %arg13[%dma_start3A_73, %dma_start3A_77] : memref<2x128xi32, #tpu.memory_space<vmem>> -> memref<1x128xi32, #tpu.memory_space<vmem>>
      %dma_start3A_79 = tpu.memref_squeeze %dma_start3A_78 : memref<1x128xi32, #tpu.memory_space<vmem>> -> memref<128xi32, #tpu.memory_space<vmem>>
      %dma_start3A_80 = arith.constant 0 : i32
      %dma_start3A_81 = arith.constant 0 : i32
      %dma_start3A_82 = tpu.memref_slice %arg5[%arg0, %dma_start3A_80, %dma_start3A_81] : memref<2x200000x32xf32, #tpu.memory_space<hbm>> -> memref<1x200000x32xf32, #tpu.memory_space<hbm>>
      %dma_start3A_83 = tpu.memref_squeeze %dma_start3A_82 : memref<1x200000x32xf32, #tpu.memory_space<hbm>> -> memref<200000x32xf32, #tpu.memory_space<hbm>>
      %dma_start3A_84 = arith.constant 0 : i32
      %dma_start3A_85 = arith.constant 0 : i32
      %dma_start3A_86 = tpu.memref_slice %dma_start3A_83[%dma_start3A_84, %dma_start3A_85] : memref<200000x32xf32, #tpu.memory_space<hbm>> -> memref<200000x32xf32, #tpu.memory_space<hbm>>
      tpu.enqueue_indirect_dma source(%dma_start3A_86 : memref<200000x32xf32, #tpu.memory_space<hbm>>) target(%dma_start3A_76 : memref<128x32xf32, #tpu.memory_space<vmem>>) offsets(%dma_start3A_79 : memref<128xi32, #tpu.memory_space<vmem>>) semaphore(%arg21 : memref<!tpu.dma_semaphore, #tpu.memory_space<semaphore_mem>>)
      %dma_start3A_87 = arith.constant 0 : i32
      %dma_start3A_88 = arith.constant 0 : i32
      %dma_start3A_89 = tpu.memref_slice %arg19[%dma_start3A_88] : memref<256xf32, #tpu.memory_space<vmem>> -> memref<128xf32, #tpu.memory_space<vmem>>
      %dma_start3A_90 = arith.constant 0 : i32
      %dma_start3A_91 = tpu.memref_slice %arg14[%dma_start3A_87, %dma_start3A_90] : memref<2x128xi32, #tpu.memory_space<vmem>> -> memref<1x128xi32, #tpu.memory_space<vmem>>
      %dma_start3A_92 = tpu.memref_squeeze %dma_start3A_91 : memref<1x128xi32, #tpu.memory_space<vmem>> -> memref<128xi32, #tpu.memory_space<vmem>>
      %dma_start3A_93 = arith.constant 0 : i32
      %dma_start3A_94 = tpu.memref_slice %arg6[%dma_start3A_93] : memref<200704xf32, #tpu.memory_space<hbm>> -> memref<200704xf32, #tpu.memory_space<hbm>>
      tpu.enqueue_indirect_dma source(%dma_start3A_94 : memref<200704xf32, #tpu.memory_space<hbm>>) target(%dma_start3A_89 : memref<128xf32, #tpu.memory_space<vmem>>) offsets(%dma_start3A_92 : memref<128xi32, #tpu.memory_space<vmem>>) semaphore(%arg21 : memref<!tpu.dma_semaphore, #tpu.memory_space<semaphore_mem>>)
      %dma_start3A_95 = arith.constant 1 : i32
      %dma_start3A_96 = arith.constant 128 : i32
      %dma_start3A_97 = arith.constant 0 : i32
      %dma_start3A_98 = tpu.memref_slice %arg17[%dma_start3A_96, %dma_start3A_97] : memref<256x32xf32, #tpu.memory_space<vmem>> -> memref<128x32xf32, #tpu.memory_space<vmem>>
      %dma_start3A_99 = arith.constant 0 : i32
      %dma_start3A_100 = tpu.memref_slice %arg13[%dma_start3A_95, %dma_start3A_99] : memref<2x128xi32, #tpu.memory_space<vmem>> -> memref<1x128xi32, #tpu.memory_space<vmem>>
      %dma_start3A_101 = tpu.memref_squeeze %dma_start3A_100 : memref<1x128xi32, #tpu.memory_space<vmem>> -> memref<128xi32, #tpu.memory_space<vmem>>
      %dma_start3A_102 = arith.constant 0 : i32
      %dma_start3A_103 = arith.constant 0 : i32
      %dma_start3A_104 = tpu.memref_slice %arg5[%arg0, %dma_start3A_102, %dma_start3A_103] : memref<2x200000x32xf32, #tpu.memory_space<hbm>> -> memref<1x200000x32xf32, #tpu.memory_space<hbm>>
      %dma_start3A_105 = tpu.memref_squeeze %dma_start3A_104 : memref<1x200000x32xf32, #tpu.memory_space<hbm>> -> memref<200000x32xf32, #tpu.memory_space<hbm>>
      %dma_start3A_106 = arith.constant 0 : i32
      %dma_start3A_107 = arith.constant 0 : i32
      %dma_start3A_108 = tpu.memref_slice %dma_start3A_105[%dma_start3A_106, %dma_start3A_107] : memref<200000x32xf32, #tpu.memory_space<hbm>> -> memref<200000x32xf32, #tpu.memory_space<hbm>>
      tpu.enqueue_indirect_dma source(%dma_start3A_108 : memref<200000x32xf32, #tpu.memory_space<hbm>>) target(%dma_start3A_98 : memref<128x32xf32, #tpu.memory_space<vmem>>) offsets(%dma_start3A_101 : memref<128xi32, #tpu.memory_space<vmem>>) semaphore(%arg21 : memref<!tpu.dma_semaphore, #tpu.memory_space<semaphore_mem>>)
      %dma_start3A_109 = arith.constant 1 : i32
      %dma_start3A_110 = arith.constant 128 : i32
      %dma_start3A_111 = tpu.memref_slice %arg19[%dma_start3A_110] : memref<256xf32, #tpu.memory_space<vmem>> -> memref<128xf32, #tpu.memory_space<vmem>>
      %dma_start3A_112 = arith.constant 0 : i32
      %dma_start3A_113 = tpu.memref_slice %arg14[%dma_start3A_109, %dma_start3A_112] : memref<2x128xi32, #tpu.memory_space<vmem>> -> memref<1x128xi32, #tpu.memory_space<vmem>>
      %dma_start3A_114 = tpu.memref_squeeze %dma_start3A_113 : memref<1x128xi32, #tpu.memory_space<vmem>> -> memref<128xi32, #tpu.memory_space<vmem>>
      %dma_start3A_115 = arith.constant 0 : i32
      %dma_start3A_116 = tpu.memref_slice %arg6[%dma_start3A_115] : memref<200704xf32, #tpu.memory_space<hbm>> -> memref<200704xf32, #tpu.memory_space<hbm>>
      tpu.enqueue_indirect_dma source(%dma_start3A_116 : memref<200704xf32, #tpu.memory_space<hbm>>) target(%dma_start3A_111 : memref<128xf32, #tpu.memory_space<vmem>>) offsets(%dma_start3A_114 : memref<128xi32, #tpu.memory_space<vmem>>) semaphore(%arg21 : memref<!tpu.dma_semaphore, #tpu.memory_space<semaphore_mem>>)
      %dma_wait3A = arith.constant 0 : i32
      %dma_wait3A_117 = arith.constant 0 : i32
      %dma_wait3A_118 = arith.constant 0 : i32
      %dma_wait3A_119 = tpu.memref_slice %arg16[%dma_wait3A_117, %dma_wait3A_118] : memref<256x32xf32, #tpu.memory_space<vmem>> -> memref<128x32xf32, #tpu.memory_space<vmem>>
      %dma_wait3A_120 = arith.constant 0 : i32
      %dma_wait3A_121 = tpu.memref_slice %arg10[%dma_wait3A, %dma_wait3A_120] : memref<2x128xi32, #tpu.memory_space<vmem>> -> memref<1x128xi32, #tpu.memory_space<vmem>>
      %dma_wait3A_122 = tpu.memref_squeeze %dma_wait3A_121 : memref<1x128xi32, #tpu.memory_space<vmem>> -> memref<128xi32, #tpu.memory_space<vmem>>
      %dma_wait3A_123 = arith.constant 0 : i32
      %dma_wait3A_124 = arith.constant 0 : i32
      %dma_wait3A_125 = tpu.memref_slice %arg5[%arg0, %dma_wait3A_123, %dma_wait3A_124] : memref<2x200000x32xf32, #tpu.memory_space<hbm>> -> memref<1x200000x32xf32, #tpu.memory_space<hbm>>
      %dma_wait3A_126 = tpu.memref_squeeze %dma_wait3A_125 : memref<1x200000x32xf32, #tpu.memory_space<hbm>> -> memref<200000x32xf32, #tpu.memory_space<hbm>>
      %dma_wait3A_127 = arith.constant 0 : i32
      %dma_wait3A_128 = arith.constant 0 : i32
      %dma_wait3A_129 = tpu.memref_slice %dma_wait3A_126[%dma_wait3A_127, %dma_wait3A_128] : memref<200000x32xf32, #tpu.memory_space<hbm>> -> memref<200000x32xf32, #tpu.memory_space<hbm>>
      tpu.wait_indirect_dma semaphore(%arg20 : memref<!tpu.dma_semaphore, #tpu.memory_space<semaphore_mem>>) src(%dma_wait3A_129 : memref<200000x32xf32, #tpu.memory_space<hbm>>) dst(%dma_wait3A_119 : memref<128x32xf32, #tpu.memory_space<vmem>>)
      %dma_wait3A_130 = arith.constant 0 : i32
      %dma_wait3A_131 = arith.constant 0 : i32
      %dma_wait3A_132 = tpu.memref_slice %arg18[%dma_wait3A_131] : memref<256xf32, #tpu.memory_space<vmem>> -> memref<128xf32, #tpu.memory_space<vmem>>
      %dma_wait3A_133 = arith.constant 0 : i32
      %dma_wait3A_134 = tpu.memref_slice %arg11[%dma_wait3A_130, %dma_wait3A_133] : memref<2x128xi32, #tpu.memory_space<vmem>> -> memref<1x128xi32, #tpu.memory_space<vmem>>
      %dma_wait3A_135 = tpu.memref_squeeze %dma_wait3A_134 : memref<1x128xi32, #tpu.memory_space<vmem>> -> memref<128xi32, #tpu.memory_space<vmem>>
      %dma_wait3A_136 = arith.constant 0 : i32
      %dma_wait3A_137 = tpu.memref_slice %arg6[%dma_wait3A_136] : memref<200704xf32, #tpu.memory_space<hbm>> -> memref<200704xf32, #tpu.memory_space<hbm>>
      tpu.wait_indirect_dma semaphore(%arg20 : memref<!tpu.dma_semaphore, #tpu.memory_space<semaphore_mem>>) src(%dma_wait3A_137 : memref<200704xf32, #tpu.memory_space<hbm>>) dst(%dma_wait3A_132 : memref<128xf32, #tpu.memory_space<vmem>>)
      %dma_wait3A_138 = arith.constant 1 : i32
      %dma_wait3A_139 = arith.constant 128 : i32
      %dma_wait3A_140 = arith.constant 0 : i32
      %dma_wait3A_141 = tpu.memref_slice %arg16[%dma_wait3A_139, %dma_wait3A_140] : memref<256x32xf32, #tpu.memory_space<vmem>> -> memref<128x32xf32, #tpu.memory_space<vmem>>
      %dma_wait3A_142 = arith.constant 0 : i32
      %dma_wait3A_143 = tpu.memref_slice %arg10[%dma_wait3A_138, %dma_wait3A_142] : memref<2x128xi32, #tpu.memory_space<vmem>> -> memref<1x128xi32, #tpu.memory_space<vmem>>
      %dma_wait3A_144 = tpu.memref_squeeze %dma_wait3A_143 : memref<1x128xi32, #tpu.memory_space<vmem>> -> memref<128xi32, #tpu.memory_space<vmem>>
      %dma_wait3A_145 = arith.constant 0 : i32
      %dma_wait3A_146 = arith.constant 0 : i32
      %dma_wait3A_147 = tpu.memref_slice %arg5[%arg0, %dma_wait3A_145, %dma_wait3A_146] : memref<2x200000x32xf32, #tpu.memory_space<hbm>> -> memref<1x200000x32xf32, #tpu.memory_space<hbm>>
      %dma_wait3A_148 = tpu.memref_squeeze %dma_wait3A_147 : memref<1x200000x32xf32, #tpu.memory_space<hbm>> -> memref<200000x32xf32, #tpu.memory_space<hbm>>
      %dma_wait3A_149 = arith.constant 0 : i32
      %dma_wait3A_150 = arith.constant 0 : i32
      %dma_wait3A_151 = tpu.memref_slice %dma_wait3A_148[%dma_wait3A_149, %dma_wait3A_150] : memref<200000x32xf32, #tpu.memory_space<hbm>> -> memref<200000x32xf32, #tpu.memory_space<hbm>>
      tpu.wait_indirect_dma semaphore(%arg20 : memref<!tpu.dma_semaphore, #tpu.memory_space<semaphore_mem>>) src(%dma_wait3A_151 : memref<200000x32xf32, #tpu.memory_space<hbm>>) dst(%dma_wait3A_141 : memref<128x32xf32, #tpu.memory_space<vmem>>)
      %dma_wait3A_152 = arith.constant 1 : i32
      %dma_wait3A_153 = arith.constant 128 : i32
      %dma_wait3A_154 = tpu.memref_slice %arg18[%dma_wait3A_153] : memref<256xf32, #tpu.memory_space<vmem>> -> memref<128xf32, #tpu.memory_space<vmem>>
      %dma_wait3A_155 = arith.constant 0 : i32
      %dma_wait3A_156 = tpu.memref_slice %arg11[%dma_wait3A_152, %dma_wait3A_155] : memref<2x128xi32, #tpu.memory_space<vmem>> -> memref<1x128xi32, #tpu.memory_space<vmem>>
      %dma_wait3A_157 = tpu.memref_squeeze %dma_wait3A_156 : memref<1x128xi32, #tpu.memory_space<vmem>> -> memref<128xi32, #tpu.memory_space<vmem>>
      %dma_wait3A_158 = arith.constant 0 : i32
      %dma_wait3A_159 = tpu.memref_slice %arg6[%dma_wait3A_158] : memref<200704xf32, #tpu.memory_space<hbm>> -> memref<200704xf32, #tpu.memory_space<hbm>>
      tpu.wait_indirect_dma semaphore(%arg20 : memref<!tpu.dma_semaphore, #tpu.memory_space<semaphore_mem>>) src(%dma_wait3A_159 : memref<200704xf32, #tpu.memory_space<hbm>>) dst(%dma_wait3A_154 : memref<128xf32, #tpu.memory_space<vmem>>)
      %scan3A_160 = arith.constant 0 : i32
      %scan3A_161 = arith.constant 0 : i32
      %scan3A_162 = arith.constant 16 : i32
      %scan3A_163 = arith.addi %scan3A_161, %scan3A_162 : i32
      %scan3A_164 = arith.constant 1 : i32
      %scan3A_165 = scf.for %scan3A_299 = %scan3A_161 to %scan3A_163 step %scan3A_164 iter_args(%scan3A_300 = %scan3A_160) -> (i32)  : i32 {
        %mul3A_301 = arith.constant 16 : i32
        %mul3A_302 = arith.muli %scan3A_299, %mul3A_301 : i32
        %get3A = arith.index_cast %mul3A_302 : i32 to index
        %get3A_303 = tpu.vector_load %arg18[%get3A] {strides = array<i32>} : memref<256xf32, #tpu.memory_space<vmem>>, vector<16xf32>,
        %get3A_304 = vector.shape_cast %get3A_303 : vector<16xf32> to vector<16xf32>
        %mul3A_305 = arith.constant 16 : i32
        %mul3A_306 = arith.muli %scan3A_299, %mul3A_305 : i32
        %add3A_307 = arith.constant 0 : i32
        %add3A_308 = arith.addi %mul3A_306, %add3A_307 : i32
        %slice3A = vector.extract_strided_slice %get3A_304 {offsets = [0], sizes = [1], strides = [1]} : vector<16xf32> to vector<1xf32>
        %squeeze3A = vector.extract %slice3A[0] : f32 from vector<1xf32>
        %get3A_309 = arith.index_cast %add3A_308 : i32 to index
        %get3A_310 = arith.constant 0 : index
        %get3A_311 = tpu.vector_load %arg16[%get3A_309, %get3A_310] {strides = array<i32>} : memref<256x32xf32, #tpu.memory_space<vmem>>, vector<1x16xf32>,
        %get3A_312 = vector.shape_cast %get3A_311 : vector<1x16xf32> to vector<16xf32>
        %mul3A_313 = vector.broadcast %squeeze3A : f32 to vector<16xf32>
        %mul3A_314 = arith.mulf %get3A_312, %mul3A_313 : vector<16xf32>
        %swap3A = arith.index_cast %add3A_308 : i32 to index
        %swap3A_315 = arith.constant 0 : index
        %swap3A_316 = tpu.vector_load %arg16[%swap3A, %swap3A_315] {strides = array<i32>} : memref<256x32xf32, #tpu.memory_space<vmem>>, vector<1x16xf32>,
        %swap3A_317 = vector.shape_cast %swap3A_316 : vector<1x16xf32> to vector<16xf32>
        %swap3A_318 = vector.shape_cast %mul3A_314 : vector<16xf32> to vector<1x16xf32>
        tpu.vector_store %arg16[%swap3A, %swap3A_315], %swap3A_318 {strides = array<i32>} : memref<256x32xf32, #tpu.memory_space<vmem>>, vector<1x16xf32>,
        %get3A_319 = arith.index_cast %add3A_308 : i32 to index
        %get3A_320 = arith.constant 16 : index
        %get3A_321 = tpu.vector_load %arg16[%get3A_319, %get3A_320] {strides = array<i32>} : memref<256x32xf32, #tpu.memory_space<vmem>>, vector<1x16xf32>,
        %get3A_322 = vector.shape_cast %get3A_321 : vector<1x16xf32> to vector<16xf32>
        %mul3A_323 = vector.broadcast %squeeze3A : f32 to vector<16xf32>
        %mul3A_324 = arith.mulf %get3A_322, %mul3A_323 : vector<16xf32>
        %swap3A_325 = arith.index_cast %add3A_308 : i32 to index
        %swap3A_326 = arith.constant 16 : index
        %swap3A_327 = tpu.vector_load %arg16[%swap3A_325, %swap3A_326] {strides = array<i32>} : memref<256x32xf32, #tpu.memory_space<vmem>>, vector<1x16xf32>,
        %swap3A_328 = vector.shape_cast %swap3A_327 : vector<1x16xf32> to vector<16xf32>
        %swap3A_329 = vector.shape_cast %mul3A_324 : vector<16xf32> to vector<1x16xf32>
        tpu.vector_store %arg16[%swap3A_325, %swap3A_326], %swap3A_329 {strides = array<i32>} : memref<256x32xf32, #tpu.memory_space<vmem>>, vector<1x16xf32>,
        %mul3A_330 = arith.constant 16 : i32
        %mul3A_331 = arith.muli %scan3A_299, %mul3A_330 : i32
        %add3A_332 = arith.constant 1 : i32
        %add3A_333 = arith.addi %mul3A_331, %add3A_332 : i32
        %slice3A_334 = vector.extract_strided_slice %get3A_304 {offsets = [1], sizes = [1], strides = [1]} : vector<16xf32> to vector<1xf32>
        %squeeze3A_335 = vector.extract %slice3A_334[0] : f32 from vector<1xf32>
        %get3A_336 = arith.index_cast %add3A_333 : i32 to index
        %get3A_337 = arith.constant 0 : index
        %get3A_338 = tpu.vector_load %arg16[%get3A_336, %get3A_337] {strides = array<i32>} : memref<256x32xf32, #tpu.memory_space<vmem>>, vector<1x16xf32>,
        %get3A_339 = vector.shape_cast %get3A_338 : vector<1x16xf32> to vector<16xf32>
        %mul3A_340 = vector.broadcast %squeeze3A_335 : f32 to vector<16xf32>
        %mul3A_341 = arith.mulf %get3A_339, %mul3A_340 : vector<16xf32>
        %swap3A_342 = arith.index_cast %add3A_333 : i32 to index
        %swap3A_343 = arith.constant 0 : index
        %swap3A_344 = tpu.vector_load %arg16[%swap3A_342, %swap3A_343] {strides = array<i32>} : memref<256x32xf32, #tpu.memory_space<vmem>>, vector<1x16xf32>,
        %swap3A_345 = vector.shape_cast %swap3A_344 : vector<1x16xf32> to vector<16xf32>
        %swap3A_346 = vector.shape_cast %mul3A_341 : vector<16xf32> to vector<1x16xf32>
        tpu.vector_store %arg16[%swap3A_342, %swap3A_343], %swap3A_346 {strides = array<i32>} : memref<256x32xf32, #tpu.memory_space<vmem>>, vector<1x16xf32>,
        %get3A_347 = arith.index_cast %add3A_333 : i32 to index
        %get3A_348 = arith.constant 16 : index
        %get3A_349 = tpu.vector_load %arg16[%get3A_347, %get3A_348] {strides = array<i32>} : memref<256x32xf32, #tpu.memory_space<vmem>>, vector<1x16xf32>,
        %get3A_350 = vector.shape_cast %get3A_349 : vector<1x16xf32> to vector<16xf32>
        %mul3A_351 = vector.broadcast %squeeze3A_335 : f32 to vector<16xf32>
        %mul3A_352 = arith.mulf %get3A_350, %mul3A_351 : vector<16xf32>
        %swap3A_353 = arith.index_cast %add3A_333 : i32 to index
        %swap3A_354 = arith.constant 16 : index
        %swap3A_355 = tpu.vector_load %arg16[%swap3A_353, %swap3A_354] {strides = array<i32>} : memref<256x32xf32, #tpu.memory_space<vmem>>, vector<1x16xf32>,
        %swap3A_356 = vector.shape_cast %swap3A_355 : vector<1x16xf32> to vector<16xf32>
        %swap3A_357 = vector.shape_cast %mul3A_352 : vector<16xf32> to vector<1x16xf32>
        tpu.vector_store %arg16[%swap3A_353, %swap3A_354], %swap3A_357 {strides = array<i32>} : memref<256x32xf32, #tpu.memory_space<vmem>>, vector<1x16xf32>,
        %mul3A_358 = arith.constant 16 : i32
        %mul3A_359 = arith.muli %scan3A_299, %mul3A_358 : i32
        %add3A_360 = arith.constant 2 : i32
        %add3A_361 = arith.addi %mul3A_359, %add3A_360 : i32
        %slice3A_362 = vector.extract_strided_slice %get3A_304 {offsets = [2], sizes = [1], strides = [1]} : vector<16xf32> to vector<1xf32>
        %squeeze3A_363 = vector.extract %slice3A_362[0] : f32 from vector<1xf32>
        %get3A_364 = arith.index_cast %add3A_361 : i32 to index
        %get3A_365 = arith.constant 0 : index
        %get3A_366 = tpu.vector_load %arg16[%get3A_364, %get3A_365] {strides = array<i32>} : memref<256x32xf32, #tpu.memory_space<vmem>>, vector<1x16xf32>,
        %get3A_367 = vector.shape_cast %get3A_366 : vector<1x16xf32> to vector<16xf32>
        %mul3A_368 = vector.broadcast %squeeze3A_363 : f32 to vector<16xf32>
        %mul3A_369 = arith.mulf %get3A_367, %mul3A_368 : vector<16xf32>
        %swap3A_370 = arith.index_cast %add3A_361 : i32 to index
        %swap3A_371 = arith.constant 0 : index
        %swap3A_372 = tpu.vector_load %arg16[%swap3A_370, %swap3A_371] {strides = array<i32>} : memref<256x32xf32, #tpu.memory_space<vmem>>, vector<1x16xf32>,
        %swap3A_373 = vector.shape_cast %swap3A_372 : vector<1x16xf32> to vector<16xf32>
        %swap3A_374 = vector.shape_cast %mul3A_369 : vector<16xf32> to vector<1x16xf32>
        tpu.vector_store %arg16[%swap3A_370, %swap3A_371], %swap3A_374 {strides = array<i32>} : memref<256x32xf32, #tpu.memory_space<vmem>>, vector<1x16xf32>,
        %get3A_375 = arith.index_cast %add3A_361 : i32 to index
        %get3A_376 = arith.constant 16 : index
        %get3A_377 = tpu.vector_load %arg16[%get3A_375, %get3A_376] {strides = array<i32>} : memref<256x32xf32, #tpu.memory_space<vmem>>, vector<1x16xf32>,
        %get3A_378 = vector.shape_cast %get3A_377 : vector<1x16xf32> to vector<16xf32>
        %mul3A_379 = vector.broadcast %squeeze3A_363 : f32 to vector<16xf32>
        %mul3A_380 = arith.mulf %get3A_378, %mul3A_379 : vector<16xf32>
        %swap3A_381 = arith.index_cast %add3A_361 : i32 to index
        %swap3A_382 = arith.constant 16 : index
        %swap3A_383 = tpu.vector_load %arg16[%swap3A_381, %swap3A_382] {strides = array<i32>} : memref<256x32xf32, #tpu.memory_space<vmem>>, vector<1x16xf32>,
        %swap3A_384 = vector.shape_cast %swap3A_383 : vector<1x16xf32> to vector<16xf32>
        %swap3A_385 = vector.shape_cast %mul3A_380 : vector<16xf32> to vector<1x16xf32>
        tpu.vector_store %arg16[%swap3A_381, %swap3A_382], %swap3A_385 {strides = array<i32>} : memref<256x32xf32, #tpu.memory_space<vmem>>, vector<1x16xf32>,
        %mul3A_386 = arith.constant 16 : i32
        %mul3A_387 = arith.muli %scan3A_299, %mul3A_386 : i32
        %add3A_388 = arith.constant 3 : i32
        %add3A_389 = arith.addi %mul3A_387, %add3A_388 : i32
        %slice3A_390 = vector.extract_strided_slice %get3A_304 {offsets = [3], sizes = [1], strides = [1]} : vector<16xf32> to vector<1xf32>
        %squeeze3A_391 = vector.extract %slice3A_390[0] : f32 from vector<1xf32>
        %get3A_392 = arith.index_cast %add3A_389 : i32 to index
        %get3A_393 = arith.constant 0 : index
        %get3A_394 = tpu.vector_load %arg16[%get3A_392, %get3A_393] {strides = array<i32>} : memref<256x32xf32, #tpu.memory_space<vmem>>, vector<1x16xf32>,
        %get3A_395 = vector.shape_cast %get3A_394 : vector<1x16xf32> to vector<16xf32>
        %mul3A_396 = vector.broadcast %squeeze3A_391 : f32 to vector<16xf32>
        %mul3A_397 = arith.mulf %get3A_395, %mul3A_396 : vector<16xf32>
        %swap3A_398 = arith.index_cast %add3A_389 : i32 to index
        %swap3A_399 = arith.constant 0 : index
        %swap3A_400 = tpu.vector_load %arg16[%swap3A_398, %swap3A_399] {strides = array<i32>} : memref<256x32xf32, #tpu.memory_space<vmem>>, vector<1x16xf32>,
        %swap3A_401 = vector.shape_cast %swap3A_400 : vector<1x16xf32> to vector<16xf32>
        %swap3A_402 = vector.shape_cast %mul3A_397 : vector<16xf32> to vector<1x16xf32>
        tpu.vector_store %arg16[%swap3A_398, %swap3A_399], %swap3A_402 {strides = array<i32>} : memref<256x32xf32, #tpu.memory_space<vmem>>, vector<1x16xf32>,
        %get3A_403 = arith.index_cast %add3A_389 : i32 to index
        %get3A_404 = arith.constant 16 : index
        %get3A_405 = tpu.vector_load %arg16[%get3A_403, %get3A_404] {strides = array<i32>} : memref<256x32xf32, #tpu.memory_space<vmem>>, vector<1x16xf32>,
        %get3A_406 = vector.shape_cast %get3A_405 : vector<1x16xf32> to vector<16xf32>
        %mul3A_407 = vector.broadcast %squeeze3A_391 : f32 to vector<16xf32>
        %mul3A_408 = arith.mulf %get3A_406, %mul3A_407 : vector<16xf32>
        %swap3A_409 = arith.index_cast %add3A_389 : i32 to index
        %swap3A_410 = arith.constant 16 : index
        %swap3A_411 = tpu.vector_load %arg16[%swap3A_409, %swap3A_410] {strides = array<i32>} : memref<256x32xf32, #tpu.memory_space<vmem>>, vector<1x16xf32>,
        %swap3A_412 = vector.shape_cast %swap3A_411 : vector<1x16xf32> to vector<16xf32>
        %swap3A_413 = vector.shape_cast %mul3A_408 : vector<16xf32> to vector<1x16xf32>
        tpu.vector_store %arg16[%swap3A_409, %swap3A_410], %swap3A_413 {strides = array<i32>} : memref<256x32xf32, #tpu.memory_space<vmem>>, vector<1x16xf32>,
        %mul3A_414 = arith.constant 16 : i32
        %mul3A_415 = arith.muli %scan3A_299, %mul3A_414 : i32
        %add3A_416 = arith.constant 4 : i32
        %add3A_417 = arith.addi %mul3A_415, %add3A_416 : i32
        %slice3A_418 = vector.extract_strided_slice %get3A_304 {offsets = [4], sizes = [1], strides = [1]} : vector<16xf32> to vector<1xf32>
        %squeeze3A_419 = vector.extract %slice3A_418[0] : f32 from vector<1xf32>
        %get3A_420 = arith.index_cast %add3A_417 : i32 to index
        %get3A_421 = arith.constant 0 : index
        %get3A_422 = tpu.vector_load %arg16[%get3A_420, %get3A_421] {strides = array<i32>} : memref<256x32xf32, #tpu.memory_space<vmem>>, vector<1x16xf32>,
        %get3A_423 = vector.shape_cast %get3A_422 : vector<1x16xf32> to vector<16xf32>
        %mul3A_424 = vector.broadcast %squeeze3A_419 : f32 to vector<16xf32>
        %mul3A_425 = arith.mulf %get3A_423, %mul3A_424 : vector<16xf32>
        %swap3A_426 = arith.index_cast %add3A_417 : i32 to index
        %swap3A_427 = arith.constant 0 : index
        %swap3A_428 = tpu.vector_load %arg16[%swap3A_426, %swap3A_427] {strides = array<i32>} : memref<256x32xf32, #tpu.memory_space<vmem>>, vector<1x16xf32>,
        %swap3A_429 = vector.shape_cast %swap3A_428 : vector<1x16xf32> to vector<16xf32>
        %swap3A_430 = vector.shape_cast %mul3A_425 : vector<16xf32> to vector<1x16xf32>
        tpu.vector_store %arg16[%swap3A_426, %swap3A_427], %swap3A_430 {strides = array<i32>} : memref<256x32xf32, #tpu.memory_space<vmem>>, vector<1x16xf32>,
        %get3A_431 = arith.index_cast %add3A_417 : i32 to index
        %get3A_432 = arith.constant 16 : index
        %get3A_433 = tpu.vector_load %arg16[%get3A_431, %get3A_432] {strides = array<i32>} : memref<256x32xf32, #tpu.memory_space<vmem>>, vector<1x16xf32>,
        %get3A_434 = vector.shape_cast %get3A_433 : vector<1x16xf32> to vector<16xf32>
        %mul3A_435 = vector.broadcast %squeeze3A_419 : f32 to vector<16xf32>
        %mul3A_436 = arith.mulf %get3A_434, %mul3A_435 : vector<16xf32>
        %swap3A_437 = arith.index_cast %add3A_417 : i32 to index
        %swap3A_438 = arith.constant 16 : index
        %swap3A_439 = tpu.vector_load %arg16[%swap3A_437, %swap3A_438] {strides = array<i32>} : memref<256x32xf32, #tpu.memory_space<vmem>>, vector<1x16xf32>,
        %swap3A_440 = vector.shape_cast %swap3A_439 : vector<1x16xf32> to vector<16xf32>
        %swap3A_441 = vector.shape_cast %mul3A_436 : vector<16xf32> to vector<1x16xf32>
        tpu.vector_store %arg16[%swap3A_437, %swap3A_438], %swap3A_441 {strides = array<i32>} : memref<256x32xf32, #tpu.memory_space<vmem>>, vector<1x16xf32>,
        %mul3A_442 = arith.constant 16 : i32
        %mul3A_443 = arith.muli %scan3A_299, %mul3A_442 : i32
        %add3A_444 = arith.constant 5 : i32
        %add3A_445 = arith.addi %mul3A_443, %add3A_444 : i32
        %slice3A_446 = vector.extract_strided_slice %get3A_304 {offsets = [5], sizes = [1], strides = [1]} : vector<16xf32> to vector<1xf32>
        %squeeze3A_447 = vector.extract %slice3A_446[0] : f32 from vector<1xf32>
        %get3A_448 = arith.index_cast %add3A_445 : i32 to index
        %get3A_449 = arith.constant 0 : index
        %get3A_450 = tpu.vector_load %arg16[%get3A_448, %get3A_449] {strides = array<i32>} : memref<256x32xf32, #tpu.memory_space<vmem>>, vector<1x16xf32>,
        %get3A_451 = vector.shape_cast %get3A_450 : vector<1x16xf32> to vector<16xf32>
        %mul3A_452 = vector.broadcast %squeeze3A_447 : f32 to vector<16xf32>
        %mul3A_453 = arith.mulf %get3A_451, %mul3A_452 : vector<16xf32>
        %swap3A_454 = arith.index_cast %add3A_445 : i32 to index
        %swap3A_455 = arith.constant 0 : index
        %swap3A_456 = tpu.vector_load %arg16[%swap3A_454, %swap3A_455] {strides = array<i32>} : memref<256x32xf32, #tpu.memory_space<vmem>>, vector<1x16xf32>,
        %swap3A_457 = vector.shape_cast %swap3A_456 : vector<1x16xf32> to vector<16xf32>
        %swap3A_458 = vector.shape_cast %mul3A_453 : vector<16xf32> to vector<1x16xf32>
        tpu.vector_store %arg16[%swap3A_454, %swap3A_455], %swap3A_458 {strides = array<i32>} : memref<256x32xf32, #tpu.memory_space<vmem>>, vector<1x16xf32>,
        %get3A_459 = arith.index_cast %add3A_445 : i32 to index
        %get3A_460 = arith.constant 16 : index
        %get3A_461 = tpu.vector_load %arg16[%get3A_459, %get3A_460] {strides = array<i32>} : memref<256x32xf32, #tpu.memory_space<vmem>>, vector<1x16xf32>,
        %get3A_462 = vector.shape_cast %get3A_461 : vector<1x16xf32> to vector<16xf32>
        %mul3A_463 = vector.broadcast %squeeze3A_447 : f32 to vector<16xf32>
        %mul3A_464 = arith.mulf %get3A_462, %mul3A_463 : vector<16xf32>
        %swap3A_465 = arith.index_cast %add3A_445 : i32 to index
        %swap3A_466 = arith.constant 16 : index
        %swap3A_467 = tpu.vector_load %arg16[%swap3A_465, %swap3A_466] {strides = array<i32>} : memref<256x32xf32, #tpu.memory_space<vmem>>, vector<1x16xf32>,
        %swap3A_468 = vector.shape_cast %swap3A_467 : vector<1x16xf32> to vector<16xf32>
        %swap3A_469 = vector.shape_cast %mul3A_464 : vector<16xf32> to vector<1x16xf32>
        tpu.vector_store %arg16[%swap3A_465, %swap3A_466], %swap3A_469 {strides = array<i32>} : memref<256x32xf32, #tpu.memory_space<vmem>>, vector<1x16xf32>,
        %mul3A_470 = arith.constant 16 : i32
        %mul3A_471 = arith.muli %scan3A_299, %mul3A_470 : i32
        %add3A_472 = arith.constant 6 : i32
        %add3A_473 = arith.addi %mul3A_471, %add3A_472 : i32
        %slice3A_474 = vector.extract_strided_slice %get3A_304 {offsets = [6], sizes = [1], strides = [1]} : vector<16xf32> to vector<1xf32>
        %squeeze3A_475 = vector.extract %slice3A_474[0] : f32 from vector<1xf32>
        %get3A_476 = arith.index_cast %add3A_473 : i32 to index
        %get3A_477 = arith.constant 0 : index
        %get3A_478 = tpu.vector_load %arg16[%get3A_476, %get3A_477] {strides = array<i32>} : memref<256x32xf32, #tpu.memory_space<vmem>>, vector<1x16xf32>,
        %get3A_479 = vector.shape_cast %get3A_478 : vector<1x16xf32> to vector<16xf32>
        %mul3A_480 = vector.broadcast %squeeze3A_475 : f32 to vector<16xf32>
        %mul3A_481 = arith.mulf %get3A_479, %mul3A_480 : vector<16xf32>
        %swap3A_482 = arith.index_cast %add3A_473 : i32 to index
        %swap3A_483 = arith.constant 0 : index
        %swap3A_484 = tpu.vector_load %arg16[%swap3A_482, %swap3A_483] {strides = array<i32>} : memref<256x32xf32, #tpu.memory_space<vmem>>, vector<1x16xf32>,
        %swap3A_485 = vector.shape_cast %swap3A_484 : vector<1x16xf32> to vector<16xf32>
        %swap3A_486 = vector.shape_cast %mul3A_481 : vector<16xf32> to vector<1x16xf32>
        tpu.vector_store %arg16[%swap3A_482, %swap3A_483], %swap3A_486 {strides = array<i32>} : memref<256x32xf32, #tpu.memory_space<vmem>>, vector<1x16xf32>,
        %get3A_487 = arith.index_cast %add3A_473 : i32 to index
        %get3A_488 = arith.constant 16 : index
        %get3A_489 = tpu.vector_load %arg16[%get3A_487, %get3A_488] {strides = array<i32>} : memref<256x32xf32, #tpu.memory_space<vmem>>, vector<1x16xf32>,
        %get3A_490 = vector.shape_cast %get3A_489 : vector<1x16xf32> to vector<16xf32>
        %mul3A_491 = vector.broadcast %squeeze3A_475 : f32 to vector<16xf32>
        %mul3A_492 = arith.mulf %get3A_490, %mul3A_491 : vector<16xf32>
        %swap3A_493 = arith.index_cast %add3A_473 : i32 to index
        %swap3A_494 = arith.constant 16 : index
        %swap3A_495 = tpu.vector_load %arg16[%swap3A_493, %swap3A_494] {strides = array<i32>} : memref<256x32xf32, #tpu.memory_space<vmem>>, vector<1x16xf32>,
        %swap3A_496 = vector.shape_cast %swap3A_495 : vector<1x16xf32> to vector<16xf32>
        %swap3A_497 = vector.shape_cast %mul3A_492 : vector<16xf32> to vector<1x16xf32>
        tpu.vector_store %arg16[%swap3A_493, %swap3A_494], %swap3A_497 {strides = array<i32>} : memref<256x32xf32, #tpu.memory_space<vmem>>, vector<1x16xf32>,
        %mul3A_498 = arith.constant 16 : i32
        %mul3A_499 = arith.muli %scan3A_299, %mul3A_498 : i32
        %add3A_500 = arith.constant 7 : i32
        %add3A_501 = arith.addi %mul3A_499, %add3A_500 : i32
        %slice3A_502 = vector.extract_strided_slice %get3A_304 {offsets = [7], sizes = [1], strides = [1]} : vector<16xf32> to vector<1xf32>
        %squeeze3A_503 = vector.extract %slice3A_502[0] : f32 from vector<1xf32>
        %get3A_504 = arith.index_cast %add3A_501 : i32 to index
        %get3A_505 = arith.constant 0 : index
        %get3A_506 = tpu.vector_load %arg16[%get3A_504, %get3A_505] {strides = array<i32>} : memref<256x32xf32, #tpu.memory_space<vmem>>, vector<1x16xf32>,
        %get3A_507 = vector.shape_cast %get3A_506 : vector<1x16xf32> to vector<16xf32>
        %mul3A_508 = vector.broadcast %squeeze3A_503 : f32 to vector<16xf32>
        %mul3A_509 = arith.mulf %get3A_507, %mul3A_508 : vector<16xf32>
        %swap3A_510 = arith.index_cast %add3A_501 : i32 to index
        %swap3A_511 = arith.constant 0 : index
        %swap3A_512 = tpu.vector_load %arg16[%swap3A_510, %swap3A_511] {strides = array<i32>} : memref<256x32xf32, #tpu.memory_space<vmem>>, vector<1x16xf32>,
        %swap3A_513 = vector.shape_cast %swap3A_512 : vector<1x16xf32> to vector<16xf32>
        %swap3A_514 = vector.shape_cast %mul3A_509 : vector<16xf32> to vector<1x16xf32>
        tpu.vector_store %arg16[%swap3A_510, %swap3A_511], %swap3A_514 {strides = array<i32>} : memref<256x32xf32, #tpu.memory_space<vmem>>, vector<1x16xf32>,
        %get3A_515 = arith.index_cast %add3A_501 : i32 to index
        %get3A_516 = arith.constant 16 : index
        %get3A_517 = tpu.vector_load %arg16[%get3A_515, %get3A_516] {strides = array<i32>} : memref<256x32xf32, #tpu.memory_space<vmem>>, vector<1x16xf32>,
        %get3A_518 = vector.shape_cast %get3A_517 : vector<1x16xf32> to vector<16xf32>
        %mul3A_519 = vector.broadcast %squeeze3A_503 : f32 to vector<16xf32>
        %mul3A_520 = arith.mulf %get3A_518, %mul3A_519 : vector<16xf32>
        %swap3A_521 = arith.index_cast %add3A_501 : i32 to index
        %swap3A_522 = arith.constant 16 : index
        %swap3A_523 = tpu.vector_load %arg16[%swap3A_521, %swap3A_522] {strides = array<i32>} : memref<256x32xf32, #tpu.memory_space<vmem>>, vector<1x16xf32>,
        %swap3A_524 = vector.shape_cast %swap3A_523 : vector<1x16xf32> to vector<16xf32>
        %swap3A_525 = vector.shape_cast %mul3A_520 : vector<16xf32> to vector<1x16xf32>
        tpu.vector_store %arg16[%swap3A_521, %swap3A_522], %swap3A_525 {strides = array<i32>} : memref<256x32xf32, #tpu.memory_space<vmem>>, vector<1x16xf32>,
        %mul3A_526 = arith.constant 16 : i32
        %mul3A_527 = arith.muli %scan3A_299, %mul3A_526 : i32
        %add3A_528 = arith.constant 8 : i32
        %add3A_529 = arith.addi %mul3A_527, %add3A_528 : i32
        %slice3A_530 = vector.extract_strided_slice %get3A_304 {offsets = [8], sizes = [1], strides = [1]} : vector<16xf32> to vector<1xf32>
        %squeeze3A_531 = vector.extract %slice3A_530[0] : f32 from vector<1xf32>
        %get3A_532 = arith.index_cast %add3A_529 : i32 to index
        %get3A_533 = arith.constant 0 : index
        %get3A_534 = tpu.vector_load %arg16[%get3A_532, %get3A_533] {strides = array<i32>} : memref<256x32xf32, #tpu.memory_space<vmem>>, vector<1x16xf32>,
        %get3A_535 = vector.shape_cast %get3A_534 : vector<1x16xf32> to vector<16xf32>
        %mul3A_536 = vector.broadcast %squeeze3A_531 : f32 to vector<16xf32>
        %mul3A_537 = arith.mulf %get3A_535, %mul3A_536 : vector<16xf32>
        %swap3A_538 = arith.index_cast %add3A_529 : i32 to index
        %swap3A_539 = arith.constant 0 : index
        %swap3A_540 = tpu.vector_load %arg16[%swap3A_538, %swap3A_539] {strides = array<i32>} : memref<256x32xf32, #tpu.memory_space<vmem>>, vector<1x16xf32>,
        %swap3A_541 = vector.shape_cast %swap3A_540 : vector<1x16xf32> to vector<16xf32>
        %swap3A_542 = vector.shape_cast %mul3A_537 : vector<16xf32> to vector<1x16xf32>
        tpu.vector_store %arg16[%swap3A_538, %swap3A_539], %swap3A_542 {strides = array<i32>} : memref<256x32xf32, #tpu.memory_space<vmem>>, vector<1x16xf32>,
        %get3A_543 = arith.index_cast %add3A_529 : i32 to index
        %get3A_544 = arith.constant 16 : index
        %get3A_545 = tpu.vector_load %arg16[%get3A_543, %get3A_544] {strides = array<i32>} : memref<256x32xf32, #tpu.memory_space<vmem>>, vector<1x16xf32>,
        %get3A_546 = vector.shape_cast %get3A_545 : vector<1x16xf32> to vector<16xf32>
        %mul3A_547 = vector.broadcast %squeeze3A_531 : f32 to vector<16xf32>
        %mul3A_548 = arith.mulf %get3A_546, %mul3A_547 : vector<16xf32>
        %swap3A_549 = arith.index_cast %add3A_529 : i32 to index
        %swap3A_550 = arith.constant 16 : index
        %swap3A_551 = tpu.vector_load %arg16[%swap3A_549, %swap3A_550] {strides = array<i32>} : memref<256x32xf32, #tpu.memory_space<vmem>>, vector<1x16xf32>,
        %swap3A_552 = vector.shape_cast %swap3A_551 : vector<1x16xf32> to vector<16xf32>
        %swap3A_553 = vector.shape_cast %mul3A_548 : vector<16xf32> to vector<1x16xf32>
        tpu.vector_store %arg16[%swap3A_549, %swap3A_550], %swap3A_553 {strides = array<i32>} : memref<256x32xf32, #tpu.memory_space<vmem>>, vector<1x16xf32>,
        %mul3A_554 = arith.constant 16 : i32
        %mul3A_555 = arith.muli %scan3A_299, %mul3A_554 : i32
        %add3A_556 = arith.constant 9 : i32
        %add3A_557 = arith.addi %mul3A_555, %add3A_556 : i32
        %slice3A_558 = vector.extract_strided_slice %get3A_304 {offsets = [9], sizes = [1], strides = [1]} : vector<16xf32> to vector<1xf32>
        %squeeze3A_559 = vector.extract %slice3A_558[0] : f32 from vector<1xf32>
        %get3A_560 = arith.index_cast %add3A_557 : i32 to index
        %get3A_561 = arith.constant 0 : index
        %get3A_562 = tpu.vector_load %arg16[%get3A_560, %get3A_561] {strides = array<i32>} : memref<256x32xf32, #tpu.memory_space<vmem>>, vector<1x16xf32>,
        %get3A_563 = vector.shape_cast %get3A_562 : vector<1x16xf32> to vector<16xf32>
        %mul3A_564 = vector.broadcast %squeeze3A_559 : f32 to vector<16xf32>
        %mul3A_565 = arith.mulf %get3A_563, %mul3A_564 : vector<16xf32>
        %swap3A_566 = arith.index_cast %add3A_557 : i32 to index
        %swap3A_567 = arith.constant 0 : index
        %swap3A_568 = tpu.vector_load %arg16[%swap3A_566, %swap3A_567] {strides = array<i32>} : memref<256x32xf32, #tpu.memory_space<vmem>>, vector<1x16xf32>,
        %swap3A_569 = vector.shape_cast %swap3A_568 : vector<1x16xf32> to vector<16xf32>
        %swap3A_570 = vector.shape_cast %mul3A_565 : vector<16xf32> to vector<1x16xf32>
        tpu.vector_store %arg16[%swap3A_566, %swap3A_567], %swap3A_570 {strides = array<i32>} : memref<256x32xf32, #tpu.memory_space<vmem>>, vector<1x16xf32>,
        %get3A_571 = arith.index_cast %add3A_557 : i32 to index
        %get3A_572 = arith.constant 16 : index
        %get3A_573 = tpu.vector_load %arg16[%get3A_571, %get3A_572] {strides = array<i32>} : memref<256x32xf32, #tpu.memory_space<vmem>>, vector<1x16xf32>,
        %get3A_574 = vector.shape_cast %get3A_573 : vector<1x16xf32> to vector<16xf32>
        %mul3A_575 = vector.broadcast %squeeze3A_559 : f32 to vector<16xf32>
        %mul3A_576 = arith.mulf %get3A_574, %mul3A_575 : vector<16xf32>
        %swap3A_577 = arith.index_cast %add3A_557 : i32 to index
        %swap3A_578 = arith.constant 16 : index
        %swap3A_579 = tpu.vector_load %arg16[%swap3A_577, %swap3A_578] {strides = array<i32>} : memref<256x32xf32, #tpu.memory_space<vmem>>, vector<1x16xf32>,
        %swap3A_580 = vector.shape_cast %swap3A_579 : vector<1x16xf32> to vector<16xf32>
        %swap3A_581 = vector.shape_cast %mul3A_576 : vector<16xf32> to vector<1x16xf32>
        tpu.vector_store %arg16[%swap3A_577, %swap3A_578], %swap3A_581 {strides = array<i32>} : memref<256x32xf32, #tpu.memory_space<vmem>>, vector<1x16xf32>,
        %mul3A_582 = arith.constant 16 : i32
        %mul3A_583 = arith.muli %scan3A_299, %mul3A_582 : i32
        %add3A_584 = arith.constant 10 : i32
        %add3A_585 = arith.addi %mul3A_583, %add3A_584 : i32
        %slice3A_586 = vector.extract_strided_slice %get3A_304 {offsets = [10], sizes = [1], strides = [1]} : vector<16xf32> to vector<1xf32>
        %squeeze3A_587 = vector.extract %slice3A_586[0] : f32 from vector<1xf32>
        %get3A_588 = arith.index_cast %add3A_585 : i32 to index
        %get3A_589 = arith.constant 0 : index
        %get3A_590 = tpu.vector_load %arg16[%get3A_588, %get3A_589] {strides = array<i32>} : memref<256x32xf32, #tpu.memory_space<vmem>>, vector<1x16xf32>,
        %get3A_591 = vector.shape_cast %get3A_590 : vector<1x16xf32> to vector<16xf32>
        %mul3A_592 = vector.broadcast %squeeze3A_587 : f32 to vector<16xf32>
        %mul3A_593 = arith.mulf %get3A_591, %mul3A_592 : vector<16xf32>
        %swap3A_594 = arith.index_cast %add3A_585 : i32 to index
        %swap3A_595 = arith.constant 0 : index
        %swap3A_596 = tpu.vector_load %arg16[%swap3A_594, %swap3A_595] {strides = array<i32>} : memref<256x32xf32, #tpu.memory_space<vmem>>, vector<1x16xf32>,
        %swap3A_597 = vector.shape_cast %swap3A_596 : vector<1x16xf32> to vector<16xf32>
        %swap3A_598 = vector.shape_cast %mul3A_593 : vector<16xf32> to vector<1x16xf32>
        tpu.vector_store %arg16[%swap3A_594, %swap3A_595], %swap3A_598 {strides = array<i32>} : memref<256x32xf32, #tpu.memory_space<vmem>>, vector<1x16xf32>,
        %get3A_599 = arith.index_cast %add3A_585 : i32 to index
        %get3A_600 = arith.constant 16 : index
        %get3A_601 = tpu.vector_load %arg16[%get3A_599, %get3A_600] {strides = array<i32>} : memref<256x32xf32, #tpu.memory_space<vmem>>, vector<1x16xf32>,
        %get3A_602 = vector.shape_cast %get3A_601 : vector<1x16xf32> to vector<16xf32>
        %mul3A_603 = vector.broadcast %squeeze3A_587 : f32 to vector<16xf32>
        %mul3A_604 = arith.mulf %get3A_602, %mul3A_603 : vector<16xf32>
        %swap3A_605 = arith.index_cast %add3A_585 : i32 to index
        %swap3A_606 = arith.constant 16 : index
        %swap3A_607 = tpu.vector_load %arg16[%swap3A_605, %swap3A_606] {strides = array<i32>} : memref<256x32xf32, #tpu.memory_space<vmem>>, vector<1x16xf32>,
        %swap3A_608 = vector.shape_cast %swap3A_607 : vector<1x16xf32> to vector<16xf32>
        %swap3A_609 = vector.shape_cast %mul3A_604 : vector<16xf32> to vector<1x16xf32>
        tpu.vector_store %arg16[%swap3A_605, %swap3A_606], %swap3A_609 {strides = array<i32>} : memref<256x32xf32, #tpu.memory_space<vmem>>, vector<1x16xf32>,
        %mul3A_610 = arith.constant 16 : i32
        %mul3A_611 = arith.muli %scan3A_299, %mul3A_610 : i32
        %add3A_612 = arith.constant 11 : i32
        %add3A_613 = arith.addi %mul3A_611, %add3A_612 : i32
        %slice3A_614 = vector.extract_strided_slice %get3A_304 {offsets = [11], sizes = [1], strides = [1]} : vector<16xf32> to vector<1xf32>
        %squeeze3A_615 = vector.extract %slice3A_614[0] : f32 from vector<1xf32>
        %get3A_616 = arith.index_cast %add3A_613 : i32 to index
        %get3A_617 = arith.constant 0 : index
        %get3A_618 = tpu.vector_load %arg16[%get3A_616, %get3A_617] {strides = array<i32>} : memref<256x32xf32, #tpu.memory_space<vmem>>, vector<1x16xf32>,
        %get3A_619 = vector.shape_cast %get3A_618 : vector<1x16xf32> to vector<16xf32>
        %mul3A_620 = vector.broadcast %squeeze3A_615 : f32 to vector<16xf32>
        %mul3A_621 = arith.mulf %get3A_619, %mul3A_620 : vector<16xf32>
        %swap3A_622 = arith.index_cast %add3A_613 : i32 to index
        %swap3A_623 = arith.constant 0 : index
        %swap3A_624 = tpu.vector_load %arg16[%swap3A_622, %swap3A_623] {strides = array<i32>} : memref<256x32xf32, #tpu.memory_space<vmem>>, vector<1x16xf32>,
        %swap3A_625 = vector.shape_cast %swap3A_624 : vector<1x16xf32> to vector<16xf32>
        %swap3A_626 = vector.shape_cast %mul3A_621 : vector<16xf32> to vector<1x16xf32>
        tpu.vector_store %arg16[%swap3A_622, %swap3A_623], %swap3A_626 {strides = array<i32>} : memref<256x32xf32, #tpu.memory_space<vmem>>, vector<1x16xf32>,
        %get3A_627 = arith.index_cast %add3A_613 : i32 to index
        %get3A_628 = arith.constant 16 : index
        %get3A_629 = tpu.vector_load %arg16[%get3A_627, %get3A_628] {strides = array<i32>} : memref<256x32xf32, #tpu.memory_space<vmem>>, vector<1x16xf32>,
        %get3A_630 = vector.shape_cast %get3A_629 : vector<1x16xf32> to vector<16xf32>
        %mul3A_631 = vector.broadcast %squeeze3A_615 : f32 to vector<16xf32>
        %mul3A_632 = arith.mulf %get3A_630, %mul3A_631 : vector<16xf32>
        %swap3A_633 = arith.index_cast %add3A_613 : i32 to index
        %swap3A_634 = arith.constant 16 : index
        %swap3A_635 = tpu.vector_load %arg16[%swap3A_633, %swap3A_634] {strides = array<i32>} : memref<256x32xf32, #tpu.memory_space<vmem>>, vector<1x16xf32>,
        %swap3A_636 = vector.shape_cast %swap3A_635 : vector<1x16xf32> to vector<16xf32>
        %swap3A_637 = vector.shape_cast %mul3A_632 : vector<16xf32> to vector<1x16xf32>
        tpu.vector_store %arg16[%swap3A_633, %swap3A_634], %swap3A_637 {strides = array<i32>} : memref<256x32xf32, #tpu.memory_space<vmem>>, vector<1x16xf32>,
        %mul3A_638 = arith.constant 16 : i32
        %mul3A_639 = arith.muli %scan3A_299, %mul3A_638 : i32
        %add3A_640 = arith.constant 12 : i32
        %add3A_641 = arith.addi %mul3A_639, %add3A_640 : i32
        %slice3A_642 = vector.extract_strided_slice %get3A_304 {offsets = [12], sizes = [1], strides = [1]} : vector<16xf32> to vector<1xf32>
        %squeeze3A_643 = vector.extract %slice3A_642[0] : f32 from vector<1xf32>
        %get3A_644 = arith.index_cast %add3A_641 : i32 to index
        %get3A_645 = arith.constant 0 : index
        %get3A_646 = tpu.vector_load %arg16[%get3A_644, %get3A_645] {strides = array<i32>} : memref<256x32xf32, #tpu.memory_space<vmem>>, vector<1x16xf32>,
        %get3A_647 = vector.shape_cast %get3A_646 : vector<1x16xf32> to vector<16xf32>
        %mul3A_648 = vector.broadcast %squeeze3A_643 : f32 to vector<16xf32>
        %mul3A_649 = arith.mulf %get3A_647, %mul3A_648 : vector<16xf32>
        %swap3A_650 = arith.index_cast %add3A_641 : i32 to index
        %swap3A_651 = arith.constant 0 : index
        %swap3A_652 = tpu.vector_load %arg16[%swap3A_650, %swap3A_651] {strides = array<i32>} : memref<256x32xf32, #tpu.memory_space<vmem>>, vector<1x16xf32>,
        %swap3A_653 = vector.shape_cast %swap3A_652 : vector<1x16xf32> to vector<16xf32>
        %swap3A_654 = vector.shape_cast %mul3A_649 : vector<16xf32> to vector<1x16xf32>
        tpu.vector_store %arg16[%swap3A_650, %swap3A_651], %swap3A_654 {strides = array<i32>} : memref<256x32xf32, #tpu.memory_space<vmem>>, vector<1x16xf32>,
        %get3A_655 = arith.index_cast %add3A_641 : i32 to index
        %get3A_656 = arith.constant 16 : index
        %get3A_657 = tpu.vector_load %arg16[%get3A_655, %get3A_656] {strides = array<i32>} : memref<256x32xf32, #tpu.memory_space<vmem>>, vector<1x16xf32>,
        %get3A_658 = vector.shape_cast %get3A_657 : vector<1x16xf32> to vector<16xf32>
        %mul3A_659 = vector.broadcast %squeeze3A_643 : f32 to vector<16xf32>
        %mul3A_660 = arith.mulf %get3A_658, %mul3A_659 : vector<16xf32>
        %swap3A_661 = arith.index_cast %add3A_641 : i32 to index
        %swap3A_662 = arith.constant 16 : index
        %swap3A_663 = tpu.vector_load %arg16[%swap3A_661, %swap3A_662] {strides = array<i32>} : memref<256x32xf32, #tpu.memory_space<vmem>>, vector<1x16xf32>,
        %swap3A_664 = vector.shape_cast %swap3A_663 : vector<1x16xf32> to vector<16xf32>
        %swap3A_665 = vector.shape_cast %mul3A_660 : vector<16xf32> to vector<1x16xf32>
        tpu.vector_store %arg16[%swap3A_661, %swap3A_662], %swap3A_665 {strides = array<i32>} : memref<256x32xf32, #tpu.memory_space<vmem>>, vector<1x16xf32>,
        %mul3A_666 = arith.constant 16 : i32
        %mul3A_667 = arith.muli %scan3A_299, %mul3A_666 : i32
        %add3A_668 = arith.constant 13 : i32
        %add3A_669 = arith.addi %mul3A_667, %add3A_668 : i32
        %slice3A_670 = vector.extract_strided_slice %get3A_304 {offsets = [13], sizes = [1], strides = [1]} : vector<16xf32> to vector<1xf32>
        %squeeze3A_671 = vector.extract %slice3A_670[0] : f32 from vector<1xf32>
        %get3A_672 = arith.index_cast %add3A_669 : i32 to index
        %get3A_673 = arith.constant 0 : index
        %get3A_674 = tpu.vector_load %arg16[%get3A_672, %get3A_673] {strides = array<i32>} : memref<256x32xf32, #tpu.memory_space<vmem>>, vector<1x16xf32>,
        %get3A_675 = vector.shape_cast %get3A_674 : vector<1x16xf32> to vector<16xf32>
        %mul3A_676 = vector.broadcast %squeeze3A_671 : f32 to vector<16xf32>
        %mul3A_677 = arith.mulf %get3A_675, %mul3A_676 : vector<16xf32>
        %swap3A_678 = arith.index_cast %add3A_669 : i32 to index
        %swap3A_679 = arith.constant 0 : index
        %swap3A_680 = tpu.vector_load %arg16[%swap3A_678, %swap3A_679] {strides = array<i32>} : memref<256x32xf32, #tpu.memory_space<vmem>>, vector<1x16xf32>,
        %swap3A_681 = vector.shape_cast %swap3A_680 : vector<1x16xf32> to vector<16xf32>
        %swap3A_682 = vector.shape_cast %mul3A_677 : vector<16xf32> to vector<1x16xf32>
        tpu.vector_store %arg16[%swap3A_678, %swap3A_679], %swap3A_682 {strides = array<i32>} : memref<256x32xf32, #tpu.memory_space<vmem>>, vector<1x16xf32>,
        %get3A_683 = arith.index_cast %add3A_669 : i32 to index
        %get3A_684 = arith.constant 16 : index
        %get3A_685 = tpu.vector_load %arg16[%get3A_683, %get3A_684] {strides = array<i32>} : memref<256x32xf32, #tpu.memory_space<vmem>>, vector<1x16xf32>,
        %get3A_686 = vector.shape_cast %get3A_685 : vector<1x16xf32> to vector<16xf32>
        %mul3A_687 = vector.broadcast %squeeze3A_671 : f32 to vector<16xf32>
        %mul3A_688 = arith.mulf %get3A_686, %mul3A_687 : vector<16xf32>
        %swap3A_689 = arith.index_cast %add3A_669 : i32 to index
        %swap3A_690 = arith.constant 16 : index
        %swap3A_691 = tpu.vector_load %arg16[%swap3A_689, %swap3A_690] {strides = array<i32>} : memref<256x32xf32, #tpu.memory_space<vmem>>, vector<1x16xf32>,
        %swap3A_692 = vector.shape_cast %swap3A_691 : vector<1x16xf32> to vector<16xf32>
        %swap3A_693 = vector.shape_cast %mul3A_688 : vector<16xf32> to vector<1x16xf32>
        tpu.vector_store %arg16[%swap3A_689, %swap3A_690], %swap3A_693 {strides = array<i32>} : memref<256x32xf32, #tpu.memory_space<vmem>>, vector<1x16xf32>,
        %mul3A_694 = arith.constant 16 : i32
        %mul3A_695 = arith.muli %scan3A_299, %mul3A_694 : i32
        %add3A_696 = arith.constant 14 : i32
        %add3A_697 = arith.addi %mul3A_695, %add3A_696 : i32
        %slice3A_698 = vector.extract_strided_slice %get3A_304 {offsets = [14], sizes = [1], strides = [1]} : vector<16xf32> to vector<1xf32>
        %squeeze3A_699 = vector.extract %slice3A_698[0] : f32 from vector<1xf32>
        %get3A_700 = arith.index_cast %add3A_697 : i32 to index
        %get3A_701 = arith.constant 0 : index
        %get3A_702 = tpu.vector_load %arg16[%get3A_700, %get3A_701] {strides = array<i32>} : memref<256x32xf32, #tpu.memory_space<vmem>>, vector<1x16xf32>,
        %get3A_703 = vector.shape_cast %get3A_702 : vector<1x16xf32> to vector<16xf32>
        %mul3A_704 = vector.broadcast %squeeze3A_699 : f32 to vector<16xf32>
        %mul3A_705 = arith.mulf %get3A_703, %mul3A_704 : vector<16xf32>
        %swap3A_706 = arith.index_cast %add3A_697 : i32 to index
        %swap3A_707 = arith.constant 0 : index
        %swap3A_708 = tpu.vector_load %arg16[%swap3A_706, %swap3A_707] {strides = array<i32>} : memref<256x32xf32, #tpu.memory_space<vmem>>, vector<1x16xf32>,
        %swap3A_709 = vector.shape_cast %swap3A_708 : vector<1x16xf32> to vector<16xf32>
        %swap3A_710 = vector.shape_cast %mul3A_705 : vector<16xf32> to vector<1x16xf32>
        tpu.vector_store %arg16[%swap3A_706, %swap3A_707], %swap3A_710 {strides = array<i32>} : memref<256x32xf32, #tpu.memory_space<vmem>>, vector<1x16xf32>,
        %get3A_711 = arith.index_cast %add3A_697 : i32 to index
        %get3A_712 = arith.constant 16 : index
        %get3A_713 = tpu.vector_load %arg16[%get3A_711, %get3A_712] {strides = array<i32>} : memref<256x32xf32, #tpu.memory_space<vmem>>, vector<1x16xf32>,
        %get3A_714 = vector.shape_cast %get3A_713 : vector<1x16xf32> to vector<16xf32>
        %mul3A_715 = vector.broadcast %squeeze3A_699 : f32 to vector<16xf32>
        %mul3A_716 = arith.mulf %get3A_714, %mul3A_715 : vector<16xf32>
        %swap3A_717 = arith.index_cast %add3A_697 : i32 to index
        %swap3A_718 = arith.constant 16 : index
        %swap3A_719 = tpu.vector_load %arg16[%swap3A_717, %swap3A_718] {strides = array<i32>} : memref<256x32xf32, #tpu.memory_space<vmem>>, vector<1x16xf32>,
        %swap3A_720 = vector.shape_cast %swap3A_719 : vector<1x16xf32> to vector<16xf32>
        %swap3A_721 = vector.shape_cast %mul3A_716 : vector<16xf32> to vector<1x16xf32>
        tpu.vector_store %arg16[%swap3A_717, %swap3A_718], %swap3A_721 {strides = array<i32>} : memref<256x32xf32, #tpu.memory_space<vmem>>, vector<1x16xf32>,
        %mul3A_722 = arith.constant 16 : i32
        %mul3A_723 = arith.muli %scan3A_299, %mul3A_722 : i32
        %add3A_724 = arith.constant 15 : i32
        %add3A_725 = arith.addi %mul3A_723, %add3A_724 : i32
        %slice3A_726 = vector.extract_strided_slice %get3A_304 {offsets = [15], sizes = [1], strides = [1]} : vector<16xf32> to vector<1xf32>
        %squeeze3A_727 = vector.extract %slice3A_726[0] : f32 from vector<1xf32>
        %get3A_728 = arith.index_cast %add3A_725 : i32 to index
        %get3A_729 = arith.constant 0 : index
        %get3A_730 = tpu.vector_load %arg16[%get3A_728, %get3A_729] {strides = array<i32>} : memref<256x32xf32, #tpu.memory_space<vmem>>, vector<1x16xf32>,
        %get3A_731 = vector.shape_cast %get3A_730 : vector<1x16xf32> to vector<16xf32>
        %mul3A_732 = vector.broadcast %squeeze3A_727 : f32 to vector<16xf32>
        %mul3A_733 = arith.mulf %get3A_731, %mul3A_732 : vector<16xf32>
        %swap3A_734 = arith.index_cast %add3A_725 : i32 to index
        %swap3A_735 = arith.constant 0 : index
        %swap3A_736 = tpu.vector_load %arg16[%swap3A_734, %swap3A_735] {strides = array<i32>} : memref<256x32xf32, #tpu.memory_space<vmem>>, vector<1x16xf32>,
        %swap3A_737 = vector.shape_cast %swap3A_736 : vector<1x16xf32> to vector<16xf32>
        %swap3A_738 = vector.shape_cast %mul3A_733 : vector<16xf32> to vector<1x16xf32>
        tpu.vector_store %arg16[%swap3A_734, %swap3A_735], %swap3A_738 {strides = array<i32>} : memref<256x32xf32, #tpu.memory_space<vmem>>, vector<1x16xf32>,
        %get3A_739 = arith.index_cast %add3A_725 : i32 to index
        %get3A_740 = arith.constant 16 : index
        %get3A_741 = tpu.vector_load %arg16[%get3A_739, %get3A_740] {strides = array<i32>} : memref<256x32xf32, #tpu.memory_space<vmem>>, vector<1x16xf32>,
        %get3A_742 = vector.shape_cast %get3A_741 : vector<1x16xf32> to vector<16xf32>
        %mul3A_743 = vector.broadcast %squeeze3A_727 : f32 to vector<16xf32>
        %mul3A_744 = arith.mulf %get3A_742, %mul3A_743 : vector<16xf32>
        %swap3A_745 = arith.index_cast %add3A_725 : i32 to index
        %swap3A_746 = arith.constant 16 : index
        %swap3A_747 = tpu.vector_load %arg16[%swap3A_745, %swap3A_746] {strides = array<i32>} : memref<256x32xf32, #tpu.memory_space<vmem>>, vector<1x16xf32>,
        %swap3A_748 = vector.shape_cast %swap3A_747 : vector<1x16xf32> to vector<16xf32>
        %swap3A_749 = vector.shape_cast %mul3A_744 : vector<16xf32> to vector<1x16xf32>
        tpu.vector_store %arg16[%swap3A_745, %swap3A_746], %swap3A_749 {strides = array<i32>} : memref<256x32xf32, #tpu.memory_space<vmem>>, vector<1x16xf32>,
        %scan3A_750 = arith.constant 0 : i32
        scf.yield %scan3A_750 : i32
      }
      %scan3A_166 = arith.constant 16 : i32
      %dma_start3A_167 = arith.constant 0 : i32
      %dma_start3A_168 = arith.constant 0 : i32
      %dma_start3A_169 = arith.constant 0 : i32
      %dma_start3A_170 = tpu.memref_slice %arg16[%dma_start3A_168, %dma_start3A_169] : memref<256x32xf32, #tpu.memory_space<vmem>> -> memref<128x32xf32, #tpu.memory_space<vmem>>
      %dma_start3A_171 = arith.constant 0 : i32
      %dma_start3A_172 = tpu.memref_slice %arg12[%dma_start3A_167, %dma_start3A_171] : memref<2x128xi32, #tpu.memory_space<vmem>> -> memref<1x128xi32, #tpu.memory_space<vmem>>
      %dma_start3A_173 = tpu.memref_squeeze %dma_start3A_172 : memref<1x128xi32, #tpu.memory_space<vmem>> -> memref<128xi32, #tpu.memory_space<vmem>>
      %dma_start3A_174 = arith.constant 0 : i32
      %dma_start3A_175 = arith.constant 0 : i32
      %dma_start3A_176 = tpu.memref_slice %arg9[%dma_start3A_174, %dma_start3A_175] : memref<51200x32xf32, #tpu.memory_space<vmem_shared>> -> memref<51200x32xf32, #tpu.memory_space<vmem_shared>>
      tpu.enqueue_indirect_dma source(%dma_start3A_170 : memref<128x32xf32, #tpu.memory_space<vmem>>) target(%dma_start3A_176 : memref<51200x32xf32, #tpu.memory_space<vmem_shared>>) offsets(%dma_start3A_173 : memref<128xi32, #tpu.memory_space<vmem>>) semaphore(%arg22 : memref<!tpu.dma_semaphore, #tpu.memory_space<semaphore_mem>>) {add = true}
      %dma_start3A_177 = arith.constant 1 : i32
      %dma_start3A_178 = arith.constant 128 : i32
      %dma_start3A_179 = arith.constant 0 : i32
      %dma_start3A_180 = tpu.memref_slice %arg16[%dma_start3A_178, %dma_start3A_179] : memref<256x32xf32, #tpu.memory_space<vmem>> -> memref<128x32xf32, #tpu.memory_space<vmem>>
      %dma_start3A_181 = arith.constant 0 : i32
      %dma_start3A_182 = tpu.memref_slice %arg12[%dma_start3A_177, %dma_start3A_181] : memref<2x128xi32, #tpu.memory_space<vmem>> -> memref<1x128xi32, #tpu.memory_space<vmem>>
      %dma_start3A_183 = tpu.memref_squeeze %dma_start3A_182 : memref<1x128xi32, #tpu.memory_space<vmem>> -> memref<128xi32, #tpu.memory_space<vmem>>
      %dma_start3A_184 = arith.constant 0 : i32
      %dma_start3A_185 = arith.constant 0 : i32
      %dma_start3A_186 = tpu.memref_slice %arg9[%dma_start3A_184, %dma_start3A_185] : memref<51200x32xf32, #tpu.memory_space<vmem_shared>> -> memref<51200x32xf32, #tpu.memory_space<vmem_shared>>
      tpu.enqueue_indirect_dma source(%dma_start3A_180 : memref<128x32xf32, #tpu.memory_space<vmem>>) target(%dma_start3A_186 : memref<51200x32xf32, #tpu.memory_space<vmem_shared>>) offsets(%dma_start3A_183 : memref<128xi32, #tpu.memory_space<vmem>>) semaphore(%arg22 : memref<!tpu.dma_semaphore, #tpu.memory_space<semaphore_mem>>) {add = true}
      %dma_wait3A_187 = arith.constant 0 : i32
      %dma_wait3A_188 = arith.constant 0 : i32
      %dma_wait3A_189 = arith.constant 0 : i32
      %dma_wait3A_190 = tpu.memref_slice %arg17[%dma_wait3A_188, %dma_wait3A_189] : memref<256x32xf32, #tpu.memory_space<vmem>> -> memref<128x32xf32, #tpu.memory_space<vmem>>
      %dma_wait3A_191 = arith.constant 0 : i32
      %dma_wait3A_192 = tpu.memref_slice %arg13[%dma_wait3A_187, %dma_wait3A_191] : memref<2x128xi32, #tpu.memory_space<vmem>> -> memref<1x128xi32, #tpu.memory_space<vmem>>
      %dma_wait3A_193 = tpu.memref_squeeze %dma_wait3A_192 : memref<1x128xi32, #tpu.memory_space<vmem>> -> memref<128xi32, #tpu.memory_space<vmem>>
      %dma_wait3A_194 = arith.constant 0 : i32
      %dma_wait3A_195 = arith.constant 0 : i32
      %dma_wait3A_196 = tpu.memref_slice %arg5[%arg0, %dma_wait3A_194, %dma_wait3A_195] : memref<2x200000x32xf32, #tpu.memory_space<hbm>> -> memref<1x200000x32xf32, #tpu.memory_space<hbm>>
      %dma_wait3A_197 = tpu.memref_squeeze %dma_wait3A_196 : memref<1x200000x32xf32, #tpu.memory_space<hbm>> -> memref<200000x32xf32, #tpu.memory_space<hbm>>
      %dma_wait3A_198 = arith.constant 0 : i32
      %dma_wait3A_199 = arith.constant 0 : i32
      %dma_wait3A_200 = tpu.memref_slice %dma_wait3A_197[%dma_wait3A_198, %dma_wait3A_199] : memref<200000x32xf32, #tpu.memory_space<hbm>> -> memref<200000x32xf32, #tpu.memory_space<hbm>>
      tpu.wait_indirect_dma semaphore(%arg21 : memref<!tpu.dma_semaphore, #tpu.memory_space<semaphore_mem>>) src(%dma_wait3A_200 : memref<200000x32xf32, #tpu.memory_space<hbm>>) dst(%dma_wait3A_190 : memref<128x32xf32, #tpu.memory_space<vmem>>)
      %dma_wait3A_201 = arith.constant 0 : i32
      %dma_wait3A_202 = arith.constant 0 : i32
      %dma_wait3A_203 = tpu.memref_slice %arg19[%dma_wait3A_202] : memref<256xf32, #tpu.memory_space<vmem>> -> memref<128xf32, #tpu.memory_space<vmem>>
      %dma_wait3A_204 = arith.constant 0 : i32
      %dma_wait3A_205 = tpu.memref_slice %arg14[%dma_wait3A_201, %dma_wait3A_204] : memref<2x128xi32, #tpu.memory_space<vmem>> -> memref<1x128xi32, #tpu.memory_space<vmem>>
      %dma_wait3A_206 = tpu.memref_squeeze %dma_wait3A_205 : memref<1x128xi32, #tpu.memory_space<vmem>> -> memref<128xi32, #tpu.memory_space<vmem>>
      %dma_wait3A_207 = arith.constant 0 : i32
      %dma_wait3A_208 = tpu.memref_slice %arg6[%dma_wait3A_207] : memref<200704xf32, #tpu.memory_space<hbm>> -> memref<200704xf32, #tpu.memory_space<hbm>>
      tpu.wait_indirect_dma semaphore(%arg21 : memref<!tpu.dma_semaphore, #tpu.memory_space<semaphore_mem>>) src(%dma_wait3A_208 : memref<200704xf32, #tpu.memory_space<hbm>>) dst(%dma_wait3A_203 : memref<128xf32, #tpu.memory_space<vmem>>)
      %dma_wait3A_209 = arith.constant 1 : i32
      %dma_wait3A_210 = arith.constant 128 : i32
      %dma_wait3A_211 = arith.constant 0 : i32
      %dma_wait3A_212 = tpu.memref_slice %arg17[%dma_wait3A_210, %dma_wait3A_211] : memref<256x32xf32, #tpu.memory_space<vmem>> -> memref<128x32xf32, #tpu.memory_space<vmem>>
      %dma_wait3A_213 = arith.constant 0 : i32
      %dma_wait3A_214 = tpu.memref_slice %arg13[%dma_wait3A_209, %dma_wait3A_213] : memref<2x128xi32, #tpu.memory_space<vmem>> -> memref<1x128xi32, #tpu.memory_space<vmem>>
      %dma_wait3A_215 = tpu.memref_squeeze %dma_wait3A_214 : memref<1x128xi32, #tpu.memory_space<vmem>> -> memref<128xi32, #tpu.memory_space<vmem>>
      %dma_wait3A_216 = arith.constant 0 : i32
      %dma_wait3A_217 = arith.constant 0 : i32
      %dma_wait3A_218 = tpu.memref_slice %arg5[%arg0, %dma_wait3A_216, %dma_wait3A_217] : memref<2x200000x32xf32, #tpu.memory_space<hbm>> -> memref<1x200000x32xf32, #tpu.memory_space<hbm>>
      %dma_wait3A_219 = tpu.memref_squeeze %dma_wait3A_218 : memref<1x200000x32xf32, #tpu.memory_space<hbm>> -> memref<200000x32xf32, #tpu.memory_space<hbm>>
      %dma_wait3A_220 = arith.constant 0 : i32
      %dma_wait3A_221 = arith.constant 0 : i32
      %dma_wait3A_222 = tpu.memref_slice %dma_wait3A_219[%dma_wait3A_220, %dma_wait3A_221] : memref<200000x32xf32, #tpu.memory_space<hbm>> -> memref<200000x32xf32, #tpu.memory_space<hbm>>
      tpu.wait_indirect_dma semaphore(%arg21 : memref<!tpu.dma_semaphore, #tpu.memory_space<semaphore_mem>>) src(%dma_wait3A_222 : memref<200000x32xf32, #tpu.memory_space<hbm>>) dst(%dma_wait3A_212 : memref<128x32xf32, #tpu.memory_space<vmem>>)
      %dma_wait3A_223 = arith.constant 1 : i32
      %dma_wait3A_224 = arith.constant 128 : i32
      %dma_wait3A_225 = tpu.memref_slice %arg19[%dma_wait3A_224] : memref<256xf32, #tpu.memory_space<vmem>> -> memref<128xf32, #tpu.memory_space<vmem>>
      %dma_wait3A_226 = arith.constant 0 : i32
      %dma_wait3A_227 = tpu.memref_slice %arg14[%dma_wait3A_223, %dma_wait3A_226] : memref<2x128xi32, #tpu.memory_space<vmem>> -> memref<1x128xi32, #tpu.memory_space<vmem>>
      %dma_wait3A_228 = tpu.memref_squeeze %dma_wait3A_227 : memref<1x128xi32, #tpu.memory_space<vmem>> -> memref<128xi32, #tpu.memory_space<vmem>>
      %dma_wait3A_229 = arith.constant 0 : i32
      %dma_wait3A_230 = tpu.memref_slice %arg6[%dma_wait3A_229] : memref<200704xf32, #tpu.memory_space<hbm>> -> memref<200704xf32, #tpu.memory_space<hbm>>
      tpu.wait_indirect_dma semaphore(%arg21 : memref<!tpu.dma_semaphore, #tpu.memory_space<semaphore_mem>>) src(%dma_wait3A_230 : memref<200704xf32, #tpu.memory_space<hbm>>) dst(%dma_wait3A_225 : memref<128xf32, #tpu.memory_space<vmem>>)
      %scan3A_231 = arith.constant 0 : i32
      %scan3A_232 = arith.constant 0 : i32
      %scan3A_233 = arith.constant 16 : i32
      %scan3A_234 = arith.addi %scan3A_232, %scan3A_233 : i32
      %scan3A_235 = arith.constant 1 : i32
      %scan3A_236 = scf.for %scan3A_299 = %scan3A_232 to %scan3A_234 step %scan3A_235 iter_args(%scan3A_300 = %scan3A_231) -> (i32)  : i32 {
        %mul3A_301 = arith.constant 16 : i32
        %mul3A_302 = arith.muli %scan3A_299, %mul3A_301 : i32
        %get3A = arith.index_cast %mul3A_302 : i32 to index
        %get3A_303 = tpu.vector_load %arg19[%get3A] {strides = array<i32>} : memref<256xf32, #tpu.memory_space<vmem>>, vector<16xf32>,
        %get3A_304 = vector.shape_cast %get3A_303 : vector<16xf32> to vector<16xf32>
        %mul3A_305 = arith.constant 16 : i32
        %mul3A_306 = arith.muli %scan3A_299, %mul3A_305 : i32
        %add3A_307 = arith.constant 0 : i32
        %add3A_308 = arith.addi %mul3A_306, %add3A_307 : i32
        %slice3A = vector.extract_strided_slice %get3A_304 {offsets = [0], sizes = [1], strides = [1]} : vector<16xf32> to vector<1xf32>
        %squeeze3A = vector.extract %slice3A[0] : f32 from vector<1xf32>
        %get3A_309 = arith.index_cast %add3A_308 : i32 to index
        %get3A_310 = arith.constant 0 : index
        %get3A_311 = tpu.vector_load %arg17[%get3A_309, %get3A_310] {strides = array<i32>} : memref<256x32xf32, #tpu.memory_space<vmem>>, vector<1x16xf32>,
        %get3A_312 = vector.shape_cast %get3A_311 : vector<1x16xf32> to vector<16xf32>
        %mul3A_313 = vector.broadcast %squeeze3A : f32 to vector<16xf32>
        %mul3A_314 = arith.mulf %get3A_312, %mul3A_313 : vector<16xf32>
        %swap3A = arith.index_cast %add3A_308 : i32 to index
        %swap3A_315 = arith.constant 0 : index
        %swap3A_316 = tpu.vector_load %arg17[%swap3A, %swap3A_315] {strides = array<i32>} : memref<256x32xf32, #tpu.memory_space<vmem>>, vector<1x16xf32>,
        %swap3A_317 = vector.shape_cast %swap3A_316 : vector<1x16xf32> to vector<16xf32>
        %swap3A_318 = vector.shape_cast %mul3A_314 : vector<16xf32> to vector<1x16xf32>
        tpu.vector_store %arg17[%swap3A, %swap3A_315], %swap3A_318 {strides = array<i32>} : memref<256x32xf32, #tpu.memory_space<vmem>>, vector<1x16xf32>,
        %get3A_319 = arith.index_cast %add3A_308 : i32 to index
        %get3A_320 = arith.constant 16 : index
        %get3A_321 = tpu.vector_load %arg17[%get3A_319, %get3A_320] {strides = array<i32>} : memref<256x32xf32, #tpu.memory_space<vmem>>, vector<1x16xf32>,
        %get3A_322 = vector.shape_cast %get3A_321 : vector<1x16xf32> to vector<16xf32>
        %mul3A_323 = vector.broadcast %squeeze3A : f32 to vector<16xf32>
        %mul3A_324 = arith.mulf %get3A_322, %mul3A_323 : vector<16xf32>
        %swap3A_325 = arith.index_cast %add3A_308 : i32 to index
        %swap3A_326 = arith.constant 16 : index
        %swap3A_327 = tpu.vector_load %arg17[%swap3A_325, %swap3A_326] {strides = array<i32>} : memref<256x32xf32, #tpu.memory_space<vmem>>, vector<1x16xf32>,
        %swap3A_328 = vector.shape_cast %swap3A_327 : vector<1x16xf32> to vector<16xf32>
        %swap3A_329 = vector.shape_cast %mul3A_324 : vector<16xf32> to vector<1x16xf32>
        tpu.vector_store %arg17[%swap3A_325, %swap3A_326], %swap3A_329 {strides = array<i32>} : memref<256x32xf32, #tpu.memory_space<vmem>>, vector<1x16xf32>,
        %mul3A_330 = arith.constant 16 : i32
        %mul3A_331 = arith.muli %scan3A_299, %mul3A_330 : i32
        %add3A_332 = arith.constant 1 : i32
        %add3A_333 = arith.addi %mul3A_331, %add3A_332 : i32
        %slice3A_334 = vector.extract_strided_slice %get3A_304 {offsets = [1], sizes = [1], strides = [1]} : vector<16xf32> to vector<1xf32>
        %squeeze3A_335 = vector.extract %slice3A_334[0] : f32 from vector<1xf32>
        %get3A_336 = arith.index_cast %add3A_333 : i32 to index
        %get3A_337 = arith.constant 0 : index
        %get3A_338 = tpu.vector_load %arg17[%get3A_336, %get3A_337] {strides = array<i32>} : memref<256x32xf32, #tpu.memory_space<vmem>>, vector<1x16xf32>,
        %get3A_339 = vector.shape_cast %get3A_338 : vector<1x16xf32> to vector<16xf32>
        %mul3A_340 = vector.broadcast %squeeze3A_335 : f32 to vector<16xf32>
        %mul3A_341 = arith.mulf %get3A_339, %mul3A_340 : vector<16xf32>
        %swap3A_342 = arith.index_cast %add3A_333 : i32 to index
        %swap3A_343 = arith.constant 0 : index
        %swap3A_344 = tpu.vector_load %arg17[%swap3A_342, %swap3A_343] {strides = array<i32>} : memref<256x32xf32, #tpu.memory_space<vmem>>, vector<1x16xf32>,
        %swap3A_345 = vector.shape_cast %swap3A_344 : vector<1x16xf32> to vector<16xf32>
        %swap3A_346 = vector.shape_cast %mul3A_341 : vector<16xf32> to vector<1x16xf32>
        tpu.vector_store %arg17[%swap3A_342, %swap3A_343], %swap3A_346 {strides = array<i32>} : memref<256x32xf32, #tpu.memory_space<vmem>>, vector<1x16xf32>,
        %get3A_347 = arith.index_cast %add3A_333 : i32 to index
        %get3A_348 = arith.constant 16 : index
        %get3A_349 = tpu.vector_load %arg17[%get3A_347, %get3A_348] {strides = array<i32>} : memref<256x32xf32, #tpu.memory_space<vmem>>, vector<1x16xf32>,
        %get3A_350 = vector.shape_cast %get3A_349 : vector<1x16xf32> to vector<16xf32>
        %mul3A_351 = vector.broadcast %squeeze3A_335 : f32 to vector<16xf32>
        %mul3A_352 = arith.mulf %get3A_350, %mul3A_351 : vector<16xf32>
        %swap3A_353 = arith.index_cast %add3A_333 : i32 to index
        %swap3A_354 = arith.constant 16 : index
        %swap3A_355 = tpu.vector_load %arg17[%swap3A_353, %swap3A_354] {strides = array<i32>} : memref<256x32xf32, #tpu.memory_space<vmem>>, vector<1x16xf32>,
        %swap3A_356 = vector.shape_cast %swap3A_355 : vector<1x16xf32> to vector<16xf32>
        %swap3A_357 = vector.shape_cast %mul3A_352 : vector<16xf32> to vector<1x16xf32>
        tpu.vector_store %arg17[%swap3A_353, %swap3A_354], %swap3A_357 {strides = array<i32>} : memref<256x32xf32, #tpu.memory_space<vmem>>, vector<1x16xf32>,
        %mul3A_358 = arith.constant 16 : i32
        %mul3A_359 = arith.muli %scan3A_299, %mul3A_358 : i32
        %add3A_360 = arith.constant 2 : i32
        %add3A_361 = arith.addi %mul3A_359, %add3A_360 : i32
        %slice3A_362 = vector.extract_strided_slice %get3A_304 {offsets = [2], sizes = [1], strides = [1]} : vector<16xf32> to vector<1xf32>
        %squeeze3A_363 = vector.extract %slice3A_362[0] : f32 from vector<1xf32>
        %get3A_364 = arith.index_cast %add3A_361 : i32 to index
        %get3A_365 = arith.constant 0 : index
        %get3A_366 = tpu.vector_load %arg17[%get3A_364, %get3A_365] {strides = array<i32>} : memref<256x32xf32, #tpu.memory_space<vmem>>, vector<1x16xf32>,
        %get3A_367 = vector.shape_cast %get3A_366 : vector<1x16xf32> to vector<16xf32>
        %mul3A_368 = vector.broadcast %squeeze3A_363 : f32 to vector<16xf32>
        %mul3A_369 = arith.mulf %get3A_367, %mul3A_368 : vector<16xf32>
        %swap3A_370 = arith.index_cast %add3A_361 : i32 to index
        %swap3A_371 = arith.constant 0 : index
        %swap3A_372 = tpu.vector_load %arg17[%swap3A_370, %swap3A_371] {strides = array<i32>} : memref<256x32xf32, #tpu.memory_space<vmem>>, vector<1x16xf32>,
        %swap3A_373 = vector.shape_cast %swap3A_372 : vector<1x16xf32> to vector<16xf32>
        %swap3A_374 = vector.shape_cast %mul3A_369 : vector<16xf32> to vector<1x16xf32>
        tpu.vector_store %arg17[%swap3A_370, %swap3A_371], %swap3A_374 {strides = array<i32>} : memref<256x32xf32, #tpu.memory_space<vmem>>, vector<1x16xf32>,
        %get3A_375 = arith.index_cast %add3A_361 : i32 to index
        %get3A_376 = arith.constant 16 : index
        %get3A_377 = tpu.vector_load %arg17[%get3A_375, %get3A_376] {strides = array<i32>} : memref<256x32xf32, #tpu.memory_space<vmem>>, vector<1x16xf32>,
        %get3A_378 = vector.shape_cast %get3A_377 : vector<1x16xf32> to vector<16xf32>
        %mul3A_379 = vector.broadcast %squeeze3A_363 : f32 to vector<16xf32>
        %mul3A_380 = arith.mulf %get3A_378, %mul3A_379 : vector<16xf32>
        %swap3A_381 = arith.index_cast %add3A_361 : i32 to index
        %swap3A_382 = arith.constant 16 : index
        %swap3A_383 = tpu.vector_load %arg17[%swap3A_381, %swap3A_382] {strides = array<i32>} : memref<256x32xf32, #tpu.memory_space<vmem>>, vector<1x16xf32>,
        %swap3A_384 = vector.shape_cast %swap3A_383 : vector<1x16xf32> to vector<16xf32>
        %swap3A_385 = vector.shape_cast %mul3A_380 : vector<16xf32> to vector<1x16xf32>
        tpu.vector_store %arg17[%swap3A_381, %swap3A_382], %swap3A_385 {strides = array<i32>} : memref<256x32xf32, #tpu.memory_space<vmem>>, vector<1x16xf32>,
        %mul3A_386 = arith.constant 16 : i32
        %mul3A_387 = arith.muli %scan3A_299, %mul3A_386 : i32
        %add3A_388 = arith.constant 3 : i32
        %add3A_389 = arith.addi %mul3A_387, %add3A_388 : i32
        %slice3A_390 = vector.extract_strided_slice %get3A_304 {offsets = [3], sizes = [1], strides = [1]} : vector<16xf32> to vector<1xf32>
        %squeeze3A_391 = vector.extract %slice3A_390[0] : f32 from vector<1xf32>
        %get3A_392 = arith.index_cast %add3A_389 : i32 to index
        %get3A_393 = arith.constant 0 : index
        %get3A_394 = tpu.vector_load %arg17[%get3A_392, %get3A_393] {strides = array<i32>} : memref<256x32xf32, #tpu.memory_space<vmem>>, vector<1x16xf32>,
        %get3A_395 = vector.shape_cast %get3A_394 : vector<1x16xf32> to vector<16xf32>
        %mul3A_396 = vector.broadcast %squeeze3A_391 : f32 to vector<16xf32>
        %mul3A_397 = arith.mulf %get3A_395, %mul3A_396 : vector<16xf32>
        %swap3A_398 = arith.index_cast %add3A_389 : i32 to index
        %swap3A_399 = arith.constant 0 : index
        %swap3A_400 = tpu.vector_load %arg17[%swap3A_398, %swap3A_399] {strides = array<i32>} : memref<256x32xf32, #tpu.memory_space<vmem>>, vector<1x16xf32>,
        %swap3A_401 = vector.shape_cast %swap3A_400 : vector<1x16xf32> to vector<16xf32>
        %swap3A_402 = vector.shape_cast %mul3A_397 : vector<16xf32> to vector<1x16xf32>
        tpu.vector_store %arg17[%swap3A_398, %swap3A_399], %swap3A_402 {strides = array<i32>} : memref<256x32xf32, #tpu.memory_space<vmem>>, vector<1x16xf32>,
        %get3A_403 = arith.index_cast %add3A_389 : i32 to index
        %get3A_404 = arith.constant 16 : index
        %get3A_405 = tpu.vector_load %arg17[%get3A_403, %get3A_404] {strides = array<i32>} : memref<256x32xf32, #tpu.memory_space<vmem>>, vector<1x16xf32>,
        %get3A_406 = vector.shape_cast %get3A_405 : vector<1x16xf32> to vector<16xf32>
        %mul3A_407 = vector.broadcast %squeeze3A_391 : f32 to vector<16xf32>
        %mul3A_408 = arith.mulf %get3A_406, %mul3A_407 : vector<16xf32>
        %swap3A_409 = arith.index_cast %add3A_389 : i32 to index
        %swap3A_410 = arith.constant 16 : index
        %swap3A_411 = tpu.vector_load %arg17[%swap3A_409, %swap3A_410] {strides = array<i32>} : memref<256x32xf32, #tpu.memory_space<vmem>>, vector<1x16xf32>,
        %swap3A_412 = vector.shape_cast %swap3A_411 : vector<1x16xf32> to vector<16xf32>
        %swap3A_413 = vector.shape_cast %mul3A_408 : vector<16xf32> to vector<1x16xf32>
        tpu.vector_store %arg17[%swap3A_409, %swap3A_410], %swap3A_413 {strides = array<i32>} : memref<256x32xf32, #tpu.memory_space<vmem>>, vector<1x16xf32>,
        %mul3A_414 = arith.constant 16 : i32
        %mul3A_415 = arith.muli %scan3A_299, %mul3A_414 : i32
        %add3A_416 = arith.constant 4 : i32
        %add3A_417 = arith.addi %mul3A_415, %add3A_416 : i32
        %slice3A_418 = vector.extract_strided_slice %get3A_304 {offsets = [4], sizes = [1], strides = [1]} : vector<16xf32> to vector<1xf32>
        %squeeze3A_419 = vector.extract %slice3A_418[0] : f32 from vector<1xf32>
        %get3A_420 = arith.index_cast %add3A_417 : i32 to index
        %get3A_421 = arith.constant 0 : index
        %get3A_422 = tpu.vector_load %arg17[%get3A_420, %get3A_421] {strides = array<i32>} : memref<256x32xf32, #tpu.memory_space<vmem>>, vector<1x16xf32>,
        %get3A_423 = vector.shape_cast %get3A_422 : vector<1x16xf32> to vector<16xf32>
        %mul3A_424 = vector.broadcast %squeeze3A_419 : f32 to vector<16xf32>
        %mul3A_425 = arith.mulf %get3A_423, %mul3A_424 : vector<16xf32>
        %swap3A_426 = arith.index_cast %add3A_417 : i32 to index
        %swap3A_427 = arith.constant 0 : index
        %swap3A_428 = tpu.vector_load %arg17[%swap3A_426, %swap3A_427] {strides = array<i32>} : memref<256x32xf32, #tpu.memory_space<vmem>>, vector<1x16xf32>,
        %swap3A_429 = vector.shape_cast %swap3A_428 : vector<1x16xf32> to vector<16xf32>
        %swap3A_430 = vector.shape_cast %mul3A_425 : vector<16xf32> to vector<1x16xf32>
        tpu.vector_store %arg17[%swap3A_426, %swap3A_427], %swap3A_430 {strides = array<i32>} : memref<256x32xf32, #tpu.memory_space<vmem>>, vector<1x16xf32>,
        %get3A_431 = arith.index_cast %add3A_417 : i32 to index
        %get3A_432 = arith.constant 16 : index
        %get3A_433 = tpu.vector_load %arg17[%get3A_431, %get3A_432] {strides = array<i32>} : memref<256x32xf32, #tpu.memory_space<vmem>>, vector<1x16xf32>,
        %get3A_434 = vector.shape_cast %get3A_433 : vector<1x16xf32> to vector<16xf32>
        %mul3A_435 = vector.broadcast %squeeze3A_419 : f32 to vector<16xf32>
        %mul3A_436 = arith.mulf %get3A_434, %mul3A_435 : vector<16xf32>
        %swap3A_437 = arith.index_cast %add3A_417 : i32 to index
        %swap3A_438 = arith.constant 16 : index
        %swap3A_439 = tpu.vector_load %arg17[%swap3A_437, %swap3A_438] {strides = array<i32>} : memref<256x32xf32, #tpu.memory_space<vmem>>, vector<1x16xf32>,
        %swap3A_440 = vector.shape_cast %swap3A_439 : vector<1x16xf32> to vector<16xf32>
        %swap3A_441 = vector.shape_cast %mul3A_436 : vector<16xf32> to vector<1x16xf32>
        tpu.vector_store %arg17[%swap3A_437, %swap3A_438], %swap3A_441 {strides = array<i32>} : memref<256x32xf32, #tpu.memory_space<vmem>>, vector<1x16xf32>,
        %mul3A_442 = arith.constant 16 : i32
        %mul3A_443 = arith.muli %scan3A_299, %mul3A_442 : i32
        %add3A_444 = arith.constant 5 : i32
        %add3A_445 = arith.addi %mul3A_443, %add3A_444 : i32
        %slice3A_446 = vector.extract_strided_slice %get3A_304 {offsets = [5], sizes = [1], strides = [1]} : vector<16xf32> to vector<1xf32>
        %squeeze3A_447 = vector.extract %slice3A_446[0] : f32 from vector<1xf32>
        %get3A_448 = arith.index_cast %add3A_445 : i32 to index
        %get3A_449 = arith.constant 0 : index
        %get3A_450 = tpu.vector_load %arg17[%get3A_448, %get3A_449] {strides = array<i32>} : memref<256x32xf32, #tpu.memory_space<vmem>>, vector<1x16xf32>,
        %get3A_451 = vector.shape_cast %get3A_450 : vector<1x16xf32> to vector<16xf32>
        %mul3A_452 = vector.broadcast %squeeze3A_447 : f32 to vector<16xf32>
        %mul3A_453 = arith.mulf %get3A_451, %mul3A_452 : vector<16xf32>
        %swap3A_454 = arith.index_cast %add3A_445 : i32 to index
        %swap3A_455 = arith.constant 0 : index
        %swap3A_456 = tpu.vector_load %arg17[%swap3A_454, %swap3A_455] {strides = array<i32>} : memref<256x32xf32, #tpu.memory_space<vmem>>, vector<1x16xf32>,
        %swap3A_457 = vector.shape_cast %swap3A_456 : vector<1x16xf32> to vector<16xf32>
        %swap3A_458 = vector.shape_cast %mul3A_453 : vector<16xf32> to vector<1x16xf32>
        tpu.vector_store %arg17[%swap3A_454, %swap3A_455], %swap3A_458 {strides = array<i32>} : memref<256x32xf32, #tpu.memory_space<vmem>>, vector<1x16xf32>,
        %get3A_459 = arith.index_cast %add3A_445 : i32 to index
        %get3A_460 = arith.constant 16 : index
        %get3A_461 = tpu.vector_load %arg17[%get3A_459, %get3A_460] {strides = array<i32>} : memref<256x32xf32, #tpu.memory_space<vmem>>, vector<1x16xf32>,
        %get3A_462 = vector.shape_cast %get3A_461 : vector<1x16xf32> to vector<16xf32>
        %mul3A_463 = vector.broadcast %squeeze3A_447 : f32 to vector<16xf32>
        %mul3A_464 = arith.mulf %get3A_462, %mul3A_463 : vector<16xf32>
        %swap3A_465 = arith.index_cast %add3A_445 : i32 to index
        %swap3A_466 = arith.constant 16 : index
        %swap3A_467 = tpu.vector_load %arg17[%swap3A_465, %swap3A_466] {strides = array<i32>} : memref<256x32xf32, #tpu.memory_space<vmem>>, vector<1x16xf32>,
        %swap3A_468 = vector.shape_cast %swap3A_467 : vector<1x16xf32> to vector<16xf32>
        %swap3A_469 = vector.shape_cast %mul3A_464 : vector<16xf32> to vector<1x16xf32>
        tpu.vector_store %arg17[%swap3A_465, %swap3A_466], %swap3A_469 {strides = array<i32>} : memref<256x32xf32, #tpu.memory_space<vmem>>, vector<1x16xf32>,
        %mul3A_470 = arith.constant 16 : i32
        %mul3A_471 = arith.muli %scan3A_299, %mul3A_470 : i32
        %add3A_472 = arith.constant 6 : i32
        %add3A_473 = arith.addi %mul3A_471, %add3A_472 : i32
        %slice3A_474 = vector.extract_strided_slice %get3A_304 {offsets = [6], sizes = [1], strides = [1]} : vector<16xf32> to vector<1xf32>
        %squeeze3A_475 = vector.extract %slice3A_474[0] : f32 from vector<1xf32>
        %get3A_476 = arith.index_cast %add3A_473 : i32 to index
        %get3A_477 = arith.constant 0 : index
        %get3A_478 = tpu.vector_load %arg17[%get3A_476, %get3A_477] {strides = array<i32>} : memref<256x32xf32, #tpu.memory_space<vmem>>, vector<1x16xf32>,
        %get3A_479 = vector.shape_cast %get3A_478 : vector<1x16xf32> to vector<16xf32>
        %mul3A_480 = vector.broadcast %squeeze3A_475 : f32 to vector<16xf32>
        %mul3A_481 = arith.mulf %get3A_479, %mul3A_480 : vector<16xf32>
        %swap3A_482 = arith.index_cast %add3A_473 : i32 to index
        %swap3A_483 = arith.constant 0 : index
        %swap3A_484 = tpu.vector_load %arg17[%swap3A_482, %swap3A_483] {strides = array<i32>} : memref<256x32xf32, #tpu.memory_space<vmem>>, vector<1x16xf32>,
        %swap3A_485 = vector.shape_cast %swap3A_484 : vector<1x16xf32> to vector<16xf32>
        %swap3A_486 = vector.shape_cast %mul3A_481 : vector<16xf32> to vector<1x16xf32>
        tpu.vector_store %arg17[%swap3A_482, %swap3A_483], %swap3A_486 {strides = array<i32>} : memref<256x32xf32, #tpu.memory_space<vmem>>, vector<1x16xf32>,
        %get3A_487 = arith.index_cast %add3A_473 : i32 to index
        %get3A_488 = arith.constant 16 : index
        %get3A_489 = tpu.vector_load %arg17[%get3A_487, %get3A_488] {strides = array<i32>} : memref<256x32xf32, #tpu.memory_space<vmem>>, vector<1x16xf32>,
        %get3A_490 = vector.shape_cast %get3A_489 : vector<1x16xf32> to vector<16xf32>
        %mul3A_491 = vector.broadcast %squeeze3A_475 : f32 to vector<16xf32>
        %mul3A_492 = arith.mulf %get3A_490, %mul3A_491 : vector<16xf32>
        %swap3A_493 = arith.index_cast %add3A_473 : i32 to index
        %swap3A_494 = arith.constant 16 : index
        %swap3A_495 = tpu.vector_load %arg17[%swap3A_493, %swap3A_494] {strides = array<i32>} : memref<256x32xf32, #tpu.memory_space<vmem>>, vector<1x16xf32>,
        %swap3A_496 = vector.shape_cast %swap3A_495 : vector<1x16xf32> to vector<16xf32>
        %swap3A_497 = vector.shape_cast %mul3A_492 : vector<16xf32> to vector<1x16xf32>
        tpu.vector_store %arg17[%swap3A_493, %swap3A_494], %swap3A_497 {strides = array<i32>} : memref<256x32xf32, #tpu.memory_space<vmem>>, vector<1x16xf32>,
        %mul3A_498 = arith.constant 16 : i32
        %mul3A_499 = arith.muli %scan3A_299, %mul3A_498 : i32
        %add3A_500 = arith.constant 7 : i32
        %add3A_501 = arith.addi %mul3A_499, %add3A_500 : i32
        %slice3A_502 = vector.extract_strided_slice %get3A_304 {offsets = [7], sizes = [1], strides = [1]} : vector<16xf32> to vector<1xf32>
        %squeeze3A_503 = vector.extract %slice3A_502[0] : f32 from vector<1xf32>
        %get3A_504 = arith.index_cast %add3A_501 : i32 to index
        %get3A_505 = arith.constant 0 : index
        %get3A_506 = tpu.vector_load %arg17[%get3A_504, %get3A_505] {strides = array<i32>} : memref<256x32xf32, #tpu.memory_space<vmem>>, vector<1x16xf32>,
        %get3A_507 = vector.shape_cast %get3A_506 : vector<1x16xf32> to vector<16xf32>
        %mul3A_508 = vector.broadcast %squeeze3A_503 : f32 to vector<16xf32>
        %mul3A_509 = arith.mulf %get3A_507, %mul3A_508 : vector<16xf32>
        %swap3A_510 = arith.index_cast %add3A_501 : i32 to index
        %swap3A_511 = arith.constant 0 : index
        %swap3A_512 = tpu.vector_load %arg17[%swap3A_510, %swap3A_511] {strides = array<i32>} : memref<256x32xf32, #tpu.memory_space<vmem>>, vector<1x16xf32>,
        %swap3A_513 = vector.shape_cast %swap3A_512 : vector<1x16xf32> to vector<16xf32>
        %swap3A_514 = vector.shape_cast %mul3A_509 : vector<16xf32> to vector<1x16xf32>
        tpu.vector_store %arg17[%swap3A_510, %swap3A_511], %swap3A_514 {strides = array<i32>} : memref<256x32xf32, #tpu.memory_space<vmem>>, vector<1x16xf32>,
        %get3A_515 = arith.index_cast %add3A_501 : i32 to index
        %get3A_516 = arith.constant 16 : index
        %get3A_517 = tpu.vector_load %arg17[%get3A_515, %get3A_516] {strides = array<i32>} : memref<256x32xf32, #tpu.memory_space<vmem>>, vector<1x16xf32>,
        %get3A_518 = vector.shape_cast %get3A_517 : vector<1x16xf32> to vector<16xf32>
        %mul3A_519 = vector.broadcast %squeeze3A_503 : f32 to vector<16xf32>
        %mul3A_520 = arith.mulf %get3A_518, %mul3A_519 : vector<16xf32>
        %swap3A_521 = arith.index_cast %add3A_501 : i32 to index
        %swap3A_522 = arith.constant 16 : index
        %swap3A_523 = tpu.vector_load %arg17[%swap3A_521, %swap3A_522] {strides = array<i32>} : memref<256x32xf32, #tpu.memory_space<vmem>>, vector<1x16xf32>,
        %swap3A_524 = vector.shape_cast %swap3A_523 : vector<1x16xf32> to vector<16xf32>
        %swap3A_525 = vector.shape_cast %mul3A_520 : vector<16xf32> to vector<1x16xf32>
        tpu.vector_store %arg17[%swap3A_521, %swap3A_522], %swap3A_525 {strides = array<i32>} : memref<256x32xf32, #tpu.memory_space<vmem>>, vector<1x16xf32>,
        %mul3A_526 = arith.constant 16 : i32
        %mul3A_527 = arith.muli %scan3A_299, %mul3A_526 : i32
        %add3A_528 = arith.constant 8 : i32
        %add3A_529 = arith.addi %mul3A_527, %add3A_528 : i32
        %slice3A_530 = vector.extract_strided_slice %get3A_304 {offsets = [8], sizes = [1], strides = [1]} : vector<16xf32> to vector<1xf32>
        %squeeze3A_531 = vector.extract %slice3A_530[0] : f32 from vector<1xf32>
        %get3A_532 = arith.index_cast %add3A_529 : i32 to index
        %get3A_533 = arith.constant 0 : index
        %get3A_534 = tpu.vector_load %arg17[%get3A_532, %get3A_533] {strides = array<i32>} : memref<256x32xf32, #tpu.memory_space<vmem>>, vector<1x16xf32>,
        %get3A_535 = vector.shape_cast %get3A_534 : vector<1x16xf32> to vector<16xf32>
        %mul3A_536 = vector.broadcast %squeeze3A_531 : f32 to vector<16xf32>
        %mul3A_537 = arith.mulf %get3A_535, %mul3A_536 : vector<16xf32>
        %swap3A_538 = arith.index_cast %add3A_529 : i32 to index
        %swap3A_539 = arith.constant 0 : index
        %swap3A_540 = tpu.vector_load %arg17[%swap3A_538, %swap3A_539] {strides = array<i32>} : memref<256x32xf32, #tpu.memory_space<vmem>>, vector<1x16xf32>,
        %swap3A_541 = vector.shape_cast %swap3A_540 : vector<1x16xf32> to vector<16xf32>
        %swap3A_542 = vector.shape_cast %mul3A_537 : vector<16xf32> to vector<1x16xf32>
        tpu.vector_store %arg17[%swap3A_538, %swap3A_539], %swap3A_542 {strides = array<i32>} : memref<256x32xf32, #tpu.memory_space<vmem>>, vector<1x16xf32>,
        %get3A_543 = arith.index_cast %add3A_529 : i32 to index
        %get3A_544 = arith.constant 16 : index
        %get3A_545 = tpu.vector_load %arg17[%get3A_543, %get3A_544] {strides = array<i32>} : memref<256x32xf32, #tpu.memory_space<vmem>>, vector<1x16xf32>,
        %get3A_546 = vector.shape_cast %get3A_545 : vector<1x16xf32> to vector<16xf32>
        %mul3A_547 = vector.broadcast %squeeze3A_531 : f32 to vector<16xf32>
        %mul3A_548 = arith.mulf %get3A_546, %mul3A_547 : vector<16xf32>
        %swap3A_549 = arith.index_cast %add3A_529 : i32 to index
        %swap3A_550 = arith.constant 16 : index
        %swap3A_551 = tpu.vector_load %arg17[%swap3A_549, %swap3A_550] {strides = array<i32>} : memref<256x32xf32, #tpu.memory_space<vmem>>, vector<1x16xf32>,
        %swap3A_552 = vector.shape_cast %swap3A_551 : vector<1x16xf32> to vector<16xf32>
        %swap3A_553 = vector.shape_cast %mul3A_548 : vector<16xf32> to vector<1x16xf32>
        tpu.vector_store %arg17[%swap3A_549, %swap3A_550], %swap3A_553 {strides = array<i32>} : memref<256x32xf32, #tpu.memory_space<vmem>>, vector<1x16xf32>,
        %mul3A_554 = arith.constant 16 : i32
        %mul3A_555 = arith.muli %scan3A_299, %mul3A_554 : i32
        %add3A_556 = arith.constant 9 : i32
        %add3A_557 = arith.addi %mul3A_555, %add3A_556 : i32
        %slice3A_558 = vector.extract_strided_slice %get3A_304 {offsets = [9], sizes = [1], strides = [1]} : vector<16xf32> to vector<1xf32>
        %squeeze3A_559 = vector.extract %slice3A_558[0] : f32 from vector<1xf32>
        %get3A_560 = arith.index_cast %add3A_557 : i32 to index
        %get3A_561 = arith.constant 0 : index
        %get3A_562 = tpu.vector_load %arg17[%get3A_560, %get3A_561] {strides = array<i32>} : memref<256x32xf32, #tpu.memory_space<vmem>>, vector<1x16xf32>,
        %get3A_563 = vector.shape_cast %get3A_562 : vector<1x16xf32> to vector<16xf32>
        %mul3A_564 = vector.broadcast %squeeze3A_559 : f32 to vector<16xf32>
        %mul3A_565 = arith.mulf %get3A_563, %mul3A_564 : vector<16xf32>
        %swap3A_566 = arith.index_cast %add3A_557 : i32 to index
        %swap3A_567 = arith.constant 0 : index
        %swap3A_568 = tpu.vector_load %arg17[%swap3A_566, %swap3A_567] {strides = array<i32>} : memref<256x32xf32, #tpu.memory_space<vmem>>, vector<1x16xf32>,
        %swap3A_569 = vector.shape_cast %swap3A_568 : vector<1x16xf32> to vector<16xf32>
        %swap3A_570 = vector.shape_cast %mul3A_565 : vector<16xf32> to vector<1x16xf32>
        tpu.vector_store %arg17[%swap3A_566, %swap3A_567], %swap3A_570 {strides = array<i32>} : memref<256x32xf32, #tpu.memory_space<vmem>>, vector<1x16xf32>,
        %get3A_571 = arith.index_cast %add3A_557 : i32 to index
        %get3A_572 = arith.constant 16 : index
        %get3A_573 = tpu.vector_load %arg17[%get3A_571, %get3A_572] {strides = array<i32>} : memref<256x32xf32, #tpu.memory_space<vmem>>, vector<1x16xf32>,
        %get3A_574 = vector.shape_cast %get3A_573 : vector<1x16xf32> to vector<16xf32>
        %mul3A_575 = vector.broadcast %squeeze3A_559 : f32 to vector<16xf32>
        %mul3A_576 = arith.mulf %get3A_574, %mul3A_575 : vector<16xf32>
        %swap3A_577 = arith.index_cast %add3A_557 : i32 to index
        %swap3A_578 = arith.constant 16 : index
        %swap3A_579 = tpu.vector_load %arg17[%swap3A_577, %swap3A_578] {strides = array<i32>} : memref<256x32xf32, #tpu.memory_space<vmem>>, vector<1x16xf32>,
        %swap3A_580 = vector.shape_cast %swap3A_579 : vector<1x16xf32> to vector<16xf32>
        %swap3A_581 = vector.shape_cast %mul3A_576 : vector<16xf32> to vector<1x16xf32>
        tpu.vector_store %arg17[%swap3A_577, %swap3A_578], %swap3A_581 {strides = array<i32>} : memref<256x32xf32, #tpu.memory_space<vmem>>, vector<1x16xf32>,
        %mul3A_582 = arith.constant 16 : i32
        %mul3A_583 = arith.muli %scan3A_299, %mul3A_582 : i32
        %add3A_584 = arith.constant 10 : i32
        %add3A_585 = arith.addi %mul3A_583, %add3A_584 : i32
        %slice3A_586 = vector.extract_strided_slice %get3A_304 {offsets = [10], sizes = [1], strides = [1]} : vector<16xf32> to vector<1xf32>
        %squeeze3A_587 = vector.extract %slice3A_586[0] : f32 from vector<1xf32>
        %get3A_588 = arith.index_cast %add3A_585 : i32 to index
        %get3A_589 = arith.constant 0 : index
        %get3A_590 = tpu.vector_load %arg17[%get3A_588, %get3A_589] {strides = array<i32>} : memref<256x32xf32, #tpu.memory_space<vmem>>, vector<1x16xf32>,
        %get3A_591 = vector.shape_cast %get3A_590 : vector<1x16xf32> to vector<16xf32>
        %mul3A_592 = vector.broadcast %squeeze3A_587 : f32 to vector<16xf32>
        %mul3A_593 = arith.mulf %get3A_591, %mul3A_592 : vector<16xf32>
        %swap3A_594 = arith.index_cast %add3A_585 : i32 to index
        %swap3A_595 = arith.constant 0 : index
        %swap3A_596 = tpu.vector_load %arg17[%swap3A_594, %swap3A_595] {strides = array<i32>} : memref<256x32xf32, #tpu.memory_space<vmem>>, vector<1x16xf32>,
        %swap3A_597 = vector.shape_cast %swap3A_596 : vector<1x16xf32> to vector<16xf32>
        %swap3A_598 = vector.shape_cast %mul3A_593 : vector<16xf32> to vector<1x16xf32>
        tpu.vector_store %arg17[%swap3A_594, %swap3A_595], %swap3A_598 {strides = array<i32>} : memref<256x32xf32, #tpu.memory_space<vmem>>, vector<1x16xf32>,
        %get3A_599 = arith.index_cast %add3A_585 : i32 to index
        %get3A_600 = arith.constant 16 : index
        %get3A_601 = tpu.vector_load %arg17[%get3A_599, %get3A_600] {strides = array<i32>} : memref<256x32xf32, #tpu.memory_space<vmem>>, vector<1x16xf32>,
        %get3A_602 = vector.shape_cast %get3A_601 : vector<1x16xf32> to vector<16xf32>
        %mul3A_603 = vector.broadcast %squeeze3A_587 : f32 to vector<16xf32>
        %mul3A_604 = arith.mulf %get3A_602, %mul3A_603 : vector<16xf32>
        %swap3A_605 = arith.index_cast %add3A_585 : i32 to index
        %swap3A_606 = arith.constant 16 : index
        %swap3A_607 = tpu.vector_load %arg17[%swap3A_605, %swap3A_606] {strides = array<i32>} : memref<256x32xf32, #tpu.memory_space<vmem>>, vector<1x16xf32>,
        %swap3A_608 = vector.shape_cast %swap3A_607 : vector<1x16xf32> to vector<16xf32>
        %swap3A_609 = vector.shape_cast %mul3A_604 : vector<16xf32> to vector<1x16xf32>
        tpu.vector_store %arg17[%swap3A_605, %swap3A_606], %swap3A_609 {strides = array<i32>} : memref<256x32xf32, #tpu.memory_space<vmem>>, vector<1x16xf32>,
        %mul3A_610 = arith.constant 16 : i32
        %mul3A_611 = arith.muli %scan3A_299, %mul3A_610 : i32
        %add3A_612 = arith.constant 11 : i32
        %add3A_613 = arith.addi %mul3A_611, %add3A_612 : i32
        %slice3A_614 = vector.extract_strided_slice %get3A_304 {offsets = [11], sizes = [1], strides = [1]} : vector<16xf32> to vector<1xf32>
        %squeeze3A_615 = vector.extract %slice3A_614[0] : f32 from vector<1xf32>
        %get3A_616 = arith.index_cast %add3A_613 : i32 to index
        %get3A_617 = arith.constant 0 : index
        %get3A_618 = tpu.vector_load %arg17[%get3A_616, %get3A_617] {strides = array<i32>} : memref<256x32xf32, #tpu.memory_space<vmem>>, vector<1x16xf32>,
        %get3A_619 = vector.shape_cast %get3A_618 : vector<1x16xf32> to vector<16xf32>
        %mul3A_620 = vector.broadcast %squeeze3A_615 : f32 to vector<16xf32>
        %mul3A_621 = arith.mulf %get3A_619, %mul3A_620 : vector<16xf32>
        %swap3A_622 = arith.index_cast %add3A_613 : i32 to index
        %swap3A_623 = arith.constant 0 : index
        %swap3A_624 = tpu.vector_load %arg17[%swap3A_622, %swap3A_623] {strides = array<i32>} : memref<256x32xf32, #tpu.memory_space<vmem>>, vector<1x16xf32>,
        %swap3A_625 = vector.shape_cast %swap3A_624 : vector<1x16xf32> to vector<16xf32>
        %swap3A_626 = vector.shape_cast %mul3A_621 : vector<16xf32> to vector<1x16xf32>
        tpu.vector_store %arg17[%swap3A_622, %swap3A_623], %swap3A_626 {strides = array<i32>} : memref<256x32xf32, #tpu.memory_space<vmem>>, vector<1x16xf32>,
        %get3A_627 = arith.index_cast %add3A_613 : i32 to index
        %get3A_628 = arith.constant 16 : index
        %get3A_629 = tpu.vector_load %arg17[%get3A_627, %get3A_628] {strides = array<i32>} : memref<256x32xf32, #tpu.memory_space<vmem>>, vector<1x16xf32>,
        %get3A_630 = vector.shape_cast %get3A_629 : vector<1x16xf32> to vector<16xf32>
        %mul3A_631 = vector.broadcast %squeeze3A_615 : f32 to vector<16xf32>
        %mul3A_632 = arith.mulf %get3A_630, %mul3A_631 : vector<16xf32>
        %swap3A_633 = arith.index_cast %add3A_613 : i32 to index
        %swap3A_634 = arith.constant 16 : index
        %swap3A_635 = tpu.vector_load %arg17[%swap3A_633, %swap3A_634] {strides = array<i32>} : memref<256x32xf32, #tpu.memory_space<vmem>>, vector<1x16xf32>,
        %swap3A_636 = vector.shape_cast %swap3A_635 : vector<1x16xf32> to vector<16xf32>
        %swap3A_637 = vector.shape_cast %mul3A_632 : vector<16xf32> to vector<1x16xf32>
        tpu.vector_store %arg17[%swap3A_633, %swap3A_634], %swap3A_637 {strides = array<i32>} : memref<256x32xf32, #tpu.memory_space<vmem>>, vector<1x16xf32>,
        %mul3A_638 = arith.constant 16 : i32
        %mul3A_639 = arith.muli %scan3A_299, %mul3A_638 : i32
        %add3A_640 = arith.constant 12 : i32
        %add3A_641 = arith.addi %mul3A_639, %add3A_640 : i32
        %slice3A_642 = vector.extract_strided_slice %get3A_304 {offsets = [12], sizes = [1], strides = [1]} : vector<16xf32> to vector<1xf32>
        %squeeze3A_643 = vector.extract %slice3A_642[0] : f32 from vector<1xf32>
        %get3A_644 = arith.index_cast %add3A_641 : i32 to index
        %get3A_645 = arith.constant 0 : index
        %get3A_646 = tpu.vector_load %arg17[%get3A_644, %get3A_645] {strides = array<i32>} : memref<256x32xf32, #tpu.memory_space<vmem>>, vector<1x16xf32>,
        %get3A_647 = vector.shape_cast %get3A_646 : vector<1x16xf32> to vector<16xf32>
        %mul3A_648 = vector.broadcast %squeeze3A_643 : f32 to vector<16xf32>
        %mul3A_649 = arith.mulf %get3A_647, %mul3A_648 : vector<16xf32>
        %swap3A_650 = arith.index_cast %add3A_641 : i32 to index
        %swap3A_651 = arith.constant 0 : index
        %swap3A_652 = tpu.vector_load %arg17[%swap3A_650, %swap3A_651] {strides = array<i32>} : memref<256x32xf32, #tpu.memory_space<vmem>>, vector<1x16xf32>,
        %swap3A_653 = vector.shape_cast %swap3A_652 : vector<1x16xf32> to vector<16xf32>
        %swap3A_654 = vector.shape_cast %mul3A_649 : vector<16xf32> to vector<1x16xf32>
        tpu.vector_store %arg17[%swap3A_650, %swap3A_651], %swap3A_654 {strides = array<i32>} : memref<256x32xf32, #tpu.memory_space<vmem>>, vector<1x16xf32>,
        %get3A_655 = arith.index_cast %add3A_641 : i32 to index
        %get3A_656 = arith.constant 16 : index
        %get3A_657 = tpu.vector_load %arg17[%get3A_655, %get3A_656] {strides = array<i32>} : memref<256x32xf32, #tpu.memory_space<vmem>>, vector<1x16xf32>,
        %get3A_658 = vector.shape_cast %get3A_657 : vector<1x16xf32> to vector<16xf32>
        %mul3A_659 = vector.broadcast %squeeze3A_643 : f32 to vector<16xf32>
        %mul3A_660 = arith.mulf %get3A_658, %mul3A_659 : vector<16xf32>
        %swap3A_661 = arith.index_cast %add3A_641 : i32 to index
        %swap3A_662 = arith.constant 16 : index
        %swap3A_663 = tpu.vector_load %arg17[%swap3A_661, %swap3A_662] {strides = array<i32>} : memref<256x32xf32, #tpu.memory_space<vmem>>, vector<1x16xf32>,
        %swap3A_664 = vector.shape_cast %swap3A_663 : vector<1x16xf32> to vector<16xf32>
        %swap3A_665 = vector.shape_cast %mul3A_660 : vector<16xf32> to vector<1x16xf32>
        tpu.vector_store %arg17[%swap3A_661, %swap3A_662], %swap3A_665 {strides = array<i32>} : memref<256x32xf32, #tpu.memory_space<vmem>>, vector<1x16xf32>,
        %mul3A_666 = arith.constant 16 : i32
        %mul3A_667 = arith.muli %scan3A_299, %mul3A_666 : i32
        %add3A_668 = arith.constant 13 : i32
        %add3A_669 = arith.addi %mul3A_667, %add3A_668 : i32
        %slice3A_670 = vector.extract_strided_slice %get3A_304 {offsets = [13], sizes = [1], strides = [1]} : vector<16xf32> to vector<1xf32>
        %squeeze3A_671 = vector.extract %slice3A_670[0] : f32 from vector<1xf32>
        %get3A_672 = arith.index_cast %add3A_669 : i32 to index
        %get3A_673 = arith.constant 0 : index
        %get3A_674 = tpu.vector_load %arg17[%get3A_672, %get3A_673] {strides = array<i32>} : memref<256x32xf32, #tpu.memory_space<vmem>>, vector<1x16xf32>,
        %get3A_675 = vector.shape_cast %get3A_674 : vector<1x16xf32> to vector<16xf32>
        %mul3A_676 = vector.broadcast %squeeze3A_671 : f32 to vector<16xf32>
        %mul3A_677 = arith.mulf %get3A_675, %mul3A_676 : vector<16xf32>
        %swap3A_678 = arith.index_cast %add3A_669 : i32 to index
        %swap3A_679 = arith.constant 0 : index
        %swap3A_680 = tpu.vector_load %arg17[%swap3A_678, %swap3A_679] {strides = array<i32>} : memref<256x32xf32, #tpu.memory_space<vmem>>, vector<1x16xf32>,
        %swap3A_681 = vector.shape_cast %swap3A_680 : vector<1x16xf32> to vector<16xf32>
        %swap3A_682 = vector.shape_cast %mul3A_677 : vector<16xf32> to vector<1x16xf32>
        tpu.vector_store %arg17[%swap3A_678, %swap3A_679], %swap3A_682 {strides = array<i32>} : memref<256x32xf32, #tpu.memory_space<vmem>>, vector<1x16xf32>,
        %get3A_683 = arith.index_cast %add3A_669 : i32 to index
        %get3A_684 = arith.constant 16 : index
        %get3A_685 = tpu.vector_load %arg17[%get3A_683, %get3A_684] {strides = array<i32>} : memref<256x32xf32, #tpu.memory_space<vmem>>, vector<1x16xf32>,
        %get3A_686 = vector.shape_cast %get3A_685 : vector<1x16xf32> to vector<16xf32>
        %mul3A_687 = vector.broadcast %squeeze3A_671 : f32 to vector<16xf32>
        %mul3A_688 = arith.mulf %get3A_686, %mul3A_687 : vector<16xf32>
        %swap3A_689 = arith.index_cast %add3A_669 : i32 to index
        %swap3A_690 = arith.constant 16 : index
        %swap3A_691 = tpu.vector_load %arg17[%swap3A_689, %swap3A_690] {strides = array<i32>} : memref<256x32xf32, #tpu.memory_space<vmem>>, vector<1x16xf32>,
        %swap3A_692 = vector.shape_cast %swap3A_691 : vector<1x16xf32> to vector<16xf32>
        %swap3A_693 = vector.shape_cast %mul3A_688 : vector<16xf32> to vector<1x16xf32>
        tpu.vector_store %arg17[%swap3A_689, %swap3A_690], %swap3A_693 {strides = array<i32>} : memref<256x32xf32, #tpu.memory_space<vmem>>, vector<1x16xf32>,
        %mul3A_694 = arith.constant 16 : i32
        %mul3A_695 = arith.muli %scan3A_299, %mul3A_694 : i32
        %add3A_696 = arith.constant 14 : i32
        %add3A_697 = arith.addi %mul3A_695, %add3A_696 : i32
        %slice3A_698 = vector.extract_strided_slice %get3A_304 {offsets = [14], sizes = [1], strides = [1]} : vector<16xf32> to vector<1xf32>
        %squeeze3A_699 = vector.extract %slice3A_698[0] : f32 from vector<1xf32>
        %get3A_700 = arith.index_cast %add3A_697 : i32 to index
        %get3A_701 = arith.constant 0 : index
        %get3A_702 = tpu.vector_load %arg17[%get3A_700, %get3A_701] {strides = array<i32>} : memref<256x32xf32, #tpu.memory_space<vmem>>, vector<1x16xf32>,
        %get3A_703 = vector.shape_cast %get3A_702 : vector<1x16xf32> to vector<16xf32>
        %mul3A_704 = vector.broadcast %squeeze3A_699 : f32 to vector<16xf32>
        %mul3A_705 = arith.mulf %get3A_703, %mul3A_704 : vector<16xf32>
        %swap3A_706 = arith.index_cast %add3A_697 : i32 to index
        %swap3A_707 = arith.constant 0 : index
        %swap3A_708 = tpu.vector_load %arg17[%swap3A_706, %swap3A_707] {strides = array<i32>} : memref<256x32xf32, #tpu.memory_space<vmem>>, vector<1x16xf32>,
        %swap3A_709 = vector.shape_cast %swap3A_708 : vector<1x16xf32> to vector<16xf32>
        %swap3A_710 = vector.shape_cast %mul3A_705 : vector<16xf32> to vector<1x16xf32>
        tpu.vector_store %arg17[%swap3A_706, %swap3A_707], %swap3A_710 {strides = array<i32>} : memref<256x32xf32, #tpu.memory_space<vmem>>, vector<1x16xf32>,
        %get3A_711 = arith.index_cast %add3A_697 : i32 to index
        %get3A_712 = arith.constant 16 : index
        %get3A_713 = tpu.vector_load %arg17[%get3A_711, %get3A_712] {strides = array<i32>} : memref<256x32xf32, #tpu.memory_space<vmem>>, vector<1x16xf32>,
        %get3A_714 = vector.shape_cast %get3A_713 : vector<1x16xf32> to vector<16xf32>
        %mul3A_715 = vector.broadcast %squeeze3A_699 : f32 to vector<16xf32>
        %mul3A_716 = arith.mulf %get3A_714, %mul3A_715 : vector<16xf32>
        %swap3A_717 = arith.index_cast %add3A_697 : i32 to index
        %swap3A_718 = arith.constant 16 : index
        %swap3A_719 = tpu.vector_load %arg17[%swap3A_717, %swap3A_718] {strides = array<i32>} : memref<256x32xf32, #tpu.memory_space<vmem>>, vector<1x16xf32>,
        %swap3A_720 = vector.shape_cast %swap3A_719 : vector<1x16xf32> to vector<16xf32>
        %swap3A_721 = vector.shape_cast %mul3A_716 : vector<16xf32> to vector<1x16xf32>
        tpu.vector_store %arg17[%swap3A_717, %swap3A_718], %swap3A_721 {strides = array<i32>} : memref<256x32xf32, #tpu.memory_space<vmem>>, vector<1x16xf32>,
        %mul3A_722 = arith.constant 16 : i32
        %mul3A_723 = arith.muli %scan3A_299, %mul3A_722 : i32
        %add3A_724 = arith.constant 15 : i32
        %add3A_725 = arith.addi %mul3A_723, %add3A_724 : i32
        %slice3A_726 = vector.extract_strided_slice %get3A_304 {offsets = [15], sizes = [1], strides = [1]} : vector<16xf32> to vector<1xf32>
        %squeeze3A_727 = vector.extract %slice3A_726[0] : f32 from vector<1xf32>
        %get3A_728 = arith.index_cast %add3A_725 : i32 to index
        %get3A_729 = arith.constant 0 : index
        %get3A_730 = tpu.vector_load %arg17[%get3A_728, %get3A_729] {strides = array<i32>} : memref<256x32xf32, #tpu.memory_space<vmem>>, vector<1x16xf32>,
        %get3A_731 = vector.shape_cast %get3A_730 : vector<1x16xf32> to vector<16xf32>
        %mul3A_732 = vector.broadcast %squeeze3A_727 : f32 to vector<16xf32>
        %mul3A_733 = arith.mulf %get3A_731, %mul3A_732 : vector<16xf32>
        %swap3A_734 = arith.index_cast %add3A_725 : i32 to index
        %swap3A_735 = arith.constant 0 : index
        %swap3A_736 = tpu.vector_load %arg17[%swap3A_734, %swap3A_735] {strides = array<i32>} : memref<256x32xf32, #tpu.memory_space<vmem>>, vector<1x16xf32>,
        %swap3A_737 = vector.shape_cast %swap3A_736 : vector<1x16xf32> to vector<16xf32>
        %swap3A_738 = vector.shape_cast %mul3A_733 : vector<16xf32> to vector<1x16xf32>
        tpu.vector_store %arg17[%swap3A_734, %swap3A_735], %swap3A_738 {strides = array<i32>} : memref<256x32xf32, #tpu.memory_space<vmem>>, vector<1x16xf32>,
        %get3A_739 = arith.index_cast %add3A_725 : i32 to index
        %get3A_740 = arith.constant 16 : index
        %get3A_741 = tpu.vector_load %arg17[%get3A_739, %get3A_740] {strides = array<i32>} : memref<256x32xf32, #tpu.memory_space<vmem>>, vector<1x16xf32>,
        %get3A_742 = vector.shape_cast %get3A_741 : vector<1x16xf32> to vector<16xf32>
        %mul3A_743 = vector.broadcast %squeeze3A_727 : f32 to vector<16xf32>
        %mul3A_744 = arith.mulf %get3A_742, %mul3A_743 : vector<16xf32>
        %swap3A_745 = arith.index_cast %add3A_725 : i32 to index
        %swap3A_746 = arith.constant 16 : index
        %swap3A_747 = tpu.vector_load %arg17[%swap3A_745, %swap3A_746] {strides = array<i32>} : memref<256x32xf32, #tpu.memory_space<vmem>>, vector<1x16xf32>,
        %swap3A_748 = vector.shape_cast %swap3A_747 : vector<1x16xf32> to vector<16xf32>
        %swap3A_749 = vector.shape_cast %mul3A_744 : vector<16xf32> to vector<1x16xf32>
        tpu.vector_store %arg17[%swap3A_745, %swap3A_746], %swap3A_749 {strides = array<i32>} : memref<256x32xf32, #tpu.memory_space<vmem>>, vector<1x16xf32>,
        %scan3A_750 = arith.constant 0 : i32
        scf.yield %scan3A_750 : i32
      }
      %scan3A_237 = arith.constant 16 : i32
      %dma_start3A_238 = arith.constant 0 : i32
      %dma_start3A_239 = arith.constant 0 : i32
      %dma_start3A_240 = arith.constant 0 : i32
      %dma_start3A_241 = tpu.memref_slice %arg17[%dma_start3A_239, %dma_start3A_240] : memref<256x32xf32, #tpu.memory_space<vmem>> -> memref<128x32xf32, #tpu.memory_space<vmem>>
      %dma_start3A_242 = arith.constant 0 : i32
      %dma_start3A_243 = tpu.memref_slice %arg15[%dma_start3A_238, %dma_start3A_242] : memref<2x128xi32, #tpu.memory_space<vmem>> -> memref<1x128xi32, #tpu.memory_space<vmem>>
      %dma_start3A_244 = tpu.memref_squeeze %dma_start3A_243 : memref<1x128xi32, #tpu.memory_space<vmem>> -> memref<128xi32, #tpu.memory_space<vmem>>
      %dma_start3A_245 = arith.constant 0 : i32
      %dma_start3A_246 = arith.constant 0 : i32
      %dma_start3A_247 = tpu.memref_slice %arg9[%dma_start3A_245, %dma_start3A_246] : memref<51200x32xf32, #tpu.memory_space<vmem_shared>> -> memref<51200x32xf32, #tpu.memory_space<vmem_shared>>
      tpu.enqueue_indirect_dma source(%dma_start3A_241 : memref<128x32xf32, #tpu.memory_space<vmem>>) target(%dma_start3A_247 : memref<51200x32xf32, #tpu.memory_space<vmem_shared>>) offsets(%dma_start3A_244 : memref<128xi32, #tpu.memory_space<vmem>>) semaphore(%arg23 : memref<!tpu.dma_semaphore, #tpu.memory_space<semaphore_mem>>) {add = true}
      %dma_start3A_248 = arith.constant 1 : i32
      %dma_start3A_249 = arith.constant 128 : i32
      %dma_start3A_250 = arith.constant 0 : i32
      %dma_start3A_251 = tpu.memref_slice %arg17[%dma_start3A_249, %dma_start3A_250] : memref<256x32xf32, #tpu.memory_space<vmem>> -> memref<128x32xf32, #tpu.memory_space<vmem>>
      %dma_start3A_252 = arith.constant 0 : i32
      %dma_start3A_253 = tpu.memref_slice %arg15[%dma_start3A_248, %dma_start3A_252] : memref<2x128xi32, #tpu.memory_space<vmem>> -> memref<1x128xi32, #tpu.memory_space<vmem>>
      %dma_start3A_254 = tpu.memref_squeeze %dma_start3A_253 : memref<1x128xi32, #tpu.memory_space<vmem>> -> memref<128xi32, #tpu.memory_space<vmem>>
      %dma_start3A_255 = arith.constant 0 : i32
      %dma_start3A_256 = arith.constant 0 : i32
      %dma_start3A_257 = tpu.memref_slice %arg9[%dma_start3A_255, %dma_start3A_256] : memref<51200x32xf32, #tpu.memory_space<vmem_shared>> -> memref<51200x32xf32, #tpu.memory_space<vmem_shared>>
      tpu.enqueue_indirect_dma source(%dma_start3A_251 : memref<128x32xf32, #tpu.memory_space<vmem>>) target(%dma_start3A_257 : memref<51200x32xf32, #tpu.memory_space<vmem_shared>>) offsets(%dma_start3A_254 : memref<128xi32, #tpu.memory_space<vmem>>) semaphore(%arg23 : memref<!tpu.dma_semaphore, #tpu.memory_space<semaphore_mem>>) {add = true}
      %dma_wait3A_258 = arith.constant 0 : i32
      %dma_wait3A_259 = arith.constant 0 : i32
      %dma_wait3A_260 = arith.constant 0 : i32
      %dma_wait3A_261 = tpu.memref_slice %arg16[%dma_wait3A_259, %dma_wait3A_260] : memref<256x32xf32, #tpu.memory_space<vmem>> -> memref<128x32xf32, #tpu.memory_space<vmem>>
      %dma_wait3A_262 = arith.constant 0 : i32
      %dma_wait3A_263 = tpu.memref_slice %arg12[%dma_wait3A_258, %dma_wait3A_262] : memref<2x128xi32, #tpu.memory_space<vmem>> -> memref<1x128xi32, #tpu.memory_space<vmem>>
      %dma_wait3A_264 = tpu.memref_squeeze %dma_wait3A_263 : memref<1x128xi32, #tpu.memory_space<vmem>> -> memref<128xi32, #tpu.memory_space<vmem>>
      %dma_wait3A_265 = arith.constant 0 : i32
      %dma_wait3A_266 = arith.constant 0 : i32
      %dma_wait3A_267 = tpu.memref_slice %arg9[%dma_wait3A_265, %dma_wait3A_266] : memref<51200x32xf32, #tpu.memory_space<vmem_shared>> -> memref<51200x32xf32, #tpu.memory_space<vmem_shared>>
      tpu.wait_indirect_dma semaphore(%arg22 : memref<!tpu.dma_semaphore, #tpu.memory_space<semaphore_mem>>) src(%dma_wait3A_261 : memref<128x32xf32, #tpu.memory_space<vmem>>) dst(%dma_wait3A_267 : memref<51200x32xf32, #tpu.memory_space<vmem_shared>>)
      %dma_wait3A_268 = arith.constant 1 : i32
      %dma_wait3A_269 = arith.constant 128 : i32
      %dma_wait3A_270 = arith.constant 0 : i32
      %dma_wait3A_271 = tpu.memref_slice %arg16[%dma_wait3A_269, %dma_wait3A_270] : memref<256x32xf32, #tpu.memory_space<vmem>> -> memref<128x32xf32, #tpu.memory_space<vmem>>
      %dma_wait3A_272 = arith.constant 0 : i32
      %dma_wait3A_273 = tpu.memref_slice %arg12[%dma_wait3A_268, %dma_wait3A_272] : memref<2x128xi32, #tpu.memory_space<vmem>> -> memref<1x128xi32, #tpu.memory_space<vmem>>
      %dma_wait3A_274 = tpu.memref_squeeze %dma_wait3A_273 : memref<1x128xi32, #tpu.memory_space<vmem>> -> memref<128xi32, #tpu.memory_space<vmem>>
      %dma_wait3A_275 = arith.constant 0 : i32
      %dma_wait3A_276 = arith.constant 0 : i32
      %dma_wait3A_277 = tpu.memref_slice %arg9[%dma_wait3A_275, %dma_wait3A_276] : memref<51200x32xf32, #tpu.memory_space<vmem_shared>> -> memref<51200x32xf32, #tpu.memory_space<vmem_shared>>
      tpu.wait_indirect_dma semaphore(%arg22 : memref<!tpu.dma_semaphore, #tpu.memory_space<semaphore_mem>>) src(%dma_wait3A_271 : memref<128x32xf32, #tpu.memory_space<vmem>>) dst(%dma_wait3A_277 : memref<51200x32xf32, #tpu.memory_space<vmem_shared>>)
      %dma_wait3A_278 = arith.constant 0 : i32
      %dma_wait3A_279 = arith.constant 0 : i32
      %dma_wait3A_280 = arith.constant 0 : i32
      %dma_wait3A_281 = tpu.memref_slice %arg17[%dma_wait3A_279, %dma_wait3A_280] : memref<256x32xf32, #tpu.memory_space<vmem>> -> memref<128x32xf32, #tpu.memory_space<vmem>>
      %dma_wait3A_282 = arith.constant 0 : i32
      %dma_wait3A_283 = tpu.memref_slice %arg15[%dma_wait3A_278, %dma_wait3A_282] : memref<2x128xi32, #tpu.memory_space<vmem>> -> memref<1x128xi32, #tpu.memory_space<vmem>>
      %dma_wait3A_284 = tpu.memref_squeeze %dma_wait3A_283 : memref<1x128xi32, #tpu.memory_space<vmem>> -> memref<128xi32, #tpu.memory_space<vmem>>
      %dma_wait3A_285 = arith.constant 0 : i32
      %dma_wait3A_286 = arith.constant 0 : i32
      %dma_wait3A_287 = tpu.memref_slice %arg9[%dma_wait3A_285, %dma_wait3A_286] : memref<51200x32xf32, #tpu.memory_space<vmem_shared>> -> memref<51200x32xf32, #tpu.memory_space<vmem_shared>>
      tpu.wait_indirect_dma semaphore(%arg23 : memref<!tpu.dma_semaphore, #tpu.memory_space<semaphore_mem>>) src(%dma_wait3A_281 : memref<128x32xf32, #tpu.memory_space<vmem>>) dst(%dma_wait3A_287 : memref<51200x32xf32, #tpu.memory_space<vmem_shared>>)
      %dma_wait3A_288 = arith.constant 1 : i32
      %dma_wait3A_289 = arith.constant 128 : i32
      %dma_wait3A_290 = arith.constant 0 : i32
      %dma_wait3A_291 = tpu.memref_slice %arg17[%dma_wait3A_289, %dma_wait3A_290] : memref<256x32xf32, #tpu.memory_space<vmem>> -> memref<128x32xf32, #tpu.memory_space<vmem>>
      %dma_wait3A_292 = arith.constant 0 : i32
      %dma_wait3A_293 = tpu.memref_slice %arg15[%dma_wait3A_288, %dma_wait3A_292] : memref<2x128xi32, #tpu.memory_space<vmem>> -> memref<1x128xi32, #tpu.memory_space<vmem>>
      %dma_wait3A_294 = tpu.memref_squeeze %dma_wait3A_293 : memref<1x128xi32, #tpu.memory_space<vmem>> -> memref<128xi32, #tpu.memory_space<vmem>>
      %dma_wait3A_295 = arith.constant 0 : i32
      %dma_wait3A_296 = arith.constant 0 : i32
      %dma_wait3A_297 = tpu.memref_slice %arg9[%dma_wait3A_295, %dma_wait3A_296] : memref<51200x32xf32, #tpu.memory_space<vmem_shared>> -> memref<51200x32xf32, #tpu.memory_space<vmem_shared>>
      tpu.wait_indirect_dma semaphore(%arg23 : memref<!tpu.dma_semaphore, #tpu.memory_space<semaphore_mem>>) src(%dma_wait3A_291 : memref<128x32xf32, #tpu.memory_space<vmem>>) dst(%dma_wait3A_297 : memref<51200x32xf32, #tpu.memory_space<vmem_shared>>)
      %scan3A_298 = arith.constant 0 : i32
      scf.yield %scan3A_298 : i32
    }
    %scan3A_13 = arith.constant 100 : i32
    %barrier3A_14 = arith.constant 0 : index
    tpu.barrier barrier_id(%barrier3A_14)
    %scan3A_15 = arith.constant 0 : i32
    %scan3A_16 = arith.constant 0 : i32
    %scan3A_17 = arith.constant 16 : i32
    %scan3A_18 = arith.addi %scan3A_16, %scan3A_17 : i32
    %scan3A_19 = arith.constant 1 : i32
    %scan3A_20 = scf.for %scan3A_22 = %scan3A_16 to %scan3A_18 step %scan3A_19 iter_args(%scan3A_23 = %scan3A_15) -> (i32)  : i32 {
      %mul3A_24 = arith.constant 3200 : i32
      %mul3A_25 = arith.muli %arg1, %mul3A_24 : i32
      %mul3A_26 = arith.constant 200 : i32
      %mul3A_27 = arith.muli %scan3A_22, %mul3A_26 : i32
      %add3A = arith.addi %mul3A_25, %mul3A_27 : i32
      "tpu.region"() ({
        %run_scoped3A = tpu.sem_alloc : memref<!tpu.dma_semaphore, #tpu.memory_space<semaphore_mem>>
        %dma_start3A = arith.constant 0 : i32
        %dma_start3A_29 = arith.constant 0 : i32
        %dma_start3A_30 = tpu.memref_slice %arg16[%dma_start3A, %dma_start3A_29] : memref<256x32xf32, #tpu.memory_space<vmem>> -> memref<200x32xf32, #tpu.memory_space<vmem>>
        %dma_start3A_31 = arith.constant 0 : i32
        %dma_start3A_32 = tpu.memref_slice %arg9[%add3A, %dma_start3A_31] : memref<51200x32xf32, #tpu.memory_space<vmem_shared>> -> memref<200x32xf32, #tpu.memory_space<vmem_shared>>
        %dma_start3A_33 = arith.constant 0 : i32
        %dma_start3A_34 = arith.constant 0 : i32
        %dma_start3A_35 = tpu.memref_slice %arg16[%dma_start3A_33, %dma_start3A_34] : memref<256x32xf32, #tpu.memory_space<vmem>> -> memref<200x32xf32, #tpu.memory_space<vmem>>
        %dma_start3A_36 = arith.constant 0 : i32
        %dma_start3A_37 = tpu.memref_slice %arg9[%add3A, %dma_start3A_36] : memref<51200x32xf32, #tpu.memory_space<vmem_shared>> -> memref<200x32xf32, #tpu.memory_space<vmem_shared>>
        tpu.enqueue_dma source(%dma_start3A_37 : memref<200x32xf32, #tpu.memory_space<vmem_shared>>) target(%dma_start3A_35 : memref<200x32xf32, #tpu.memory_space<vmem>>) target_semaphore(%run_scoped3A : memref<!tpu.dma_semaphore, #tpu.memory_space<semaphore_mem>>)
        %dma_wait3A = arith.constant 0 : i32
        %dma_wait3A_38 = arith.constant 0 : i32
        %dma_wait3A_39 = tpu.memref_slice %arg16[%dma_wait3A, %dma_wait3A_38] : memref<256x32xf32, #tpu.memory_space<vmem>> -> memref<200x32xf32, #tpu.memory_space<vmem>>
        %dma_wait3A_40 = arith.constant 0 : i32
        %dma_wait3A_41 = tpu.memref_slice %arg9[%add3A, %dma_wait3A_40] : memref<51200x32xf32, #tpu.memory_space<vmem_shared>> -> memref<200x32xf32, #tpu.memory_space<vmem_shared>>
        %dma_wait3A_42 = arith.constant 0 : i32
        %dma_wait3A_43 = arith.constant 0 : i32
        %dma_wait3A_44 = tpu.memref_slice %arg16[%dma_wait3A_42, %dma_wait3A_43] : memref<256x32xf32, #tpu.memory_space<vmem>> -> memref<200x32xf32, #tpu.memory_space<vmem>>
        %dma_wait3A_45 = arith.constant 0 : i32
        %dma_wait3A_46 = tpu.memref_slice %arg9[%add3A, %dma_wait3A_45] : memref<51200x32xf32, #tpu.memory_space<vmem_shared>> -> memref<200x32xf32, #tpu.memory_space<vmem_shared>>
        tpu.wait_dma2 semaphore(%run_scoped3A : memref<!tpu.dma_semaphore, #tpu.memory_space<semaphore_mem>>) src(%dma_wait3A_46 : memref<200x32xf32, #tpu.memory_space<vmem_shared>>) dst(%dma_wait3A_44 : memref<200x32xf32, #tpu.memory_space<vmem>>)
        tpu.yield
      }) : () -> ()
      "tpu.region"() ({
        %run_scoped3A = tpu.sem_alloc : memref<!tpu.dma_semaphore, #tpu.memory_space<semaphore_mem>>
        %dma_start3A = arith.constant 0 : i32
        %dma_start3A_29 = arith.constant 0 : i32
        %dma_start3A_30 = tpu.memref_slice %arg16[%dma_start3A, %dma_start3A_29] : memref<256x32xf32, #tpu.memory_space<vmem>> -> memref<200x32xf32, #tpu.memory_space<vmem>>
        %dma_start3A_31 = arith.constant 0 : i32
        %dma_start3A_32 = tpu.memref_slice %arg8[%arg0, %add3A, %dma_start3A_31] : memref<2x51200x32xf32, #tpu.memory_space<hbm>> -> memref<1x200x32xf32, #tpu.memory_space<hbm>>
        %dma_start3A_33 = tpu.memref_squeeze %dma_start3A_32 : memref<1x200x32xf32, #tpu.memory_space<hbm>> -> memref<200x32xf32, #tpu.memory_space<hbm>>
        %dma_start3A_34 = arith.constant 0 : i32
        %dma_start3A_35 = tpu.memref_slice %arg8[%arg0, %add3A, %dma_start3A_34] : memref<2x51200x32xf32, #tpu.memory_space<hbm>> -> memref<1x200x32xf32, #tpu.memory_space<hbm>>
        %dma_start3A_36 = tpu.memref_squeeze %dma_start3A_35 : memref<1x200x32xf32, #tpu.memory_space<hbm>> -> memref<200x32xf32, #tpu.memory_space<hbm>>
        %dma_start3A_37 = arith.constant 0 : i32
        %dma_start3A_38 = arith.constant 0 : i32
        %dma_start3A_39 = tpu.memref_slice %arg16[%dma_start3A_37, %dma_start3A_38] : memref<256x32xf32, #tpu.memory_space<vmem>> -> memref<200x32xf32, #tpu.memory_space<vmem>>
        tpu.enqueue_dma source(%dma_start3A_39 : memref<200x32xf32, #tpu.memory_space<vmem>>) target(%dma_start3A_36 : memref<200x32xf32, #tpu.memory_space<hbm>>) target_semaphore(%run_scoped3A : memref<!tpu.dma_semaphore, #tpu.memory_space<semaphore_mem>>)
        %dma_wait3A = arith.constant 0 : i32
        %dma_wait3A_40 = arith.constant 0 : i32
        %dma_wait3A_41 = tpu.memref_slice %arg16[%dma_wait3A, %dma_wait3A_40] : memref<256x32xf32, #tpu.memory_space<vmem>> -> memref<200x32xf32, #tpu.memory_space<vmem>>
        %dma_wait3A_42 = arith.constant 0 : i32
        %dma_wait3A_43 = tpu.memref_slice %arg8[%arg0, %add3A, %dma_wait3A_42] : memref<2x51200x32xf32, #tpu.memory_space<hbm>> -> memref<1x200x32xf32, #tpu.memory_space<hbm>>
        %dma_wait3A_44 = tpu.memref_squeeze %dma_wait3A_43 : memref<1x200x32xf32, #tpu.memory_space<hbm>> -> memref<200x32xf32, #tpu.memory_space<hbm>>
        %dma_wait3A_45 = arith.constant 0 : i32
        %dma_wait3A_46 = tpu.memref_slice %arg8[%arg0, %add3A, %dma_wait3A_45] : memref<2x51200x32xf32, #tpu.memory_space<hbm>> -> memref<1x200x32xf32, #tpu.memory_space<hbm>>
        %dma_wait3A_47 = tpu.memref_squeeze %dma_wait3A_46 : memref<1x200x32xf32, #tpu.memory_space<hbm>> -> memref<200x32xf32, #tpu.memory_space<hbm>>
        %dma_wait3A_48 = arith.constant 0 : i32
        %dma_wait3A_49 = arith.constant 0 : i32
        %dma_wait3A_50 = tpu.memref_slice %arg16[%dma_wait3A_48, %dma_wait3A_49] : memref<256x32xf32, #tpu.memory_space<vmem>> -> memref<200x32xf32, #tpu.memory_space<vmem>>
        tpu.wait_dma2 semaphore(%run_scoped3A : memref<!tpu.dma_semaphore, #tpu.memory_space<semaphore_mem>>) src(%dma_wait3A_50 : memref<200x32xf32, #tpu.memory_space<vmem>>) dst(%dma_wait3A_47 : memref<200x32xf32, #tpu.memory_space<hbm>>)
        tpu.yield
      }) : () -> ()
      %scan3A_28 = arith.constant 0 : i32
      scf.yield %scan3A_28 : i32
    }
    %scan3A_21 = arith.constant 16 : i32
    return
  }
}

#map = affine_map<(d0, d1) -> (0, 0)>
#map1 = affine_map<(d0, d1) -> (0)>
module attributes {stable_mosaic.version = 14 : i64} {
  func.func @_l2_body(%arg0: i32, %arg1: i32, %arg2: memref<6400x128xi32, #tpu.memory_space<hbm>>, %arg3: memref<6400x128xi32, #tpu.memory_space<hbm>>, %arg4: memref<6400x128xi32, #tpu.memory_space<hbm>>, %arg5: memref<200000xf32, #tpu.memory_space<hbm>>, %arg6: memref<200704xf32, #tpu.memory_space<hbm>>, %arg7: memref<51200xf32, #tpu.memory_space<hbm>>, %arg8: memref<2x51200xf32, #tpu.memory_space<hbm>>, %arg9: memref<51200xf32, #tpu.memory_space<vmem_shared>>, %arg10: memref<8x128xi32, #tpu.memory_space<vmem>>, %arg11: memref<8x128xi32, #tpu.memory_space<vmem>>, %arg12: memref<8x128xi32, #tpu.memory_space<vmem>>, %arg13: memref<8x128xi32, #tpu.memory_space<vmem>>, %arg14: memref<8x128xi32, #tpu.memory_space<vmem>>, %arg15: memref<8x128xi32, #tpu.memory_space<vmem>>, %arg16: memref<1024xf32, #tpu.memory_space<vmem>>, %arg17: memref<1024xf32, #tpu.memory_space<vmem>>, %arg18: memref<1024xf32, #tpu.memory_space<vmem>>, %arg19: memref<1024xf32, #tpu.memory_space<vmem>>, %arg20: memref<3200xf32, #tpu.memory_space<vmem>>, %arg21: memref<!tpu.dma_semaphore, #tpu.memory_space<semaphore_mem>>, %arg22: memref<!tpu.dma_semaphore, #tpu.memory_space<semaphore_mem>>, %arg23: memref<!tpu.dma_semaphore, #tpu.memory_space<semaphore_mem>>, %arg24: memref<!tpu.dma_semaphore, #tpu.memory_space<semaphore_mem>>) attributes {dimension_semantics = [#tpu.dimension_semantics<core_parallel>, #tpu.dimension_semantics<subcore_parallel>], iteration_bounds = array<i64: 2, 16>, scalar_prefetch = 0 : i64, scratch_operands = 16 : i64, tpu.core_type = #tpu.core_type<sc_vector_subcore>, window_params = [{transform_indices = #map}, {transform_indices = #map}, {transform_indices = #map}, {transform_indices = #map1}, {transform_indices = #map1}, {transform_indices = #map1}, {transform_indices = #map}]} {
    %eq3A = arith.constant 0 : i32
    %eq3A_0 = arith.cmpi eq, %arg0, %eq3A : i32
    %convert_element_type3A = arith.extui %eq3A_0 : i1 to i32
    %cond3A = arith.constant 0 : i32
    %cond3A_1 = arith.cmpi ne, %convert_element_type3A, %cond3A : i32
    scf.if %cond3A_1 {
      %mul3A_414 = arith.constant 3200 : i32
      %mul3A_415 = arith.muli %arg1, %mul3A_414 : i32
      "tpu.region"() ({
        %run_scoped3A = tpu.sem_alloc : memref<!tpu.dma_semaphore, #tpu.memory_space<semaphore_mem>>
        %dma_start3A_416 = tpu.memref_slice %arg7[%mul3A_415] : memref<51200xf32, #tpu.memory_space<hbm>> -> memref<3200xf32, #tpu.memory_space<hbm>>
        %dma_start3A_417 = tpu.memref_slice %arg7[%mul3A_415] : memref<51200xf32, #tpu.memory_space<hbm>> -> memref<3200xf32, #tpu.memory_space<hbm>>
        tpu.enqueue_dma source(%dma_start3A_417 : memref<3200xf32, #tpu.memory_space<hbm>>) target(%arg20 : memref<3200xf32, #tpu.memory_space<vmem>>) target_semaphore(%run_scoped3A : memref<!tpu.dma_semaphore, #tpu.memory_space<semaphore_mem>>)
        %dma_wait3A_418 = tpu.memref_slice %arg7[%mul3A_415] : memref<51200xf32, #tpu.memory_space<hbm>> -> memref<3200xf32, #tpu.memory_space<hbm>>
        %dma_wait3A_419 = tpu.memref_slice %arg7[%mul3A_415] : memref<51200xf32, #tpu.memory_space<hbm>> -> memref<3200xf32, #tpu.memory_space<hbm>>
        tpu.wait_dma2 semaphore(%run_scoped3A : memref<!tpu.dma_semaphore, #tpu.memory_space<semaphore_mem>>) src(%dma_wait3A_419 : memref<3200xf32, #tpu.memory_space<hbm>>) dst(%arg20 : memref<3200xf32, #tpu.memory_space<vmem>>)
        tpu.yield
      }) : () -> ()
    } else {
    }
    %eq3A_2 = arith.constant 1 : i32
    %eq3A_3 = arith.cmpi eq, %arg0, %eq3A_2 : i32
    %convert_element_type3A_4 = arith.extui %eq3A_3 : i1 to i32
    %cond3A_5 = arith.constant 0 : i32
    %cond3A_6 = arith.cmpi ne, %convert_element_type3A_4, %cond3A_5 : i32
    scf.if %cond3A_6 {
      %scan3A_414 = arith.constant 0 : i32
      %scan3A_415 = arith.constant 0 : i32
      %scan3A_416 = arith.constant 200 : i32
      %scan3A_417 = arith.addi %scan3A_415, %scan3A_416 : i32
      %scan3A_418 = arith.constant 1 : i32
      %scan3A_419 = scf.for %scan3A_421 = %scan3A_415 to %scan3A_417 step %scan3A_418 iter_args(%scan3A_422 = %scan3A_414) -> (i32)  : i32 {
        %broadcast_in_dim3A = arith.constant 0.000000e+00 : f32
        %broadcast_in_dim3A_423 = vector.broadcast %broadcast_in_dim3A : f32 to vector<16xf32>
        %mul3A_424 = arith.constant 16 : i32
        %mul3A_425 = arith.muli %scan3A_421, %mul3A_424 : i32
        %swap3A = arith.index_cast %mul3A_425 : i32 to index
        %swap3A_426 = tpu.vector_load %arg20[%swap3A] {strides = array<i32>} : memref<3200xf32, #tpu.memory_space<vmem>>, vector<16xf32>,
        %swap3A_427 = vector.shape_cast %swap3A_426 : vector<16xf32> to vector<16xf32>
        %swap3A_428 = vector.shape_cast %broadcast_in_dim3A_423 : vector<16xf32> to vector<16xf32>
        tpu.vector_store %arg20[%swap3A], %swap3A_428 {strides = array<i32>} : memref<3200xf32, #tpu.memory_space<vmem>>, vector<16xf32>,
        %scan3A_429 = arith.constant 0 : i32
        scf.yield %scan3A_429 : i32
      }
      %scan3A_420 = arith.constant 200 : i32
    } else {
    }
    %mul3A = arith.constant 3200 : i32
    %mul3A_7 = arith.muli %arg1, %mul3A : i32
    "tpu.region"() ({
      %run_scoped3A = tpu.sem_alloc : memref<!tpu.dma_semaphore, #tpu.memory_space<semaphore_mem>>
      %dma_start3A_414 = tpu.memref_slice %arg9[%mul3A_7] : memref<51200xf32, #tpu.memory_space<vmem_shared>> -> memref<3200xf32, #tpu.memory_space<vmem_shared>>
      %dma_start3A_415 = tpu.memref_slice %arg9[%mul3A_7] : memref<51200xf32, #tpu.memory_space<vmem_shared>> -> memref<3200xf32, #tpu.memory_space<vmem_shared>>
      tpu.enqueue_dma source(%arg20 : memref<3200xf32, #tpu.memory_space<vmem>>) target(%dma_start3A_415 : memref<3200xf32, #tpu.memory_space<vmem_shared>>) target_semaphore(%run_scoped3A : memref<!tpu.dma_semaphore, #tpu.memory_space<semaphore_mem>>)
      %dma_wait3A_416 = tpu.memref_slice %arg9[%mul3A_7] : memref<51200xf32, #tpu.memory_space<vmem_shared>> -> memref<3200xf32, #tpu.memory_space<vmem_shared>>
      %dma_wait3A_417 = tpu.memref_slice %arg9[%mul3A_7] : memref<51200xf32, #tpu.memory_space<vmem_shared>> -> memref<3200xf32, #tpu.memory_space<vmem_shared>>
      tpu.wait_dma2 semaphore(%run_scoped3A : memref<!tpu.dma_semaphore, #tpu.memory_space<semaphore_mem>>) src(%arg20 : memref<3200xf32, #tpu.memory_space<vmem>>) dst(%dma_wait3A_417 : memref<3200xf32, #tpu.memory_space<vmem_shared>>)
      tpu.yield
    }) : () -> ()
    %barrier3A = arith.constant 0 : index
    tpu.barrier barrier_id(%barrier3A)
    %mul3A_8 = arith.constant 16 : i32
    %mul3A_9 = arith.muli %arg0, %mul3A_8 : i32
    %add3A = arith.addi %mul3A_9, %arg1 : i32
    %mul3A_10 = arith.constant 200 : i32
    %mul3A_11 = arith.muli %add3A, %mul3A_10 : i32
    %scan3A = arith.constant 0 : i32
    %scan3A_12 = arith.constant 0 : i32
    %scan3A_13 = arith.constant 12 : i32
    %scan3A_14 = arith.addi %scan3A_12, %scan3A_13 : i32
    %scan3A_15 = arith.constant 1 : i32
    %scan3A_16 = scf.for %scan3A_414 = %scan3A_12 to %scan3A_14 step %scan3A_15 iter_args(%scan3A_415 = %scan3A) -> (i32)  : i32 {
      %mul3A_416 = arith.constant 2 : i32
      %mul3A_417 = arith.muli %mul3A_416, %scan3A_414 : i32
      %mul3A_418 = arith.constant 8 : i32
      %mul3A_419 = arith.muli %mul3A_417, %mul3A_418 : i32
      %add3A_420 = arith.addi %mul3A_11, %mul3A_419 : i32
      "tpu.region"() ({
        %run_scoped3A = tpu.sem_alloc : memref<!tpu.dma_semaphore, #tpu.memory_space<semaphore_mem>>
        %dma_start3A_1206 = arith.constant 0 : i32
        %dma_start3A_1207 = tpu.memref_slice %arg2[%add3A_420, %dma_start3A_1206] : memref<6400x128xi32, #tpu.memory_space<hbm>> -> memref<8x128xi32, #tpu.memory_space<hbm>>
        %dma_start3A_1208 = arith.constant 0 : i32
        %dma_start3A_1209 = tpu.memref_slice %arg2[%add3A_420, %dma_start3A_1208] : memref<6400x128xi32, #tpu.memory_space<hbm>> -> memref<8x128xi32, #tpu.memory_space<hbm>>
        tpu.enqueue_dma source(%dma_start3A_1209 : memref<8x128xi32, #tpu.memory_space<hbm>>) target(%arg10 : memref<8x128xi32, #tpu.memory_space<vmem>>) target_semaphore(%run_scoped3A : memref<!tpu.dma_semaphore, #tpu.memory_space<semaphore_mem>>)
        %dma_wait3A_1210 = arith.constant 0 : i32
        %dma_wait3A_1211 = tpu.memref_slice %arg2[%add3A_420, %dma_wait3A_1210] : memref<6400x128xi32, #tpu.memory_space<hbm>> -> memref<8x128xi32, #tpu.memory_space<hbm>>
        %dma_wait3A_1212 = arith.constant 0 : i32
        %dma_wait3A_1213 = tpu.memref_slice %arg2[%add3A_420, %dma_wait3A_1212] : memref<6400x128xi32, #tpu.memory_space<hbm>> -> memref<8x128xi32, #tpu.memory_space<hbm>>
        tpu.wait_dma2 semaphore(%run_scoped3A : memref<!tpu.dma_semaphore, #tpu.memory_space<semaphore_mem>>) src(%dma_wait3A_1213 : memref<8x128xi32, #tpu.memory_space<hbm>>) dst(%arg10 : memref<8x128xi32, #tpu.memory_space<vmem>>)
        tpu.yield
      }) : () -> ()
      "tpu.region"() ({
        %run_scoped3A = tpu.sem_alloc : memref<!tpu.dma_semaphore, #tpu.memory_space<semaphore_mem>>
        %dma_start3A_1206 = arith.constant 0 : i32
        %dma_start3A_1207 = tpu.memref_slice %arg3[%add3A_420, %dma_start3A_1206] : memref<6400x128xi32, #tpu.memory_space<hbm>> -> memref<8x128xi32, #tpu.memory_space<hbm>>
        %dma_start3A_1208 = arith.constant 0 : i32
        %dma_start3A_1209 = tpu.memref_slice %arg3[%add3A_420, %dma_start3A_1208] : memref<6400x128xi32, #tpu.memory_space<hbm>> -> memref<8x128xi32, #tpu.memory_space<hbm>>
        tpu.enqueue_dma source(%dma_start3A_1209 : memref<8x128xi32, #tpu.memory_space<hbm>>) target(%arg11 : memref<8x128xi32, #tpu.memory_space<vmem>>) target_semaphore(%run_scoped3A : memref<!tpu.dma_semaphore, #tpu.memory_space<semaphore_mem>>)
        %dma_wait3A_1210 = arith.constant 0 : i32
        %dma_wait3A_1211 = tpu.memref_slice %arg3[%add3A_420, %dma_wait3A_1210] : memref<6400x128xi32, #tpu.memory_space<hbm>> -> memref<8x128xi32, #tpu.memory_space<hbm>>
        %dma_wait3A_1212 = arith.constant 0 : i32
        %dma_wait3A_1213 = tpu.memref_slice %arg3[%add3A_420, %dma_wait3A_1212] : memref<6400x128xi32, #tpu.memory_space<hbm>> -> memref<8x128xi32, #tpu.memory_space<hbm>>
        tpu.wait_dma2 semaphore(%run_scoped3A : memref<!tpu.dma_semaphore, #tpu.memory_space<semaphore_mem>>) src(%dma_wait3A_1213 : memref<8x128xi32, #tpu.memory_space<hbm>>) dst(%arg11 : memref<8x128xi32, #tpu.memory_space<vmem>>)
        tpu.yield
      }) : () -> ()
      "tpu.region"() ({
        %run_scoped3A = tpu.sem_alloc : memref<!tpu.dma_semaphore, #tpu.memory_space<semaphore_mem>>
        %dma_start3A_1206 = arith.constant 0 : i32
        %dma_start3A_1207 = tpu.memref_slice %arg4[%add3A_420, %dma_start3A_1206] : memref<6400x128xi32, #tpu.memory_space<hbm>> -> memref<8x128xi32, #tpu.memory_space<hbm>>
        %dma_start3A_1208 = arith.constant 0 : i32
        %dma_start3A_1209 = tpu.memref_slice %arg4[%add3A_420, %dma_start3A_1208] : memref<6400x128xi32, #tpu.memory_space<hbm>> -> memref<8x128xi32, #tpu.memory_space<hbm>>
        tpu.enqueue_dma source(%dma_start3A_1209 : memref<8x128xi32, #tpu.memory_space<hbm>>) target(%arg12 : memref<8x128xi32, #tpu.memory_space<vmem>>) target_semaphore(%run_scoped3A : memref<!tpu.dma_semaphore, #tpu.memory_space<semaphore_mem>>)
        %dma_wait3A_1210 = arith.constant 0 : i32
        %dma_wait3A_1211 = tpu.memref_slice %arg4[%add3A_420, %dma_wait3A_1210] : memref<6400x128xi32, #tpu.memory_space<hbm>> -> memref<8x128xi32, #tpu.memory_space<hbm>>
        %dma_wait3A_1212 = arith.constant 0 : i32
        %dma_wait3A_1213 = tpu.memref_slice %arg4[%add3A_420, %dma_wait3A_1212] : memref<6400x128xi32, #tpu.memory_space<hbm>> -> memref<8x128xi32, #tpu.memory_space<hbm>>
        tpu.wait_dma2 semaphore(%run_scoped3A : memref<!tpu.dma_semaphore, #tpu.memory_space<semaphore_mem>>) src(%dma_wait3A_1213 : memref<8x128xi32, #tpu.memory_space<hbm>>) dst(%arg12 : memref<8x128xi32, #tpu.memory_space<vmem>>)
        tpu.yield
      }) : () -> ()
      %dma_start3A_421 = arith.constant 0 : i32
      %dma_start3A_422 = arith.constant 0 : i32
      %dma_start3A_423 = tpu.memref_slice %arg16[%dma_start3A_422] : memref<1024xf32, #tpu.memory_space<vmem>> -> memref<128xf32, #tpu.memory_space<vmem>>
      %dma_start3A_424 = arith.constant 0 : i32
      %dma_start3A_425 = tpu.memref_slice %arg10[%dma_start3A_421, %dma_start3A_424] : memref<8x128xi32, #tpu.memory_space<vmem>> -> memref<1x128xi32, #tpu.memory_space<vmem>>
      %dma_start3A_426 = tpu.memref_squeeze %dma_start3A_425 : memref<1x128xi32, #tpu.memory_space<vmem>> -> memref<128xi32, #tpu.memory_space<vmem>>
      %dma_start3A_427 = arith.constant 0 : i32
      %dma_start3A_428 = tpu.memref_slice %arg5[%dma_start3A_427] : memref<200000xf32, #tpu.memory_space<hbm>> -> memref<200000xf32, #tpu.memory_space<hbm>>
      tpu.enqueue_indirect_dma source(%dma_start3A_428 : memref<200000xf32, #tpu.memory_space<hbm>>) target(%dma_start3A_423 : memref<128xf32, #tpu.memory_space<vmem>>) offsets(%dma_start3A_426 : memref<128xi32, #tpu.memory_space<vmem>>) semaphore(%arg21 : memref<!tpu.dma_semaphore, #tpu.memory_space<semaphore_mem>>)
      %dma_start3A_429 = arith.constant 0 : i32
      %dma_start3A_430 = arith.constant 0 : i32
      %dma_start3A_431 = tpu.memref_slice %arg18[%dma_start3A_430] : memref<1024xf32, #tpu.memory_space<vmem>> -> memref<128xf32, #tpu.memory_space<vmem>>
      %dma_start3A_432 = arith.constant 0 : i32
      %dma_start3A_433 = tpu.memref_slice %arg11[%dma_start3A_429, %dma_start3A_432] : memref<8x128xi32, #tpu.memory_space<vmem>> -> memref<1x128xi32, #tpu.memory_space<vmem>>
      %dma_start3A_434 = tpu.memref_squeeze %dma_start3A_433 : memref<1x128xi32, #tpu.memory_space<vmem>> -> memref<128xi32, #tpu.memory_space<vmem>>
      %dma_start3A_435 = arith.constant 0 : i32
      %dma_start3A_436 = tpu.memref_slice %arg6[%dma_start3A_435] : memref<200704xf32, #tpu.memory_space<hbm>> -> memref<200704xf32, #tpu.memory_space<hbm>>
      tpu.enqueue_indirect_dma source(%dma_start3A_436 : memref<200704xf32, #tpu.memory_space<hbm>>) target(%dma_start3A_431 : memref<128xf32, #tpu.memory_space<vmem>>) offsets(%dma_start3A_434 : memref<128xi32, #tpu.memory_space<vmem>>) semaphore(%arg21 : memref<!tpu.dma_semaphore, #tpu.memory_space<semaphore_mem>>)
      %dma_start3A_437 = arith.constant 1 : i32
      %dma_start3A_438 = arith.constant 128 : i32
      %dma_start3A_439 = tpu.memref_slice %arg16[%dma_start3A_438] : memref<1024xf32, #tpu.memory_space<vmem>> -> memref<128xf32, #tpu.memory_space<vmem>>
      %dma_start3A_440 = arith.constant 0 : i32
      %dma_start3A_441 = tpu.memref_slice %arg10[%dma_start3A_437, %dma_start3A_440] : memref<8x128xi32, #tpu.memory_space<vmem>> -> memref<1x128xi32, #tpu.memory_space<vmem>>
      %dma_start3A_442 = tpu.memref_squeeze %dma_start3A_441 : memref<1x128xi32, #tpu.memory_space<vmem>> -> memref<128xi32, #tpu.memory_space<vmem>>
      %dma_start3A_443 = arith.constant 0 : i32
      %dma_start3A_444 = tpu.memref_slice %arg5[%dma_start3A_443] : memref<200000xf32, #tpu.memory_space<hbm>> -> memref<200000xf32, #tpu.memory_space<hbm>>
      tpu.enqueue_indirect_dma source(%dma_start3A_444 : memref<200000xf32, #tpu.memory_space<hbm>>) target(%dma_start3A_439 : memref<128xf32, #tpu.memory_space<vmem>>) offsets(%dma_start3A_442 : memref<128xi32, #tpu.memory_space<vmem>>) semaphore(%arg21 : memref<!tpu.dma_semaphore, #tpu.memory_space<semaphore_mem>>)
      %dma_start3A_445 = arith.constant 1 : i32
      %dma_start3A_446 = arith.constant 128 : i32
      %dma_start3A_447 = tpu.memref_slice %arg18[%dma_start3A_446] : memref<1024xf32, #tpu.memory_space<vmem>> -> memref<128xf32, #tpu.memory_space<vmem>>
      %dma_start3A_448 = arith.constant 0 : i32
      %dma_start3A_449 = tpu.memref_slice %arg11[%dma_start3A_445, %dma_start3A_448] : memref<8x128xi32, #tpu.memory_space<vmem>> -> memref<1x128xi32, #tpu.memory_space<vmem>>
      %dma_start3A_450 = tpu.memref_squeeze %dma_start3A_449 : memref<1x128xi32, #tpu.memory_space<vmem>> -> memref<128xi32, #tpu.memory_space<vmem>>
      %dma_start3A_451 = arith.constant 0 : i32
      %dma_start3A_452 = tpu.memref_slice %arg6[%dma_start3A_451] : memref<200704xf32, #tpu.memory_space<hbm>> -> memref<200704xf32, #tpu.memory_space<hbm>>
      tpu.enqueue_indirect_dma source(%dma_start3A_452 : memref<200704xf32, #tpu.memory_space<hbm>>) target(%dma_start3A_447 : memref<128xf32, #tpu.memory_space<vmem>>) offsets(%dma_start3A_450 : memref<128xi32, #tpu.memory_space<vmem>>) semaphore(%arg21 : memref<!tpu.dma_semaphore, #tpu.memory_space<semaphore_mem>>)
      %dma_start3A_453 = arith.constant 2 : i32
      %dma_start3A_454 = arith.constant 256 : i32
      %dma_start3A_455 = tpu.memref_slice %arg16[%dma_start3A_454] : memref<1024xf32, #tpu.memory_space<vmem>> -> memref<128xf32, #tpu.memory_space<vmem>>
      %dma_start3A_456 = arith.constant 0 : i32
      %dma_start3A_457 = tpu.memref_slice %arg10[%dma_start3A_453, %dma_start3A_456] : memref<8x128xi32, #tpu.memory_space<vmem>> -> memref<1x128xi32, #tpu.memory_space<vmem>>
      %dma_start3A_458 = tpu.memref_squeeze %dma_start3A_457 : memref<1x128xi32, #tpu.memory_space<vmem>> -> memref<128xi32, #tpu.memory_space<vmem>>
      %dma_start3A_459 = arith.constant 0 : i32
      %dma_start3A_460 = tpu.memref_slice %arg5[%dma_start3A_459] : memref<200000xf32, #tpu.memory_space<hbm>> -> memref<200000xf32, #tpu.memory_space<hbm>>
      tpu.enqueue_indirect_dma source(%dma_start3A_460 : memref<200000xf32, #tpu.memory_space<hbm>>) target(%dma_start3A_455 : memref<128xf32, #tpu.memory_space<vmem>>) offsets(%dma_start3A_458 : memref<128xi32, #tpu.memory_space<vmem>>) semaphore(%arg21 : memref<!tpu.dma_semaphore, #tpu.memory_space<semaphore_mem>>)
      %dma_start3A_461 = arith.constant 2 : i32
      %dma_start3A_462 = arith.constant 256 : i32
      %dma_start3A_463 = tpu.memref_slice %arg18[%dma_start3A_462] : memref<1024xf32, #tpu.memory_space<vmem>> -> memref<128xf32, #tpu.memory_space<vmem>>
      %dma_start3A_464 = arith.constant 0 : i32
      %dma_start3A_465 = tpu.memref_slice %arg11[%dma_start3A_461, %dma_start3A_464] : memref<8x128xi32, #tpu.memory_space<vmem>> -> memref<1x128xi32, #tpu.memory_space<vmem>>
      %dma_start3A_466 = tpu.memref_squeeze %dma_start3A_465 : memref<1x128xi32, #tpu.memory_space<vmem>> -> memref<128xi32, #tpu.memory_space<vmem>>
      %dma_start3A_467 = arith.constant 0 : i32
      %dma_start3A_468 = tpu.memref_slice %arg6[%dma_start3A_467] : memref<200704xf32, #tpu.memory_space<hbm>> -> memref<200704xf32, #tpu.memory_space<hbm>>
      tpu.enqueue_indirect_dma source(%dma_start3A_468 : memref<200704xf32, #tpu.memory_space<hbm>>) target(%dma_start3A_463 : memref<128xf32, #tpu.memory_space<vmem>>) offsets(%dma_start3A_466 : memref<128xi32, #tpu.memory_space<vmem>>) semaphore(%arg21 : memref<!tpu.dma_semaphore, #tpu.memory_space<semaphore_mem>>)
      %dma_start3A_469 = arith.constant 3 : i32
      %dma_start3A_470 = arith.constant 384 : i32
      %dma_start3A_471 = tpu.memref_slice %arg16[%dma_start3A_470] : memref<1024xf32, #tpu.memory_space<vmem>> -> memref<128xf32, #tpu.memory_space<vmem>>
      %dma_start3A_472 = arith.constant 0 : i32
      %dma_start3A_473 = tpu.memref_slice %arg10[%dma_start3A_469, %dma_start3A_472] : memref<8x128xi32, #tpu.memory_space<vmem>> -> memref<1x128xi32, #tpu.memory_space<vmem>>
      %dma_start3A_474 = tpu.memref_squeeze %dma_start3A_473 : memref<1x128xi32, #tpu.memory_space<vmem>> -> memref<128xi32, #tpu.memory_space<vmem>>
      %dma_start3A_475 = arith.constant 0 : i32
      %dma_start3A_476 = tpu.memref_slice %arg5[%dma_start3A_475] : memref<200000xf32, #tpu.memory_space<hbm>> -> memref<200000xf32, #tpu.memory_space<hbm>>
      tpu.enqueue_indirect_dma source(%dma_start3A_476 : memref<200000xf32, #tpu.memory_space<hbm>>) target(%dma_start3A_471 : memref<128xf32, #tpu.memory_space<vmem>>) offsets(%dma_start3A_474 : memref<128xi32, #tpu.memory_space<vmem>>) semaphore(%arg21 : memref<!tpu.dma_semaphore, #tpu.memory_space<semaphore_mem>>)
      %dma_start3A_477 = arith.constant 3 : i32
      %dma_start3A_478 = arith.constant 384 : i32
      %dma_start3A_479 = tpu.memref_slice %arg18[%dma_start3A_478] : memref<1024xf32, #tpu.memory_space<vmem>> -> memref<128xf32, #tpu.memory_space<vmem>>
      %dma_start3A_480 = arith.constant 0 : i32
      %dma_start3A_481 = tpu.memref_slice %arg11[%dma_start3A_477, %dma_start3A_480] : memref<8x128xi32, #tpu.memory_space<vmem>> -> memref<1x128xi32, #tpu.memory_space<vmem>>
      %dma_start3A_482 = tpu.memref_squeeze %dma_start3A_481 : memref<1x128xi32, #tpu.memory_space<vmem>> -> memref<128xi32, #tpu.memory_space<vmem>>
      %dma_start3A_483 = arith.constant 0 : i32
      %dma_start3A_484 = tpu.memref_slice %arg6[%dma_start3A_483] : memref<200704xf32, #tpu.memory_space<hbm>> -> memref<200704xf32, #tpu.memory_space<hbm>>
      tpu.enqueue_indirect_dma source(%dma_start3A_484 : memref<200704xf32, #tpu.memory_space<hbm>>) target(%dma_start3A_479 : memref<128xf32, #tpu.memory_space<vmem>>) offsets(%dma_start3A_482 : memref<128xi32, #tpu.memory_space<vmem>>) semaphore(%arg21 : memref<!tpu.dma_semaphore, #tpu.memory_space<semaphore_mem>>)
      %dma_start3A_485 = arith.constant 4 : i32
      %dma_start3A_486 = arith.constant 512 : i32
      %dma_start3A_487 = tpu.memref_slice %arg16[%dma_start3A_486] : memref<1024xf32, #tpu.memory_space<vmem>> -> memref<128xf32, #tpu.memory_space<vmem>>
      %dma_start3A_488 = arith.constant 0 : i32
      %dma_start3A_489 = tpu.memref_slice %arg10[%dma_start3A_485, %dma_start3A_488] : memref<8x128xi32, #tpu.memory_space<vmem>> -> memref<1x128xi32, #tpu.memory_space<vmem>>
      %dma_start3A_490 = tpu.memref_squeeze %dma_start3A_489 : memref<1x128xi32, #tpu.memory_space<vmem>> -> memref<128xi32, #tpu.memory_space<vmem>>
      %dma_start3A_491 = arith.constant 0 : i32
      %dma_start3A_492 = tpu.memref_slice %arg5[%dma_start3A_491] : memref<200000xf32, #tpu.memory_space<hbm>> -> memref<200000xf32, #tpu.memory_space<hbm>>
      tpu.enqueue_indirect_dma source(%dma_start3A_492 : memref<200000xf32, #tpu.memory_space<hbm>>) target(%dma_start3A_487 : memref<128xf32, #tpu.memory_space<vmem>>) offsets(%dma_start3A_490 : memref<128xi32, #tpu.memory_space<vmem>>) semaphore(%arg21 : memref<!tpu.dma_semaphore, #tpu.memory_space<semaphore_mem>>)
      %dma_start3A_493 = arith.constant 4 : i32
      %dma_start3A_494 = arith.constant 512 : i32
      %dma_start3A_495 = tpu.memref_slice %arg18[%dma_start3A_494] : memref<1024xf32, #tpu.memory_space<vmem>> -> memref<128xf32, #tpu.memory_space<vmem>>
      %dma_start3A_496 = arith.constant 0 : i32
      %dma_start3A_497 = tpu.memref_slice %arg11[%dma_start3A_493, %dma_start3A_496] : memref<8x128xi32, #tpu.memory_space<vmem>> -> memref<1x128xi32, #tpu.memory_space<vmem>>
      %dma_start3A_498 = tpu.memref_squeeze %dma_start3A_497 : memref<1x128xi32, #tpu.memory_space<vmem>> -> memref<128xi32, #tpu.memory_space<vmem>>
      %dma_start3A_499 = arith.constant 0 : i32
      %dma_start3A_500 = tpu.memref_slice %arg6[%dma_start3A_499] : memref<200704xf32, #tpu.memory_space<hbm>> -> memref<200704xf32, #tpu.memory_space<hbm>>
      tpu.enqueue_indirect_dma source(%dma_start3A_500 : memref<200704xf32, #tpu.memory_space<hbm>>) target(%dma_start3A_495 : memref<128xf32, #tpu.memory_space<vmem>>) offsets(%dma_start3A_498 : memref<128xi32, #tpu.memory_space<vmem>>) semaphore(%arg21 : memref<!tpu.dma_semaphore, #tpu.memory_space<semaphore_mem>>)
      %dma_start3A_501 = arith.constant 5 : i32
      %dma_start3A_502 = arith.constant 640 : i32
      %dma_start3A_503 = tpu.memref_slice %arg16[%dma_start3A_502] : memref<1024xf32, #tpu.memory_space<vmem>> -> memref<128xf32, #tpu.memory_space<vmem>>
      %dma_start3A_504 = arith.constant 0 : i32
      %dma_start3A_505 = tpu.memref_slice %arg10[%dma_start3A_501, %dma_start3A_504] : memref<8x128xi32, #tpu.memory_space<vmem>> -> memref<1x128xi32, #tpu.memory_space<vmem>>
      %dma_start3A_506 = tpu.memref_squeeze %dma_start3A_505 : memref<1x128xi32, #tpu.memory_space<vmem>> -> memref<128xi32, #tpu.memory_space<vmem>>
      %dma_start3A_507 = arith.constant 0 : i32
      %dma_start3A_508 = tpu.memref_slice %arg5[%dma_start3A_507] : memref<200000xf32, #tpu.memory_space<hbm>> -> memref<200000xf32, #tpu.memory_space<hbm>>
      tpu.enqueue_indirect_dma source(%dma_start3A_508 : memref<200000xf32, #tpu.memory_space<hbm>>) target(%dma_start3A_503 : memref<128xf32, #tpu.memory_space<vmem>>) offsets(%dma_start3A_506 : memref<128xi32, #tpu.memory_space<vmem>>) semaphore(%arg21 : memref<!tpu.dma_semaphore, #tpu.memory_space<semaphore_mem>>)
      %dma_start3A_509 = arith.constant 5 : i32
      %dma_start3A_510 = arith.constant 640 : i32
      %dma_start3A_511 = tpu.memref_slice %arg18[%dma_start3A_510] : memref<1024xf32, #tpu.memory_space<vmem>> -> memref<128xf32, #tpu.memory_space<vmem>>
      %dma_start3A_512 = arith.constant 0 : i32
      %dma_start3A_513 = tpu.memref_slice %arg11[%dma_start3A_509, %dma_start3A_512] : memref<8x128xi32, #tpu.memory_space<vmem>> -> memref<1x128xi32, #tpu.memory_space<vmem>>
      %dma_start3A_514 = tpu.memref_squeeze %dma_start3A_513 : memref<1x128xi32, #tpu.memory_space<vmem>> -> memref<128xi32, #tpu.memory_space<vmem>>
      %dma_start3A_515 = arith.constant 0 : i32
      %dma_start3A_516 = tpu.memref_slice %arg6[%dma_start3A_515] : memref<200704xf32, #tpu.memory_space<hbm>> -> memref<200704xf32, #tpu.memory_space<hbm>>
      tpu.enqueue_indirect_dma source(%dma_start3A_516 : memref<200704xf32, #tpu.memory_space<hbm>>) target(%dma_start3A_511 : memref<128xf32, #tpu.memory_space<vmem>>) offsets(%dma_start3A_514 : memref<128xi32, #tpu.memory_space<vmem>>) semaphore(%arg21 : memref<!tpu.dma_semaphore, #tpu.memory_space<semaphore_mem>>)
      %dma_start3A_517 = arith.constant 6 : i32
      %dma_start3A_518 = arith.constant 768 : i32
      %dma_start3A_519 = tpu.memref_slice %arg16[%dma_start3A_518] : memref<1024xf32, #tpu.memory_space<vmem>> -> memref<128xf32, #tpu.memory_space<vmem>>
      %dma_start3A_520 = arith.constant 0 : i32
      %dma_start3A_521 = tpu.memref_slice %arg10[%dma_start3A_517, %dma_start3A_520] : memref<8x128xi32, #tpu.memory_space<vmem>> -> memref<1x128xi32, #tpu.memory_space<vmem>>
      %dma_start3A_522 = tpu.memref_squeeze %dma_start3A_521 : memref<1x128xi32, #tpu.memory_space<vmem>> -> memref<128xi32, #tpu.memory_space<vmem>>
      %dma_start3A_523 = arith.constant 0 : i32
      %dma_start3A_524 = tpu.memref_slice %arg5[%dma_start3A_523] : memref<200000xf32, #tpu.memory_space<hbm>> -> memref<200000xf32, #tpu.memory_space<hbm>>
      tpu.enqueue_indirect_dma source(%dma_start3A_524 : memref<200000xf32, #tpu.memory_space<hbm>>) target(%dma_start3A_519 : memref<128xf32, #tpu.memory_space<vmem>>) offsets(%dma_start3A_522 : memref<128xi32, #tpu.memory_space<vmem>>) semaphore(%arg21 : memref<!tpu.dma_semaphore, #tpu.memory_space<semaphore_mem>>)
      %dma_start3A_525 = arith.constant 6 : i32
      %dma_start3A_526 = arith.constant 768 : i32
      %dma_start3A_527 = tpu.memref_slice %arg18[%dma_start3A_526] : memref<1024xf32, #tpu.memory_space<vmem>> -> memref<128xf32, #tpu.memory_space<vmem>>
      %dma_start3A_528 = arith.constant 0 : i32
      %dma_start3A_529 = tpu.memref_slice %arg11[%dma_start3A_525, %dma_start3A_528] : memref<8x128xi32, #tpu.memory_space<vmem>> -> memref<1x128xi32, #tpu.memory_space<vmem>>
      %dma_start3A_530 = tpu.memref_squeeze %dma_start3A_529 : memref<1x128xi32, #tpu.memory_space<vmem>> -> memref<128xi32, #tpu.memory_space<vmem>>
      %dma_start3A_531 = arith.constant 0 : i32
      %dma_start3A_532 = tpu.memref_slice %arg6[%dma_start3A_531] : memref<200704xf32, #tpu.memory_space<hbm>> -> memref<200704xf32, #tpu.memory_space<hbm>>
      tpu.enqueue_indirect_dma source(%dma_start3A_532 : memref<200704xf32, #tpu.memory_space<hbm>>) target(%dma_start3A_527 : memref<128xf32, #tpu.memory_space<vmem>>) offsets(%dma_start3A_530 : memref<128xi32, #tpu.memory_space<vmem>>) semaphore(%arg21 : memref<!tpu.dma_semaphore, #tpu.memory_space<semaphore_mem>>)
      %dma_start3A_533 = arith.constant 7 : i32
      %dma_start3A_534 = arith.constant 896 : i32
      %dma_start3A_535 = tpu.memref_slice %arg16[%dma_start3A_534] : memref<1024xf32, #tpu.memory_space<vmem>> -> memref<128xf32, #tpu.memory_space<vmem>>
      %dma_start3A_536 = arith.constant 0 : i32
      %dma_start3A_537 = tpu.memref_slice %arg10[%dma_start3A_533, %dma_start3A_536] : memref<8x128xi32, #tpu.memory_space<vmem>> -> memref<1x128xi32, #tpu.memory_space<vmem>>
      %dma_start3A_538 = tpu.memref_squeeze %dma_start3A_537 : memref<1x128xi32, #tpu.memory_space<vmem>> -> memref<128xi32, #tpu.memory_space<vmem>>
      %dma_start3A_539 = arith.constant 0 : i32
      %dma_start3A_540 = tpu.memref_slice %arg5[%dma_start3A_539] : memref<200000xf32, #tpu.memory_space<hbm>> -> memref<200000xf32, #tpu.memory_space<hbm>>
      tpu.enqueue_indirect_dma source(%dma_start3A_540 : memref<200000xf32, #tpu.memory_space<hbm>>) target(%dma_start3A_535 : memref<128xf32, #tpu.memory_space<vmem>>) offsets(%dma_start3A_538 : memref<128xi32, #tpu.memory_space<vmem>>) semaphore(%arg21 : memref<!tpu.dma_semaphore, #tpu.memory_space<semaphore_mem>>)
      %dma_start3A_541 = arith.constant 7 : i32
      %dma_start3A_542 = arith.constant 896 : i32
      %dma_start3A_543 = tpu.memref_slice %arg18[%dma_start3A_542] : memref<1024xf32, #tpu.memory_space<vmem>> -> memref<128xf32, #tpu.memory_space<vmem>>
      %dma_start3A_544 = arith.constant 0 : i32
      %dma_start3A_545 = tpu.memref_slice %arg11[%dma_start3A_541, %dma_start3A_544] : memref<8x128xi32, #tpu.memory_space<vmem>> -> memref<1x128xi32, #tpu.memory_space<vmem>>
      %dma_start3A_546 = tpu.memref_squeeze %dma_start3A_545 : memref<1x128xi32, #tpu.memory_space<vmem>> -> memref<128xi32, #tpu.memory_space<vmem>>
      %dma_start3A_547 = arith.constant 0 : i32
      %dma_start3A_548 = tpu.memref_slice %arg6[%dma_start3A_547] : memref<200704xf32, #tpu.memory_space<hbm>> -> memref<200704xf32, #tpu.memory_space<hbm>>
      tpu.enqueue_indirect_dma source(%dma_start3A_548 : memref<200704xf32, #tpu.memory_space<hbm>>) target(%dma_start3A_543 : memref<128xf32, #tpu.memory_space<vmem>>) offsets(%dma_start3A_546 : memref<128xi32, #tpu.memory_space<vmem>>) semaphore(%arg21 : memref<!tpu.dma_semaphore, #tpu.memory_space<semaphore_mem>>)
      %add3A_549 = arith.constant 8 : i32
      %add3A_550 = arith.addi %add3A_420, %add3A_549 : i32
      "tpu.region"() ({
        %run_scoped3A = tpu.sem_alloc : memref<!tpu.dma_semaphore, #tpu.memory_space<semaphore_mem>>
        %dma_start3A_1206 = arith.constant 0 : i32
        %dma_start3A_1207 = tpu.memref_slice %arg2[%add3A_550, %dma_start3A_1206] : memref<6400x128xi32, #tpu.memory_space<hbm>> -> memref<8x128xi32, #tpu.memory_space<hbm>>
        %dma_start3A_1208 = arith.constant 0 : i32
        %dma_start3A_1209 = tpu.memref_slice %arg2[%add3A_550, %dma_start3A_1208] : memref<6400x128xi32, #tpu.memory_space<hbm>> -> memref<8x128xi32, #tpu.memory_space<hbm>>
        tpu.enqueue_dma source(%dma_start3A_1209 : memref<8x128xi32, #tpu.memory_space<hbm>>) target(%arg13 : memref<8x128xi32, #tpu.memory_space<vmem>>) target_semaphore(%run_scoped3A : memref<!tpu.dma_semaphore, #tpu.memory_space<semaphore_mem>>)
        %dma_wait3A_1210 = arith.constant 0 : i32
        %dma_wait3A_1211 = tpu.memref_slice %arg2[%add3A_550, %dma_wait3A_1210] : memref<6400x128xi32, #tpu.memory_space<hbm>> -> memref<8x128xi32, #tpu.memory_space<hbm>>
        %dma_wait3A_1212 = arith.constant 0 : i32
        %dma_wait3A_1213 = tpu.memref_slice %arg2[%add3A_550, %dma_wait3A_1212] : memref<6400x128xi32, #tpu.memory_space<hbm>> -> memref<8x128xi32, #tpu.memory_space<hbm>>
        tpu.wait_dma2 semaphore(%run_scoped3A : memref<!tpu.dma_semaphore, #tpu.memory_space<semaphore_mem>>) src(%dma_wait3A_1213 : memref<8x128xi32, #tpu.memory_space<hbm>>) dst(%arg13 : memref<8x128xi32, #tpu.memory_space<vmem>>)
        tpu.yield
      }) : () -> ()
      "tpu.region"() ({
        %run_scoped3A = tpu.sem_alloc : memref<!tpu.dma_semaphore, #tpu.memory_space<semaphore_mem>>
        %dma_start3A_1206 = arith.constant 0 : i32
        %dma_start3A_1207 = tpu.memref_slice %arg3[%add3A_550, %dma_start3A_1206] : memref<6400x128xi32, #tpu.memory_space<hbm>> -> memref<8x128xi32, #tpu.memory_space<hbm>>
        %dma_start3A_1208 = arith.constant 0 : i32
        %dma_start3A_1209 = tpu.memref_slice %arg3[%add3A_550, %dma_start3A_1208] : memref<6400x128xi32, #tpu.memory_space<hbm>> -> memref<8x128xi32, #tpu.memory_space<hbm>>
        tpu.enqueue_dma source(%dma_start3A_1209 : memref<8x128xi32, #tpu.memory_space<hbm>>) target(%arg14 : memref<8x128xi32, #tpu.memory_space<vmem>>) target_semaphore(%run_scoped3A : memref<!tpu.dma_semaphore, #tpu.memory_space<semaphore_mem>>)
        %dma_wait3A_1210 = arith.constant 0 : i32
        %dma_wait3A_1211 = tpu.memref_slice %arg3[%add3A_550, %dma_wait3A_1210] : memref<6400x128xi32, #tpu.memory_space<hbm>> -> memref<8x128xi32, #tpu.memory_space<hbm>>
        %dma_wait3A_1212 = arith.constant 0 : i32
        %dma_wait3A_1213 = tpu.memref_slice %arg3[%add3A_550, %dma_wait3A_1212] : memref<6400x128xi32, #tpu.memory_space<hbm>> -> memref<8x128xi32, #tpu.memory_space<hbm>>
        tpu.wait_dma2 semaphore(%run_scoped3A : memref<!tpu.dma_semaphore, #tpu.memory_space<semaphore_mem>>) src(%dma_wait3A_1213 : memref<8x128xi32, #tpu.memory_space<hbm>>) dst(%arg14 : memref<8x128xi32, #tpu.memory_space<vmem>>)
        tpu.yield
      }) : () -> ()
      "tpu.region"() ({
        %run_scoped3A = tpu.sem_alloc : memref<!tpu.dma_semaphore, #tpu.memory_space<semaphore_mem>>
        %dma_start3A_1206 = arith.constant 0 : i32
        %dma_start3A_1207 = tpu.memref_slice %arg4[%add3A_550, %dma_start3A_1206] : memref<6400x128xi32, #tpu.memory_space<hbm>> -> memref<8x128xi32, #tpu.memory_space<hbm>>
        %dma_start3A_1208 = arith.constant 0 : i32
        %dma_start3A_1209 = tpu.memref_slice %arg4[%add3A_550, %dma_start3A_1208] : memref<6400x128xi32, #tpu.memory_space<hbm>> -> memref<8x128xi32, #tpu.memory_space<hbm>>
        tpu.enqueue_dma source(%dma_start3A_1209 : memref<8x128xi32, #tpu.memory_space<hbm>>) target(%arg15 : memref<8x128xi32, #tpu.memory_space<vmem>>) target_semaphore(%run_scoped3A : memref<!tpu.dma_semaphore, #tpu.memory_space<semaphore_mem>>)
        %dma_wait3A_1210 = arith.constant 0 : i32
        %dma_wait3A_1211 = tpu.memref_slice %arg4[%add3A_550, %dma_wait3A_1210] : memref<6400x128xi32, #tpu.memory_space<hbm>> -> memref<8x128xi32, #tpu.memory_space<hbm>>
        %dma_wait3A_1212 = arith.constant 0 : i32
        %dma_wait3A_1213 = tpu.memref_slice %arg4[%add3A_550, %dma_wait3A_1212] : memref<6400x128xi32, #tpu.memory_space<hbm>> -> memref<8x128xi32, #tpu.memory_space<hbm>>
        tpu.wait_dma2 semaphore(%run_scoped3A : memref<!tpu.dma_semaphore, #tpu.memory_space<semaphore_mem>>) src(%dma_wait3A_1213 : memref<8x128xi32, #tpu.memory_space<hbm>>) dst(%arg15 : memref<8x128xi32, #tpu.memory_space<vmem>>)
        tpu.yield
      }) : () -> ()
      %dma_start3A_551 = arith.constant 0 : i32
      %dma_start3A_552 = arith.constant 0 : i32
      %dma_start3A_553 = tpu.memref_slice %arg17[%dma_start3A_552] : memref<1024xf32, #tpu.memory_space<vmem>> -> memref<128xf32, #tpu.memory_space<vmem>>
      %dma_start3A_554 = arith.constant 0 : i32
      %dma_start3A_555 = tpu.memref_slice %arg13[%dma_start3A_551, %dma_start3A_554] : memref<8x128xi32, #tpu.memory_space<vmem>> -> memref<1x128xi32, #tpu.memory_space<vmem>>
      %dma_start3A_556 = tpu.memref_squeeze %dma_start3A_555 : memref<1x128xi32, #tpu.memory_space<vmem>> -> memref<128xi32, #tpu.memory_space<vmem>>
      %dma_start3A_557 = arith.constant 0 : i32
      %dma_start3A_558 = tpu.memref_slice %arg5[%dma_start3A_557] : memref<200000xf32, #tpu.memory_space<hbm>> -> memref<200000xf32, #tpu.memory_space<hbm>>
      tpu.enqueue_indirect_dma source(%dma_start3A_558 : memref<200000xf32, #tpu.memory_space<hbm>>) target(%dma_start3A_553 : memref<128xf32, #tpu.memory_space<vmem>>) offsets(%dma_start3A_556 : memref<128xi32, #tpu.memory_space<vmem>>) semaphore(%arg22 : memref<!tpu.dma_semaphore, #tpu.memory_space<semaphore_mem>>)
      %dma_start3A_559 = arith.constant 0 : i32
      %dma_start3A_560 = arith.constant 0 : i32
      %dma_start3A_561 = tpu.memref_slice %arg19[%dma_start3A_560] : memref<1024xf32, #tpu.memory_space<vmem>> -> memref<128xf32, #tpu.memory_space<vmem>>
      %dma_start3A_562 = arith.constant 0 : i32
      %dma_start3A_563 = tpu.memref_slice %arg14[%dma_start3A_559, %dma_start3A_562] : memref<8x128xi32, #tpu.memory_space<vmem>> -> memref<1x128xi32, #tpu.memory_space<vmem>>
      %dma_start3A_564 = tpu.memref_squeeze %dma_start3A_563 : memref<1x128xi32, #tpu.memory_space<vmem>> -> memref<128xi32, #tpu.memory_space<vmem>>
      %dma_start3A_565 = arith.constant 0 : i32
      %dma_start3A_566 = tpu.memref_slice %arg6[%dma_start3A_565] : memref<200704xf32, #tpu.memory_space<hbm>> -> memref<200704xf32, #tpu.memory_space<hbm>>
      tpu.enqueue_indirect_dma source(%dma_start3A_566 : memref<200704xf32, #tpu.memory_space<hbm>>) target(%dma_start3A_561 : memref<128xf32, #tpu.memory_space<vmem>>) offsets(%dma_start3A_564 : memref<128xi32, #tpu.memory_space<vmem>>) semaphore(%arg22 : memref<!tpu.dma_semaphore, #tpu.memory_space<semaphore_mem>>)
      %dma_start3A_567 = arith.constant 1 : i32
      %dma_start3A_568 = arith.constant 128 : i32
      %dma_start3A_569 = tpu.memref_slice %arg17[%dma_start3A_568] : memref<1024xf32, #tpu.memory_space<vmem>> -> memref<128xf32, #tpu.memory_space<vmem>>
      %dma_start3A_570 = arith.constant 0 : i32
      %dma_start3A_571 = tpu.memref_slice %arg13[%dma_start3A_567, %dma_start3A_570] : memref<8x128xi32, #tpu.memory_space<vmem>> -> memref<1x128xi32, #tpu.memory_space<vmem>>
      %dma_start3A_572 = tpu.memref_squeeze %dma_start3A_571 : memref<1x128xi32, #tpu.memory_space<vmem>> -> memref<128xi32, #tpu.memory_space<vmem>>
      %dma_start3A_573 = arith.constant 0 : i32
      %dma_start3A_574 = tpu.memref_slice %arg5[%dma_start3A_573] : memref<200000xf32, #tpu.memory_space<hbm>> -> memref<200000xf32, #tpu.memory_space<hbm>>
      tpu.enqueue_indirect_dma source(%dma_start3A_574 : memref<200000xf32, #tpu.memory_space<hbm>>) target(%dma_start3A_569 : memref<128xf32, #tpu.memory_space<vmem>>) offsets(%dma_start3A_572 : memref<128xi32, #tpu.memory_space<vmem>>) semaphore(%arg22 : memref<!tpu.dma_semaphore, #tpu.memory_space<semaphore_mem>>)
      %dma_start3A_575 = arith.constant 1 : i32
      %dma_start3A_576 = arith.constant 128 : i32
      %dma_start3A_577 = tpu.memref_slice %arg19[%dma_start3A_576] : memref<1024xf32, #tpu.memory_space<vmem>> -> memref<128xf32, #tpu.memory_space<vmem>>
      %dma_start3A_578 = arith.constant 0 : i32
      %dma_start3A_579 = tpu.memref_slice %arg14[%dma_start3A_575, %dma_start3A_578] : memref<8x128xi32, #tpu.memory_space<vmem>> -> memref<1x128xi32, #tpu.memory_space<vmem>>
      %dma_start3A_580 = tpu.memref_squeeze %dma_start3A_579 : memref<1x128xi32, #tpu.memory_space<vmem>> -> memref<128xi32, #tpu.memory_space<vmem>>
      %dma_start3A_581 = arith.constant 0 : i32
      %dma_start3A_582 = tpu.memref_slice %arg6[%dma_start3A_581] : memref<200704xf32, #tpu.memory_space<hbm>> -> memref<200704xf32, #tpu.memory_space<hbm>>
      tpu.enqueue_indirect_dma source(%dma_start3A_582 : memref<200704xf32, #tpu.memory_space<hbm>>) target(%dma_start3A_577 : memref<128xf32, #tpu.memory_space<vmem>>) offsets(%dma_start3A_580 : memref<128xi32, #tpu.memory_space<vmem>>) semaphore(%arg22 : memref<!tpu.dma_semaphore, #tpu.memory_space<semaphore_mem>>)
      %dma_start3A_583 = arith.constant 2 : i32
      %dma_start3A_584 = arith.constant 256 : i32
      %dma_start3A_585 = tpu.memref_slice %arg17[%dma_start3A_584] : memref<1024xf32, #tpu.memory_space<vmem>> -> memref<128xf32, #tpu.memory_space<vmem>>
      %dma_start3A_586 = arith.constant 0 : i32
      %dma_start3A_587 = tpu.memref_slice %arg13[%dma_start3A_583, %dma_start3A_586] : memref<8x128xi32, #tpu.memory_space<vmem>> -> memref<1x128xi32, #tpu.memory_space<vmem>>
      %dma_start3A_588 = tpu.memref_squeeze %dma_start3A_587 : memref<1x128xi32, #tpu.memory_space<vmem>> -> memref<128xi32, #tpu.memory_space<vmem>>
      %dma_start3A_589 = arith.constant 0 : i32
      %dma_start3A_590 = tpu.memref_slice %arg5[%dma_start3A_589] : memref<200000xf32, #tpu.memory_space<hbm>> -> memref<200000xf32, #tpu.memory_space<hbm>>
      tpu.enqueue_indirect_dma source(%dma_start3A_590 : memref<200000xf32, #tpu.memory_space<hbm>>) target(%dma_start3A_585 : memref<128xf32, #tpu.memory_space<vmem>>) offsets(%dma_start3A_588 : memref<128xi32, #tpu.memory_space<vmem>>) semaphore(%arg22 : memref<!tpu.dma_semaphore, #tpu.memory_space<semaphore_mem>>)
      %dma_start3A_591 = arith.constant 2 : i32
      %dma_start3A_592 = arith.constant 256 : i32
      %dma_start3A_593 = tpu.memref_slice %arg19[%dma_start3A_592] : memref<1024xf32, #tpu.memory_space<vmem>> -> memref<128xf32, #tpu.memory_space<vmem>>
      %dma_start3A_594 = arith.constant 0 : i32
      %dma_start3A_595 = tpu.memref_slice %arg14[%dma_start3A_591, %dma_start3A_594] : memref<8x128xi32, #tpu.memory_space<vmem>> -> memref<1x128xi32, #tpu.memory_space<vmem>>
      %dma_start3A_596 = tpu.memref_squeeze %dma_start3A_595 : memref<1x128xi32, #tpu.memory_space<vmem>> -> memref<128xi32, #tpu.memory_space<vmem>>
      %dma_start3A_597 = arith.constant 0 : i32
      %dma_start3A_598 = tpu.memref_slice %arg6[%dma_start3A_597] : memref<200704xf32, #tpu.memory_space<hbm>> -> memref<200704xf32, #tpu.memory_space<hbm>>
      tpu.enqueue_indirect_dma source(%dma_start3A_598 : memref<200704xf32, #tpu.memory_space<hbm>>) target(%dma_start3A_593 : memref<128xf32, #tpu.memory_space<vmem>>) offsets(%dma_start3A_596 : memref<128xi32, #tpu.memory_space<vmem>>) semaphore(%arg22 : memref<!tpu.dma_semaphore, #tpu.memory_space<semaphore_mem>>)
      %dma_start3A_599 = arith.constant 3 : i32
      %dma_start3A_600 = arith.constant 384 : i32
      %dma_start3A_601 = tpu.memref_slice %arg17[%dma_start3A_600] : memref<1024xf32, #tpu.memory_space<vmem>> -> memref<128xf32, #tpu.memory_space<vmem>>
      %dma_start3A_602 = arith.constant 0 : i32
      %dma_start3A_603 = tpu.memref_slice %arg13[%dma_start3A_599, %dma_start3A_602] : memref<8x128xi32, #tpu.memory_space<vmem>> -> memref<1x128xi32, #tpu.memory_space<vmem>>
      %dma_start3A_604 = tpu.memref_squeeze %dma_start3A_603 : memref<1x128xi32, #tpu.memory_space<vmem>> -> memref<128xi32, #tpu.memory_space<vmem>>
      %dma_start3A_605 = arith.constant 0 : i32
      %dma_start3A_606 = tpu.memref_slice %arg5[%dma_start3A_605] : memref<200000xf32, #tpu.memory_space<hbm>> -> memref<200000xf32, #tpu.memory_space<hbm>>
      tpu.enqueue_indirect_dma source(%dma_start3A_606 : memref<200000xf32, #tpu.memory_space<hbm>>) target(%dma_start3A_601 : memref<128xf32, #tpu.memory_space<vmem>>) offsets(%dma_start3A_604 : memref<128xi32, #tpu.memory_space<vmem>>) semaphore(%arg22 : memref<!tpu.dma_semaphore, #tpu.memory_space<semaphore_mem>>)
      %dma_start3A_607 = arith.constant 3 : i32
      %dma_start3A_608 = arith.constant 384 : i32
      %dma_start3A_609 = tpu.memref_slice %arg19[%dma_start3A_608] : memref<1024xf32, #tpu.memory_space<vmem>> -> memref<128xf32, #tpu.memory_space<vmem>>
      %dma_start3A_610 = arith.constant 0 : i32
      %dma_start3A_611 = tpu.memref_slice %arg14[%dma_start3A_607, %dma_start3A_610] : memref<8x128xi32, #tpu.memory_space<vmem>> -> memref<1x128xi32, #tpu.memory_space<vmem>>
      %dma_start3A_612 = tpu.memref_squeeze %dma_start3A_611 : memref<1x128xi32, #tpu.memory_space<vmem>> -> memref<128xi32, #tpu.memory_space<vmem>>
      %dma_start3A_613 = arith.constant 0 : i32
      %dma_start3A_614 = tpu.memref_slice %arg6[%dma_start3A_613] : memref<200704xf32, #tpu.memory_space<hbm>> -> memref<200704xf32, #tpu.memory_space<hbm>>
      tpu.enqueue_indirect_dma source(%dma_start3A_614 : memref<200704xf32, #tpu.memory_space<hbm>>) target(%dma_start3A_609 : memref<128xf32, #tpu.memory_space<vmem>>) offsets(%dma_start3A_612 : memref<128xi32, #tpu.memory_space<vmem>>) semaphore(%arg22 : memref<!tpu.dma_semaphore, #tpu.memory_space<semaphore_mem>>)
      %dma_start3A_615 = arith.constant 4 : i32
      %dma_start3A_616 = arith.constant 512 : i32
      %dma_start3A_617 = tpu.memref_slice %arg17[%dma_start3A_616] : memref<1024xf32, #tpu.memory_space<vmem>> -> memref<128xf32, #tpu.memory_space<vmem>>
      %dma_start3A_618 = arith.constant 0 : i32
      %dma_start3A_619 = tpu.memref_slice %arg13[%dma_start3A_615, %dma_start3A_618] : memref<8x128xi32, #tpu.memory_space<vmem>> -> memref<1x128xi32, #tpu.memory_space<vmem>>
      %dma_start3A_620 = tpu.memref_squeeze %dma_start3A_619 : memref<1x128xi32, #tpu.memory_space<vmem>> -> memref<128xi32, #tpu.memory_space<vmem>>
      %dma_start3A_621 = arith.constant 0 : i32
      %dma_start3A_622 = tpu.memref_slice %arg5[%dma_start3A_621] : memref<200000xf32, #tpu.memory_space<hbm>> -> memref<200000xf32, #tpu.memory_space<hbm>>
      tpu.enqueue_indirect_dma source(%dma_start3A_622 : memref<200000xf32, #tpu.memory_space<hbm>>) target(%dma_start3A_617 : memref<128xf32, #tpu.memory_space<vmem>>) offsets(%dma_start3A_620 : memref<128xi32, #tpu.memory_space<vmem>>) semaphore(%arg22 : memref<!tpu.dma_semaphore, #tpu.memory_space<semaphore_mem>>)
      %dma_start3A_623 = arith.constant 4 : i32
      %dma_start3A_624 = arith.constant 512 : i32
      %dma_start3A_625 = tpu.memref_slice %arg19[%dma_start3A_624] : memref<1024xf32, #tpu.memory_space<vmem>> -> memref<128xf32, #tpu.memory_space<vmem>>
      %dma_start3A_626 = arith.constant 0 : i32
      %dma_start3A_627 = tpu.memref_slice %arg14[%dma_start3A_623, %dma_start3A_626] : memref<8x128xi32, #tpu.memory_space<vmem>> -> memref<1x128xi32, #tpu.memory_space<vmem>>
      %dma_start3A_628 = tpu.memref_squeeze %dma_start3A_627 : memref<1x128xi32, #tpu.memory_space<vmem>> -> memref<128xi32, #tpu.memory_space<vmem>>
      %dma_start3A_629 = arith.constant 0 : i32
      %dma_start3A_630 = tpu.memref_slice %arg6[%dma_start3A_629] : memref<200704xf32, #tpu.memory_space<hbm>> -> memref<200704xf32, #tpu.memory_space<hbm>>
      tpu.enqueue_indirect_dma source(%dma_start3A_630 : memref<200704xf32, #tpu.memory_space<hbm>>) target(%dma_start3A_625 : memref<128xf32, #tpu.memory_space<vmem>>) offsets(%dma_start3A_628 : memref<128xi32, #tpu.memory_space<vmem>>) semaphore(%arg22 : memref<!tpu.dma_semaphore, #tpu.memory_space<semaphore_mem>>)
      %dma_start3A_631 = arith.constant 5 : i32
      %dma_start3A_632 = arith.constant 640 : i32
      %dma_start3A_633 = tpu.memref_slice %arg17[%dma_start3A_632] : memref<1024xf32, #tpu.memory_space<vmem>> -> memref<128xf32, #tpu.memory_space<vmem>>
      %dma_start3A_634 = arith.constant 0 : i32
      %dma_start3A_635 = tpu.memref_slice %arg13[%dma_start3A_631, %dma_start3A_634] : memref<8x128xi32, #tpu.memory_space<vmem>> -> memref<1x128xi32, #tpu.memory_space<vmem>>
      %dma_start3A_636 = tpu.memref_squeeze %dma_start3A_635 : memref<1x128xi32, #tpu.memory_space<vmem>> -> memref<128xi32, #tpu.memory_space<vmem>>
      %dma_start3A_637 = arith.constant 0 : i32
      %dma_start3A_638 = tpu.memref_slice %arg5[%dma_start3A_637] : memref<200000xf32, #tpu.memory_space<hbm>> -> memref<200000xf32, #tpu.memory_space<hbm>>
      tpu.enqueue_indirect_dma source(%dma_start3A_638 : memref<200000xf32, #tpu.memory_space<hbm>>) target(%dma_start3A_633 : memref<128xf32, #tpu.memory_space<vmem>>) offsets(%dma_start3A_636 : memref<128xi32, #tpu.memory_space<vmem>>) semaphore(%arg22 : memref<!tpu.dma_semaphore, #tpu.memory_space<semaphore_mem>>)
      %dma_start3A_639 = arith.constant 5 : i32
      %dma_start3A_640 = arith.constant 640 : i32
      %dma_start3A_641 = tpu.memref_slice %arg19[%dma_start3A_640] : memref<1024xf32, #tpu.memory_space<vmem>> -> memref<128xf32, #tpu.memory_space<vmem>>
      %dma_start3A_642 = arith.constant 0 : i32
      %dma_start3A_643 = tpu.memref_slice %arg14[%dma_start3A_639, %dma_start3A_642] : memref<8x128xi32, #tpu.memory_space<vmem>> -> memref<1x128xi32, #tpu.memory_space<vmem>>
      %dma_start3A_644 = tpu.memref_squeeze %dma_start3A_643 : memref<1x128xi32, #tpu.memory_space<vmem>> -> memref<128xi32, #tpu.memory_space<vmem>>
      %dma_start3A_645 = arith.constant 0 : i32
      %dma_start3A_646 = tpu.memref_slice %arg6[%dma_start3A_645] : memref<200704xf32, #tpu.memory_space<hbm>> -> memref<200704xf32, #tpu.memory_space<hbm>>
      tpu.enqueue_indirect_dma source(%dma_start3A_646 : memref<200704xf32, #tpu.memory_space<hbm>>) target(%dma_start3A_641 : memref<128xf32, #tpu.memory_space<vmem>>) offsets(%dma_start3A_644 : memref<128xi32, #tpu.memory_space<vmem>>) semaphore(%arg22 : memref<!tpu.dma_semaphore, #tpu.memory_space<semaphore_mem>>)
      %dma_start3A_647 = arith.constant 6 : i32
      %dma_start3A_648 = arith.constant 768 : i32
      %dma_start3A_649 = tpu.memref_slice %arg17[%dma_start3A_648] : memref<1024xf32, #tpu.memory_space<vmem>> -> memref<128xf32, #tpu.memory_space<vmem>>
      %dma_start3A_650 = arith.constant 0 : i32
      %dma_start3A_651 = tpu.memref_slice %arg13[%dma_start3A_647, %dma_start3A_650] : memref<8x128xi32, #tpu.memory_space<vmem>> -> memref<1x128xi32, #tpu.memory_space<vmem>>
      %dma_start3A_652 = tpu.memref_squeeze %dma_start3A_651 : memref<1x128xi32, #tpu.memory_space<vmem>> -> memref<128xi32, #tpu.memory_space<vmem>>
      %dma_start3A_653 = arith.constant 0 : i32
      %dma_start3A_654 = tpu.memref_slice %arg5[%dma_start3A_653] : memref<200000xf32, #tpu.memory_space<hbm>> -> memref<200000xf32, #tpu.memory_space<hbm>>
      tpu.enqueue_indirect_dma source(%dma_start3A_654 : memref<200000xf32, #tpu.memory_space<hbm>>) target(%dma_start3A_649 : memref<128xf32, #tpu.memory_space<vmem>>) offsets(%dma_start3A_652 : memref<128xi32, #tpu.memory_space<vmem>>) semaphore(%arg22 : memref<!tpu.dma_semaphore, #tpu.memory_space<semaphore_mem>>)
      %dma_start3A_655 = arith.constant 6 : i32
      %dma_start3A_656 = arith.constant 768 : i32
      %dma_start3A_657 = tpu.memref_slice %arg19[%dma_start3A_656] : memref<1024xf32, #tpu.memory_space<vmem>> -> memref<128xf32, #tpu.memory_space<vmem>>
      %dma_start3A_658 = arith.constant 0 : i32
      %dma_start3A_659 = tpu.memref_slice %arg14[%dma_start3A_655, %dma_start3A_658] : memref<8x128xi32, #tpu.memory_space<vmem>> -> memref<1x128xi32, #tpu.memory_space<vmem>>
      %dma_start3A_660 = tpu.memref_squeeze %dma_start3A_659 : memref<1x128xi32, #tpu.memory_space<vmem>> -> memref<128xi32, #tpu.memory_space<vmem>>
      %dma_start3A_661 = arith.constant 0 : i32
      %dma_start3A_662 = tpu.memref_slice %arg6[%dma_start3A_661] : memref<200704xf32, #tpu.memory_space<hbm>> -> memref<200704xf32, #tpu.memory_space<hbm>>
      tpu.enqueue_indirect_dma source(%dma_start3A_662 : memref<200704xf32, #tpu.memory_space<hbm>>) target(%dma_start3A_657 : memref<128xf32, #tpu.memory_space<vmem>>) offsets(%dma_start3A_660 : memref<128xi32, #tpu.memory_space<vmem>>) semaphore(%arg22 : memref<!tpu.dma_semaphore, #tpu.memory_space<semaphore_mem>>)
      %dma_start3A_663 = arith.constant 7 : i32
      %dma_start3A_664 = arith.constant 896 : i32
      %dma_start3A_665 = tpu.memref_slice %arg17[%dma_start3A_664] : memref<1024xf32, #tpu.memory_space<vmem>> -> memref<128xf32, #tpu.memory_space<vmem>>
      %dma_start3A_666 = arith.constant 0 : i32
      %dma_start3A_667 = tpu.memref_slice %arg13[%dma_start3A_663, %dma_start3A_666] : memref<8x128xi32, #tpu.memory_space<vmem>> -> memref<1x128xi32, #tpu.memory_space<vmem>>
      %dma_start3A_668 = tpu.memref_squeeze %dma_start3A_667 : memref<1x128xi32, #tpu.memory_space<vmem>> -> memref<128xi32, #tpu.memory_space<vmem>>
      %dma_start3A_669 = arith.constant 0 : i32
      %dma_start3A_670 = tpu.memref_slice %arg5[%dma_start3A_669] : memref<200000xf32, #tpu.memory_space<hbm>> -> memref<200000xf32, #tpu.memory_space<hbm>>
      tpu.enqueue_indirect_dma source(%dma_start3A_670 : memref<200000xf32, #tpu.memory_space<hbm>>) target(%dma_start3A_665 : memref<128xf32, #tpu.memory_space<vmem>>) offsets(%dma_start3A_668 : memref<128xi32, #tpu.memory_space<vmem>>) semaphore(%arg22 : memref<!tpu.dma_semaphore, #tpu.memory_space<semaphore_mem>>)
      %dma_start3A_671 = arith.constant 7 : i32
      %dma_start3A_672 = arith.constant 896 : i32
      %dma_start3A_673 = tpu.memref_slice %arg19[%dma_start3A_672] : memref<1024xf32, #tpu.memory_space<vmem>> -> memref<128xf32, #tpu.memory_space<vmem>>
      %dma_start3A_674 = arith.constant 0 : i32
      %dma_start3A_675 = tpu.memref_slice %arg14[%dma_start3A_671, %dma_start3A_674] : memref<8x128xi32, #tpu.memory_space<vmem>> -> memref<1x128xi32, #tpu.memory_space<vmem>>
      %dma_start3A_676 = tpu.memref_squeeze %dma_start3A_675 : memref<1x128xi32, #tpu.memory_space<vmem>> -> memref<128xi32, #tpu.memory_space<vmem>>
      %dma_start3A_677 = arith.constant 0 : i32
      %dma_start3A_678 = tpu.memref_slice %arg6[%dma_start3A_677] : memref<200704xf32, #tpu.memory_space<hbm>> -> memref<200704xf32, #tpu.memory_space<hbm>>
      tpu.enqueue_indirect_dma source(%dma_start3A_678 : memref<200704xf32, #tpu.memory_space<hbm>>) target(%dma_start3A_673 : memref<128xf32, #tpu.memory_space<vmem>>) offsets(%dma_start3A_676 : memref<128xi32, #tpu.memory_space<vmem>>) semaphore(%arg22 : memref<!tpu.dma_semaphore, #tpu.memory_space<semaphore_mem>>)
      %dma_wait3A_679 = arith.constant 0 : i32
      %dma_wait3A_680 = arith.constant 0 : i32
      %dma_wait3A_681 = tpu.memref_slice %arg16[%dma_wait3A_680] : memref<1024xf32, #tpu.memory_space<vmem>> -> memref<128xf32, #tpu.memory_space<vmem>>
      %dma_wait3A_682 = arith.constant 0 : i32
      %dma_wait3A_683 = tpu.memref_slice %arg10[%dma_wait3A_679, %dma_wait3A_682] : memref<8x128xi32, #tpu.memory_space<vmem>> -> memref<1x128xi32, #tpu.memory_space<vmem>>
      %dma_wait3A_684 = tpu.memref_squeeze %dma_wait3A_683 : memref<1x128xi32, #tpu.memory_space<vmem>> -> memref<128xi32, #tpu.memory_space<vmem>>
      %dma_wait3A_685 = arith.constant 0 : i32
      %dma_wait3A_686 = tpu.memref_slice %arg5[%dma_wait3A_685] : memref<200000xf32, #tpu.memory_space<hbm>> -> memref<200000xf32, #tpu.memory_space<hbm>>
      tpu.wait_indirect_dma semaphore(%arg21 : memref<!tpu.dma_semaphore, #tpu.memory_space<semaphore_mem>>) src(%dma_wait3A_686 : memref<200000xf32, #tpu.memory_space<hbm>>) dst(%dma_wait3A_681 : memref<128xf32, #tpu.memory_space<vmem>>)
      %dma_wait3A_687 = arith.constant 0 : i32
      %dma_wait3A_688 = arith.constant 0 : i32
      %dma_wait3A_689 = tpu.memref_slice %arg18[%dma_wait3A_688] : memref<1024xf32, #tpu.memory_space<vmem>> -> memref<128xf32, #tpu.memory_space<vmem>>
      %dma_wait3A_690 = arith.constant 0 : i32
      %dma_wait3A_691 = tpu.memref_slice %arg11[%dma_wait3A_687, %dma_wait3A_690] : memref<8x128xi32, #tpu.memory_space<vmem>> -> memref<1x128xi32, #tpu.memory_space<vmem>>
      %dma_wait3A_692 = tpu.memref_squeeze %dma_wait3A_691 : memref<1x128xi32, #tpu.memory_space<vmem>> -> memref<128xi32, #tpu.memory_space<vmem>>
      %dma_wait3A_693 = arith.constant 0 : i32
      %dma_wait3A_694 = tpu.memref_slice %arg6[%dma_wait3A_693] : memref<200704xf32, #tpu.memory_space<hbm>> -> memref<200704xf32, #tpu.memory_space<hbm>>
      tpu.wait_indirect_dma semaphore(%arg21 : memref<!tpu.dma_semaphore, #tpu.memory_space<semaphore_mem>>) src(%dma_wait3A_694 : memref<200704xf32, #tpu.memory_space<hbm>>) dst(%dma_wait3A_689 : memref<128xf32, #tpu.memory_space<vmem>>)
      %dma_wait3A_695 = arith.constant 1 : i32
      %dma_wait3A_696 = arith.constant 128 : i32
      %dma_wait3A_697 = tpu.memref_slice %arg16[%dma_wait3A_696] : memref<1024xf32, #tpu.memory_space<vmem>> -> memref<128xf32, #tpu.memory_space<vmem>>
      %dma_wait3A_698 = arith.constant 0 : i32
      %dma_wait3A_699 = tpu.memref_slice %arg10[%dma_wait3A_695, %dma_wait3A_698] : memref<8x128xi32, #tpu.memory_space<vmem>> -> memref<1x128xi32, #tpu.memory_space<vmem>>
      %dma_wait3A_700 = tpu.memref_squeeze %dma_wait3A_699 : memref<1x128xi32, #tpu.memory_space<vmem>> -> memref<128xi32, #tpu.memory_space<vmem>>
      %dma_wait3A_701 = arith.constant 0 : i32
      %dma_wait3A_702 = tpu.memref_slice %arg5[%dma_wait3A_701] : memref<200000xf32, #tpu.memory_space<hbm>> -> memref<200000xf32, #tpu.memory_space<hbm>>
      tpu.wait_indirect_dma semaphore(%arg21 : memref<!tpu.dma_semaphore, #tpu.memory_space<semaphore_mem>>) src(%dma_wait3A_702 : memref<200000xf32, #tpu.memory_space<hbm>>) dst(%dma_wait3A_697 : memref<128xf32, #tpu.memory_space<vmem>>)
      %dma_wait3A_703 = arith.constant 1 : i32
      %dma_wait3A_704 = arith.constant 128 : i32
      %dma_wait3A_705 = tpu.memref_slice %arg18[%dma_wait3A_704] : memref<1024xf32, #tpu.memory_space<vmem>> -> memref<128xf32, #tpu.memory_space<vmem>>
      %dma_wait3A_706 = arith.constant 0 : i32
      %dma_wait3A_707 = tpu.memref_slice %arg11[%dma_wait3A_703, %dma_wait3A_706] : memref<8x128xi32, #tpu.memory_space<vmem>> -> memref<1x128xi32, #tpu.memory_space<vmem>>
      %dma_wait3A_708 = tpu.memref_squeeze %dma_wait3A_707 : memref<1x128xi32, #tpu.memory_space<vmem>> -> memref<128xi32, #tpu.memory_space<vmem>>
      %dma_wait3A_709 = arith.constant 0 : i32
      %dma_wait3A_710 = tpu.memref_slice %arg6[%dma_wait3A_709] : memref<200704xf32, #tpu.memory_space<hbm>> -> memref<200704xf32, #tpu.memory_space<hbm>>
      tpu.wait_indirect_dma semaphore(%arg21 : memref<!tpu.dma_semaphore, #tpu.memory_space<semaphore_mem>>) src(%dma_wait3A_710 : memref<200704xf32, #tpu.memory_space<hbm>>) dst(%dma_wait3A_705 : memref<128xf32, #tpu.memory_space<vmem>>)
      %dma_wait3A_711 = arith.constant 2 : i32
      %dma_wait3A_712 = arith.constant 256 : i32
      %dma_wait3A_713 = tpu.memref_slice %arg16[%dma_wait3A_712] : memref<1024xf32, #tpu.memory_space<vmem>> -> memref<128xf32, #tpu.memory_space<vmem>>
      %dma_wait3A_714 = arith.constant 0 : i32
      %dma_wait3A_715 = tpu.memref_slice %arg10[%dma_wait3A_711, %dma_wait3A_714] : memref<8x128xi32, #tpu.memory_space<vmem>> -> memref<1x128xi32, #tpu.memory_space<vmem>>
      %dma_wait3A_716 = tpu.memref_squeeze %dma_wait3A_715 : memref<1x128xi32, #tpu.memory_space<vmem>> -> memref<128xi32, #tpu.memory_space<vmem>>
      %dma_wait3A_717 = arith.constant 0 : i32
      %dma_wait3A_718 = tpu.memref_slice %arg5[%dma_wait3A_717] : memref<200000xf32, #tpu.memory_space<hbm>> -> memref<200000xf32, #tpu.memory_space<hbm>>
      tpu.wait_indirect_dma semaphore(%arg21 : memref<!tpu.dma_semaphore, #tpu.memory_space<semaphore_mem>>) src(%dma_wait3A_718 : memref<200000xf32, #tpu.memory_space<hbm>>) dst(%dma_wait3A_713 : memref<128xf32, #tpu.memory_space<vmem>>)
      %dma_wait3A_719 = arith.constant 2 : i32
      %dma_wait3A_720 = arith.constant 256 : i32
      %dma_wait3A_721 = tpu.memref_slice %arg18[%dma_wait3A_720] : memref<1024xf32, #tpu.memory_space<vmem>> -> memref<128xf32, #tpu.memory_space<vmem>>
      %dma_wait3A_722 = arith.constant 0 : i32
      %dma_wait3A_723 = tpu.memref_slice %arg11[%dma_wait3A_719, %dma_wait3A_722] : memref<8x128xi32, #tpu.memory_space<vmem>> -> memref<1x128xi32, #tpu.memory_space<vmem>>
      %dma_wait3A_724 = tpu.memref_squeeze %dma_wait3A_723 : memref<1x128xi32, #tpu.memory_space<vmem>> -> memref<128xi32, #tpu.memory_space<vmem>>
      %dma_wait3A_725 = arith.constant 0 : i32
      %dma_wait3A_726 = tpu.memref_slice %arg6[%dma_wait3A_725] : memref<200704xf32, #tpu.memory_space<hbm>> -> memref<200704xf32, #tpu.memory_space<hbm>>
      tpu.wait_indirect_dma semaphore(%arg21 : memref<!tpu.dma_semaphore, #tpu.memory_space<semaphore_mem>>) src(%dma_wait3A_726 : memref<200704xf32, #tpu.memory_space<hbm>>) dst(%dma_wait3A_721 : memref<128xf32, #tpu.memory_space<vmem>>)
      %dma_wait3A_727 = arith.constant 3 : i32
      %dma_wait3A_728 = arith.constant 384 : i32
      %dma_wait3A_729 = tpu.memref_slice %arg16[%dma_wait3A_728] : memref<1024xf32, #tpu.memory_space<vmem>> -> memref<128xf32, #tpu.memory_space<vmem>>
      %dma_wait3A_730 = arith.constant 0 : i32
      %dma_wait3A_731 = tpu.memref_slice %arg10[%dma_wait3A_727, %dma_wait3A_730] : memref<8x128xi32, #tpu.memory_space<vmem>> -> memref<1x128xi32, #tpu.memory_space<vmem>>
      %dma_wait3A_732 = tpu.memref_squeeze %dma_wait3A_731 : memref<1x128xi32, #tpu.memory_space<vmem>> -> memref<128xi32, #tpu.memory_space<vmem>>
      %dma_wait3A_733 = arith.constant 0 : i32
      %dma_wait3A_734 = tpu.memref_slice %arg5[%dma_wait3A_733] : memref<200000xf32, #tpu.memory_space<hbm>> -> memref<200000xf32, #tpu.memory_space<hbm>>
      tpu.wait_indirect_dma semaphore(%arg21 : memref<!tpu.dma_semaphore, #tpu.memory_space<semaphore_mem>>) src(%dma_wait3A_734 : memref<200000xf32, #tpu.memory_space<hbm>>) dst(%dma_wait3A_729 : memref<128xf32, #tpu.memory_space<vmem>>)
      %dma_wait3A_735 = arith.constant 3 : i32
      %dma_wait3A_736 = arith.constant 384 : i32
      %dma_wait3A_737 = tpu.memref_slice %arg18[%dma_wait3A_736] : memref<1024xf32, #tpu.memory_space<vmem>> -> memref<128xf32, #tpu.memory_space<vmem>>
      %dma_wait3A_738 = arith.constant 0 : i32
      %dma_wait3A_739 = tpu.memref_slice %arg11[%dma_wait3A_735, %dma_wait3A_738] : memref<8x128xi32, #tpu.memory_space<vmem>> -> memref<1x128xi32, #tpu.memory_space<vmem>>
      %dma_wait3A_740 = tpu.memref_squeeze %dma_wait3A_739 : memref<1x128xi32, #tpu.memory_space<vmem>> -> memref<128xi32, #tpu.memory_space<vmem>>
      %dma_wait3A_741 = arith.constant 0 : i32
      %dma_wait3A_742 = tpu.memref_slice %arg6[%dma_wait3A_741] : memref<200704xf32, #tpu.memory_space<hbm>> -> memref<200704xf32, #tpu.memory_space<hbm>>
      tpu.wait_indirect_dma semaphore(%arg21 : memref<!tpu.dma_semaphore, #tpu.memory_space<semaphore_mem>>) src(%dma_wait3A_742 : memref<200704xf32, #tpu.memory_space<hbm>>) dst(%dma_wait3A_737 : memref<128xf32, #tpu.memory_space<vmem>>)
      %dma_wait3A_743 = arith.constant 4 : i32
      %dma_wait3A_744 = arith.constant 512 : i32
      %dma_wait3A_745 = tpu.memref_slice %arg16[%dma_wait3A_744] : memref<1024xf32, #tpu.memory_space<vmem>> -> memref<128xf32, #tpu.memory_space<vmem>>
      %dma_wait3A_746 = arith.constant 0 : i32
      %dma_wait3A_747 = tpu.memref_slice %arg10[%dma_wait3A_743, %dma_wait3A_746] : memref<8x128xi32, #tpu.memory_space<vmem>> -> memref<1x128xi32, #tpu.memory_space<vmem>>
      %dma_wait3A_748 = tpu.memref_squeeze %dma_wait3A_747 : memref<1x128xi32, #tpu.memory_space<vmem>> -> memref<128xi32, #tpu.memory_space<vmem>>
      %dma_wait3A_749 = arith.constant 0 : i32
      %dma_wait3A_750 = tpu.memref_slice %arg5[%dma_wait3A_749] : memref<200000xf32, #tpu.memory_space<hbm>> -> memref<200000xf32, #tpu.memory_space<hbm>>
      tpu.wait_indirect_dma semaphore(%arg21 : memref<!tpu.dma_semaphore, #tpu.memory_space<semaphore_mem>>) src(%dma_wait3A_750 : memref<200000xf32, #tpu.memory_space<hbm>>) dst(%dma_wait3A_745 : memref<128xf32, #tpu.memory_space<vmem>>)
      %dma_wait3A_751 = arith.constant 4 : i32
      %dma_wait3A_752 = arith.constant 512 : i32
      %dma_wait3A_753 = tpu.memref_slice %arg18[%dma_wait3A_752] : memref<1024xf32, #tpu.memory_space<vmem>> -> memref<128xf32, #tpu.memory_space<vmem>>
      %dma_wait3A_754 = arith.constant 0 : i32
      %dma_wait3A_755 = tpu.memref_slice %arg11[%dma_wait3A_751, %dma_wait3A_754] : memref<8x128xi32, #tpu.memory_space<vmem>> -> memref<1x128xi32, #tpu.memory_space<vmem>>
      %dma_wait3A_756 = tpu.memref_squeeze %dma_wait3A_755 : memref<1x128xi32, #tpu.memory_space<vmem>> -> memref<128xi32, #tpu.memory_space<vmem>>
      %dma_wait3A_757 = arith.constant 0 : i32
      %dma_wait3A_758 = tpu.memref_slice %arg6[%dma_wait3A_757] : memref<200704xf32, #tpu.memory_space<hbm>> -> memref<200704xf32, #tpu.memory_space<hbm>>
      tpu.wait_indirect_dma semaphore(%arg21 : memref<!tpu.dma_semaphore, #tpu.memory_space<semaphore_mem>>) src(%dma_wait3A_758 : memref<200704xf32, #tpu.memory_space<hbm>>) dst(%dma_wait3A_753 : memref<128xf32, #tpu.memory_space<vmem>>)
      %dma_wait3A_759 = arith.constant 5 : i32
      %dma_wait3A_760 = arith.constant 640 : i32
      %dma_wait3A_761 = tpu.memref_slice %arg16[%dma_wait3A_760] : memref<1024xf32, #tpu.memory_space<vmem>> -> memref<128xf32, #tpu.memory_space<vmem>>
      %dma_wait3A_762 = arith.constant 0 : i32
      %dma_wait3A_763 = tpu.memref_slice %arg10[%dma_wait3A_759, %dma_wait3A_762] : memref<8x128xi32, #tpu.memory_space<vmem>> -> memref<1x128xi32, #tpu.memory_space<vmem>>
      %dma_wait3A_764 = tpu.memref_squeeze %dma_wait3A_763 : memref<1x128xi32, #tpu.memory_space<vmem>> -> memref<128xi32, #tpu.memory_space<vmem>>
      %dma_wait3A_765 = arith.constant 0 : i32
      %dma_wait3A_766 = tpu.memref_slice %arg5[%dma_wait3A_765] : memref<200000xf32, #tpu.memory_space<hbm>> -> memref<200000xf32, #tpu.memory_space<hbm>>
      tpu.wait_indirect_dma semaphore(%arg21 : memref<!tpu.dma_semaphore, #tpu.memory_space<semaphore_mem>>) src(%dma_wait3A_766 : memref<200000xf32, #tpu.memory_space<hbm>>) dst(%dma_wait3A_761 : memref<128xf32, #tpu.memory_space<vmem>>)
      %dma_wait3A_767 = arith.constant 5 : i32
      %dma_wait3A_768 = arith.constant 640 : i32
      %dma_wait3A_769 = tpu.memref_slice %arg18[%dma_wait3A_768] : memref<1024xf32, #tpu.memory_space<vmem>> -> memref<128xf32, #tpu.memory_space<vmem>>
      %dma_wait3A_770 = arith.constant 0 : i32
      %dma_wait3A_771 = tpu.memref_slice %arg11[%dma_wait3A_767, %dma_wait3A_770] : memref<8x128xi32, #tpu.memory_space<vmem>> -> memref<1x128xi32, #tpu.memory_space<vmem>>
      %dma_wait3A_772 = tpu.memref_squeeze %dma_wait3A_771 : memref<1x128xi32, #tpu.memory_space<vmem>> -> memref<128xi32, #tpu.memory_space<vmem>>
      %dma_wait3A_773 = arith.constant 0 : i32
      %dma_wait3A_774 = tpu.memref_slice %arg6[%dma_wait3A_773] : memref<200704xf32, #tpu.memory_space<hbm>> -> memref<200704xf32, #tpu.memory_space<hbm>>
      tpu.wait_indirect_dma semaphore(%arg21 : memref<!tpu.dma_semaphore, #tpu.memory_space<semaphore_mem>>) src(%dma_wait3A_774 : memref<200704xf32, #tpu.memory_space<hbm>>) dst(%dma_wait3A_769 : memref<128xf32, #tpu.memory_space<vmem>>)
      %dma_wait3A_775 = arith.constant 6 : i32
      %dma_wait3A_776 = arith.constant 768 : i32
      %dma_wait3A_777 = tpu.memref_slice %arg16[%dma_wait3A_776] : memref<1024xf32, #tpu.memory_space<vmem>> -> memref<128xf32, #tpu.memory_space<vmem>>
      %dma_wait3A_778 = arith.constant 0 : i32
      %dma_wait3A_779 = tpu.memref_slice %arg10[%dma_wait3A_775, %dma_wait3A_778] : memref<8x128xi32, #tpu.memory_space<vmem>> -> memref<1x128xi32, #tpu.memory_space<vmem>>
      %dma_wait3A_780 = tpu.memref_squeeze %dma_wait3A_779 : memref<1x128xi32, #tpu.memory_space<vmem>> -> memref<128xi32, #tpu.memory_space<vmem>>
      %dma_wait3A_781 = arith.constant 0 : i32
      %dma_wait3A_782 = tpu.memref_slice %arg5[%dma_wait3A_781] : memref<200000xf32, #tpu.memory_space<hbm>> -> memref<200000xf32, #tpu.memory_space<hbm>>
      tpu.wait_indirect_dma semaphore(%arg21 : memref<!tpu.dma_semaphore, #tpu.memory_space<semaphore_mem>>) src(%dma_wait3A_782 : memref<200000xf32, #tpu.memory_space<hbm>>) dst(%dma_wait3A_777 : memref<128xf32, #tpu.memory_space<vmem>>)
      %dma_wait3A_783 = arith.constant 6 : i32
      %dma_wait3A_784 = arith.constant 768 : i32
      %dma_wait3A_785 = tpu.memref_slice %arg18[%dma_wait3A_784] : memref<1024xf32, #tpu.memory_space<vmem>> -> memref<128xf32, #tpu.memory_space<vmem>>
      %dma_wait3A_786 = arith.constant 0 : i32
      %dma_wait3A_787 = tpu.memref_slice %arg11[%dma_wait3A_783, %dma_wait3A_786] : memref<8x128xi32, #tpu.memory_space<vmem>> -> memref<1x128xi32, #tpu.memory_space<vmem>>
      %dma_wait3A_788 = tpu.memref_squeeze %dma_wait3A_787 : memref<1x128xi32, #tpu.memory_space<vmem>> -> memref<128xi32, #tpu.memory_space<vmem>>
      %dma_wait3A_789 = arith.constant 0 : i32
      %dma_wait3A_790 = tpu.memref_slice %arg6[%dma_wait3A_789] : memref<200704xf32, #tpu.memory_space<hbm>> -> memref<200704xf32, #tpu.memory_space<hbm>>
      tpu.wait_indirect_dma semaphore(%arg21 : memref<!tpu.dma_semaphore, #tpu.memory_space<semaphore_mem>>) src(%dma_wait3A_790 : memref<200704xf32, #tpu.memory_space<hbm>>) dst(%dma_wait3A_785 : memref<128xf32, #tpu.memory_space<vmem>>)
      %dma_wait3A_791 = arith.constant 7 : i32
      %dma_wait3A_792 = arith.constant 896 : i32
      %dma_wait3A_793 = tpu.memref_slice %arg16[%dma_wait3A_792] : memref<1024xf32, #tpu.memory_space<vmem>> -> memref<128xf32, #tpu.memory_space<vmem>>
      %dma_wait3A_794 = arith.constant 0 : i32
      %dma_wait3A_795 = tpu.memref_slice %arg10[%dma_wait3A_791, %dma_wait3A_794] : memref<8x128xi32, #tpu.memory_space<vmem>> -> memref<1x128xi32, #tpu.memory_space<vmem>>
      %dma_wait3A_796 = tpu.memref_squeeze %dma_wait3A_795 : memref<1x128xi32, #tpu.memory_space<vmem>> -> memref<128xi32, #tpu.memory_space<vmem>>
      %dma_wait3A_797 = arith.constant 0 : i32
      %dma_wait3A_798 = tpu.memref_slice %arg5[%dma_wait3A_797] : memref<200000xf32, #tpu.memory_space<hbm>> -> memref<200000xf32, #tpu.memory_space<hbm>>
      tpu.wait_indirect_dma semaphore(%arg21 : memref<!tpu.dma_semaphore, #tpu.memory_space<semaphore_mem>>) src(%dma_wait3A_798 : memref<200000xf32, #tpu.memory_space<hbm>>) dst(%dma_wait3A_793 : memref<128xf32, #tpu.memory_space<vmem>>)
      %dma_wait3A_799 = arith.constant 7 : i32
      %dma_wait3A_800 = arith.constant 896 : i32
      %dma_wait3A_801 = tpu.memref_slice %arg18[%dma_wait3A_800] : memref<1024xf32, #tpu.memory_space<vmem>> -> memref<128xf32, #tpu.memory_space<vmem>>
      %dma_wait3A_802 = arith.constant 0 : i32
      %dma_wait3A_803 = tpu.memref_slice %arg11[%dma_wait3A_799, %dma_wait3A_802] : memref<8x128xi32, #tpu.memory_space<vmem>> -> memref<1x128xi32, #tpu.memory_space<vmem>>
      %dma_wait3A_804 = tpu.memref_squeeze %dma_wait3A_803 : memref<1x128xi32, #tpu.memory_space<vmem>> -> memref<128xi32, #tpu.memory_space<vmem>>
      %dma_wait3A_805 = arith.constant 0 : i32
      %dma_wait3A_806 = tpu.memref_slice %arg6[%dma_wait3A_805] : memref<200704xf32, #tpu.memory_space<hbm>> -> memref<200704xf32, #tpu.memory_space<hbm>>
      tpu.wait_indirect_dma semaphore(%arg21 : memref<!tpu.dma_semaphore, #tpu.memory_space<semaphore_mem>>) src(%dma_wait3A_806 : memref<200704xf32, #tpu.memory_space<hbm>>) dst(%dma_wait3A_801 : memref<128xf32, #tpu.memory_space<vmem>>)
      %scan3A_807 = arith.constant 0 : i32
      %scan3A_808 = arith.constant 0 : i32
      %scan3A_809 = arith.constant 64 : i32
      %scan3A_810 = arith.addi %scan3A_808, %scan3A_809 : i32
      %scan3A_811 = arith.constant 1 : i32
      %scan3A_812 = scf.for %scan3A_1206 = %scan3A_808 to %scan3A_810 step %scan3A_811 iter_args(%scan3A_1207 = %scan3A_807) -> (i32)  : i32 {
        %mul3A_1208 = arith.constant 16 : i32
        %mul3A_1209 = arith.muli %scan3A_1206, %mul3A_1208 : i32
        %get3A = arith.index_cast %mul3A_1209 : i32 to index
        %get3A_1210 = tpu.vector_load %arg16[%get3A] {strides = array<i32>} : memref<1024xf32, #tpu.memory_space<vmem>>, vector<16xf32>,
        %get3A_1211 = vector.shape_cast %get3A_1210 : vector<16xf32> to vector<16xf32>
        %mul3A_1212 = arith.constant 16 : i32
        %mul3A_1213 = arith.muli %scan3A_1206, %mul3A_1212 : i32
        %get3A_1214 = arith.index_cast %mul3A_1213 : i32 to index
        %get3A_1215 = tpu.vector_load %arg18[%get3A_1214] {strides = array<i32>} : memref<1024xf32, #tpu.memory_space<vmem>>, vector<16xf32>,
        %get3A_1216 = vector.shape_cast %get3A_1215 : vector<16xf32> to vector<16xf32>
        %mul3A_1217 = arith.mulf %get3A_1211, %get3A_1216 : vector<16xf32>
        %mul3A_1218 = arith.constant 16 : i32
        %mul3A_1219 = arith.muli %scan3A_1206, %mul3A_1218 : i32
        %swap3A = arith.index_cast %mul3A_1219 : i32 to index
        %swap3A_1220 = tpu.vector_load %arg16[%swap3A] {strides = array<i32>} : memref<1024xf32, #tpu.memory_space<vmem>>, vector<16xf32>,
        %swap3A_1221 = vector.shape_cast %swap3A_1220 : vector<16xf32> to vector<16xf32>
        %swap3A_1222 = vector.shape_cast %mul3A_1217 : vector<16xf32> to vector<16xf32>
        tpu.vector_store %arg16[%swap3A], %swap3A_1222 {strides = array<i32>} : memref<1024xf32, #tpu.memory_space<vmem>>, vector<16xf32>,
        %scan3A_1223 = arith.constant 0 : i32
        scf.yield %scan3A_1223 : i32
      }
      %scan3A_813 = arith.constant 64 : i32
      %dma_start3A_814 = arith.constant 0 : i32
      %dma_start3A_815 = arith.constant 0 : i32
      %dma_start3A_816 = tpu.memref_slice %arg16[%dma_start3A_815] : memref<1024xf32, #tpu.memory_space<vmem>> -> memref<128xf32, #tpu.memory_space<vmem>>
      %dma_start3A_817 = arith.constant 0 : i32
      %dma_start3A_818 = tpu.memref_slice %arg12[%dma_start3A_814, %dma_start3A_817] : memref<8x128xi32, #tpu.memory_space<vmem>> -> memref<1x128xi32, #tpu.memory_space<vmem>>
      %dma_start3A_819 = tpu.memref_squeeze %dma_start3A_818 : memref<1x128xi32, #tpu.memory_space<vmem>> -> memref<128xi32, #tpu.memory_space<vmem>>
      %dma_start3A_820 = arith.constant 0 : i32
      %dma_start3A_821 = tpu.memref_slice %arg9[%dma_start3A_820] : memref<51200xf32, #tpu.memory_space<vmem_shared>> -> memref<51200xf32, #tpu.memory_space<vmem_shared>>
      tpu.enqueue_indirect_dma source(%dma_start3A_816 : memref<128xf32, #tpu.memory_space<vmem>>) target(%dma_start3A_821 : memref<51200xf32, #tpu.memory_space<vmem_shared>>) offsets(%dma_start3A_819 : memref<128xi32, #tpu.memory_space<vmem>>) semaphore(%arg23 : memref<!tpu.dma_semaphore, #tpu.memory_space<semaphore_mem>>) {add = true}
      %dma_start3A_822 = arith.constant 1 : i32
      %dma_start3A_823 = arith.constant 128 : i32
      %dma_start3A_824 = tpu.memref_slice %arg16[%dma_start3A_823] : memref<1024xf32, #tpu.memory_space<vmem>> -> memref<128xf32, #tpu.memory_space<vmem>>
      %dma_start3A_825 = arith.constant 0 : i32
      %dma_start3A_826 = tpu.memref_slice %arg12[%dma_start3A_822, %dma_start3A_825] : memref<8x128xi32, #tpu.memory_space<vmem>> -> memref<1x128xi32, #tpu.memory_space<vmem>>
      %dma_start3A_827 = tpu.memref_squeeze %dma_start3A_826 : memref<1x128xi32, #tpu.memory_space<vmem>> -> memref<128xi32, #tpu.memory_space<vmem>>
      %dma_start3A_828 = arith.constant 0 : i32
      %dma_start3A_829 = tpu.memref_slice %arg9[%dma_start3A_828] : memref<51200xf32, #tpu.memory_space<vmem_shared>> -> memref<51200xf32, #tpu.memory_space<vmem_shared>>
      tpu.enqueue_indirect_dma source(%dma_start3A_824 : memref<128xf32, #tpu.memory_space<vmem>>) target(%dma_start3A_829 : memref<51200xf32, #tpu.memory_space<vmem_shared>>) offsets(%dma_start3A_827 : memref<128xi32, #tpu.memory_space<vmem>>) semaphore(%arg23 : memref<!tpu.dma_semaphore, #tpu.memory_space<semaphore_mem>>) {add = true}
      %dma_start3A_830 = arith.constant 2 : i32
      %dma_start3A_831 = arith.constant 256 : i32
      %dma_start3A_832 = tpu.memref_slice %arg16[%dma_start3A_831] : memref<1024xf32, #tpu.memory_space<vmem>> -> memref<128xf32, #tpu.memory_space<vmem>>
      %dma_start3A_833 = arith.constant 0 : i32
      %dma_start3A_834 = tpu.memref_slice %arg12[%dma_start3A_830, %dma_start3A_833] : memref<8x128xi32, #tpu.memory_space<vmem>> -> memref<1x128xi32, #tpu.memory_space<vmem>>
      %dma_start3A_835 = tpu.memref_squeeze %dma_start3A_834 : memref<1x128xi32, #tpu.memory_space<vmem>> -> memref<128xi32, #tpu.memory_space<vmem>>
      %dma_start3A_836 = arith.constant 0 : i32
      %dma_start3A_837 = tpu.memref_slice %arg9[%dma_start3A_836] : memref<51200xf32, #tpu.memory_space<vmem_shared>> -> memref<51200xf32, #tpu.memory_space<vmem_shared>>
      tpu.enqueue_indirect_dma source(%dma_start3A_832 : memref<128xf32, #tpu.memory_space<vmem>>) target(%dma_start3A_837 : memref<51200xf32, #tpu.memory_space<vmem_shared>>) offsets(%dma_start3A_835 : memref<128xi32, #tpu.memory_space<vmem>>) semaphore(%arg23 : memref<!tpu.dma_semaphore, #tpu.memory_space<semaphore_mem>>) {add = true}
      %dma_start3A_838 = arith.constant 3 : i32
      %dma_start3A_839 = arith.constant 384 : i32
      %dma_start3A_840 = tpu.memref_slice %arg16[%dma_start3A_839] : memref<1024xf32, #tpu.memory_space<vmem>> -> memref<128xf32, #tpu.memory_space<vmem>>
      %dma_start3A_841 = arith.constant 0 : i32
      %dma_start3A_842 = tpu.memref_slice %arg12[%dma_start3A_838, %dma_start3A_841] : memref<8x128xi32, #tpu.memory_space<vmem>> -> memref<1x128xi32, #tpu.memory_space<vmem>>
      %dma_start3A_843 = tpu.memref_squeeze %dma_start3A_842 : memref<1x128xi32, #tpu.memory_space<vmem>> -> memref<128xi32, #tpu.memory_space<vmem>>
      %dma_start3A_844 = arith.constant 0 : i32
      %dma_start3A_845 = tpu.memref_slice %arg9[%dma_start3A_844] : memref<51200xf32, #tpu.memory_space<vmem_shared>> -> memref<51200xf32, #tpu.memory_space<vmem_shared>>
      tpu.enqueue_indirect_dma source(%dma_start3A_840 : memref<128xf32, #tpu.memory_space<vmem>>) target(%dma_start3A_845 : memref<51200xf32, #tpu.memory_space<vmem_shared>>) offsets(%dma_start3A_843 : memref<128xi32, #tpu.memory_space<vmem>>) semaphore(%arg23 : memref<!tpu.dma_semaphore, #tpu.memory_space<semaphore_mem>>) {add = true}
      %dma_start3A_846 = arith.constant 4 : i32
      %dma_start3A_847 = arith.constant 512 : i32
      %dma_start3A_848 = tpu.memref_slice %arg16[%dma_start3A_847] : memref<1024xf32, #tpu.memory_space<vmem>> -> memref<128xf32, #tpu.memory_space<vmem>>
      %dma_start3A_849 = arith.constant 0 : i32
      %dma_start3A_850 = tpu.memref_slice %arg12[%dma_start3A_846, %dma_start3A_849] : memref<8x128xi32, #tpu.memory_space<vmem>> -> memref<1x128xi32, #tpu.memory_space<vmem>>
      %dma_start3A_851 = tpu.memref_squeeze %dma_start3A_850 : memref<1x128xi32, #tpu.memory_space<vmem>> -> memref<128xi32, #tpu.memory_space<vmem>>
      %dma_start3A_852 = arith.constant 0 : i32
      %dma_start3A_853 = tpu.memref_slice %arg9[%dma_start3A_852] : memref<51200xf32, #tpu.memory_space<vmem_shared>> -> memref<51200xf32, #tpu.memory_space<vmem_shared>>
      tpu.enqueue_indirect_dma source(%dma_start3A_848 : memref<128xf32, #tpu.memory_space<vmem>>) target(%dma_start3A_853 : memref<51200xf32, #tpu.memory_space<vmem_shared>>) offsets(%dma_start3A_851 : memref<128xi32, #tpu.memory_space<vmem>>) semaphore(%arg23 : memref<!tpu.dma_semaphore, #tpu.memory_space<semaphore_mem>>) {add = true}
      %dma_start3A_854 = arith.constant 5 : i32
      %dma_start3A_855 = arith.constant 640 : i32
      %dma_start3A_856 = tpu.memref_slice %arg16[%dma_start3A_855] : memref<1024xf32, #tpu.memory_space<vmem>> -> memref<128xf32, #tpu.memory_space<vmem>>
      %dma_start3A_857 = arith.constant 0 : i32
      %dma_start3A_858 = tpu.memref_slice %arg12[%dma_start3A_854, %dma_start3A_857] : memref<8x128xi32, #tpu.memory_space<vmem>> -> memref<1x128xi32, #tpu.memory_space<vmem>>
      %dma_start3A_859 = tpu.memref_squeeze %dma_start3A_858 : memref<1x128xi32, #tpu.memory_space<vmem>> -> memref<128xi32, #tpu.memory_space<vmem>>
      %dma_start3A_860 = arith.constant 0 : i32
      %dma_start3A_861 = tpu.memref_slice %arg9[%dma_start3A_860] : memref<51200xf32, #tpu.memory_space<vmem_shared>> -> memref<51200xf32, #tpu.memory_space<vmem_shared>>
      tpu.enqueue_indirect_dma source(%dma_start3A_856 : memref<128xf32, #tpu.memory_space<vmem>>) target(%dma_start3A_861 : memref<51200xf32, #tpu.memory_space<vmem_shared>>) offsets(%dma_start3A_859 : memref<128xi32, #tpu.memory_space<vmem>>) semaphore(%arg23 : memref<!tpu.dma_semaphore, #tpu.memory_space<semaphore_mem>>) {add = true}
      %dma_start3A_862 = arith.constant 6 : i32
      %dma_start3A_863 = arith.constant 768 : i32
      %dma_start3A_864 = tpu.memref_slice %arg16[%dma_start3A_863] : memref<1024xf32, #tpu.memory_space<vmem>> -> memref<128xf32, #tpu.memory_space<vmem>>
      %dma_start3A_865 = arith.constant 0 : i32
      %dma_start3A_866 = tpu.memref_slice %arg12[%dma_start3A_862, %dma_start3A_865] : memref<8x128xi32, #tpu.memory_space<vmem>> -> memref<1x128xi32, #tpu.memory_space<vmem>>
      %dma_start3A_867 = tpu.memref_squeeze %dma_start3A_866 : memref<1x128xi32, #tpu.memory_space<vmem>> -> memref<128xi32, #tpu.memory_space<vmem>>
      %dma_start3A_868 = arith.constant 0 : i32
      %dma_start3A_869 = tpu.memref_slice %arg9[%dma_start3A_868] : memref<51200xf32, #tpu.memory_space<vmem_shared>> -> memref<51200xf32, #tpu.memory_space<vmem_shared>>
      tpu.enqueue_indirect_dma source(%dma_start3A_864 : memref<128xf32, #tpu.memory_space<vmem>>) target(%dma_start3A_869 : memref<51200xf32, #tpu.memory_space<vmem_shared>>) offsets(%dma_start3A_867 : memref<128xi32, #tpu.memory_space<vmem>>) semaphore(%arg23 : memref<!tpu.dma_semaphore, #tpu.memory_space<semaphore_mem>>) {add = true}
      %dma_start3A_870 = arith.constant 7 : i32
      %dma_start3A_871 = arith.constant 896 : i32
      %dma_start3A_872 = tpu.memref_slice %arg16[%dma_start3A_871] : memref<1024xf32, #tpu.memory_space<vmem>> -> memref<128xf32, #tpu.memory_space<vmem>>
      %dma_start3A_873 = arith.constant 0 : i32
      %dma_start3A_874 = tpu.memref_slice %arg12[%dma_start3A_870, %dma_start3A_873] : memref<8x128xi32, #tpu.memory_space<vmem>> -> memref<1x128xi32, #tpu.memory_space<vmem>>
      %dma_start3A_875 = tpu.memref_squeeze %dma_start3A_874 : memref<1x128xi32, #tpu.memory_space<vmem>> -> memref<128xi32, #tpu.memory_space<vmem>>
      %dma_start3A_876 = arith.constant 0 : i32
      %dma_start3A_877 = tpu.memref_slice %arg9[%dma_start3A_876] : memref<51200xf32, #tpu.memory_space<vmem_shared>> -> memref<51200xf32, #tpu.memory_space<vmem_shared>>
      tpu.enqueue_indirect_dma source(%dma_start3A_872 : memref<128xf32, #tpu.memory_space<vmem>>) target(%dma_start3A_877 : memref<51200xf32, #tpu.memory_space<vmem_shared>>) offsets(%dma_start3A_875 : memref<128xi32, #tpu.memory_space<vmem>>) semaphore(%arg23 : memref<!tpu.dma_semaphore, #tpu.memory_space<semaphore_mem>>) {add = true}
      %dma_wait3A_878 = arith.constant 0 : i32
      %dma_wait3A_879 = arith.constant 0 : i32
      %dma_wait3A_880 = tpu.memref_slice %arg17[%dma_wait3A_879] : memref<1024xf32, #tpu.memory_space<vmem>> -> memref<128xf32, #tpu.memory_space<vmem>>
      %dma_wait3A_881 = arith.constant 0 : i32
      %dma_wait3A_882 = tpu.memref_slice %arg13[%dma_wait3A_878, %dma_wait3A_881] : memref<8x128xi32, #tpu.memory_space<vmem>> -> memref<1x128xi32, #tpu.memory_space<vmem>>
      %dma_wait3A_883 = tpu.memref_squeeze %dma_wait3A_882 : memref<1x128xi32, #tpu.memory_space<vmem>> -> memref<128xi32, #tpu.memory_space<vmem>>
      %dma_wait3A_884 = arith.constant 0 : i32
      %dma_wait3A_885 = tpu.memref_slice %arg5[%dma_wait3A_884] : memref<200000xf32, #tpu.memory_space<hbm>> -> memref<200000xf32, #tpu.memory_space<hbm>>
      tpu.wait_indirect_dma semaphore(%arg22 : memref<!tpu.dma_semaphore, #tpu.memory_space<semaphore_mem>>) src(%dma_wait3A_885 : memref<200000xf32, #tpu.memory_space<hbm>>) dst(%dma_wait3A_880 : memref<128xf32, #tpu.memory_space<vmem>>)
      %dma_wait3A_886 = arith.constant 0 : i32
      %dma_wait3A_887 = arith.constant 0 : i32
      %dma_wait3A_888 = tpu.memref_slice %arg19[%dma_wait3A_887] : memref<1024xf32, #tpu.memory_space<vmem>> -> memref<128xf32, #tpu.memory_space<vmem>>
      %dma_wait3A_889 = arith.constant 0 : i32
      %dma_wait3A_890 = tpu.memref_slice %arg14[%dma_wait3A_886, %dma_wait3A_889] : memref<8x128xi32, #tpu.memory_space<vmem>> -> memref<1x128xi32, #tpu.memory_space<vmem>>
      %dma_wait3A_891 = tpu.memref_squeeze %dma_wait3A_890 : memref<1x128xi32, #tpu.memory_space<vmem>> -> memref<128xi32, #tpu.memory_space<vmem>>
      %dma_wait3A_892 = arith.constant 0 : i32
      %dma_wait3A_893 = tpu.memref_slice %arg6[%dma_wait3A_892] : memref<200704xf32, #tpu.memory_space<hbm>> -> memref<200704xf32, #tpu.memory_space<hbm>>
      tpu.wait_indirect_dma semaphore(%arg22 : memref<!tpu.dma_semaphore, #tpu.memory_space<semaphore_mem>>) src(%dma_wait3A_893 : memref<200704xf32, #tpu.memory_space<hbm>>) dst(%dma_wait3A_888 : memref<128xf32, #tpu.memory_space<vmem>>)
      %dma_wait3A_894 = arith.constant 1 : i32
      %dma_wait3A_895 = arith.constant 128 : i32
      %dma_wait3A_896 = tpu.memref_slice %arg17[%dma_wait3A_895] : memref<1024xf32, #tpu.memory_space<vmem>> -> memref<128xf32, #tpu.memory_space<vmem>>
      %dma_wait3A_897 = arith.constant 0 : i32
      %dma_wait3A_898 = tpu.memref_slice %arg13[%dma_wait3A_894, %dma_wait3A_897] : memref<8x128xi32, #tpu.memory_space<vmem>> -> memref<1x128xi32, #tpu.memory_space<vmem>>
      %dma_wait3A_899 = tpu.memref_squeeze %dma_wait3A_898 : memref<1x128xi32, #tpu.memory_space<vmem>> -> memref<128xi32, #tpu.memory_space<vmem>>
      %dma_wait3A_900 = arith.constant 0 : i32
      %dma_wait3A_901 = tpu.memref_slice %arg5[%dma_wait3A_900] : memref<200000xf32, #tpu.memory_space<hbm>> -> memref<200000xf32, #tpu.memory_space<hbm>>
      tpu.wait_indirect_dma semaphore(%arg22 : memref<!tpu.dma_semaphore, #tpu.memory_space<semaphore_mem>>) src(%dma_wait3A_901 : memref<200000xf32, #tpu.memory_space<hbm>>) dst(%dma_wait3A_896 : memref<128xf32, #tpu.memory_space<vmem>>)
      %dma_wait3A_902 = arith.constant 1 : i32
      %dma_wait3A_903 = arith.constant 128 : i32
      %dma_wait3A_904 = tpu.memref_slice %arg19[%dma_wait3A_903] : memref<1024xf32, #tpu.memory_space<vmem>> -> memref<128xf32, #tpu.memory_space<vmem>>
      %dma_wait3A_905 = arith.constant 0 : i32
      %dma_wait3A_906 = tpu.memref_slice %arg14[%dma_wait3A_902, %dma_wait3A_905] : memref<8x128xi32, #tpu.memory_space<vmem>> -> memref<1x128xi32, #tpu.memory_space<vmem>>
      %dma_wait3A_907 = tpu.memref_squeeze %dma_wait3A_906 : memref<1x128xi32, #tpu.memory_space<vmem>> -> memref<128xi32, #tpu.memory_space<vmem>>
      %dma_wait3A_908 = arith.constant 0 : i32
      %dma_wait3A_909 = tpu.memref_slice %arg6[%dma_wait3A_908] : memref<200704xf32, #tpu.memory_space<hbm>> -> memref<200704xf32, #tpu.memory_space<hbm>>
      tpu.wait_indirect_dma semaphore(%arg22 : memref<!tpu.dma_semaphore, #tpu.memory_space<semaphore_mem>>) src(%dma_wait3A_909 : memref<200704xf32, #tpu.memory_space<hbm>>) dst(%dma_wait3A_904 : memref<128xf32, #tpu.memory_space<vmem>>)
      %dma_wait3A_910 = arith.constant 2 : i32
      %dma_wait3A_911 = arith.constant 256 : i32
      %dma_wait3A_912 = tpu.memref_slice %arg17[%dma_wait3A_911] : memref<1024xf32, #tpu.memory_space<vmem>> -> memref<128xf32, #tpu.memory_space<vmem>>
      %dma_wait3A_913 = arith.constant 0 : i32
      %dma_wait3A_914 = tpu.memref_slice %arg13[%dma_wait3A_910, %dma_wait3A_913] : memref<8x128xi32, #tpu.memory_space<vmem>> -> memref<1x128xi32, #tpu.memory_space<vmem>>
      %dma_wait3A_915 = tpu.memref_squeeze %dma_wait3A_914 : memref<1x128xi32, #tpu.memory_space<vmem>> -> memref<128xi32, #tpu.memory_space<vmem>>
      %dma_wait3A_916 = arith.constant 0 : i32
      %dma_wait3A_917 = tpu.memref_slice %arg5[%dma_wait3A_916] : memref<200000xf32, #tpu.memory_space<hbm>> -> memref<200000xf32, #tpu.memory_space<hbm>>
      tpu.wait_indirect_dma semaphore(%arg22 : memref<!tpu.dma_semaphore, #tpu.memory_space<semaphore_mem>>) src(%dma_wait3A_917 : memref<200000xf32, #tpu.memory_space<hbm>>) dst(%dma_wait3A_912 : memref<128xf32, #tpu.memory_space<vmem>>)
      %dma_wait3A_918 = arith.constant 2 : i32
      %dma_wait3A_919 = arith.constant 256 : i32
      %dma_wait3A_920 = tpu.memref_slice %arg19[%dma_wait3A_919] : memref<1024xf32, #tpu.memory_space<vmem>> -> memref<128xf32, #tpu.memory_space<vmem>>
      %dma_wait3A_921 = arith.constant 0 : i32
      %dma_wait3A_922 = tpu.memref_slice %arg14[%dma_wait3A_918, %dma_wait3A_921] : memref<8x128xi32, #tpu.memory_space<vmem>> -> memref<1x128xi32, #tpu.memory_space<vmem>>
      %dma_wait3A_923 = tpu.memref_squeeze %dma_wait3A_922 : memref<1x128xi32, #tpu.memory_space<vmem>> -> memref<128xi32, #tpu.memory_space<vmem>>
      %dma_wait3A_924 = arith.constant 0 : i32
      %dma_wait3A_925 = tpu.memref_slice %arg6[%dma_wait3A_924] : memref<200704xf32, #tpu.memory_space<hbm>> -> memref<200704xf32, #tpu.memory_space<hbm>>
      tpu.wait_indirect_dma semaphore(%arg22 : memref<!tpu.dma_semaphore, #tpu.memory_space<semaphore_mem>>) src(%dma_wait3A_925 : memref<200704xf32, #tpu.memory_space<hbm>>) dst(%dma_wait3A_920 : memref<128xf32, #tpu.memory_space<vmem>>)
      %dma_wait3A_926 = arith.constant 3 : i32
      %dma_wait3A_927 = arith.constant 384 : i32
      %dma_wait3A_928 = tpu.memref_slice %arg17[%dma_wait3A_927] : memref<1024xf32, #tpu.memory_space<vmem>> -> memref<128xf32, #tpu.memory_space<vmem>>
      %dma_wait3A_929 = arith.constant 0 : i32
      %dma_wait3A_930 = tpu.memref_slice %arg13[%dma_wait3A_926, %dma_wait3A_929] : memref<8x128xi32, #tpu.memory_space<vmem>> -> memref<1x128xi32, #tpu.memory_space<vmem>>
      %dma_wait3A_931 = tpu.memref_squeeze %dma_wait3A_930 : memref<1x128xi32, #tpu.memory_space<vmem>> -> memref<128xi32, #tpu.memory_space<vmem>>
      %dma_wait3A_932 = arith.constant 0 : i32
      %dma_wait3A_933 = tpu.memref_slice %arg5[%dma_wait3A_932] : memref<200000xf32, #tpu.memory_space<hbm>> -> memref<200000xf32, #tpu.memory_space<hbm>>
      tpu.wait_indirect_dma semaphore(%arg22 : memref<!tpu.dma_semaphore, #tpu.memory_space<semaphore_mem>>) src(%dma_wait3A_933 : memref<200000xf32, #tpu.memory_space<hbm>>) dst(%dma_wait3A_928 : memref<128xf32, #tpu.memory_space<vmem>>)
      %dma_wait3A_934 = arith.constant 3 : i32
      %dma_wait3A_935 = arith.constant 384 : i32
      %dma_wait3A_936 = tpu.memref_slice %arg19[%dma_wait3A_935] : memref<1024xf32, #tpu.memory_space<vmem>> -> memref<128xf32, #tpu.memory_space<vmem>>
      %dma_wait3A_937 = arith.constant 0 : i32
      %dma_wait3A_938 = tpu.memref_slice %arg14[%dma_wait3A_934, %dma_wait3A_937] : memref<8x128xi32, #tpu.memory_space<vmem>> -> memref<1x128xi32, #tpu.memory_space<vmem>>
      %dma_wait3A_939 = tpu.memref_squeeze %dma_wait3A_938 : memref<1x128xi32, #tpu.memory_space<vmem>> -> memref<128xi32, #tpu.memory_space<vmem>>
      %dma_wait3A_940 = arith.constant 0 : i32
      %dma_wait3A_941 = tpu.memref_slice %arg6[%dma_wait3A_940] : memref<200704xf32, #tpu.memory_space<hbm>> -> memref<200704xf32, #tpu.memory_space<hbm>>
      tpu.wait_indirect_dma semaphore(%arg22 : memref<!tpu.dma_semaphore, #tpu.memory_space<semaphore_mem>>) src(%dma_wait3A_941 : memref<200704xf32, #tpu.memory_space<hbm>>) dst(%dma_wait3A_936 : memref<128xf32, #tpu.memory_space<vmem>>)
      %dma_wait3A_942 = arith.constant 4 : i32
      %dma_wait3A_943 = arith.constant 512 : i32
      %dma_wait3A_944 = tpu.memref_slice %arg17[%dma_wait3A_943] : memref<1024xf32, #tpu.memory_space<vmem>> -> memref<128xf32, #tpu.memory_space<vmem>>
      %dma_wait3A_945 = arith.constant 0 : i32
      %dma_wait3A_946 = tpu.memref_slice %arg13[%dma_wait3A_942, %dma_wait3A_945] : memref<8x128xi32, #tpu.memory_space<vmem>> -> memref<1x128xi32, #tpu.memory_space<vmem>>
      %dma_wait3A_947 = tpu.memref_squeeze %dma_wait3A_946 : memref<1x128xi32, #tpu.memory_space<vmem>> -> memref<128xi32, #tpu.memory_space<vmem>>
      %dma_wait3A_948 = arith.constant 0 : i32
      %dma_wait3A_949 = tpu.memref_slice %arg5[%dma_wait3A_948] : memref<200000xf32, #tpu.memory_space<hbm>> -> memref<200000xf32, #tpu.memory_space<hbm>>
      tpu.wait_indirect_dma semaphore(%arg22 : memref<!tpu.dma_semaphore, #tpu.memory_space<semaphore_mem>>) src(%dma_wait3A_949 : memref<200000xf32, #tpu.memory_space<hbm>>) dst(%dma_wait3A_944 : memref<128xf32, #tpu.memory_space<vmem>>)
      %dma_wait3A_950 = arith.constant 4 : i32
      %dma_wait3A_951 = arith.constant 512 : i32
      %dma_wait3A_952 = tpu.memref_slice %arg19[%dma_wait3A_951] : memref<1024xf32, #tpu.memory_space<vmem>> -> memref<128xf32, #tpu.memory_space<vmem>>
      %dma_wait3A_953 = arith.constant 0 : i32
      %dma_wait3A_954 = tpu.memref_slice %arg14[%dma_wait3A_950, %dma_wait3A_953] : memref<8x128xi32, #tpu.memory_space<vmem>> -> memref<1x128xi32, #tpu.memory_space<vmem>>
      %dma_wait3A_955 = tpu.memref_squeeze %dma_wait3A_954 : memref<1x128xi32, #tpu.memory_space<vmem>> -> memref<128xi32, #tpu.memory_space<vmem>>
      %dma_wait3A_956 = arith.constant 0 : i32
      %dma_wait3A_957 = tpu.memref_slice %arg6[%dma_wait3A_956] : memref<200704xf32, #tpu.memory_space<hbm>> -> memref<200704xf32, #tpu.memory_space<hbm>>
      tpu.wait_indirect_dma semaphore(%arg22 : memref<!tpu.dma_semaphore, #tpu.memory_space<semaphore_mem>>) src(%dma_wait3A_957 : memref<200704xf32, #tpu.memory_space<hbm>>) dst(%dma_wait3A_952 : memref<128xf32, #tpu.memory_space<vmem>>)
      %dma_wait3A_958 = arith.constant 5 : i32
      %dma_wait3A_959 = arith.constant 640 : i32
      %dma_wait3A_960 = tpu.memref_slice %arg17[%dma_wait3A_959] : memref<1024xf32, #tpu.memory_space<vmem>> -> memref<128xf32, #tpu.memory_space<vmem>>
      %dma_wait3A_961 = arith.constant 0 : i32
      %dma_wait3A_962 = tpu.memref_slice %arg13[%dma_wait3A_958, %dma_wait3A_961] : memref<8x128xi32, #tpu.memory_space<vmem>> -> memref<1x128xi32, #tpu.memory_space<vmem>>
      %dma_wait3A_963 = tpu.memref_squeeze %dma_wait3A_962 : memref<1x128xi32, #tpu.memory_space<vmem>> -> memref<128xi32, #tpu.memory_space<vmem>>
      %dma_wait3A_964 = arith.constant 0 : i32
      %dma_wait3A_965 = tpu.memref_slice %arg5[%dma_wait3A_964] : memref<200000xf32, #tpu.memory_space<hbm>> -> memref<200000xf32, #tpu.memory_space<hbm>>
      tpu.wait_indirect_dma semaphore(%arg22 : memref<!tpu.dma_semaphore, #tpu.memory_space<semaphore_mem>>) src(%dma_wait3A_965 : memref<200000xf32, #tpu.memory_space<hbm>>) dst(%dma_wait3A_960 : memref<128xf32, #tpu.memory_space<vmem>>)
      %dma_wait3A_966 = arith.constant 5 : i32
      %dma_wait3A_967 = arith.constant 640 : i32
      %dma_wait3A_968 = tpu.memref_slice %arg19[%dma_wait3A_967] : memref<1024xf32, #tpu.memory_space<vmem>> -> memref<128xf32, #tpu.memory_space<vmem>>
      %dma_wait3A_969 = arith.constant 0 : i32
      %dma_wait3A_970 = tpu.memref_slice %arg14[%dma_wait3A_966, %dma_wait3A_969] : memref<8x128xi32, #tpu.memory_space<vmem>> -> memref<1x128xi32, #tpu.memory_space<vmem>>
      %dma_wait3A_971 = tpu.memref_squeeze %dma_wait3A_970 : memref<1x128xi32, #tpu.memory_space<vmem>> -> memref<128xi32, #tpu.memory_space<vmem>>
      %dma_wait3A_972 = arith.constant 0 : i32
      %dma_wait3A_973 = tpu.memref_slice %arg6[%dma_wait3A_972] : memref<200704xf32, #tpu.memory_space<hbm>> -> memref<200704xf32, #tpu.memory_space<hbm>>
      tpu.wait_indirect_dma semaphore(%arg22 : memref<!tpu.dma_semaphore, #tpu.memory_space<semaphore_mem>>) src(%dma_wait3A_973 : memref<200704xf32, #tpu.memory_space<hbm>>) dst(%dma_wait3A_968 : memref<128xf32, #tpu.memory_space<vmem>>)
      %dma_wait3A_974 = arith.constant 6 : i32
      %dma_wait3A_975 = arith.constant 768 : i32
      %dma_wait3A_976 = tpu.memref_slice %arg17[%dma_wait3A_975] : memref<1024xf32, #tpu.memory_space<vmem>> -> memref<128xf32, #tpu.memory_space<vmem>>
      %dma_wait3A_977 = arith.constant 0 : i32
      %dma_wait3A_978 = tpu.memref_slice %arg13[%dma_wait3A_974, %dma_wait3A_977] : memref<8x128xi32, #tpu.memory_space<vmem>> -> memref<1x128xi32, #tpu.memory_space<vmem>>
      %dma_wait3A_979 = tpu.memref_squeeze %dma_wait3A_978 : memref<1x128xi32, #tpu.memory_space<vmem>> -> memref<128xi32, #tpu.memory_space<vmem>>
      %dma_wait3A_980 = arith.constant 0 : i32
      %dma_wait3A_981 = tpu.memref_slice %arg5[%dma_wait3A_980] : memref<200000xf32, #tpu.memory_space<hbm>> -> memref<200000xf32, #tpu.memory_space<hbm>>
      tpu.wait_indirect_dma semaphore(%arg22 : memref<!tpu.dma_semaphore, #tpu.memory_space<semaphore_mem>>) src(%dma_wait3A_981 : memref<200000xf32, #tpu.memory_space<hbm>>) dst(%dma_wait3A_976 : memref<128xf32, #tpu.memory_space<vmem>>)
      %dma_wait3A_982 = arith.constant 6 : i32
      %dma_wait3A_983 = arith.constant 768 : i32
      %dma_wait3A_984 = tpu.memref_slice %arg19[%dma_wait3A_983] : memref<1024xf32, #tpu.memory_space<vmem>> -> memref<128xf32, #tpu.memory_space<vmem>>
      %dma_wait3A_985 = arith.constant 0 : i32
      %dma_wait3A_986 = tpu.memref_slice %arg14[%dma_wait3A_982, %dma_wait3A_985] : memref<8x128xi32, #tpu.memory_space<vmem>> -> memref<1x128xi32, #tpu.memory_space<vmem>>
      %dma_wait3A_987 = tpu.memref_squeeze %dma_wait3A_986 : memref<1x128xi32, #tpu.memory_space<vmem>> -> memref<128xi32, #tpu.memory_space<vmem>>
      %dma_wait3A_988 = arith.constant 0 : i32
      %dma_wait3A_989 = tpu.memref_slice %arg6[%dma_wait3A_988] : memref<200704xf32, #tpu.memory_space<hbm>> -> memref<200704xf32, #tpu.memory_space<hbm>>
      tpu.wait_indirect_dma semaphore(%arg22 : memref<!tpu.dma_semaphore, #tpu.memory_space<semaphore_mem>>) src(%dma_wait3A_989 : memref<200704xf32, #tpu.memory_space<hbm>>) dst(%dma_wait3A_984 : memref<128xf32, #tpu.memory_space<vmem>>)
      %dma_wait3A_990 = arith.constant 7 : i32
      %dma_wait3A_991 = arith.constant 896 : i32
      %dma_wait3A_992 = tpu.memref_slice %arg17[%dma_wait3A_991] : memref<1024xf32, #tpu.memory_space<vmem>> -> memref<128xf32, #tpu.memory_space<vmem>>
      %dma_wait3A_993 = arith.constant 0 : i32
      %dma_wait3A_994 = tpu.memref_slice %arg13[%dma_wait3A_990, %dma_wait3A_993] : memref<8x128xi32, #tpu.memory_space<vmem>> -> memref<1x128xi32, #tpu.memory_space<vmem>>
      %dma_wait3A_995 = tpu.memref_squeeze %dma_wait3A_994 : memref<1x128xi32, #tpu.memory_space<vmem>> -> memref<128xi32, #tpu.memory_space<vmem>>
      %dma_wait3A_996 = arith.constant 0 : i32
      %dma_wait3A_997 = tpu.memref_slice %arg5[%dma_wait3A_996] : memref<200000xf32, #tpu.memory_space<hbm>> -> memref<200000xf32, #tpu.memory_space<hbm>>
      tpu.wait_indirect_dma semaphore(%arg22 : memref<!tpu.dma_semaphore, #tpu.memory_space<semaphore_mem>>) src(%dma_wait3A_997 : memref<200000xf32, #tpu.memory_space<hbm>>) dst(%dma_wait3A_992 : memref<128xf32, #tpu.memory_space<vmem>>)
      %dma_wait3A_998 = arith.constant 7 : i32
      %dma_wait3A_999 = arith.constant 896 : i32
      %dma_wait3A_1000 = tpu.memref_slice %arg19[%dma_wait3A_999] : memref<1024xf32, #tpu.memory_space<vmem>> -> memref<128xf32, #tpu.memory_space<vmem>>
      %dma_wait3A_1001 = arith.constant 0 : i32
      %dma_wait3A_1002 = tpu.memref_slice %arg14[%dma_wait3A_998, %dma_wait3A_1001] : memref<8x128xi32, #tpu.memory_space<vmem>> -> memref<1x128xi32, #tpu.memory_space<vmem>>
      %dma_wait3A_1003 = tpu.memref_squeeze %dma_wait3A_1002 : memref<1x128xi32, #tpu.memory_space<vmem>> -> memref<128xi32, #tpu.memory_space<vmem>>
      %dma_wait3A_1004 = arith.constant 0 : i32
      %dma_wait3A_1005 = tpu.memref_slice %arg6[%dma_wait3A_1004] : memref<200704xf32, #tpu.memory_space<hbm>> -> memref<200704xf32, #tpu.memory_space<hbm>>
      tpu.wait_indirect_dma semaphore(%arg22 : memref<!tpu.dma_semaphore, #tpu.memory_space<semaphore_mem>>) src(%dma_wait3A_1005 : memref<200704xf32, #tpu.memory_space<hbm>>) dst(%dma_wait3A_1000 : memref<128xf32, #tpu.memory_space<vmem>>)
      %scan3A_1006 = arith.constant 0 : i32
      %scan3A_1007 = arith.constant 0 : i32
      %scan3A_1008 = arith.constant 64 : i32
      %scan3A_1009 = arith.addi %scan3A_1007, %scan3A_1008 : i32
      %scan3A_1010 = arith.constant 1 : i32
      %scan3A_1011 = scf.for %scan3A_1206 = %scan3A_1007 to %scan3A_1009 step %scan3A_1010 iter_args(%scan3A_1207 = %scan3A_1006) -> (i32)  : i32 {
        %mul3A_1208 = arith.constant 16 : i32
        %mul3A_1209 = arith.muli %scan3A_1206, %mul3A_1208 : i32
        %get3A = arith.index_cast %mul3A_1209 : i32 to index
        %get3A_1210 = tpu.vector_load %arg17[%get3A] {strides = array<i32>} : memref<1024xf32, #tpu.memory_space<vmem>>, vector<16xf32>,
        %get3A_1211 = vector.shape_cast %get3A_1210 : vector<16xf32> to vector<16xf32>
        %mul3A_1212 = arith.constant 16 : i32
        %mul3A_1213 = arith.muli %scan3A_1206, %mul3A_1212 : i32
        %get3A_1214 = arith.index_cast %mul3A_1213 : i32 to index
        %get3A_1215 = tpu.vector_load %arg19[%get3A_1214] {strides = array<i32>} : memref<1024xf32, #tpu.memory_space<vmem>>, vector<16xf32>,
        %get3A_1216 = vector.shape_cast %get3A_1215 : vector<16xf32> to vector<16xf32>
        %mul3A_1217 = arith.mulf %get3A_1211, %get3A_1216 : vector<16xf32>
        %mul3A_1218 = arith.constant 16 : i32
        %mul3A_1219 = arith.muli %scan3A_1206, %mul3A_1218 : i32
        %swap3A = arith.index_cast %mul3A_1219 : i32 to index
        %swap3A_1220 = tpu.vector_load %arg17[%swap3A] {strides = array<i32>} : memref<1024xf32, #tpu.memory_space<vmem>>, vector<16xf32>,
        %swap3A_1221 = vector.shape_cast %swap3A_1220 : vector<16xf32> to vector<16xf32>
        %swap3A_1222 = vector.shape_cast %mul3A_1217 : vector<16xf32> to vector<16xf32>
        tpu.vector_store %arg17[%swap3A], %swap3A_1222 {strides = array<i32>} : memref<1024xf32, #tpu.memory_space<vmem>>, vector<16xf32>,
        %scan3A_1223 = arith.constant 0 : i32
        scf.yield %scan3A_1223 : i32
      }
      %scan3A_1012 = arith.constant 64 : i32
      %dma_start3A_1013 = arith.constant 0 : i32
      %dma_start3A_1014 = arith.constant 0 : i32
      %dma_start3A_1015 = tpu.memref_slice %arg17[%dma_start3A_1014] : memref<1024xf32, #tpu.memory_space<vmem>> -> memref<128xf32, #tpu.memory_space<vmem>>
      %dma_start3A_1016 = arith.constant 0 : i32
      %dma_start3A_1017 = tpu.memref_slice %arg15[%dma_start3A_1013, %dma_start3A_1016] : memref<8x128xi32, #tpu.memory_space<vmem>> -> memref<1x128xi32, #tpu.memory_space<vmem>>
      %dma_start3A_1018 = tpu.memref_squeeze %dma_start3A_1017 : memref<1x128xi32, #tpu.memory_space<vmem>> -> memref<128xi32, #tpu.memory_space<vmem>>
      %dma_start3A_1019 = arith.constant 0 : i32
      %dma_start3A_1020 = tpu.memref_slice %arg9[%dma_start3A_1019] : memref<51200xf32, #tpu.memory_space<vmem_shared>> -> memref<51200xf32, #tpu.memory_space<vmem_shared>>
      tpu.enqueue_indirect_dma source(%dma_start3A_1015 : memref<128xf32, #tpu.memory_space<vmem>>) target(%dma_start3A_1020 : memref<51200xf32, #tpu.memory_space<vmem_shared>>) offsets(%dma_start3A_1018 : memref<128xi32, #tpu.memory_space<vmem>>) semaphore(%arg24 : memref<!tpu.dma_semaphore, #tpu.memory_space<semaphore_mem>>) {add = true}
      %dma_start3A_1021 = arith.constant 1 : i32
      %dma_start3A_1022 = arith.constant 128 : i32
      %dma_start3A_1023 = tpu.memref_slice %arg17[%dma_start3A_1022] : memref<1024xf32, #tpu.memory_space<vmem>> -> memref<128xf32, #tpu.memory_space<vmem>>
      %dma_start3A_1024 = arith.constant 0 : i32
      %dma_start3A_1025 = tpu.memref_slice %arg15[%dma_start3A_1021, %dma_start3A_1024] : memref<8x128xi32, #tpu.memory_space<vmem>> -> memref<1x128xi32, #tpu.memory_space<vmem>>
      %dma_start3A_1026 = tpu.memref_squeeze %dma_start3A_1025 : memref<1x128xi32, #tpu.memory_space<vmem>> -> memref<128xi32, #tpu.memory_space<vmem>>
      %dma_start3A_1027 = arith.constant 0 : i32
      %dma_start3A_1028 = tpu.memref_slice %arg9[%dma_start3A_1027] : memref<51200xf32, #tpu.memory_space<vmem_shared>> -> memref<51200xf32, #tpu.memory_space<vmem_shared>>
      tpu.enqueue_indirect_dma source(%dma_start3A_1023 : memref<128xf32, #tpu.memory_space<vmem>>) target(%dma_start3A_1028 : memref<51200xf32, #tpu.memory_space<vmem_shared>>) offsets(%dma_start3A_1026 : memref<128xi32, #tpu.memory_space<vmem>>) semaphore(%arg24 : memref<!tpu.dma_semaphore, #tpu.memory_space<semaphore_mem>>) {add = true}
      %dma_start3A_1029 = arith.constant 2 : i32
      %dma_start3A_1030 = arith.constant 256 : i32
      %dma_start3A_1031 = tpu.memref_slice %arg17[%dma_start3A_1030] : memref<1024xf32, #tpu.memory_space<vmem>> -> memref<128xf32, #tpu.memory_space<vmem>>
      %dma_start3A_1032 = arith.constant 0 : i32
      %dma_start3A_1033 = tpu.memref_slice %arg15[%dma_start3A_1029, %dma_start3A_1032] : memref<8x128xi32, #tpu.memory_space<vmem>> -> memref<1x128xi32, #tpu.memory_space<vmem>>
      %dma_start3A_1034 = tpu.memref_squeeze %dma_start3A_1033 : memref<1x128xi32, #tpu.memory_space<vmem>> -> memref<128xi32, #tpu.memory_space<vmem>>
      %dma_start3A_1035 = arith.constant 0 : i32
      %dma_start3A_1036 = tpu.memref_slice %arg9[%dma_start3A_1035] : memref<51200xf32, #tpu.memory_space<vmem_shared>> -> memref<51200xf32, #tpu.memory_space<vmem_shared>>
      tpu.enqueue_indirect_dma source(%dma_start3A_1031 : memref<128xf32, #tpu.memory_space<vmem>>) target(%dma_start3A_1036 : memref<51200xf32, #tpu.memory_space<vmem_shared>>) offsets(%dma_start3A_1034 : memref<128xi32, #tpu.memory_space<vmem>>) semaphore(%arg24 : memref<!tpu.dma_semaphore, #tpu.memory_space<semaphore_mem>>) {add = true}
      %dma_start3A_1037 = arith.constant 3 : i32
      %dma_start3A_1038 = arith.constant 384 : i32
      %dma_start3A_1039 = tpu.memref_slice %arg17[%dma_start3A_1038] : memref<1024xf32, #tpu.memory_space<vmem>> -> memref<128xf32, #tpu.memory_space<vmem>>
      %dma_start3A_1040 = arith.constant 0 : i32
      %dma_start3A_1041 = tpu.memref_slice %arg15[%dma_start3A_1037, %dma_start3A_1040] : memref<8x128xi32, #tpu.memory_space<vmem>> -> memref<1x128xi32, #tpu.memory_space<vmem>>
      %dma_start3A_1042 = tpu.memref_squeeze %dma_start3A_1041 : memref<1x128xi32, #tpu.memory_space<vmem>> -> memref<128xi32, #tpu.memory_space<vmem>>
      %dma_start3A_1043 = arith.constant 0 : i32
      %dma_start3A_1044 = tpu.memref_slice %arg9[%dma_start3A_1043] : memref<51200xf32, #tpu.memory_space<vmem_shared>> -> memref<51200xf32, #tpu.memory_space<vmem_shared>>
      tpu.enqueue_indirect_dma source(%dma_start3A_1039 : memref<128xf32, #tpu.memory_space<vmem>>) target(%dma_start3A_1044 : memref<51200xf32, #tpu.memory_space<vmem_shared>>) offsets(%dma_start3A_1042 : memref<128xi32, #tpu.memory_space<vmem>>) semaphore(%arg24 : memref<!tpu.dma_semaphore, #tpu.memory_space<semaphore_mem>>) {add = true}
      %dma_start3A_1045 = arith.constant 4 : i32
      %dma_start3A_1046 = arith.constant 512 : i32
      %dma_start3A_1047 = tpu.memref_slice %arg17[%dma_start3A_1046] : memref<1024xf32, #tpu.memory_space<vmem>> -> memref<128xf32, #tpu.memory_space<vmem>>
      %dma_start3A_1048 = arith.constant 0 : i32
      %dma_start3A_1049 = tpu.memref_slice %arg15[%dma_start3A_1045, %dma_start3A_1048] : memref<8x128xi32, #tpu.memory_space<vmem>> -> memref<1x128xi32, #tpu.memory_space<vmem>>
      %dma_start3A_1050 = tpu.memref_squeeze %dma_start3A_1049 : memref<1x128xi32, #tpu.memory_space<vmem>> -> memref<128xi32, #tpu.memory_space<vmem>>
      %dma_start3A_1051 = arith.constant 0 : i32
      %dma_start3A_1052 = tpu.memref_slice %arg9[%dma_start3A_1051] : memref<51200xf32, #tpu.memory_space<vmem_shared>> -> memref<51200xf32, #tpu.memory_space<vmem_shared>>
      tpu.enqueue_indirect_dma source(%dma_start3A_1047 : memref<128xf32, #tpu.memory_space<vmem>>) target(%dma_start3A_1052 : memref<51200xf32, #tpu.memory_space<vmem_shared>>) offsets(%dma_start3A_1050 : memref<128xi32, #tpu.memory_space<vmem>>) semaphore(%arg24 : memref<!tpu.dma_semaphore, #tpu.memory_space<semaphore_mem>>) {add = true}
      %dma_start3A_1053 = arith.constant 5 : i32
      %dma_start3A_1054 = arith.constant 640 : i32
      %dma_start3A_1055 = tpu.memref_slice %arg17[%dma_start3A_1054] : memref<1024xf32, #tpu.memory_space<vmem>> -> memref<128xf32, #tpu.memory_space<vmem>>
      %dma_start3A_1056 = arith.constant 0 : i32
      %dma_start3A_1057 = tpu.memref_slice %arg15[%dma_start3A_1053, %dma_start3A_1056] : memref<8x128xi32, #tpu.memory_space<vmem>> -> memref<1x128xi32, #tpu.memory_space<vmem>>
      %dma_start3A_1058 = tpu.memref_squeeze %dma_start3A_1057 : memref<1x128xi32, #tpu.memory_space<vmem>> -> memref<128xi32, #tpu.memory_space<vmem>>
      %dma_start3A_1059 = arith.constant 0 : i32
      %dma_start3A_1060 = tpu.memref_slice %arg9[%dma_start3A_1059] : memref<51200xf32, #tpu.memory_space<vmem_shared>> -> memref<51200xf32, #tpu.memory_space<vmem_shared>>
      tpu.enqueue_indirect_dma source(%dma_start3A_1055 : memref<128xf32, #tpu.memory_space<vmem>>) target(%dma_start3A_1060 : memref<51200xf32, #tpu.memory_space<vmem_shared>>) offsets(%dma_start3A_1058 : memref<128xi32, #tpu.memory_space<vmem>>) semaphore(%arg24 : memref<!tpu.dma_semaphore, #tpu.memory_space<semaphore_mem>>) {add = true}
      %dma_start3A_1061 = arith.constant 6 : i32
      %dma_start3A_1062 = arith.constant 768 : i32
      %dma_start3A_1063 = tpu.memref_slice %arg17[%dma_start3A_1062] : memref<1024xf32, #tpu.memory_space<vmem>> -> memref<128xf32, #tpu.memory_space<vmem>>
      %dma_start3A_1064 = arith.constant 0 : i32
      %dma_start3A_1065 = tpu.memref_slice %arg15[%dma_start3A_1061, %dma_start3A_1064] : memref<8x128xi32, #tpu.memory_space<vmem>> -> memref<1x128xi32, #tpu.memory_space<vmem>>
      %dma_start3A_1066 = tpu.memref_squeeze %dma_start3A_1065 : memref<1x128xi32, #tpu.memory_space<vmem>> -> memref<128xi32, #tpu.memory_space<vmem>>
      %dma_start3A_1067 = arith.constant 0 : i32
      %dma_start3A_1068 = tpu.memref_slice %arg9[%dma_start3A_1067] : memref<51200xf32, #tpu.memory_space<vmem_shared>> -> memref<51200xf32, #tpu.memory_space<vmem_shared>>
      tpu.enqueue_indirect_dma source(%dma_start3A_1063 : memref<128xf32, #tpu.memory_space<vmem>>) target(%dma_start3A_1068 : memref<51200xf32, #tpu.memory_space<vmem_shared>>) offsets(%dma_start3A_1066 : memref<128xi32, #tpu.memory_space<vmem>>) semaphore(%arg24 : memref<!tpu.dma_semaphore, #tpu.memory_space<semaphore_mem>>) {add = true}
      %dma_start3A_1069 = arith.constant 7 : i32
      %dma_start3A_1070 = arith.constant 896 : i32
      %dma_start3A_1071 = tpu.memref_slice %arg17[%dma_start3A_1070] : memref<1024xf32, #tpu.memory_space<vmem>> -> memref<128xf32, #tpu.memory_space<vmem>>
      %dma_start3A_1072 = arith.constant 0 : i32
      %dma_start3A_1073 = tpu.memref_slice %arg15[%dma_start3A_1069, %dma_start3A_1072] : memref<8x128xi32, #tpu.memory_space<vmem>> -> memref<1x128xi32, #tpu.memory_space<vmem>>
      %dma_start3A_1074 = tpu.memref_squeeze %dma_start3A_1073 : memref<1x128xi32, #tpu.memory_space<vmem>> -> memref<128xi32, #tpu.memory_space<vmem>>
      %dma_start3A_1075 = arith.constant 0 : i32
      %dma_start3A_1076 = tpu.memref_slice %arg9[%dma_start3A_1075] : memref<51200xf32, #tpu.memory_space<vmem_shared>> -> memref<51200xf32, #tpu.memory_space<vmem_shared>>
      tpu.enqueue_indirect_dma source(%dma_start3A_1071 : memref<128xf32, #tpu.memory_space<vmem>>) target(%dma_start3A_1076 : memref<51200xf32, #tpu.memory_space<vmem_shared>>) offsets(%dma_start3A_1074 : memref<128xi32, #tpu.memory_space<vmem>>) semaphore(%arg24 : memref<!tpu.dma_semaphore, #tpu.memory_space<semaphore_mem>>) {add = true}
      %dma_wait3A_1077 = arith.constant 0 : i32
      %dma_wait3A_1078 = arith.constant 0 : i32
      %dma_wait3A_1079 = tpu.memref_slice %arg16[%dma_wait3A_1078] : memref<1024xf32, #tpu.memory_space<vmem>> -> memref<128xf32, #tpu.memory_space<vmem>>
      %dma_wait3A_1080 = arith.constant 0 : i32
      %dma_wait3A_1081 = tpu.memref_slice %arg12[%dma_wait3A_1077, %dma_wait3A_1080] : memref<8x128xi32, #tpu.memory_space<vmem>> -> memref<1x128xi32, #tpu.memory_space<vmem>>
      %dma_wait3A_1082 = tpu.memref_squeeze %dma_wait3A_1081 : memref<1x128xi32, #tpu.memory_space<vmem>> -> memref<128xi32, #tpu.memory_space<vmem>>
      %dma_wait3A_1083 = arith.constant 0 : i32
      %dma_wait3A_1084 = tpu.memref_slice %arg9[%dma_wait3A_1083] : memref<51200xf32, #tpu.memory_space<vmem_shared>> -> memref<51200xf32, #tpu.memory_space<vmem_shared>>
      tpu.wait_indirect_dma semaphore(%arg23 : memref<!tpu.dma_semaphore, #tpu.memory_space<semaphore_mem>>) src(%dma_wait3A_1079 : memref<128xf32, #tpu.memory_space<vmem>>) dst(%dma_wait3A_1084 : memref<51200xf32, #tpu.memory_space<vmem_shared>>)
      %dma_wait3A_1085 = arith.constant 1 : i32
      %dma_wait3A_1086 = arith.constant 128 : i32
      %dma_wait3A_1087 = tpu.memref_slice %arg16[%dma_wait3A_1086] : memref<1024xf32, #tpu.memory_space<vmem>> -> memref<128xf32, #tpu.memory_space<vmem>>
      %dma_wait3A_1088 = arith.constant 0 : i32
      %dma_wait3A_1089 = tpu.memref_slice %arg12[%dma_wait3A_1085, %dma_wait3A_1088] : memref<8x128xi32, #tpu.memory_space<vmem>> -> memref<1x128xi32, #tpu.memory_space<vmem>>
      %dma_wait3A_1090 = tpu.memref_squeeze %dma_wait3A_1089 : memref<1x128xi32, #tpu.memory_space<vmem>> -> memref<128xi32, #tpu.memory_space<vmem>>
      %dma_wait3A_1091 = arith.constant 0 : i32
      %dma_wait3A_1092 = tpu.memref_slice %arg9[%dma_wait3A_1091] : memref<51200xf32, #tpu.memory_space<vmem_shared>> -> memref<51200xf32, #tpu.memory_space<vmem_shared>>
      tpu.wait_indirect_dma semaphore(%arg23 : memref<!tpu.dma_semaphore, #tpu.memory_space<semaphore_mem>>) src(%dma_wait3A_1087 : memref<128xf32, #tpu.memory_space<vmem>>) dst(%dma_wait3A_1092 : memref<51200xf32, #tpu.memory_space<vmem_shared>>)
      %dma_wait3A_1093 = arith.constant 2 : i32
      %dma_wait3A_1094 = arith.constant 256 : i32
      %dma_wait3A_1095 = tpu.memref_slice %arg16[%dma_wait3A_1094] : memref<1024xf32, #tpu.memory_space<vmem>> -> memref<128xf32, #tpu.memory_space<vmem>>
      %dma_wait3A_1096 = arith.constant 0 : i32
      %dma_wait3A_1097 = tpu.memref_slice %arg12[%dma_wait3A_1093, %dma_wait3A_1096] : memref<8x128xi32, #tpu.memory_space<vmem>> -> memref<1x128xi32, #tpu.memory_space<vmem>>
      %dma_wait3A_1098 = tpu.memref_squeeze %dma_wait3A_1097 : memref<1x128xi32, #tpu.memory_space<vmem>> -> memref<128xi32, #tpu.memory_space<vmem>>
      %dma_wait3A_1099 = arith.constant 0 : i32
      %dma_wait3A_1100 = tpu.memref_slice %arg9[%dma_wait3A_1099] : memref<51200xf32, #tpu.memory_space<vmem_shared>> -> memref<51200xf32, #tpu.memory_space<vmem_shared>>
      tpu.wait_indirect_dma semaphore(%arg23 : memref<!tpu.dma_semaphore, #tpu.memory_space<semaphore_mem>>) src(%dma_wait3A_1095 : memref<128xf32, #tpu.memory_space<vmem>>) dst(%dma_wait3A_1100 : memref<51200xf32, #tpu.memory_space<vmem_shared>>)
      %dma_wait3A_1101 = arith.constant 3 : i32
      %dma_wait3A_1102 = arith.constant 384 : i32
      %dma_wait3A_1103 = tpu.memref_slice %arg16[%dma_wait3A_1102] : memref<1024xf32, #tpu.memory_space<vmem>> -> memref<128xf32, #tpu.memory_space<vmem>>
      %dma_wait3A_1104 = arith.constant 0 : i32
      %dma_wait3A_1105 = tpu.memref_slice %arg12[%dma_wait3A_1101, %dma_wait3A_1104] : memref<8x128xi32, #tpu.memory_space<vmem>> -> memref<1x128xi32, #tpu.memory_space<vmem>>
      %dma_wait3A_1106 = tpu.memref_squeeze %dma_wait3A_1105 : memref<1x128xi32, #tpu.memory_space<vmem>> -> memref<128xi32, #tpu.memory_space<vmem>>
      %dma_wait3A_1107 = arith.constant 0 : i32
      %dma_wait3A_1108 = tpu.memref_slice %arg9[%dma_wait3A_1107] : memref<51200xf32, #tpu.memory_space<vmem_shared>> -> memref<51200xf32, #tpu.memory_space<vmem_shared>>
      tpu.wait_indirect_dma semaphore(%arg23 : memref<!tpu.dma_semaphore, #tpu.memory_space<semaphore_mem>>) src(%dma_wait3A_1103 : memref<128xf32, #tpu.memory_space<vmem>>) dst(%dma_wait3A_1108 : memref<51200xf32, #tpu.memory_space<vmem_shared>>)
      %dma_wait3A_1109 = arith.constant 4 : i32
      %dma_wait3A_1110 = arith.constant 512 : i32
      %dma_wait3A_1111 = tpu.memref_slice %arg16[%dma_wait3A_1110] : memref<1024xf32, #tpu.memory_space<vmem>> -> memref<128xf32, #tpu.memory_space<vmem>>
      %dma_wait3A_1112 = arith.constant 0 : i32
      %dma_wait3A_1113 = tpu.memref_slice %arg12[%dma_wait3A_1109, %dma_wait3A_1112] : memref<8x128xi32, #tpu.memory_space<vmem>> -> memref<1x128xi32, #tpu.memory_space<vmem>>
      %dma_wait3A_1114 = tpu.memref_squeeze %dma_wait3A_1113 : memref<1x128xi32, #tpu.memory_space<vmem>> -> memref<128xi32, #tpu.memory_space<vmem>>
      %dma_wait3A_1115 = arith.constant 0 : i32
      %dma_wait3A_1116 = tpu.memref_slice %arg9[%dma_wait3A_1115] : memref<51200xf32, #tpu.memory_space<vmem_shared>> -> memref<51200xf32, #tpu.memory_space<vmem_shared>>
      tpu.wait_indirect_dma semaphore(%arg23 : memref<!tpu.dma_semaphore, #tpu.memory_space<semaphore_mem>>) src(%dma_wait3A_1111 : memref<128xf32, #tpu.memory_space<vmem>>) dst(%dma_wait3A_1116 : memref<51200xf32, #tpu.memory_space<vmem_shared>>)
      %dma_wait3A_1117 = arith.constant 5 : i32
      %dma_wait3A_1118 = arith.constant 640 : i32
      %dma_wait3A_1119 = tpu.memref_slice %arg16[%dma_wait3A_1118] : memref<1024xf32, #tpu.memory_space<vmem>> -> memref<128xf32, #tpu.memory_space<vmem>>
      %dma_wait3A_1120 = arith.constant 0 : i32
      %dma_wait3A_1121 = tpu.memref_slice %arg12[%dma_wait3A_1117, %dma_wait3A_1120] : memref<8x128xi32, #tpu.memory_space<vmem>> -> memref<1x128xi32, #tpu.memory_space<vmem>>
      %dma_wait3A_1122 = tpu.memref_squeeze %dma_wait3A_1121 : memref<1x128xi32, #tpu.memory_space<vmem>> -> memref<128xi32, #tpu.memory_space<vmem>>
      %dma_wait3A_1123 = arith.constant 0 : i32
      %dma_wait3A_1124 = tpu.memref_slice %arg9[%dma_wait3A_1123] : memref<51200xf32, #tpu.memory_space<vmem_shared>> -> memref<51200xf32, #tpu.memory_space<vmem_shared>>
      tpu.wait_indirect_dma semaphore(%arg23 : memref<!tpu.dma_semaphore, #tpu.memory_space<semaphore_mem>>) src(%dma_wait3A_1119 : memref<128xf32, #tpu.memory_space<vmem>>) dst(%dma_wait3A_1124 : memref<51200xf32, #tpu.memory_space<vmem_shared>>)
      %dma_wait3A_1125 = arith.constant 6 : i32
      %dma_wait3A_1126 = arith.constant 768 : i32
      %dma_wait3A_1127 = tpu.memref_slice %arg16[%dma_wait3A_1126] : memref<1024xf32, #tpu.memory_space<vmem>> -> memref<128xf32, #tpu.memory_space<vmem>>
      %dma_wait3A_1128 = arith.constant 0 : i32
      %dma_wait3A_1129 = tpu.memref_slice %arg12[%dma_wait3A_1125, %dma_wait3A_1128] : memref<8x128xi32, #tpu.memory_space<vmem>> -> memref<1x128xi32, #tpu.memory_space<vmem>>
      %dma_wait3A_1130 = tpu.memref_squeeze %dma_wait3A_1129 : memref<1x128xi32, #tpu.memory_space<vmem>> -> memref<128xi32, #tpu.memory_space<vmem>>
      %dma_wait3A_1131 = arith.constant 0 : i32
      %dma_wait3A_1132 = tpu.memref_slice %arg9[%dma_wait3A_1131] : memref<51200xf32, #tpu.memory_space<vmem_shared>> -> memref<51200xf32, #tpu.memory_space<vmem_shared>>
      tpu.wait_indirect_dma semaphore(%arg23 : memref<!tpu.dma_semaphore, #tpu.memory_space<semaphore_mem>>) src(%dma_wait3A_1127 : memref<128xf32, #tpu.memory_space<vmem>>) dst(%dma_wait3A_1132 : memref<51200xf32, #tpu.memory_space<vmem_shared>>)
      %dma_wait3A_1133 = arith.constant 7 : i32
      %dma_wait3A_1134 = arith.constant 896 : i32
      %dma_wait3A_1135 = tpu.memref_slice %arg16[%dma_wait3A_1134] : memref<1024xf32, #tpu.memory_space<vmem>> -> memref<128xf32, #tpu.memory_space<vmem>>
      %dma_wait3A_1136 = arith.constant 0 : i32
      %dma_wait3A_1137 = tpu.memref_slice %arg12[%dma_wait3A_1133, %dma_wait3A_1136] : memref<8x128xi32, #tpu.memory_space<vmem>> -> memref<1x128xi32, #tpu.memory_space<vmem>>
      %dma_wait3A_1138 = tpu.memref_squeeze %dma_wait3A_1137 : memref<1x128xi32, #tpu.memory_space<vmem>> -> memref<128xi32, #tpu.memory_space<vmem>>
      %dma_wait3A_1139 = arith.constant 0 : i32
      %dma_wait3A_1140 = tpu.memref_slice %arg9[%dma_wait3A_1139] : memref<51200xf32, #tpu.memory_space<vmem_shared>> -> memref<51200xf32, #tpu.memory_space<vmem_shared>>
      tpu.wait_indirect_dma semaphore(%arg23 : memref<!tpu.dma_semaphore, #tpu.memory_space<semaphore_mem>>) src(%dma_wait3A_1135 : memref<128xf32, #tpu.memory_space<vmem>>) dst(%dma_wait3A_1140 : memref<51200xf32, #tpu.memory_space<vmem_shared>>)
      %dma_wait3A_1141 = arith.constant 0 : i32
      %dma_wait3A_1142 = arith.constant 0 : i32
      %dma_wait3A_1143 = tpu.memref_slice %arg17[%dma_wait3A_1142] : memref<1024xf32, #tpu.memory_space<vmem>> -> memref<128xf32, #tpu.memory_space<vmem>>
      %dma_wait3A_1144 = arith.constant 0 : i32
      %dma_wait3A_1145 = tpu.memref_slice %arg15[%dma_wait3A_1141, %dma_wait3A_1144] : memref<8x128xi32, #tpu.memory_space<vmem>> -> memref<1x128xi32, #tpu.memory_space<vmem>>
      %dma_wait3A_1146 = tpu.memref_squeeze %dma_wait3A_1145 : memref<1x128xi32, #tpu.memory_space<vmem>> -> memref<128xi32, #tpu.memory_space<vmem>>
      %dma_wait3A_1147 = arith.constant 0 : i32
      %dma_wait3A_1148 = tpu.memref_slice %arg9[%dma_wait3A_1147] : memref<51200xf32, #tpu.memory_space<vmem_shared>> -> memref<51200xf32, #tpu.memory_space<vmem_shared>>
      tpu.wait_indirect_dma semaphore(%arg24 : memref<!tpu.dma_semaphore, #tpu.memory_space<semaphore_mem>>) src(%dma_wait3A_1143 : memref<128xf32, #tpu.memory_space<vmem>>) dst(%dma_wait3A_1148 : memref<51200xf32, #tpu.memory_space<vmem_shared>>)
      %dma_wait3A_1149 = arith.constant 1 : i32
      %dma_wait3A_1150 = arith.constant 128 : i32
      %dma_wait3A_1151 = tpu.memref_slice %arg17[%dma_wait3A_1150] : memref<1024xf32, #tpu.memory_space<vmem>> -> memref<128xf32, #tpu.memory_space<vmem>>
      %dma_wait3A_1152 = arith.constant 0 : i32
      %dma_wait3A_1153 = tpu.memref_slice %arg15[%dma_wait3A_1149, %dma_wait3A_1152] : memref<8x128xi32, #tpu.memory_space<vmem>> -> memref<1x128xi32, #tpu.memory_space<vmem>>
      %dma_wait3A_1154 = tpu.memref_squeeze %dma_wait3A_1153 : memref<1x128xi32, #tpu.memory_space<vmem>> -> memref<128xi32, #tpu.memory_space<vmem>>
      %dma_wait3A_1155 = arith.constant 0 : i32
      %dma_wait3A_1156 = tpu.memref_slice %arg9[%dma_wait3A_1155] : memref<51200xf32, #tpu.memory_space<vmem_shared>> -> memref<51200xf32, #tpu.memory_space<vmem_shared>>
      tpu.wait_indirect_dma semaphore(%arg24 : memref<!tpu.dma_semaphore, #tpu.memory_space<semaphore_mem>>) src(%dma_wait3A_1151 : memref<128xf32, #tpu.memory_space<vmem>>) dst(%dma_wait3A_1156 : memref<51200xf32, #tpu.memory_space<vmem_shared>>)
      %dma_wait3A_1157 = arith.constant 2 : i32
      %dma_wait3A_1158 = arith.constant 256 : i32
      %dma_wait3A_1159 = tpu.memref_slice %arg17[%dma_wait3A_1158] : memref<1024xf32, #tpu.memory_space<vmem>> -> memref<128xf32, #tpu.memory_space<vmem>>
      %dma_wait3A_1160 = arith.constant 0 : i32
      %dma_wait3A_1161 = tpu.memref_slice %arg15[%dma_wait3A_1157, %dma_wait3A_1160] : memref<8x128xi32, #tpu.memory_space<vmem>> -> memref<1x128xi32, #tpu.memory_space<vmem>>
      %dma_wait3A_1162 = tpu.memref_squeeze %dma_wait3A_1161 : memref<1x128xi32, #tpu.memory_space<vmem>> -> memref<128xi32, #tpu.memory_space<vmem>>
      %dma_wait3A_1163 = arith.constant 0 : i32
      %dma_wait3A_1164 = tpu.memref_slice %arg9[%dma_wait3A_1163] : memref<51200xf32, #tpu.memory_space<vmem_shared>> -> memref<51200xf32, #tpu.memory_space<vmem_shared>>
      tpu.wait_indirect_dma semaphore(%arg24 : memref<!tpu.dma_semaphore, #tpu.memory_space<semaphore_mem>>) src(%dma_wait3A_1159 : memref<128xf32, #tpu.memory_space<vmem>>) dst(%dma_wait3A_1164 : memref<51200xf32, #tpu.memory_space<vmem_shared>>)
      %dma_wait3A_1165 = arith.constant 3 : i32
      %dma_wait3A_1166 = arith.constant 384 : i32
      %dma_wait3A_1167 = tpu.memref_slice %arg17[%dma_wait3A_1166] : memref<1024xf32, #tpu.memory_space<vmem>> -> memref<128xf32, #tpu.memory_space<vmem>>
      %dma_wait3A_1168 = arith.constant 0 : i32
      %dma_wait3A_1169 = tpu.memref_slice %arg15[%dma_wait3A_1165, %dma_wait3A_1168] : memref<8x128xi32, #tpu.memory_space<vmem>> -> memref<1x128xi32, #tpu.memory_space<vmem>>
      %dma_wait3A_1170 = tpu.memref_squeeze %dma_wait3A_1169 : memref<1x128xi32, #tpu.memory_space<vmem>> -> memref<128xi32, #tpu.memory_space<vmem>>
      %dma_wait3A_1171 = arith.constant 0 : i32
      %dma_wait3A_1172 = tpu.memref_slice %arg9[%dma_wait3A_1171] : memref<51200xf32, #tpu.memory_space<vmem_shared>> -> memref<51200xf32, #tpu.memory_space<vmem_shared>>
      tpu.wait_indirect_dma semaphore(%arg24 : memref<!tpu.dma_semaphore, #tpu.memory_space<semaphore_mem>>) src(%dma_wait3A_1167 : memref<128xf32, #tpu.memory_space<vmem>>) dst(%dma_wait3A_1172 : memref<51200xf32, #tpu.memory_space<vmem_shared>>)
      %dma_wait3A_1173 = arith.constant 4 : i32
      %dma_wait3A_1174 = arith.constant 512 : i32
      %dma_wait3A_1175 = tpu.memref_slice %arg17[%dma_wait3A_1174] : memref<1024xf32, #tpu.memory_space<vmem>> -> memref<128xf32, #tpu.memory_space<vmem>>
      %dma_wait3A_1176 = arith.constant 0 : i32
      %dma_wait3A_1177 = tpu.memref_slice %arg15[%dma_wait3A_1173, %dma_wait3A_1176] : memref<8x128xi32, #tpu.memory_space<vmem>> -> memref<1x128xi32, #tpu.memory_space<vmem>>
      %dma_wait3A_1178 = tpu.memref_squeeze %dma_wait3A_1177 : memref<1x128xi32, #tpu.memory_space<vmem>> -> memref<128xi32, #tpu.memory_space<vmem>>
      %dma_wait3A_1179 = arith.constant 0 : i32
      %dma_wait3A_1180 = tpu.memref_slice %arg9[%dma_wait3A_1179] : memref<51200xf32, #tpu.memory_space<vmem_shared>> -> memref<51200xf32, #tpu.memory_space<vmem_shared>>
      tpu.wait_indirect_dma semaphore(%arg24 : memref<!tpu.dma_semaphore, #tpu.memory_space<semaphore_mem>>) src(%dma_wait3A_1175 : memref<128xf32, #tpu.memory_space<vmem>>) dst(%dma_wait3A_1180 : memref<51200xf32, #tpu.memory_space<vmem_shared>>)
      %dma_wait3A_1181 = arith.constant 5 : i32
      %dma_wait3A_1182 = arith.constant 640 : i32
      %dma_wait3A_1183 = tpu.memref_slice %arg17[%dma_wait3A_1182] : memref<1024xf32, #tpu.memory_space<vmem>> -> memref<128xf32, #tpu.memory_space<vmem>>
      %dma_wait3A_1184 = arith.constant 0 : i32
      %dma_wait3A_1185 = tpu.memref_slice %arg15[%dma_wait3A_1181, %dma_wait3A_1184] : memref<8x128xi32, #tpu.memory_space<vmem>> -> memref<1x128xi32, #tpu.memory_space<vmem>>
      %dma_wait3A_1186 = tpu.memref_squeeze %dma_wait3A_1185 : memref<1x128xi32, #tpu.memory_space<vmem>> -> memref<128xi32, #tpu.memory_space<vmem>>
      %dma_wait3A_1187 = arith.constant 0 : i32
      %dma_wait3A_1188 = tpu.memref_slice %arg9[%dma_wait3A_1187] : memref<51200xf32, #tpu.memory_space<vmem_shared>> -> memref<51200xf32, #tpu.memory_space<vmem_shared>>
      tpu.wait_indirect_dma semaphore(%arg24 : memref<!tpu.dma_semaphore, #tpu.memory_space<semaphore_mem>>) src(%dma_wait3A_1183 : memref<128xf32, #tpu.memory_space<vmem>>) dst(%dma_wait3A_1188 : memref<51200xf32, #tpu.memory_space<vmem_shared>>)
      %dma_wait3A_1189 = arith.constant 6 : i32
      %dma_wait3A_1190 = arith.constant 768 : i32
      %dma_wait3A_1191 = tpu.memref_slice %arg17[%dma_wait3A_1190] : memref<1024xf32, #tpu.memory_space<vmem>> -> memref<128xf32, #tpu.memory_space<vmem>>
      %dma_wait3A_1192 = arith.constant 0 : i32
      %dma_wait3A_1193 = tpu.memref_slice %arg15[%dma_wait3A_1189, %dma_wait3A_1192] : memref<8x128xi32, #tpu.memory_space<vmem>> -> memref<1x128xi32, #tpu.memory_space<vmem>>
      %dma_wait3A_1194 = tpu.memref_squeeze %dma_wait3A_1193 : memref<1x128xi32, #tpu.memory_space<vmem>> -> memref<128xi32, #tpu.memory_space<vmem>>
      %dma_wait3A_1195 = arith.constant 0 : i32
      %dma_wait3A_1196 = tpu.memref_slice %arg9[%dma_wait3A_1195] : memref<51200xf32, #tpu.memory_space<vmem_shared>> -> memref<51200xf32, #tpu.memory_space<vmem_shared>>
      tpu.wait_indirect_dma semaphore(%arg24 : memref<!tpu.dma_semaphore, #tpu.memory_space<semaphore_mem>>) src(%dma_wait3A_1191 : memref<128xf32, #tpu.memory_space<vmem>>) dst(%dma_wait3A_1196 : memref<51200xf32, #tpu.memory_space<vmem_shared>>)
      %dma_wait3A_1197 = arith.constant 7 : i32
      %dma_wait3A_1198 = arith.constant 896 : i32
      %dma_wait3A_1199 = tpu.memref_slice %arg17[%dma_wait3A_1198] : memref<1024xf32, #tpu.memory_space<vmem>> -> memref<128xf32, #tpu.memory_space<vmem>>
      %dma_wait3A_1200 = arith.constant 0 : i32
      %dma_wait3A_1201 = tpu.memref_slice %arg15[%dma_wait3A_1197, %dma_wait3A_1200] : memref<8x128xi32, #tpu.memory_space<vmem>> -> memref<1x128xi32, #tpu.memory_space<vmem>>
      %dma_wait3A_1202 = tpu.memref_squeeze %dma_wait3A_1201 : memref<1x128xi32, #tpu.memory_space<vmem>> -> memref<128xi32, #tpu.memory_space<vmem>>
      %dma_wait3A_1203 = arith.constant 0 : i32
      %dma_wait3A_1204 = tpu.memref_slice %arg9[%dma_wait3A_1203] : memref<51200xf32, #tpu.memory_space<vmem_shared>> -> memref<51200xf32, #tpu.memory_space<vmem_shared>>
      tpu.wait_indirect_dma semaphore(%arg24 : memref<!tpu.dma_semaphore, #tpu.memory_space<semaphore_mem>>) src(%dma_wait3A_1199 : memref<128xf32, #tpu.memory_space<vmem>>) dst(%dma_wait3A_1204 : memref<51200xf32, #tpu.memory_space<vmem_shared>>)
      %scan3A_1205 = arith.constant 0 : i32
      scf.yield %scan3A_1205 : i32
    }
    %scan3A_17 = arith.constant 12 : i32
    %add3A_18 = arith.constant 192 : i32
    %add3A_19 = arith.addi %mul3A_11, %add3A_18 : i32
    "tpu.region"() ({
      %run_scoped3A = tpu.sem_alloc : memref<!tpu.dma_semaphore, #tpu.memory_space<semaphore_mem>>
      %dma_start3A_414 = arith.constant 0 : i32
      %dma_start3A_415 = tpu.memref_slice %arg2[%add3A_19, %dma_start3A_414] : memref<6400x128xi32, #tpu.memory_space<hbm>> -> memref<8x128xi32, #tpu.memory_space<hbm>>
      %dma_start3A_416 = arith.constant 0 : i32
      %dma_start3A_417 = tpu.memref_slice %arg2[%add3A_19, %dma_start3A_416] : memref<6400x128xi32, #tpu.memory_space<hbm>> -> memref<8x128xi32, #tpu.memory_space<hbm>>
      tpu.enqueue_dma source(%dma_start3A_417 : memref<8x128xi32, #tpu.memory_space<hbm>>) target(%arg10 : memref<8x128xi32, #tpu.memory_space<vmem>>) target_semaphore(%run_scoped3A : memref<!tpu.dma_semaphore, #tpu.memory_space<semaphore_mem>>)
      %dma_wait3A_418 = arith.constant 0 : i32
      %dma_wait3A_419 = tpu.memref_slice %arg2[%add3A_19, %dma_wait3A_418] : memref<6400x128xi32, #tpu.memory_space<hbm>> -> memref<8x128xi32, #tpu.memory_space<hbm>>
      %dma_wait3A_420 = arith.constant 0 : i32
      %dma_wait3A_421 = tpu.memref_slice %arg2[%add3A_19, %dma_wait3A_420] : memref<6400x128xi32, #tpu.memory_space<hbm>> -> memref<8x128xi32, #tpu.memory_space<hbm>>
      tpu.wait_dma2 semaphore(%run_scoped3A : memref<!tpu.dma_semaphore, #tpu.memory_space<semaphore_mem>>) src(%dma_wait3A_421 : memref<8x128xi32, #tpu.memory_space<hbm>>) dst(%arg10 : memref<8x128xi32, #tpu.memory_space<vmem>>)
      tpu.yield
    }) : () -> ()
    "tpu.region"() ({
      %run_scoped3A = tpu.sem_alloc : memref<!tpu.dma_semaphore, #tpu.memory_space<semaphore_mem>>
      %dma_start3A_414 = arith.constant 0 : i32
      %dma_start3A_415 = tpu.memref_slice %arg3[%add3A_19, %dma_start3A_414] : memref<6400x128xi32, #tpu.memory_space<hbm>> -> memref<8x128xi32, #tpu.memory_space<hbm>>
      %dma_start3A_416 = arith.constant 0 : i32
      %dma_start3A_417 = tpu.memref_slice %arg3[%add3A_19, %dma_start3A_416] : memref<6400x128xi32, #tpu.memory_space<hbm>> -> memref<8x128xi32, #tpu.memory_space<hbm>>
      tpu.enqueue_dma source(%dma_start3A_417 : memref<8x128xi32, #tpu.memory_space<hbm>>) target(%arg11 : memref<8x128xi32, #tpu.memory_space<vmem>>) target_semaphore(%run_scoped3A : memref<!tpu.dma_semaphore, #tpu.memory_space<semaphore_mem>>)
      %dma_wait3A_418 = arith.constant 0 : i32
      %dma_wait3A_419 = tpu.memref_slice %arg3[%add3A_19, %dma_wait3A_418] : memref<6400x128xi32, #tpu.memory_space<hbm>> -> memref<8x128xi32, #tpu.memory_space<hbm>>
      %dma_wait3A_420 = arith.constant 0 : i32
      %dma_wait3A_421 = tpu.memref_slice %arg3[%add3A_19, %dma_wait3A_420] : memref<6400x128xi32, #tpu.memory_space<hbm>> -> memref<8x128xi32, #tpu.memory_space<hbm>>
      tpu.wait_dma2 semaphore(%run_scoped3A : memref<!tpu.dma_semaphore, #tpu.memory_space<semaphore_mem>>) src(%dma_wait3A_421 : memref<8x128xi32, #tpu.memory_space<hbm>>) dst(%arg11 : memref<8x128xi32, #tpu.memory_space<vmem>>)
      tpu.yield
    }) : () -> ()
    "tpu.region"() ({
      %run_scoped3A = tpu.sem_alloc : memref<!tpu.dma_semaphore, #tpu.memory_space<semaphore_mem>>
      %dma_start3A_414 = arith.constant 0 : i32
      %dma_start3A_415 = tpu.memref_slice %arg4[%add3A_19, %dma_start3A_414] : memref<6400x128xi32, #tpu.memory_space<hbm>> -> memref<8x128xi32, #tpu.memory_space<hbm>>
      %dma_start3A_416 = arith.constant 0 : i32
      %dma_start3A_417 = tpu.memref_slice %arg4[%add3A_19, %dma_start3A_416] : memref<6400x128xi32, #tpu.memory_space<hbm>> -> memref<8x128xi32, #tpu.memory_space<hbm>>
      tpu.enqueue_dma source(%dma_start3A_417 : memref<8x128xi32, #tpu.memory_space<hbm>>) target(%arg12 : memref<8x128xi32, #tpu.memory_space<vmem>>) target_semaphore(%run_scoped3A : memref<!tpu.dma_semaphore, #tpu.memory_space<semaphore_mem>>)
      %dma_wait3A_418 = arith.constant 0 : i32
      %dma_wait3A_419 = tpu.memref_slice %arg4[%add3A_19, %dma_wait3A_418] : memref<6400x128xi32, #tpu.memory_space<hbm>> -> memref<8x128xi32, #tpu.memory_space<hbm>>
      %dma_wait3A_420 = arith.constant 0 : i32
      %dma_wait3A_421 = tpu.memref_slice %arg4[%add3A_19, %dma_wait3A_420] : memref<6400x128xi32, #tpu.memory_space<hbm>> -> memref<8x128xi32, #tpu.memory_space<hbm>>
      tpu.wait_dma2 semaphore(%run_scoped3A : memref<!tpu.dma_semaphore, #tpu.memory_space<semaphore_mem>>) src(%dma_wait3A_421 : memref<8x128xi32, #tpu.memory_space<hbm>>) dst(%arg12 : memref<8x128xi32, #tpu.memory_space<vmem>>)
      tpu.yield
    }) : () -> ()
    %dma_start3A = arith.constant 0 : i32
    %dma_start3A_20 = arith.constant 0 : i32
    %dma_start3A_21 = tpu.memref_slice %arg16[%dma_start3A_20] : memref<1024xf32, #tpu.memory_space<vmem>> -> memref<128xf32, #tpu.memory_space<vmem>>
    %dma_start3A_22 = arith.constant 0 : i32
    %dma_start3A_23 = tpu.memref_slice %arg10[%dma_start3A, %dma_start3A_22] : memref<8x128xi32, #tpu.memory_space<vmem>> -> memref<1x128xi32, #tpu.memory_space<vmem>>
    %dma_start3A_24 = tpu.memref_squeeze %dma_start3A_23 : memref<1x128xi32, #tpu.memory_space<vmem>> -> memref<128xi32, #tpu.memory_space<vmem>>
    %dma_start3A_25 = arith.constant 0 : i32
    %dma_start3A_26 = tpu.memref_slice %arg5[%dma_start3A_25] : memref<200000xf32, #tpu.memory_space<hbm>> -> memref<200000xf32, #tpu.memory_space<hbm>>
    tpu.enqueue_indirect_dma source(%dma_start3A_26 : memref<200000xf32, #tpu.memory_space<hbm>>) target(%dma_start3A_21 : memref<128xf32, #tpu.memory_space<vmem>>) offsets(%dma_start3A_24 : memref<128xi32, #tpu.memory_space<vmem>>) semaphore(%arg21 : memref<!tpu.dma_semaphore, #tpu.memory_space<semaphore_mem>>)
    %dma_start3A_27 = arith.constant 0 : i32
    %dma_start3A_28 = arith.constant 0 : i32
    %dma_start3A_29 = tpu.memref_slice %arg18[%dma_start3A_28] : memref<1024xf32, #tpu.memory_space<vmem>> -> memref<128xf32, #tpu.memory_space<vmem>>
    %dma_start3A_30 = arith.constant 0 : i32
    %dma_start3A_31 = tpu.memref_slice %arg11[%dma_start3A_27, %dma_start3A_30] : memref<8x128xi32, #tpu.memory_space<vmem>> -> memref<1x128xi32, #tpu.memory_space<vmem>>
    %dma_start3A_32 = tpu.memref_squeeze %dma_start3A_31 : memref<1x128xi32, #tpu.memory_space<vmem>> -> memref<128xi32, #tpu.memory_space<vmem>>
    %dma_start3A_33 = arith.constant 0 : i32
    %dma_start3A_34 = tpu.memref_slice %arg6[%dma_start3A_33] : memref<200704xf32, #tpu.memory_space<hbm>> -> memref<200704xf32, #tpu.memory_space<hbm>>
    tpu.enqueue_indirect_dma source(%dma_start3A_34 : memref<200704xf32, #tpu.memory_space<hbm>>) target(%dma_start3A_29 : memref<128xf32, #tpu.memory_space<vmem>>) offsets(%dma_start3A_32 : memref<128xi32, #tpu.memory_space<vmem>>) semaphore(%arg21 : memref<!tpu.dma_semaphore, #tpu.memory_space<semaphore_mem>>)
    %dma_start3A_35 = arith.constant 1 : i32
    %dma_start3A_36 = arith.constant 128 : i32
    %dma_start3A_37 = tpu.memref_slice %arg16[%dma_start3A_36] : memref<1024xf32, #tpu.memory_space<vmem>> -> memref<128xf32, #tpu.memory_space<vmem>>
    %dma_start3A_38 = arith.constant 0 : i32
    %dma_start3A_39 = tpu.memref_slice %arg10[%dma_start3A_35, %dma_start3A_38] : memref<8x128xi32, #tpu.memory_space<vmem>> -> memref<1x128xi32, #tpu.memory_space<vmem>>
    %dma_start3A_40 = tpu.memref_squeeze %dma_start3A_39 : memref<1x128xi32, #tpu.memory_space<vmem>> -> memref<128xi32, #tpu.memory_space<vmem>>
    %dma_start3A_41 = arith.constant 0 : i32
    %dma_start3A_42 = tpu.memref_slice %arg5[%dma_start3A_41] : memref<200000xf32, #tpu.memory_space<hbm>> -> memref<200000xf32, #tpu.memory_space<hbm>>
    tpu.enqueue_indirect_dma source(%dma_start3A_42 : memref<200000xf32, #tpu.memory_space<hbm>>) target(%dma_start3A_37 : memref<128xf32, #tpu.memory_space<vmem>>) offsets(%dma_start3A_40 : memref<128xi32, #tpu.memory_space<vmem>>) semaphore(%arg21 : memref<!tpu.dma_semaphore, #tpu.memory_space<semaphore_mem>>)
    %dma_start3A_43 = arith.constant 1 : i32
    %dma_start3A_44 = arith.constant 128 : i32
    %dma_start3A_45 = tpu.memref_slice %arg18[%dma_start3A_44] : memref<1024xf32, #tpu.memory_space<vmem>> -> memref<128xf32, #tpu.memory_space<vmem>>
    %dma_start3A_46 = arith.constant 0 : i32
    %dma_start3A_47 = tpu.memref_slice %arg11[%dma_start3A_43, %dma_start3A_46] : memref<8x128xi32, #tpu.memory_space<vmem>> -> memref<1x128xi32, #tpu.memory_space<vmem>>
    %dma_start3A_48 = tpu.memref_squeeze %dma_start3A_47 : memref<1x128xi32, #tpu.memory_space<vmem>> -> memref<128xi32, #tpu.memory_space<vmem>>
    %dma_start3A_49 = arith.constant 0 : i32
    %dma_start3A_50 = tpu.memref_slice %arg6[%dma_start3A_49] : memref<200704xf32, #tpu.memory_space<hbm>> -> memref<200704xf32, #tpu.memory_space<hbm>>
    tpu.enqueue_indirect_dma source(%dma_start3A_50 : memref<200704xf32, #tpu.memory_space<hbm>>) target(%dma_start3A_45 : memref<128xf32, #tpu.memory_space<vmem>>) offsets(%dma_start3A_48 : memref<128xi32, #tpu.memory_space<vmem>>) semaphore(%arg21 : memref<!tpu.dma_semaphore, #tpu.memory_space<semaphore_mem>>)
    %dma_start3A_51 = arith.constant 2 : i32
    %dma_start3A_52 = arith.constant 256 : i32
    %dma_start3A_53 = tpu.memref_slice %arg16[%dma_start3A_52] : memref<1024xf32, #tpu.memory_space<vmem>> -> memref<128xf32, #tpu.memory_space<vmem>>
    %dma_start3A_54 = arith.constant 0 : i32
    %dma_start3A_55 = tpu.memref_slice %arg10[%dma_start3A_51, %dma_start3A_54] : memref<8x128xi32, #tpu.memory_space<vmem>> -> memref<1x128xi32, #tpu.memory_space<vmem>>
    %dma_start3A_56 = tpu.memref_squeeze %dma_start3A_55 : memref<1x128xi32, #tpu.memory_space<vmem>> -> memref<128xi32, #tpu.memory_space<vmem>>
    %dma_start3A_57 = arith.constant 0 : i32
    %dma_start3A_58 = tpu.memref_slice %arg5[%dma_start3A_57] : memref<200000xf32, #tpu.memory_space<hbm>> -> memref<200000xf32, #tpu.memory_space<hbm>>
    tpu.enqueue_indirect_dma source(%dma_start3A_58 : memref<200000xf32, #tpu.memory_space<hbm>>) target(%dma_start3A_53 : memref<128xf32, #tpu.memory_space<vmem>>) offsets(%dma_start3A_56 : memref<128xi32, #tpu.memory_space<vmem>>) semaphore(%arg21 : memref<!tpu.dma_semaphore, #tpu.memory_space<semaphore_mem>>)
    %dma_start3A_59 = arith.constant 2 : i32
    %dma_start3A_60 = arith.constant 256 : i32
    %dma_start3A_61 = tpu.memref_slice %arg18[%dma_start3A_60] : memref<1024xf32, #tpu.memory_space<vmem>> -> memref<128xf32, #tpu.memory_space<vmem>>
    %dma_start3A_62 = arith.constant 0 : i32
    %dma_start3A_63 = tpu.memref_slice %arg11[%dma_start3A_59, %dma_start3A_62] : memref<8x128xi32, #tpu.memory_space<vmem>> -> memref<1x128xi32, #tpu.memory_space<vmem>>
    %dma_start3A_64 = tpu.memref_squeeze %dma_start3A_63 : memref<1x128xi32, #tpu.memory_space<vmem>> -> memref<128xi32, #tpu.memory_space<vmem>>
    %dma_start3A_65 = arith.constant 0 : i32
    %dma_start3A_66 = tpu.memref_slice %arg6[%dma_start3A_65] : memref<200704xf32, #tpu.memory_space<hbm>> -> memref<200704xf32, #tpu.memory_space<hbm>>
    tpu.enqueue_indirect_dma source(%dma_start3A_66 : memref<200704xf32, #tpu.memory_space<hbm>>) target(%dma_start3A_61 : memref<128xf32, #tpu.memory_space<vmem>>) offsets(%dma_start3A_64 : memref<128xi32, #tpu.memory_space<vmem>>) semaphore(%arg21 : memref<!tpu.dma_semaphore, #tpu.memory_space<semaphore_mem>>)
    %dma_start3A_67 = arith.constant 3 : i32
    %dma_start3A_68 = arith.constant 384 : i32
    %dma_start3A_69 = tpu.memref_slice %arg16[%dma_start3A_68] : memref<1024xf32, #tpu.memory_space<vmem>> -> memref<128xf32, #tpu.memory_space<vmem>>
    %dma_start3A_70 = arith.constant 0 : i32
    %dma_start3A_71 = tpu.memref_slice %arg10[%dma_start3A_67, %dma_start3A_70] : memref<8x128xi32, #tpu.memory_space<vmem>> -> memref<1x128xi32, #tpu.memory_space<vmem>>
    %dma_start3A_72 = tpu.memref_squeeze %dma_start3A_71 : memref<1x128xi32, #tpu.memory_space<vmem>> -> memref<128xi32, #tpu.memory_space<vmem>>
    %dma_start3A_73 = arith.constant 0 : i32
    %dma_start3A_74 = tpu.memref_slice %arg5[%dma_start3A_73] : memref<200000xf32, #tpu.memory_space<hbm>> -> memref<200000xf32, #tpu.memory_space<hbm>>
    tpu.enqueue_indirect_dma source(%dma_start3A_74 : memref<200000xf32, #tpu.memory_space<hbm>>) target(%dma_start3A_69 : memref<128xf32, #tpu.memory_space<vmem>>) offsets(%dma_start3A_72 : memref<128xi32, #tpu.memory_space<vmem>>) semaphore(%arg21 : memref<!tpu.dma_semaphore, #tpu.memory_space<semaphore_mem>>)
    %dma_start3A_75 = arith.constant 3 : i32
    %dma_start3A_76 = arith.constant 384 : i32
    %dma_start3A_77 = tpu.memref_slice %arg18[%dma_start3A_76] : memref<1024xf32, #tpu.memory_space<vmem>> -> memref<128xf32, #tpu.memory_space<vmem>>
    %dma_start3A_78 = arith.constant 0 : i32
    %dma_start3A_79 = tpu.memref_slice %arg11[%dma_start3A_75, %dma_start3A_78] : memref<8x128xi32, #tpu.memory_space<vmem>> -> memref<1x128xi32, #tpu.memory_space<vmem>>
    %dma_start3A_80 = tpu.memref_squeeze %dma_start3A_79 : memref<1x128xi32, #tpu.memory_space<vmem>> -> memref<128xi32, #tpu.memory_space<vmem>>
    %dma_start3A_81 = arith.constant 0 : i32
    %dma_start3A_82 = tpu.memref_slice %arg6[%dma_start3A_81] : memref<200704xf32, #tpu.memory_space<hbm>> -> memref<200704xf32, #tpu.memory_space<hbm>>
    tpu.enqueue_indirect_dma source(%dma_start3A_82 : memref<200704xf32, #tpu.memory_space<hbm>>) target(%dma_start3A_77 : memref<128xf32, #tpu.memory_space<vmem>>) offsets(%dma_start3A_80 : memref<128xi32, #tpu.memory_space<vmem>>) semaphore(%arg21 : memref<!tpu.dma_semaphore, #tpu.memory_space<semaphore_mem>>)
    %dma_start3A_83 = arith.constant 4 : i32
    %dma_start3A_84 = arith.constant 512 : i32
    %dma_start3A_85 = tpu.memref_slice %arg16[%dma_start3A_84] : memref<1024xf32, #tpu.memory_space<vmem>> -> memref<128xf32, #tpu.memory_space<vmem>>
    %dma_start3A_86 = arith.constant 0 : i32
    %dma_start3A_87 = tpu.memref_slice %arg10[%dma_start3A_83, %dma_start3A_86] : memref<8x128xi32, #tpu.memory_space<vmem>> -> memref<1x128xi32, #tpu.memory_space<vmem>>
    %dma_start3A_88 = tpu.memref_squeeze %dma_start3A_87 : memref<1x128xi32, #tpu.memory_space<vmem>> -> memref<128xi32, #tpu.memory_space<vmem>>
    %dma_start3A_89 = arith.constant 0 : i32
    %dma_start3A_90 = tpu.memref_slice %arg5[%dma_start3A_89] : memref<200000xf32, #tpu.memory_space<hbm>> -> memref<200000xf32, #tpu.memory_space<hbm>>
    tpu.enqueue_indirect_dma source(%dma_start3A_90 : memref<200000xf32, #tpu.memory_space<hbm>>) target(%dma_start3A_85 : memref<128xf32, #tpu.memory_space<vmem>>) offsets(%dma_start3A_88 : memref<128xi32, #tpu.memory_space<vmem>>) semaphore(%arg21 : memref<!tpu.dma_semaphore, #tpu.memory_space<semaphore_mem>>)
    %dma_start3A_91 = arith.constant 4 : i32
    %dma_start3A_92 = arith.constant 512 : i32
    %dma_start3A_93 = tpu.memref_slice %arg18[%dma_start3A_92] : memref<1024xf32, #tpu.memory_space<vmem>> -> memref<128xf32, #tpu.memory_space<vmem>>
    %dma_start3A_94 = arith.constant 0 : i32
    %dma_start3A_95 = tpu.memref_slice %arg11[%dma_start3A_91, %dma_start3A_94] : memref<8x128xi32, #tpu.memory_space<vmem>> -> memref<1x128xi32, #tpu.memory_space<vmem>>
    %dma_start3A_96 = tpu.memref_squeeze %dma_start3A_95 : memref<1x128xi32, #tpu.memory_space<vmem>> -> memref<128xi32, #tpu.memory_space<vmem>>
    %dma_start3A_97 = arith.constant 0 : i32
    %dma_start3A_98 = tpu.memref_slice %arg6[%dma_start3A_97] : memref<200704xf32, #tpu.memory_space<hbm>> -> memref<200704xf32, #tpu.memory_space<hbm>>
    tpu.enqueue_indirect_dma source(%dma_start3A_98 : memref<200704xf32, #tpu.memory_space<hbm>>) target(%dma_start3A_93 : memref<128xf32, #tpu.memory_space<vmem>>) offsets(%dma_start3A_96 : memref<128xi32, #tpu.memory_space<vmem>>) semaphore(%arg21 : memref<!tpu.dma_semaphore, #tpu.memory_space<semaphore_mem>>)
    %dma_start3A_99 = arith.constant 5 : i32
    %dma_start3A_100 = arith.constant 640 : i32
    %dma_start3A_101 = tpu.memref_slice %arg16[%dma_start3A_100] : memref<1024xf32, #tpu.memory_space<vmem>> -> memref<128xf32, #tpu.memory_space<vmem>>
    %dma_start3A_102 = arith.constant 0 : i32
    %dma_start3A_103 = tpu.memref_slice %arg10[%dma_start3A_99, %dma_start3A_102] : memref<8x128xi32, #tpu.memory_space<vmem>> -> memref<1x128xi32, #tpu.memory_space<vmem>>
    %dma_start3A_104 = tpu.memref_squeeze %dma_start3A_103 : memref<1x128xi32, #tpu.memory_space<vmem>> -> memref<128xi32, #tpu.memory_space<vmem>>
    %dma_start3A_105 = arith.constant 0 : i32
    %dma_start3A_106 = tpu.memref_slice %arg5[%dma_start3A_105] : memref<200000xf32, #tpu.memory_space<hbm>> -> memref<200000xf32, #tpu.memory_space<hbm>>
    tpu.enqueue_indirect_dma source(%dma_start3A_106 : memref<200000xf32, #tpu.memory_space<hbm>>) target(%dma_start3A_101 : memref<128xf32, #tpu.memory_space<vmem>>) offsets(%dma_start3A_104 : memref<128xi32, #tpu.memory_space<vmem>>) semaphore(%arg21 : memref<!tpu.dma_semaphore, #tpu.memory_space<semaphore_mem>>)
    %dma_start3A_107 = arith.constant 5 : i32
    %dma_start3A_108 = arith.constant 640 : i32
    %dma_start3A_109 = tpu.memref_slice %arg18[%dma_start3A_108] : memref<1024xf32, #tpu.memory_space<vmem>> -> memref<128xf32, #tpu.memory_space<vmem>>
    %dma_start3A_110 = arith.constant 0 : i32
    %dma_start3A_111 = tpu.memref_slice %arg11[%dma_start3A_107, %dma_start3A_110] : memref<8x128xi32, #tpu.memory_space<vmem>> -> memref<1x128xi32, #tpu.memory_space<vmem>>
    %dma_start3A_112 = tpu.memref_squeeze %dma_start3A_111 : memref<1x128xi32, #tpu.memory_space<vmem>> -> memref<128xi32, #tpu.memory_space<vmem>>
    %dma_start3A_113 = arith.constant 0 : i32
    %dma_start3A_114 = tpu.memref_slice %arg6[%dma_start3A_113] : memref<200704xf32, #tpu.memory_space<hbm>> -> memref<200704xf32, #tpu.memory_space<hbm>>
    tpu.enqueue_indirect_dma source(%dma_start3A_114 : memref<200704xf32, #tpu.memory_space<hbm>>) target(%dma_start3A_109 : memref<128xf32, #tpu.memory_space<vmem>>) offsets(%dma_start3A_112 : memref<128xi32, #tpu.memory_space<vmem>>) semaphore(%arg21 : memref<!tpu.dma_semaphore, #tpu.memory_space<semaphore_mem>>)
    %dma_start3A_115 = arith.constant 6 : i32
    %dma_start3A_116 = arith.constant 768 : i32
    %dma_start3A_117 = tpu.memref_slice %arg16[%dma_start3A_116] : memref<1024xf32, #tpu.memory_space<vmem>> -> memref<128xf32, #tpu.memory_space<vmem>>
    %dma_start3A_118 = arith.constant 0 : i32
    %dma_start3A_119 = tpu.memref_slice %arg10[%dma_start3A_115, %dma_start3A_118] : memref<8x128xi32, #tpu.memory_space<vmem>> -> memref<1x128xi32, #tpu.memory_space<vmem>>
    %dma_start3A_120 = tpu.memref_squeeze %dma_start3A_119 : memref<1x128xi32, #tpu.memory_space<vmem>> -> memref<128xi32, #tpu.memory_space<vmem>>
    %dma_start3A_121 = arith.constant 0 : i32
    %dma_start3A_122 = tpu.memref_slice %arg5[%dma_start3A_121] : memref<200000xf32, #tpu.memory_space<hbm>> -> memref<200000xf32, #tpu.memory_space<hbm>>
    tpu.enqueue_indirect_dma source(%dma_start3A_122 : memref<200000xf32, #tpu.memory_space<hbm>>) target(%dma_start3A_117 : memref<128xf32, #tpu.memory_space<vmem>>) offsets(%dma_start3A_120 : memref<128xi32, #tpu.memory_space<vmem>>) semaphore(%arg21 : memref<!tpu.dma_semaphore, #tpu.memory_space<semaphore_mem>>)
    %dma_start3A_123 = arith.constant 6 : i32
    %dma_start3A_124 = arith.constant 768 : i32
    %dma_start3A_125 = tpu.memref_slice %arg18[%dma_start3A_124] : memref<1024xf32, #tpu.memory_space<vmem>> -> memref<128xf32, #tpu.memory_space<vmem>>
    %dma_start3A_126 = arith.constant 0 : i32
    %dma_start3A_127 = tpu.memref_slice %arg11[%dma_start3A_123, %dma_start3A_126] : memref<8x128xi32, #tpu.memory_space<vmem>> -> memref<1x128xi32, #tpu.memory_space<vmem>>
    %dma_start3A_128 = tpu.memref_squeeze %dma_start3A_127 : memref<1x128xi32, #tpu.memory_space<vmem>> -> memref<128xi32, #tpu.memory_space<vmem>>
    %dma_start3A_129 = arith.constant 0 : i32
    %dma_start3A_130 = tpu.memref_slice %arg6[%dma_start3A_129] : memref<200704xf32, #tpu.memory_space<hbm>> -> memref<200704xf32, #tpu.memory_space<hbm>>
    tpu.enqueue_indirect_dma source(%dma_start3A_130 : memref<200704xf32, #tpu.memory_space<hbm>>) target(%dma_start3A_125 : memref<128xf32, #tpu.memory_space<vmem>>) offsets(%dma_start3A_128 : memref<128xi32, #tpu.memory_space<vmem>>) semaphore(%arg21 : memref<!tpu.dma_semaphore, #tpu.memory_space<semaphore_mem>>)
    %dma_start3A_131 = arith.constant 7 : i32
    %dma_start3A_132 = arith.constant 896 : i32
    %dma_start3A_133 = tpu.memref_slice %arg16[%dma_start3A_132] : memref<1024xf32, #tpu.memory_space<vmem>> -> memref<128xf32, #tpu.memory_space<vmem>>
    %dma_start3A_134 = arith.constant 0 : i32
    %dma_start3A_135 = tpu.memref_slice %arg10[%dma_start3A_131, %dma_start3A_134] : memref<8x128xi32, #tpu.memory_space<vmem>> -> memref<1x128xi32, #tpu.memory_space<vmem>>
    %dma_start3A_136 = tpu.memref_squeeze %dma_start3A_135 : memref<1x128xi32, #tpu.memory_space<vmem>> -> memref<128xi32, #tpu.memory_space<vmem>>
    %dma_start3A_137 = arith.constant 0 : i32
    %dma_start3A_138 = tpu.memref_slice %arg5[%dma_start3A_137] : memref<200000xf32, #tpu.memory_space<hbm>> -> memref<200000xf32, #tpu.memory_space<hbm>>
    tpu.enqueue_indirect_dma source(%dma_start3A_138 : memref<200000xf32, #tpu.memory_space<hbm>>) target(%dma_start3A_133 : memref<128xf32, #tpu.memory_space<vmem>>) offsets(%dma_start3A_136 : memref<128xi32, #tpu.memory_space<vmem>>) semaphore(%arg21 : memref<!tpu.dma_semaphore, #tpu.memory_space<semaphore_mem>>)
    %dma_start3A_139 = arith.constant 7 : i32
    %dma_start3A_140 = arith.constant 896 : i32
    %dma_start3A_141 = tpu.memref_slice %arg18[%dma_start3A_140] : memref<1024xf32, #tpu.memory_space<vmem>> -> memref<128xf32, #tpu.memory_space<vmem>>
    %dma_start3A_142 = arith.constant 0 : i32
    %dma_start3A_143 = tpu.memref_slice %arg11[%dma_start3A_139, %dma_start3A_142] : memref<8x128xi32, #tpu.memory_space<vmem>> -> memref<1x128xi32, #tpu.memory_space<vmem>>
    %dma_start3A_144 = tpu.memref_squeeze %dma_start3A_143 : memref<1x128xi32, #tpu.memory_space<vmem>> -> memref<128xi32, #tpu.memory_space<vmem>>
    %dma_start3A_145 = arith.constant 0 : i32
    %dma_start3A_146 = tpu.memref_slice %arg6[%dma_start3A_145] : memref<200704xf32, #tpu.memory_space<hbm>> -> memref<200704xf32, #tpu.memory_space<hbm>>
    tpu.enqueue_indirect_dma source(%dma_start3A_146 : memref<200704xf32, #tpu.memory_space<hbm>>) target(%dma_start3A_141 : memref<128xf32, #tpu.memory_space<vmem>>) offsets(%dma_start3A_144 : memref<128xi32, #tpu.memory_space<vmem>>) semaphore(%arg21 : memref<!tpu.dma_semaphore, #tpu.memory_space<semaphore_mem>>)
    %dma_wait3A = arith.constant 0 : i32
    %dma_wait3A_147 = arith.constant 0 : i32
    %dma_wait3A_148 = tpu.memref_slice %arg16[%dma_wait3A_147] : memref<1024xf32, #tpu.memory_space<vmem>> -> memref<128xf32, #tpu.memory_space<vmem>>
    %dma_wait3A_149 = arith.constant 0 : i32
    %dma_wait3A_150 = tpu.memref_slice %arg10[%dma_wait3A, %dma_wait3A_149] : memref<8x128xi32, #tpu.memory_space<vmem>> -> memref<1x128xi32, #tpu.memory_space<vmem>>
    %dma_wait3A_151 = tpu.memref_squeeze %dma_wait3A_150 : memref<1x128xi32, #tpu.memory_space<vmem>> -> memref<128xi32, #tpu.memory_space<vmem>>
    %dma_wait3A_152 = arith.constant 0 : i32
    %dma_wait3A_153 = tpu.memref_slice %arg5[%dma_wait3A_152] : memref<200000xf32, #tpu.memory_space<hbm>> -> memref<200000xf32, #tpu.memory_space<hbm>>
    tpu.wait_indirect_dma semaphore(%arg21 : memref<!tpu.dma_semaphore, #tpu.memory_space<semaphore_mem>>) src(%dma_wait3A_153 : memref<200000xf32, #tpu.memory_space<hbm>>) dst(%dma_wait3A_148 : memref<128xf32, #tpu.memory_space<vmem>>)
    %dma_wait3A_154 = arith.constant 0 : i32
    %dma_wait3A_155 = arith.constant 0 : i32
    %dma_wait3A_156 = tpu.memref_slice %arg18[%dma_wait3A_155] : memref<1024xf32, #tpu.memory_space<vmem>> -> memref<128xf32, #tpu.memory_space<vmem>>
    %dma_wait3A_157 = arith.constant 0 : i32
    %dma_wait3A_158 = tpu.memref_slice %arg11[%dma_wait3A_154, %dma_wait3A_157] : memref<8x128xi32, #tpu.memory_space<vmem>> -> memref<1x128xi32, #tpu.memory_space<vmem>>
    %dma_wait3A_159 = tpu.memref_squeeze %dma_wait3A_158 : memref<1x128xi32, #tpu.memory_space<vmem>> -> memref<128xi32, #tpu.memory_space<vmem>>
    %dma_wait3A_160 = arith.constant 0 : i32
    %dma_wait3A_161 = tpu.memref_slice %arg6[%dma_wait3A_160] : memref<200704xf32, #tpu.memory_space<hbm>> -> memref<200704xf32, #tpu.memory_space<hbm>>
    tpu.wait_indirect_dma semaphore(%arg21 : memref<!tpu.dma_semaphore, #tpu.memory_space<semaphore_mem>>) src(%dma_wait3A_161 : memref<200704xf32, #tpu.memory_space<hbm>>) dst(%dma_wait3A_156 : memref<128xf32, #tpu.memory_space<vmem>>)
    %dma_wait3A_162 = arith.constant 1 : i32
    %dma_wait3A_163 = arith.constant 128 : i32
    %dma_wait3A_164 = tpu.memref_slice %arg16[%dma_wait3A_163] : memref<1024xf32, #tpu.memory_space<vmem>> -> memref<128xf32, #tpu.memory_space<vmem>>
    %dma_wait3A_165 = arith.constant 0 : i32
    %dma_wait3A_166 = tpu.memref_slice %arg10[%dma_wait3A_162, %dma_wait3A_165] : memref<8x128xi32, #tpu.memory_space<vmem>> -> memref<1x128xi32, #tpu.memory_space<vmem>>
    %dma_wait3A_167 = tpu.memref_squeeze %dma_wait3A_166 : memref<1x128xi32, #tpu.memory_space<vmem>> -> memref<128xi32, #tpu.memory_space<vmem>>
    %dma_wait3A_168 = arith.constant 0 : i32
    %dma_wait3A_169 = tpu.memref_slice %arg5[%dma_wait3A_168] : memref<200000xf32, #tpu.memory_space<hbm>> -> memref<200000xf32, #tpu.memory_space<hbm>>
    tpu.wait_indirect_dma semaphore(%arg21 : memref<!tpu.dma_semaphore, #tpu.memory_space<semaphore_mem>>) src(%dma_wait3A_169 : memref<200000xf32, #tpu.memory_space<hbm>>) dst(%dma_wait3A_164 : memref<128xf32, #tpu.memory_space<vmem>>)
    %dma_wait3A_170 = arith.constant 1 : i32
    %dma_wait3A_171 = arith.constant 128 : i32
    %dma_wait3A_172 = tpu.memref_slice %arg18[%dma_wait3A_171] : memref<1024xf32, #tpu.memory_space<vmem>> -> memref<128xf32, #tpu.memory_space<vmem>>
    %dma_wait3A_173 = arith.constant 0 : i32
    %dma_wait3A_174 = tpu.memref_slice %arg11[%dma_wait3A_170, %dma_wait3A_173] : memref<8x128xi32, #tpu.memory_space<vmem>> -> memref<1x128xi32, #tpu.memory_space<vmem>>
    %dma_wait3A_175 = tpu.memref_squeeze %dma_wait3A_174 : memref<1x128xi32, #tpu.memory_space<vmem>> -> memref<128xi32, #tpu.memory_space<vmem>>
    %dma_wait3A_176 = arith.constant 0 : i32
    %dma_wait3A_177 = tpu.memref_slice %arg6[%dma_wait3A_176] : memref<200704xf32, #tpu.memory_space<hbm>> -> memref<200704xf32, #tpu.memory_space<hbm>>
    tpu.wait_indirect_dma semaphore(%arg21 : memref<!tpu.dma_semaphore, #tpu.memory_space<semaphore_mem>>) src(%dma_wait3A_177 : memref<200704xf32, #tpu.memory_space<hbm>>) dst(%dma_wait3A_172 : memref<128xf32, #tpu.memory_space<vmem>>)
    %dma_wait3A_178 = arith.constant 2 : i32
    %dma_wait3A_179 = arith.constant 256 : i32
    %dma_wait3A_180 = tpu.memref_slice %arg16[%dma_wait3A_179] : memref<1024xf32, #tpu.memory_space<vmem>> -> memref<128xf32, #tpu.memory_space<vmem>>
    %dma_wait3A_181 = arith.constant 0 : i32
    %dma_wait3A_182 = tpu.memref_slice %arg10[%dma_wait3A_178, %dma_wait3A_181] : memref<8x128xi32, #tpu.memory_space<vmem>> -> memref<1x128xi32, #tpu.memory_space<vmem>>
    %dma_wait3A_183 = tpu.memref_squeeze %dma_wait3A_182 : memref<1x128xi32, #tpu.memory_space<vmem>> -> memref<128xi32, #tpu.memory_space<vmem>>
    %dma_wait3A_184 = arith.constant 0 : i32
    %dma_wait3A_185 = tpu.memref_slice %arg5[%dma_wait3A_184] : memref<200000xf32, #tpu.memory_space<hbm>> -> memref<200000xf32, #tpu.memory_space<hbm>>
    tpu.wait_indirect_dma semaphore(%arg21 : memref<!tpu.dma_semaphore, #tpu.memory_space<semaphore_mem>>) src(%dma_wait3A_185 : memref<200000xf32, #tpu.memory_space<hbm>>) dst(%dma_wait3A_180 : memref<128xf32, #tpu.memory_space<vmem>>)
    %dma_wait3A_186 = arith.constant 2 : i32
    %dma_wait3A_187 = arith.constant 256 : i32
    %dma_wait3A_188 = tpu.memref_slice %arg18[%dma_wait3A_187] : memref<1024xf32, #tpu.memory_space<vmem>> -> memref<128xf32, #tpu.memory_space<vmem>>
    %dma_wait3A_189 = arith.constant 0 : i32
    %dma_wait3A_190 = tpu.memref_slice %arg11[%dma_wait3A_186, %dma_wait3A_189] : memref<8x128xi32, #tpu.memory_space<vmem>> -> memref<1x128xi32, #tpu.memory_space<vmem>>
    %dma_wait3A_191 = tpu.memref_squeeze %dma_wait3A_190 : memref<1x128xi32, #tpu.memory_space<vmem>> -> memref<128xi32, #tpu.memory_space<vmem>>
    %dma_wait3A_192 = arith.constant 0 : i32
    %dma_wait3A_193 = tpu.memref_slice %arg6[%dma_wait3A_192] : memref<200704xf32, #tpu.memory_space<hbm>> -> memref<200704xf32, #tpu.memory_space<hbm>>
    tpu.wait_indirect_dma semaphore(%arg21 : memref<!tpu.dma_semaphore, #tpu.memory_space<semaphore_mem>>) src(%dma_wait3A_193 : memref<200704xf32, #tpu.memory_space<hbm>>) dst(%dma_wait3A_188 : memref<128xf32, #tpu.memory_space<vmem>>)
    %dma_wait3A_194 = arith.constant 3 : i32
    %dma_wait3A_195 = arith.constant 384 : i32
    %dma_wait3A_196 = tpu.memref_slice %arg16[%dma_wait3A_195] : memref<1024xf32, #tpu.memory_space<vmem>> -> memref<128xf32, #tpu.memory_space<vmem>>
    %dma_wait3A_197 = arith.constant 0 : i32
    %dma_wait3A_198 = tpu.memref_slice %arg10[%dma_wait3A_194, %dma_wait3A_197] : memref<8x128xi32, #tpu.memory_space<vmem>> -> memref<1x128xi32, #tpu.memory_space<vmem>>
    %dma_wait3A_199 = tpu.memref_squeeze %dma_wait3A_198 : memref<1x128xi32, #tpu.memory_space<vmem>> -> memref<128xi32, #tpu.memory_space<vmem>>
    %dma_wait3A_200 = arith.constant 0 : i32
    %dma_wait3A_201 = tpu.memref_slice %arg5[%dma_wait3A_200] : memref<200000xf32, #tpu.memory_space<hbm>> -> memref<200000xf32, #tpu.memory_space<hbm>>
    tpu.wait_indirect_dma semaphore(%arg21 : memref<!tpu.dma_semaphore, #tpu.memory_space<semaphore_mem>>) src(%dma_wait3A_201 : memref<200000xf32, #tpu.memory_space<hbm>>) dst(%dma_wait3A_196 : memref<128xf32, #tpu.memory_space<vmem>>)
    %dma_wait3A_202 = arith.constant 3 : i32
    %dma_wait3A_203 = arith.constant 384 : i32
    %dma_wait3A_204 = tpu.memref_slice %arg18[%dma_wait3A_203] : memref<1024xf32, #tpu.memory_space<vmem>> -> memref<128xf32, #tpu.memory_space<vmem>>
    %dma_wait3A_205 = arith.constant 0 : i32
    %dma_wait3A_206 = tpu.memref_slice %arg11[%dma_wait3A_202, %dma_wait3A_205] : memref<8x128xi32, #tpu.memory_space<vmem>> -> memref<1x128xi32, #tpu.memory_space<vmem>>
    %dma_wait3A_207 = tpu.memref_squeeze %dma_wait3A_206 : memref<1x128xi32, #tpu.memory_space<vmem>> -> memref<128xi32, #tpu.memory_space<vmem>>
    %dma_wait3A_208 = arith.constant 0 : i32
    %dma_wait3A_209 = tpu.memref_slice %arg6[%dma_wait3A_208] : memref<200704xf32, #tpu.memory_space<hbm>> -> memref<200704xf32, #tpu.memory_space<hbm>>
    tpu.wait_indirect_dma semaphore(%arg21 : memref<!tpu.dma_semaphore, #tpu.memory_space<semaphore_mem>>) src(%dma_wait3A_209 : memref<200704xf32, #tpu.memory_space<hbm>>) dst(%dma_wait3A_204 : memref<128xf32, #tpu.memory_space<vmem>>)
    %dma_wait3A_210 = arith.constant 4 : i32
    %dma_wait3A_211 = arith.constant 512 : i32
    %dma_wait3A_212 = tpu.memref_slice %arg16[%dma_wait3A_211] : memref<1024xf32, #tpu.memory_space<vmem>> -> memref<128xf32, #tpu.memory_space<vmem>>
    %dma_wait3A_213 = arith.constant 0 : i32
    %dma_wait3A_214 = tpu.memref_slice %arg10[%dma_wait3A_210, %dma_wait3A_213] : memref<8x128xi32, #tpu.memory_space<vmem>> -> memref<1x128xi32, #tpu.memory_space<vmem>>
    %dma_wait3A_215 = tpu.memref_squeeze %dma_wait3A_214 : memref<1x128xi32, #tpu.memory_space<vmem>> -> memref<128xi32, #tpu.memory_space<vmem>>
    %dma_wait3A_216 = arith.constant 0 : i32
    %dma_wait3A_217 = tpu.memref_slice %arg5[%dma_wait3A_216] : memref<200000xf32, #tpu.memory_space<hbm>> -> memref<200000xf32, #tpu.memory_space<hbm>>
    tpu.wait_indirect_dma semaphore(%arg21 : memref<!tpu.dma_semaphore, #tpu.memory_space<semaphore_mem>>) src(%dma_wait3A_217 : memref<200000xf32, #tpu.memory_space<hbm>>) dst(%dma_wait3A_212 : memref<128xf32, #tpu.memory_space<vmem>>)
    %dma_wait3A_218 = arith.constant 4 : i32
    %dma_wait3A_219 = arith.constant 512 : i32
    %dma_wait3A_220 = tpu.memref_slice %arg18[%dma_wait3A_219] : memref<1024xf32, #tpu.memory_space<vmem>> -> memref<128xf32, #tpu.memory_space<vmem>>
    %dma_wait3A_221 = arith.constant 0 : i32
    %dma_wait3A_222 = tpu.memref_slice %arg11[%dma_wait3A_218, %dma_wait3A_221] : memref<8x128xi32, #tpu.memory_space<vmem>> -> memref<1x128xi32, #tpu.memory_space<vmem>>
    %dma_wait3A_223 = tpu.memref_squeeze %dma_wait3A_222 : memref<1x128xi32, #tpu.memory_space<vmem>> -> memref<128xi32, #tpu.memory_space<vmem>>
    %dma_wait3A_224 = arith.constant 0 : i32
    %dma_wait3A_225 = tpu.memref_slice %arg6[%dma_wait3A_224] : memref<200704xf32, #tpu.memory_space<hbm>> -> memref<200704xf32, #tpu.memory_space<hbm>>
    tpu.wait_indirect_dma semaphore(%arg21 : memref<!tpu.dma_semaphore, #tpu.memory_space<semaphore_mem>>) src(%dma_wait3A_225 : memref<200704xf32, #tpu.memory_space<hbm>>) dst(%dma_wait3A_220 : memref<128xf32, #tpu.memory_space<vmem>>)
    %dma_wait3A_226 = arith.constant 5 : i32
    %dma_wait3A_227 = arith.constant 640 : i32
    %dma_wait3A_228 = tpu.memref_slice %arg16[%dma_wait3A_227] : memref<1024xf32, #tpu.memory_space<vmem>> -> memref<128xf32, #tpu.memory_space<vmem>>
    %dma_wait3A_229 = arith.constant 0 : i32
    %dma_wait3A_230 = tpu.memref_slice %arg10[%dma_wait3A_226, %dma_wait3A_229] : memref<8x128xi32, #tpu.memory_space<vmem>> -> memref<1x128xi32, #tpu.memory_space<vmem>>
    %dma_wait3A_231 = tpu.memref_squeeze %dma_wait3A_230 : memref<1x128xi32, #tpu.memory_space<vmem>> -> memref<128xi32, #tpu.memory_space<vmem>>
    %dma_wait3A_232 = arith.constant 0 : i32
    %dma_wait3A_233 = tpu.memref_slice %arg5[%dma_wait3A_232] : memref<200000xf32, #tpu.memory_space<hbm>> -> memref<200000xf32, #tpu.memory_space<hbm>>
    tpu.wait_indirect_dma semaphore(%arg21 : memref<!tpu.dma_semaphore, #tpu.memory_space<semaphore_mem>>) src(%dma_wait3A_233 : memref<200000xf32, #tpu.memory_space<hbm>>) dst(%dma_wait3A_228 : memref<128xf32, #tpu.memory_space<vmem>>)
    %dma_wait3A_234 = arith.constant 5 : i32
    %dma_wait3A_235 = arith.constant 640 : i32
    %dma_wait3A_236 = tpu.memref_slice %arg18[%dma_wait3A_235] : memref<1024xf32, #tpu.memory_space<vmem>> -> memref<128xf32, #tpu.memory_space<vmem>>
    %dma_wait3A_237 = arith.constant 0 : i32
    %dma_wait3A_238 = tpu.memref_slice %arg11[%dma_wait3A_234, %dma_wait3A_237] : memref<8x128xi32, #tpu.memory_space<vmem>> -> memref<1x128xi32, #tpu.memory_space<vmem>>
    %dma_wait3A_239 = tpu.memref_squeeze %dma_wait3A_238 : memref<1x128xi32, #tpu.memory_space<vmem>> -> memref<128xi32, #tpu.memory_space<vmem>>
    %dma_wait3A_240 = arith.constant 0 : i32
    %dma_wait3A_241 = tpu.memref_slice %arg6[%dma_wait3A_240] : memref<200704xf32, #tpu.memory_space<hbm>> -> memref<200704xf32, #tpu.memory_space<hbm>>
    tpu.wait_indirect_dma semaphore(%arg21 : memref<!tpu.dma_semaphore, #tpu.memory_space<semaphore_mem>>) src(%dma_wait3A_241 : memref<200704xf32, #tpu.memory_space<hbm>>) dst(%dma_wait3A_236 : memref<128xf32, #tpu.memory_space<vmem>>)
    %dma_wait3A_242 = arith.constant 6 : i32
    %dma_wait3A_243 = arith.constant 768 : i32
    %dma_wait3A_244 = tpu.memref_slice %arg16[%dma_wait3A_243] : memref<1024xf32, #tpu.memory_space<vmem>> -> memref<128xf32, #tpu.memory_space<vmem>>
    %dma_wait3A_245 = arith.constant 0 : i32
    %dma_wait3A_246 = tpu.memref_slice %arg10[%dma_wait3A_242, %dma_wait3A_245] : memref<8x128xi32, #tpu.memory_space<vmem>> -> memref<1x128xi32, #tpu.memory_space<vmem>>
    %dma_wait3A_247 = tpu.memref_squeeze %dma_wait3A_246 : memref<1x128xi32, #tpu.memory_space<vmem>> -> memref<128xi32, #tpu.memory_space<vmem>>
    %dma_wait3A_248 = arith.constant 0 : i32
    %dma_wait3A_249 = tpu.memref_slice %arg5[%dma_wait3A_248] : memref<200000xf32, #tpu.memory_space<hbm>> -> memref<200000xf32, #tpu.memory_space<hbm>>
    tpu.wait_indirect_dma semaphore(%arg21 : memref<!tpu.dma_semaphore, #tpu.memory_space<semaphore_mem>>) src(%dma_wait3A_249 : memref<200000xf32, #tpu.memory_space<hbm>>) dst(%dma_wait3A_244 : memref<128xf32, #tpu.memory_space<vmem>>)
    %dma_wait3A_250 = arith.constant 6 : i32
    %dma_wait3A_251 = arith.constant 768 : i32
    %dma_wait3A_252 = tpu.memref_slice %arg18[%dma_wait3A_251] : memref<1024xf32, #tpu.memory_space<vmem>> -> memref<128xf32, #tpu.memory_space<vmem>>
    %dma_wait3A_253 = arith.constant 0 : i32
    %dma_wait3A_254 = tpu.memref_slice %arg11[%dma_wait3A_250, %dma_wait3A_253] : memref<8x128xi32, #tpu.memory_space<vmem>> -> memref<1x128xi32, #tpu.memory_space<vmem>>
    %dma_wait3A_255 = tpu.memref_squeeze %dma_wait3A_254 : memref<1x128xi32, #tpu.memory_space<vmem>> -> memref<128xi32, #tpu.memory_space<vmem>>
    %dma_wait3A_256 = arith.constant 0 : i32
    %dma_wait3A_257 = tpu.memref_slice %arg6[%dma_wait3A_256] : memref<200704xf32, #tpu.memory_space<hbm>> -> memref<200704xf32, #tpu.memory_space<hbm>>
    tpu.wait_indirect_dma semaphore(%arg21 : memref<!tpu.dma_semaphore, #tpu.memory_space<semaphore_mem>>) src(%dma_wait3A_257 : memref<200704xf32, #tpu.memory_space<hbm>>) dst(%dma_wait3A_252 : memref<128xf32, #tpu.memory_space<vmem>>)
    %dma_wait3A_258 = arith.constant 7 : i32
    %dma_wait3A_259 = arith.constant 896 : i32
    %dma_wait3A_260 = tpu.memref_slice %arg16[%dma_wait3A_259] : memref<1024xf32, #tpu.memory_space<vmem>> -> memref<128xf32, #tpu.memory_space<vmem>>
    %dma_wait3A_261 = arith.constant 0 : i32
    %dma_wait3A_262 = tpu.memref_slice %arg10[%dma_wait3A_258, %dma_wait3A_261] : memref<8x128xi32, #tpu.memory_space<vmem>> -> memref<1x128xi32, #tpu.memory_space<vmem>>
    %dma_wait3A_263 = tpu.memref_squeeze %dma_wait3A_262 : memref<1x128xi32, #tpu.memory_space<vmem>> -> memref<128xi32, #tpu.memory_space<vmem>>
    %dma_wait3A_264 = arith.constant 0 : i32
    %dma_wait3A_265 = tpu.memref_slice %arg5[%dma_wait3A_264] : memref<200000xf32, #tpu.memory_space<hbm>> -> memref<200000xf32, #tpu.memory_space<hbm>>
    tpu.wait_indirect_dma semaphore(%arg21 : memref<!tpu.dma_semaphore, #tpu.memory_space<semaphore_mem>>) src(%dma_wait3A_265 : memref<200000xf32, #tpu.memory_space<hbm>>) dst(%dma_wait3A_260 : memref<128xf32, #tpu.memory_space<vmem>>)
    %dma_wait3A_266 = arith.constant 7 : i32
    %dma_wait3A_267 = arith.constant 896 : i32
    %dma_wait3A_268 = tpu.memref_slice %arg18[%dma_wait3A_267] : memref<1024xf32, #tpu.memory_space<vmem>> -> memref<128xf32, #tpu.memory_space<vmem>>
    %dma_wait3A_269 = arith.constant 0 : i32
    %dma_wait3A_270 = tpu.memref_slice %arg11[%dma_wait3A_266, %dma_wait3A_269] : memref<8x128xi32, #tpu.memory_space<vmem>> -> memref<1x128xi32, #tpu.memory_space<vmem>>
    %dma_wait3A_271 = tpu.memref_squeeze %dma_wait3A_270 : memref<1x128xi32, #tpu.memory_space<vmem>> -> memref<128xi32, #tpu.memory_space<vmem>>
    %dma_wait3A_272 = arith.constant 0 : i32
    %dma_wait3A_273 = tpu.memref_slice %arg6[%dma_wait3A_272] : memref<200704xf32, #tpu.memory_space<hbm>> -> memref<200704xf32, #tpu.memory_space<hbm>>
    tpu.wait_indirect_dma semaphore(%arg21 : memref<!tpu.dma_semaphore, #tpu.memory_space<semaphore_mem>>) src(%dma_wait3A_273 : memref<200704xf32, #tpu.memory_space<hbm>>) dst(%dma_wait3A_268 : memref<128xf32, #tpu.memory_space<vmem>>)
    %scan3A_274 = arith.constant 0 : i32
    %scan3A_275 = arith.constant 0 : i32
    %scan3A_276 = arith.constant 64 : i32
    %scan3A_277 = arith.addi %scan3A_275, %scan3A_276 : i32
    %scan3A_278 = arith.constant 1 : i32
    %scan3A_279 = scf.for %scan3A_414 = %scan3A_275 to %scan3A_277 step %scan3A_278 iter_args(%scan3A_415 = %scan3A_274) -> (i32)  : i32 {
      %mul3A_416 = arith.constant 16 : i32
      %mul3A_417 = arith.muli %scan3A_414, %mul3A_416 : i32
      %get3A = arith.index_cast %mul3A_417 : i32 to index
      %get3A_418 = tpu.vector_load %arg16[%get3A] {strides = array<i32>} : memref<1024xf32, #tpu.memory_space<vmem>>, vector<16xf32>,
      %get3A_419 = vector.shape_cast %get3A_418 : vector<16xf32> to vector<16xf32>
      %mul3A_420 = arith.constant 16 : i32
      %mul3A_421 = arith.muli %scan3A_414, %mul3A_420 : i32
      %get3A_422 = arith.index_cast %mul3A_421 : i32 to index
      %get3A_423 = tpu.vector_load %arg18[%get3A_422] {strides = array<i32>} : memref<1024xf32, #tpu.memory_space<vmem>>, vector<16xf32>,
      %get3A_424 = vector.shape_cast %get3A_423 : vector<16xf32> to vector<16xf32>
      %mul3A_425 = arith.mulf %get3A_419, %get3A_424 : vector<16xf32>
      %mul3A_426 = arith.constant 16 : i32
      %mul3A_427 = arith.muli %scan3A_414, %mul3A_426 : i32
      %swap3A = arith.index_cast %mul3A_427 : i32 to index
      %swap3A_428 = tpu.vector_load %arg16[%swap3A] {strides = array<i32>} : memref<1024xf32, #tpu.memory_space<vmem>>, vector<16xf32>,
      %swap3A_429 = vector.shape_cast %swap3A_428 : vector<16xf32> to vector<16xf32>
      %swap3A_430 = vector.shape_cast %mul3A_425 : vector<16xf32> to vector<16xf32>
      tpu.vector_store %arg16[%swap3A], %swap3A_430 {strides = array<i32>} : memref<1024xf32, #tpu.memory_space<vmem>>, vector<16xf32>,
      %scan3A_431 = arith.constant 0 : i32
      scf.yield %scan3A_431 : i32
    }
    %scan3A_280 = arith.constant 64 : i32
    %dma_start3A_281 = arith.constant 0 : i32
    %dma_start3A_282 = arith.constant 0 : i32
    %dma_start3A_283 = tpu.memref_slice %arg16[%dma_start3A_282] : memref<1024xf32, #tpu.memory_space<vmem>> -> memref<128xf32, #tpu.memory_space<vmem>>
    %dma_start3A_284 = arith.constant 0 : i32
    %dma_start3A_285 = tpu.memref_slice %arg12[%dma_start3A_281, %dma_start3A_284] : memref<8x128xi32, #tpu.memory_space<vmem>> -> memref<1x128xi32, #tpu.memory_space<vmem>>
    %dma_start3A_286 = tpu.memref_squeeze %dma_start3A_285 : memref<1x128xi32, #tpu.memory_space<vmem>> -> memref<128xi32, #tpu.memory_space<vmem>>
    %dma_start3A_287 = arith.constant 0 : i32
    %dma_start3A_288 = tpu.memref_slice %arg9[%dma_start3A_287] : memref<51200xf32, #tpu.memory_space<vmem_shared>> -> memref<51200xf32, #tpu.memory_space<vmem_shared>>
    tpu.enqueue_indirect_dma source(%dma_start3A_283 : memref<128xf32, #tpu.memory_space<vmem>>) target(%dma_start3A_288 : memref<51200xf32, #tpu.memory_space<vmem_shared>>) offsets(%dma_start3A_286 : memref<128xi32, #tpu.memory_space<vmem>>) semaphore(%arg23 : memref<!tpu.dma_semaphore, #tpu.memory_space<semaphore_mem>>) {add = true}
    %dma_start3A_289 = arith.constant 1 : i32
    %dma_start3A_290 = arith.constant 128 : i32
    %dma_start3A_291 = tpu.memref_slice %arg16[%dma_start3A_290] : memref<1024xf32, #tpu.memory_space<vmem>> -> memref<128xf32, #tpu.memory_space<vmem>>
    %dma_start3A_292 = arith.constant 0 : i32
    %dma_start3A_293 = tpu.memref_slice %arg12[%dma_start3A_289, %dma_start3A_292] : memref<8x128xi32, #tpu.memory_space<vmem>> -> memref<1x128xi32, #tpu.memory_space<vmem>>
    %dma_start3A_294 = tpu.memref_squeeze %dma_start3A_293 : memref<1x128xi32, #tpu.memory_space<vmem>> -> memref<128xi32, #tpu.memory_space<vmem>>
    %dma_start3A_295 = arith.constant 0 : i32
    %dma_start3A_296 = tpu.memref_slice %arg9[%dma_start3A_295] : memref<51200xf32, #tpu.memory_space<vmem_shared>> -> memref<51200xf32, #tpu.memory_space<vmem_shared>>
    tpu.enqueue_indirect_dma source(%dma_start3A_291 : memref<128xf32, #tpu.memory_space<vmem>>) target(%dma_start3A_296 : memref<51200xf32, #tpu.memory_space<vmem_shared>>) offsets(%dma_start3A_294 : memref<128xi32, #tpu.memory_space<vmem>>) semaphore(%arg23 : memref<!tpu.dma_semaphore, #tpu.memory_space<semaphore_mem>>) {add = true}
    %dma_start3A_297 = arith.constant 2 : i32
    %dma_start3A_298 = arith.constant 256 : i32
    %dma_start3A_299 = tpu.memref_slice %arg16[%dma_start3A_298] : memref<1024xf32, #tpu.memory_space<vmem>> -> memref<128xf32, #tpu.memory_space<vmem>>
    %dma_start3A_300 = arith.constant 0 : i32
    %dma_start3A_301 = tpu.memref_slice %arg12[%dma_start3A_297, %dma_start3A_300] : memref<8x128xi32, #tpu.memory_space<vmem>> -> memref<1x128xi32, #tpu.memory_space<vmem>>
    %dma_start3A_302 = tpu.memref_squeeze %dma_start3A_301 : memref<1x128xi32, #tpu.memory_space<vmem>> -> memref<128xi32, #tpu.memory_space<vmem>>
    %dma_start3A_303 = arith.constant 0 : i32
    %dma_start3A_304 = tpu.memref_slice %arg9[%dma_start3A_303] : memref<51200xf32, #tpu.memory_space<vmem_shared>> -> memref<51200xf32, #tpu.memory_space<vmem_shared>>
    tpu.enqueue_indirect_dma source(%dma_start3A_299 : memref<128xf32, #tpu.memory_space<vmem>>) target(%dma_start3A_304 : memref<51200xf32, #tpu.memory_space<vmem_shared>>) offsets(%dma_start3A_302 : memref<128xi32, #tpu.memory_space<vmem>>) semaphore(%arg23 : memref<!tpu.dma_semaphore, #tpu.memory_space<semaphore_mem>>) {add = true}
    %dma_start3A_305 = arith.constant 3 : i32
    %dma_start3A_306 = arith.constant 384 : i32
    %dma_start3A_307 = tpu.memref_slice %arg16[%dma_start3A_306] : memref<1024xf32, #tpu.memory_space<vmem>> -> memref<128xf32, #tpu.memory_space<vmem>>
    %dma_start3A_308 = arith.constant 0 : i32
    %dma_start3A_309 = tpu.memref_slice %arg12[%dma_start3A_305, %dma_start3A_308] : memref<8x128xi32, #tpu.memory_space<vmem>> -> memref<1x128xi32, #tpu.memory_space<vmem>>
    %dma_start3A_310 = tpu.memref_squeeze %dma_start3A_309 : memref<1x128xi32, #tpu.memory_space<vmem>> -> memref<128xi32, #tpu.memory_space<vmem>>
    %dma_start3A_311 = arith.constant 0 : i32
    %dma_start3A_312 = tpu.memref_slice %arg9[%dma_start3A_311] : memref<51200xf32, #tpu.memory_space<vmem_shared>> -> memref<51200xf32, #tpu.memory_space<vmem_shared>>
    tpu.enqueue_indirect_dma source(%dma_start3A_307 : memref<128xf32, #tpu.memory_space<vmem>>) target(%dma_start3A_312 : memref<51200xf32, #tpu.memory_space<vmem_shared>>) offsets(%dma_start3A_310 : memref<128xi32, #tpu.memory_space<vmem>>) semaphore(%arg23 : memref<!tpu.dma_semaphore, #tpu.memory_space<semaphore_mem>>) {add = true}
    %dma_start3A_313 = arith.constant 4 : i32
    %dma_start3A_314 = arith.constant 512 : i32
    %dma_start3A_315 = tpu.memref_slice %arg16[%dma_start3A_314] : memref<1024xf32, #tpu.memory_space<vmem>> -> memref<128xf32, #tpu.memory_space<vmem>>
    %dma_start3A_316 = arith.constant 0 : i32
    %dma_start3A_317 = tpu.memref_slice %arg12[%dma_start3A_313, %dma_start3A_316] : memref<8x128xi32, #tpu.memory_space<vmem>> -> memref<1x128xi32, #tpu.memory_space<vmem>>
    %dma_start3A_318 = tpu.memref_squeeze %dma_start3A_317 : memref<1x128xi32, #tpu.memory_space<vmem>> -> memref<128xi32, #tpu.memory_space<vmem>>
    %dma_start3A_319 = arith.constant 0 : i32
    %dma_start3A_320 = tpu.memref_slice %arg9[%dma_start3A_319] : memref<51200xf32, #tpu.memory_space<vmem_shared>> -> memref<51200xf32, #tpu.memory_space<vmem_shared>>
    tpu.enqueue_indirect_dma source(%dma_start3A_315 : memref<128xf32, #tpu.memory_space<vmem>>) target(%dma_start3A_320 : memref<51200xf32, #tpu.memory_space<vmem_shared>>) offsets(%dma_start3A_318 : memref<128xi32, #tpu.memory_space<vmem>>) semaphore(%arg23 : memref<!tpu.dma_semaphore, #tpu.memory_space<semaphore_mem>>) {add = true}
    %dma_start3A_321 = arith.constant 5 : i32
    %dma_start3A_322 = arith.constant 640 : i32
    %dma_start3A_323 = tpu.memref_slice %arg16[%dma_start3A_322] : memref<1024xf32, #tpu.memory_space<vmem>> -> memref<128xf32, #tpu.memory_space<vmem>>
    %dma_start3A_324 = arith.constant 0 : i32
    %dma_start3A_325 = tpu.memref_slice %arg12[%dma_start3A_321, %dma_start3A_324] : memref<8x128xi32, #tpu.memory_space<vmem>> -> memref<1x128xi32, #tpu.memory_space<vmem>>
    %dma_start3A_326 = tpu.memref_squeeze %dma_start3A_325 : memref<1x128xi32, #tpu.memory_space<vmem>> -> memref<128xi32, #tpu.memory_space<vmem>>
    %dma_start3A_327 = arith.constant 0 : i32
    %dma_start3A_328 = tpu.memref_slice %arg9[%dma_start3A_327] : memref<51200xf32, #tpu.memory_space<vmem_shared>> -> memref<51200xf32, #tpu.memory_space<vmem_shared>>
    tpu.enqueue_indirect_dma source(%dma_start3A_323 : memref<128xf32, #tpu.memory_space<vmem>>) target(%dma_start3A_328 : memref<51200xf32, #tpu.memory_space<vmem_shared>>) offsets(%dma_start3A_326 : memref<128xi32, #tpu.memory_space<vmem>>) semaphore(%arg23 : memref<!tpu.dma_semaphore, #tpu.memory_space<semaphore_mem>>) {add = true}
    %dma_start3A_329 = arith.constant 6 : i32
    %dma_start3A_330 = arith.constant 768 : i32
    %dma_start3A_331 = tpu.memref_slice %arg16[%dma_start3A_330] : memref<1024xf32, #tpu.memory_space<vmem>> -> memref<128xf32, #tpu.memory_space<vmem>>
    %dma_start3A_332 = arith.constant 0 : i32
    %dma_start3A_333 = tpu.memref_slice %arg12[%dma_start3A_329, %dma_start3A_332] : memref<8x128xi32, #tpu.memory_space<vmem>> -> memref<1x128xi32, #tpu.memory_space<vmem>>
    %dma_start3A_334 = tpu.memref_squeeze %dma_start3A_333 : memref<1x128xi32, #tpu.memory_space<vmem>> -> memref<128xi32, #tpu.memory_space<vmem>>
    %dma_start3A_335 = arith.constant 0 : i32
    %dma_start3A_336 = tpu.memref_slice %arg9[%dma_start3A_335] : memref<51200xf32, #tpu.memory_space<vmem_shared>> -> memref<51200xf32, #tpu.memory_space<vmem_shared>>
    tpu.enqueue_indirect_dma source(%dma_start3A_331 : memref<128xf32, #tpu.memory_space<vmem>>) target(%dma_start3A_336 : memref<51200xf32, #tpu.memory_space<vmem_shared>>) offsets(%dma_start3A_334 : memref<128xi32, #tpu.memory_space<vmem>>) semaphore(%arg23 : memref<!tpu.dma_semaphore, #tpu.memory_space<semaphore_mem>>) {add = true}
    %dma_start3A_337 = arith.constant 7 : i32
    %dma_start3A_338 = arith.constant 896 : i32
    %dma_start3A_339 = tpu.memref_slice %arg16[%dma_start3A_338] : memref<1024xf32, #tpu.memory_space<vmem>> -> memref<128xf32, #tpu.memory_space<vmem>>
    %dma_start3A_340 = arith.constant 0 : i32
    %dma_start3A_341 = tpu.memref_slice %arg12[%dma_start3A_337, %dma_start3A_340] : memref<8x128xi32, #tpu.memory_space<vmem>> -> memref<1x128xi32, #tpu.memory_space<vmem>>
    %dma_start3A_342 = tpu.memref_squeeze %dma_start3A_341 : memref<1x128xi32, #tpu.memory_space<vmem>> -> memref<128xi32, #tpu.memory_space<vmem>>
    %dma_start3A_343 = arith.constant 0 : i32
    %dma_start3A_344 = tpu.memref_slice %arg9[%dma_start3A_343] : memref<51200xf32, #tpu.memory_space<vmem_shared>> -> memref<51200xf32, #tpu.memory_space<vmem_shared>>
    tpu.enqueue_indirect_dma source(%dma_start3A_339 : memref<128xf32, #tpu.memory_space<vmem>>) target(%dma_start3A_344 : memref<51200xf32, #tpu.memory_space<vmem_shared>>) offsets(%dma_start3A_342 : memref<128xi32, #tpu.memory_space<vmem>>) semaphore(%arg23 : memref<!tpu.dma_semaphore, #tpu.memory_space<semaphore_mem>>) {add = true}
    %dma_wait3A_345 = arith.constant 0 : i32
    %dma_wait3A_346 = arith.constant 0 : i32
    %dma_wait3A_347 = tpu.memref_slice %arg16[%dma_wait3A_346] : memref<1024xf32, #tpu.memory_space<vmem>> -> memref<128xf32, #tpu.memory_space<vmem>>
    %dma_wait3A_348 = arith.constant 0 : i32
    %dma_wait3A_349 = tpu.memref_slice %arg12[%dma_wait3A_345, %dma_wait3A_348] : memref<8x128xi32, #tpu.memory_space<vmem>> -> memref<1x128xi32, #tpu.memory_space<vmem>>
    %dma_wait3A_350 = tpu.memref_squeeze %dma_wait3A_349 : memref<1x128xi32, #tpu.memory_space<vmem>> -> memref<128xi32, #tpu.memory_space<vmem>>
    %dma_wait3A_351 = arith.constant 0 : i32
    %dma_wait3A_352 = tpu.memref_slice %arg9[%dma_wait3A_351] : memref<51200xf32, #tpu.memory_space<vmem_shared>> -> memref<51200xf32, #tpu.memory_space<vmem_shared>>
    tpu.wait_indirect_dma semaphore(%arg23 : memref<!tpu.dma_semaphore, #tpu.memory_space<semaphore_mem>>) src(%dma_wait3A_347 : memref<128xf32, #tpu.memory_space<vmem>>) dst(%dma_wait3A_352 : memref<51200xf32, #tpu.memory_space<vmem_shared>>)
    %dma_wait3A_353 = arith.constant 1 : i32
    %dma_wait3A_354 = arith.constant 128 : i32
    %dma_wait3A_355 = tpu.memref_slice %arg16[%dma_wait3A_354] : memref<1024xf32, #tpu.memory_space<vmem>> -> memref<128xf32, #tpu.memory_space<vmem>>
    %dma_wait3A_356 = arith.constant 0 : i32
    %dma_wait3A_357 = tpu.memref_slice %arg12[%dma_wait3A_353, %dma_wait3A_356] : memref<8x128xi32, #tpu.memory_space<vmem>> -> memref<1x128xi32, #tpu.memory_space<vmem>>
    %dma_wait3A_358 = tpu.memref_squeeze %dma_wait3A_357 : memref<1x128xi32, #tpu.memory_space<vmem>> -> memref<128xi32, #tpu.memory_space<vmem>>
    %dma_wait3A_359 = arith.constant 0 : i32
    %dma_wait3A_360 = tpu.memref_slice %arg9[%dma_wait3A_359] : memref<51200xf32, #tpu.memory_space<vmem_shared>> -> memref<51200xf32, #tpu.memory_space<vmem_shared>>
    tpu.wait_indirect_dma semaphore(%arg23 : memref<!tpu.dma_semaphore, #tpu.memory_space<semaphore_mem>>) src(%dma_wait3A_355 : memref<128xf32, #tpu.memory_space<vmem>>) dst(%dma_wait3A_360 : memref<51200xf32, #tpu.memory_space<vmem_shared>>)
    %dma_wait3A_361 = arith.constant 2 : i32
    %dma_wait3A_362 = arith.constant 256 : i32
    %dma_wait3A_363 = tpu.memref_slice %arg16[%dma_wait3A_362] : memref<1024xf32, #tpu.memory_space<vmem>> -> memref<128xf32, #tpu.memory_space<vmem>>
    %dma_wait3A_364 = arith.constant 0 : i32
    %dma_wait3A_365 = tpu.memref_slice %arg12[%dma_wait3A_361, %dma_wait3A_364] : memref<8x128xi32, #tpu.memory_space<vmem>> -> memref<1x128xi32, #tpu.memory_space<vmem>>
    %dma_wait3A_366 = tpu.memref_squeeze %dma_wait3A_365 : memref<1x128xi32, #tpu.memory_space<vmem>> -> memref<128xi32, #tpu.memory_space<vmem>>
    %dma_wait3A_367 = arith.constant 0 : i32
    %dma_wait3A_368 = tpu.memref_slice %arg9[%dma_wait3A_367] : memref<51200xf32, #tpu.memory_space<vmem_shared>> -> memref<51200xf32, #tpu.memory_space<vmem_shared>>
    tpu.wait_indirect_dma semaphore(%arg23 : memref<!tpu.dma_semaphore, #tpu.memory_space<semaphore_mem>>) src(%dma_wait3A_363 : memref<128xf32, #tpu.memory_space<vmem>>) dst(%dma_wait3A_368 : memref<51200xf32, #tpu.memory_space<vmem_shared>>)
    %dma_wait3A_369 = arith.constant 3 : i32
    %dma_wait3A_370 = arith.constant 384 : i32
    %dma_wait3A_371 = tpu.memref_slice %arg16[%dma_wait3A_370] : memref<1024xf32, #tpu.memory_space<vmem>> -> memref<128xf32, #tpu.memory_space<vmem>>
    %dma_wait3A_372 = arith.constant 0 : i32
    %dma_wait3A_373 = tpu.memref_slice %arg12[%dma_wait3A_369, %dma_wait3A_372] : memref<8x128xi32, #tpu.memory_space<vmem>> -> memref<1x128xi32, #tpu.memory_space<vmem>>
    %dma_wait3A_374 = tpu.memref_squeeze %dma_wait3A_373 : memref<1x128xi32, #tpu.memory_space<vmem>> -> memref<128xi32, #tpu.memory_space<vmem>>
    %dma_wait3A_375 = arith.constant 0 : i32
    %dma_wait3A_376 = tpu.memref_slice %arg9[%dma_wait3A_375] : memref<51200xf32, #tpu.memory_space<vmem_shared>> -> memref<51200xf32, #tpu.memory_space<vmem_shared>>
    tpu.wait_indirect_dma semaphore(%arg23 : memref<!tpu.dma_semaphore, #tpu.memory_space<semaphore_mem>>) src(%dma_wait3A_371 : memref<128xf32, #tpu.memory_space<vmem>>) dst(%dma_wait3A_376 : memref<51200xf32, #tpu.memory_space<vmem_shared>>)
    %dma_wait3A_377 = arith.constant 4 : i32
    %dma_wait3A_378 = arith.constant 512 : i32
    %dma_wait3A_379 = tpu.memref_slice %arg16[%dma_wait3A_378] : memref<1024xf32, #tpu.memory_space<vmem>> -> memref<128xf32, #tpu.memory_space<vmem>>
    %dma_wait3A_380 = arith.constant 0 : i32
    %dma_wait3A_381 = tpu.memref_slice %arg12[%dma_wait3A_377, %dma_wait3A_380] : memref<8x128xi32, #tpu.memory_space<vmem>> -> memref<1x128xi32, #tpu.memory_space<vmem>>
    %dma_wait3A_382 = tpu.memref_squeeze %dma_wait3A_381 : memref<1x128xi32, #tpu.memory_space<vmem>> -> memref<128xi32, #tpu.memory_space<vmem>>
    %dma_wait3A_383 = arith.constant 0 : i32
    %dma_wait3A_384 = tpu.memref_slice %arg9[%dma_wait3A_383] : memref<51200xf32, #tpu.memory_space<vmem_shared>> -> memref<51200xf32, #tpu.memory_space<vmem_shared>>
    tpu.wait_indirect_dma semaphore(%arg23 : memref<!tpu.dma_semaphore, #tpu.memory_space<semaphore_mem>>) src(%dma_wait3A_379 : memref<128xf32, #tpu.memory_space<vmem>>) dst(%dma_wait3A_384 : memref<51200xf32, #tpu.memory_space<vmem_shared>>)
    %dma_wait3A_385 = arith.constant 5 : i32
    %dma_wait3A_386 = arith.constant 640 : i32
    %dma_wait3A_387 = tpu.memref_slice %arg16[%dma_wait3A_386] : memref<1024xf32, #tpu.memory_space<vmem>> -> memref<128xf32, #tpu.memory_space<vmem>>
    %dma_wait3A_388 = arith.constant 0 : i32
    %dma_wait3A_389 = tpu.memref_slice %arg12[%dma_wait3A_385, %dma_wait3A_388] : memref<8x128xi32, #tpu.memory_space<vmem>> -> memref<1x128xi32, #tpu.memory_space<vmem>>
    %dma_wait3A_390 = tpu.memref_squeeze %dma_wait3A_389 : memref<1x128xi32, #tpu.memory_space<vmem>> -> memref<128xi32, #tpu.memory_space<vmem>>
    %dma_wait3A_391 = arith.constant 0 : i32
    %dma_wait3A_392 = tpu.memref_slice %arg9[%dma_wait3A_391] : memref<51200xf32, #tpu.memory_space<vmem_shared>> -> memref<51200xf32, #tpu.memory_space<vmem_shared>>
    tpu.wait_indirect_dma semaphore(%arg23 : memref<!tpu.dma_semaphore, #tpu.memory_space<semaphore_mem>>) src(%dma_wait3A_387 : memref<128xf32, #tpu.memory_space<vmem>>) dst(%dma_wait3A_392 : memref<51200xf32, #tpu.memory_space<vmem_shared>>)
    %dma_wait3A_393 = arith.constant 6 : i32
    %dma_wait3A_394 = arith.constant 768 : i32
    %dma_wait3A_395 = tpu.memref_slice %arg16[%dma_wait3A_394] : memref<1024xf32, #tpu.memory_space<vmem>> -> memref<128xf32, #tpu.memory_space<vmem>>
    %dma_wait3A_396 = arith.constant 0 : i32
    %dma_wait3A_397 = tpu.memref_slice %arg12[%dma_wait3A_393, %dma_wait3A_396] : memref<8x128xi32, #tpu.memory_space<vmem>> -> memref<1x128xi32, #tpu.memory_space<vmem>>
    %dma_wait3A_398 = tpu.memref_squeeze %dma_wait3A_397 : memref<1x128xi32, #tpu.memory_space<vmem>> -> memref<128xi32, #tpu.memory_space<vmem>>
    %dma_wait3A_399 = arith.constant 0 : i32
    %dma_wait3A_400 = tpu.memref_slice %arg9[%dma_wait3A_399] : memref<51200xf32, #tpu.memory_space<vmem_shared>> -> memref<51200xf32, #tpu.memory_space<vmem_shared>>
    tpu.wait_indirect_dma semaphore(%arg23 : memref<!tpu.dma_semaphore, #tpu.memory_space<semaphore_mem>>) src(%dma_wait3A_395 : memref<128xf32, #tpu.memory_space<vmem>>) dst(%dma_wait3A_400 : memref<51200xf32, #tpu.memory_space<vmem_shared>>)
    %dma_wait3A_401 = arith.constant 7 : i32
    %dma_wait3A_402 = arith.constant 896 : i32
    %dma_wait3A_403 = tpu.memref_slice %arg16[%dma_wait3A_402] : memref<1024xf32, #tpu.memory_space<vmem>> -> memref<128xf32, #tpu.memory_space<vmem>>
    %dma_wait3A_404 = arith.constant 0 : i32
    %dma_wait3A_405 = tpu.memref_slice %arg12[%dma_wait3A_401, %dma_wait3A_404] : memref<8x128xi32, #tpu.memory_space<vmem>> -> memref<1x128xi32, #tpu.memory_space<vmem>>
    %dma_wait3A_406 = tpu.memref_squeeze %dma_wait3A_405 : memref<1x128xi32, #tpu.memory_space<vmem>> -> memref<128xi32, #tpu.memory_space<vmem>>
    %dma_wait3A_407 = arith.constant 0 : i32
    %dma_wait3A_408 = tpu.memref_slice %arg9[%dma_wait3A_407] : memref<51200xf32, #tpu.memory_space<vmem_shared>> -> memref<51200xf32, #tpu.memory_space<vmem_shared>>
    tpu.wait_indirect_dma semaphore(%arg23 : memref<!tpu.dma_semaphore, #tpu.memory_space<semaphore_mem>>) src(%dma_wait3A_403 : memref<128xf32, #tpu.memory_space<vmem>>) dst(%dma_wait3A_408 : memref<51200xf32, #tpu.memory_space<vmem_shared>>)
    %barrier3A_409 = arith.constant 0 : index
    tpu.barrier barrier_id(%barrier3A_409)
    %mul3A_410 = arith.constant 3200 : i32
    %mul3A_411 = arith.muli %arg1, %mul3A_410 : i32
    "tpu.region"() ({
      %run_scoped3A = tpu.sem_alloc : memref<!tpu.dma_semaphore, #tpu.memory_space<semaphore_mem>>
      %dma_start3A_414 = tpu.memref_slice %arg9[%mul3A_411] : memref<51200xf32, #tpu.memory_space<vmem_shared>> -> memref<3200xf32, #tpu.memory_space<vmem_shared>>
      %dma_start3A_415 = tpu.memref_slice %arg9[%mul3A_411] : memref<51200xf32, #tpu.memory_space<vmem_shared>> -> memref<3200xf32, #tpu.memory_space<vmem_shared>>
      tpu.enqueue_dma source(%dma_start3A_415 : memref<3200xf32, #tpu.memory_space<vmem_shared>>) target(%arg20 : memref<3200xf32, #tpu.memory_space<vmem>>) target_semaphore(%run_scoped3A : memref<!tpu.dma_semaphore, #tpu.memory_space<semaphore_mem>>)
      %dma_wait3A_416 = tpu.memref_slice %arg9[%mul3A_411] : memref<51200xf32, #tpu.memory_space<vmem_shared>> -> memref<3200xf32, #tpu.memory_space<vmem_shared>>
      %dma_wait3A_417 = tpu.memref_slice %arg9[%mul3A_411] : memref<51200xf32, #tpu.memory_space<vmem_shared>> -> memref<3200xf32, #tpu.memory_space<vmem_shared>>
      tpu.wait_dma2 semaphore(%run_scoped3A : memref<!tpu.dma_semaphore, #tpu.memory_space<semaphore_mem>>) src(%dma_wait3A_417 : memref<3200xf32, #tpu.memory_space<vmem_shared>>) dst(%arg20 : memref<3200xf32, #tpu.memory_space<vmem>>)
      tpu.yield
    }) : () -> ()
    %mul3A_412 = arith.constant 3200 : i32
    %mul3A_413 = arith.muli %arg1, %mul3A_412 : i32
    "tpu.region"() ({
      %run_scoped3A = tpu.sem_alloc : memref<!tpu.dma_semaphore, #tpu.memory_space<semaphore_mem>>
      %dma_start3A_414 = tpu.memref_slice %arg8[%arg0, %mul3A_413] : memref<2x51200xf32, #tpu.memory_space<hbm>> -> memref<1x3200xf32, #tpu.memory_space<hbm>>
      %dma_start3A_415 = tpu.memref_squeeze %dma_start3A_414 : memref<1x3200xf32, #tpu.memory_space<hbm>> -> memref<3200xf32, #tpu.memory_space<hbm>>
      %dma_start3A_416 = tpu.memref_slice %arg8[%arg0, %mul3A_413] : memref<2x51200xf32, #tpu.memory_space<hbm>> -> memref<1x3200xf32, #tpu.memory_space<hbm>>
      %dma_start3A_417 = tpu.memref_squeeze %dma_start3A_416 : memref<1x3200xf32, #tpu.memory_space<hbm>> -> memref<3200xf32, #tpu.memory_space<hbm>>
      tpu.enqueue_dma source(%arg20 : memref<3200xf32, #tpu.memory_space<vmem>>) target(%dma_start3A_417 : memref<3200xf32, #tpu.memory_space<hbm>>) target_semaphore(%run_scoped3A : memref<!tpu.dma_semaphore, #tpu.memory_space<semaphore_mem>>)
      %dma_wait3A_418 = tpu.memref_slice %arg8[%arg0, %mul3A_413] : memref<2x51200xf32, #tpu.memory_space<hbm>> -> memref<1x3200xf32, #tpu.memory_space<hbm>>
      %dma_wait3A_419 = tpu.memref_squeeze %dma_wait3A_418 : memref<1x3200xf32, #tpu.memory_space<hbm>> -> memref<3200xf32, #tpu.memory_space<hbm>>
      %dma_wait3A_420 = tpu.memref_slice %arg8[%arg0, %mul3A_413] : memref<2x51200xf32, #tpu.memory_space<hbm>> -> memref<1x3200xf32, #tpu.memory_space<hbm>>
      %dma_wait3A_421 = tpu.memref_squeeze %dma_wait3A_420 : memref<1x3200xf32, #tpu.memory_space<hbm>> -> memref<3200xf32, #tpu.memory_space<hbm>>
      tpu.wait_dma2 semaphore(%run_scoped3A : memref<!tpu.dma_semaphore, #tpu.memory_space<semaphore_mem>>) src(%arg20 : memref<3200xf32, #tpu.memory_space<vmem>>) dst(%dma_wait3A_421 : memref<3200xf32, #tpu.memory_space<hbm>>)
      tpu.yield
    }) : () -> ()
    return
  }
}

module attributes {stable_mosaic.version = 14 : i64} {
  func.func @_w_kernel(%arg0: memref<4x30xf32, #tpu.memory_space<vmem>>, %arg1: memref<30x4096xf32, #tpu.memory_space<vmem>>, %arg2: memref<64x30xf32, #tpu.memory_space<vmem>>, %arg3: memref<30x4xf32, #tpu.memory_space<vmem>>, %arg4: memref<4x4096xf32, #tpu.memory_space<vmem>>, %arg5: memref<64x4xf32, #tpu.memory_space<vmem>>) attributes {dimension_semantics = [], scalar_prefetch = 0 : i64, scratch_operands = 0 : i64, tpu.core_type = #tpu.core_type<tc>} {
    %get3A = arith.constant 0 : index
    %get3A_0 = arith.constant 0 : index
    %get3A_1 = vector.load %arg0[%get3A, %get3A_0] : memref<4x30xf32, #tpu.memory_space<vmem>>, vector<4x30xf32>
    %get3A_2 = arith.constant 0 : index
    %get3A_3 = arith.constant 0 : index
    %get3A_4 = vector.load %arg1[%get3A_2, %get3A_3] : memref<30x4096xf32, #tpu.memory_space<vmem>>, vector<30x4096xf32>
    %dot_general3A = arith.constant dense<0.000000e+00> : vector<4x4096xf32>
    %dot_general3A_5 = tpu.matmul %get3A_1, %get3A_4, %dot_general3A {dimension_numbers = #tpu.dot_dimension_numbers<[1], [0], [0], [1], [0, 0, 1, 1], [], []>, transpose_lhs_hint = false} : vector<4x30xf32>, vector<30x4096xf32>, vector<4x4096xf32> -> vector<4x4096xf32>
    %swap3A = arith.constant 0 : index
    %swap3A_6 = arith.constant 0 : index
    %swap3A_7 = vector.load %arg4[%swap3A, %swap3A_6] : memref<4x4096xf32, #tpu.memory_space<vmem>>, vector<4x4096xf32>
    tpu.vector_store %arg4[%swap3A, %swap3A_6], %dot_general3A_5 {strides = array<i32>} : memref<4x4096xf32, #tpu.memory_space<vmem>>, vector<4x4096xf32>,
    %get3A_8 = arith.constant 0 : index
    %get3A_9 = arith.constant 0 : index
    %get3A_10 = vector.load %arg2[%get3A_8, %get3A_9] : memref<64x30xf32, #tpu.memory_space<vmem>>, vector<64x30xf32>
    %get3A_11 = arith.constant 0 : index
    %get3A_12 = arith.constant 0 : index
    %get3A_13 = vector.load %arg3[%get3A_11, %get3A_12] : memref<30x4xf32, #tpu.memory_space<vmem>>, vector<30x4xf32>
    %dot_general3A_14 = arith.constant dense<0.000000e+00> : vector<64x4xf32>
    %dot_general3A_15 = tpu.matmul %get3A_10, %get3A_13, %dot_general3A_14 {dimension_numbers = #tpu.dot_dimension_numbers<[1], [0], [0], [1], [0, 0, 1, 1], [], []>, transpose_lhs_hint = false} : vector<64x30xf32>, vector<30x4xf32>, vector<64x4xf32> -> vector<64x4xf32>
    %swap3A_16 = arith.constant 0 : index
    %swap3A_17 = arith.constant 0 : index
    %swap3A_18 = vector.load %arg5[%swap3A_16, %swap3A_17] : memref<64x4xf32, #tpu.memory_space<vmem>>, vector<64x4xf32>
    tpu.vector_store %arg5[%swap3A_16, %swap3A_17], %dot_general3A_15 {strides = array<i32>} : memref<64x4xf32, #tpu.memory_space<vmem>>, vector<64x4xf32>,
    return
  }
}

module attributes {stable_mosaic.version = 14 : i64} {
  func.func @_dense1_kernel(%arg0: i32, %arg1: i32, %arg2: memref<2000x64xf32, #tpu.memory_space<vmem>>, %arg3: memref<1x4x64x32xf32, #tpu.memory_space<vmem>>, %arg4: memref<1x64x32xf32, #tpu.memory_space<vmem>>, %arg5: memref<1x1x32xf32, #tpu.memory_space<vmem>>, %arg6: memref<1x4x2000x32xf32, #tpu.memory_space<vmem>>, %arg7: memref<1x2000x32xf32, #tpu.memory_space<vmem>>) attributes {dimension_semantics = [#tpu.dimension_semantics<arbitrary>, #tpu.dimension_semantics<arbitrary>], iteration_bounds = array<i64: 2, 25>, scalar_prefetch = 0 : i64, scratch_operands = 0 : i64, tpu.core_type = #tpu.core_type<tc>, window_params = [{transform_indices = @transform_0, window_bounds = array<i64: 2000, 64>}, {transform_indices = @transform_1, window_bounds = array<i64: 1, 4, 64, 32>}, {transform_indices = @transform_2, window_bounds = array<i64: 1, 64, 32>}, {transform_indices = @transform_3, window_bounds = array<i64: 1, 1, 32>}, {transform_indices = @transform_4, window_bounds = array<i64: 1, 4, 2000, 32>}, {transform_indices = @transform_5, window_bounds = array<i64: 1, 2000, 32>}]} {
    %get3A = arith.constant 0 : index
    %get3A_0 = arith.constant 0 : index
    %get3A_1 = vector.load %arg2[%get3A, %get3A_0] : memref<2000x64xf32, #tpu.memory_space<vmem>>, vector<2000x64xf32>
    %get3A_2 = arith.constant 0 : index
    %get3A_3 = arith.constant 0 : index
    %get3A_4 = arith.constant 0 : index
    %get3A_5 = arith.constant 0 : index
    %get3A_6 = vector.load %arg3[%get3A_2, %get3A_3, %get3A_4, %get3A_5] : memref<1x4x64x32xf32, #tpu.memory_space<vmem>>, vector<1x1x64x32xf32>
    %get3A_7 = vector.shape_cast %get3A_6 : vector<1x1x64x32xf32> to vector<64x32xf32>
    %dot_general3A = arith.constant dense<0.000000e+00> : vector<2000x32xf32>
    %dot_general3A_8 = tpu.matmul %get3A_1, %get3A_7, %dot_general3A {dimension_numbers = #tpu.dot_dimension_numbers<[1], [0], [0], [1], [0, 0, 1, 1], [], []>, transpose_lhs_hint = false} : vector<2000x64xf32>, vector<64x32xf32>, vector<2000x32xf32> -> vector<2000x32xf32>
    %swap3A = arith.constant 0 : index
    %swap3A_9 = arith.constant 0 : index
    %swap3A_10 = arith.constant 0 : index
    %swap3A_11 = arith.constant 0 : index
    %swap3A_12 = vector.load %arg6[%swap3A, %swap3A_9, %swap3A_10, %swap3A_11] : memref<1x4x2000x32xf32, #tpu.memory_space<vmem>>, vector<1x1x2000x32xf32>
    %swap3A_13 = vector.shape_cast %swap3A_12 : vector<1x1x2000x32xf32> to vector<2000x32xf32>
    %swap3A_14 = vector.shape_cast %dot_general3A_8 : vector<2000x32xf32> to vector<1x1x2000x32xf32>
    tpu.vector_store %arg6[%swap3A, %swap3A_9, %swap3A_10, %swap3A_11], %swap3A_14 {strides = array<i32>} : memref<1x4x2000x32xf32, #tpu.memory_space<vmem>>, vector<1x1x2000x32xf32>,
    %get3A_15 = arith.constant 0 : index
    %get3A_16 = arith.constant 1 : index
    %get3A_17 = arith.constant 0 : index
    %get3A_18 = arith.constant 0 : index
    %get3A_19 = vector.load %arg3[%get3A_15, %get3A_16, %get3A_17, %get3A_18] : memref<1x4x64x32xf32, #tpu.memory_space<vmem>>, vector<1x1x64x32xf32>
    %get3A_20 = vector.shape_cast %get3A_19 : vector<1x1x64x32xf32> to vector<64x32xf32>
    %dot_general3A_21 = arith.constant dense<0.000000e+00> : vector<2000x32xf32>
    %dot_general3A_22 = tpu.matmul %get3A_1, %get3A_20, %dot_general3A_21 {dimension_numbers = #tpu.dot_dimension_numbers<[1], [0], [0], [1], [0, 0, 1, 1], [], []>, transpose_lhs_hint = false} : vector<2000x64xf32>, vector<64x32xf32>, vector<2000x32xf32> -> vector<2000x32xf32>
    %swap3A_23 = arith.constant 0 : index
    %swap3A_24 = arith.constant 1 : index
    %swap3A_25 = arith.constant 0 : index
    %swap3A_26 = arith.constant 0 : index
    %swap3A_27 = vector.load %arg6[%swap3A_23, %swap3A_24, %swap3A_25, %swap3A_26] : memref<1x4x2000x32xf32, #tpu.memory_space<vmem>>, vector<1x1x2000x32xf32>
    %swap3A_28 = vector.shape_cast %swap3A_27 : vector<1x1x2000x32xf32> to vector<2000x32xf32>
    %swap3A_29 = vector.shape_cast %dot_general3A_22 : vector<2000x32xf32> to vector<1x1x2000x32xf32>
    tpu.vector_store %arg6[%swap3A_23, %swap3A_24, %swap3A_25, %swap3A_26], %swap3A_29 {strides = array<i32>} : memref<1x4x2000x32xf32, #tpu.memory_space<vmem>>, vector<1x1x2000x32xf32>,
    %get3A_30 = arith.constant 0 : index
    %get3A_31 = arith.constant 2 : index
    %get3A_32 = arith.constant 0 : index
    %get3A_33 = arith.constant 0 : index
    %get3A_34 = vector.load %arg3[%get3A_30, %get3A_31, %get3A_32, %get3A_33] : memref<1x4x64x32xf32, #tpu.memory_space<vmem>>, vector<1x1x64x32xf32>
    %get3A_35 = vector.shape_cast %get3A_34 : vector<1x1x64x32xf32> to vector<64x32xf32>
    %dot_general3A_36 = arith.constant dense<0.000000e+00> : vector<2000x32xf32>
    %dot_general3A_37 = tpu.matmul %get3A_1, %get3A_35, %dot_general3A_36 {dimension_numbers = #tpu.dot_dimension_numbers<[1], [0], [0], [1], [0, 0, 1, 1], [], []>, transpose_lhs_hint = false} : vector<2000x64xf32>, vector<64x32xf32>, vector<2000x32xf32> -> vector<2000x32xf32>
    %swap3A_38 = arith.constant 0 : index
    %swap3A_39 = arith.constant 2 : index
    %swap3A_40 = arith.constant 0 : index
    %swap3A_41 = arith.constant 0 : index
    %swap3A_42 = vector.load %arg6[%swap3A_38, %swap3A_39, %swap3A_40, %swap3A_41] : memref<1x4x2000x32xf32, #tpu.memory_space<vmem>>, vector<1x1x2000x32xf32>
    %swap3A_43 = vector.shape_cast %swap3A_42 : vector<1x1x2000x32xf32> to vector<2000x32xf32>
    %swap3A_44 = vector.shape_cast %dot_general3A_37 : vector<2000x32xf32> to vector<1x1x2000x32xf32>
    tpu.vector_store %arg6[%swap3A_38, %swap3A_39, %swap3A_40, %swap3A_41], %swap3A_44 {strides = array<i32>} : memref<1x4x2000x32xf32, #tpu.memory_space<vmem>>, vector<1x1x2000x32xf32>,
    %get3A_45 = arith.constant 0 : index
    %get3A_46 = arith.constant 3 : index
    %get3A_47 = arith.constant 0 : index
    %get3A_48 = arith.constant 0 : index
    %get3A_49 = vector.load %arg3[%get3A_45, %get3A_46, %get3A_47, %get3A_48] : memref<1x4x64x32xf32, #tpu.memory_space<vmem>>, vector<1x1x64x32xf32>
    %get3A_50 = vector.shape_cast %get3A_49 : vector<1x1x64x32xf32> to vector<64x32xf32>
    %dot_general3A_51 = arith.constant dense<0.000000e+00> : vector<2000x32xf32>
    %dot_general3A_52 = tpu.matmul %get3A_1, %get3A_50, %dot_general3A_51 {dimension_numbers = #tpu.dot_dimension_numbers<[1], [0], [0], [1], [0, 0, 1, 1], [], []>, transpose_lhs_hint = false} : vector<2000x64xf32>, vector<64x32xf32>, vector<2000x32xf32> -> vector<2000x32xf32>
    %swap3A_53 = arith.constant 0 : index
    %swap3A_54 = arith.constant 3 : index
    %swap3A_55 = arith.constant 0 : index
    %swap3A_56 = arith.constant 0 : index
    %swap3A_57 = vector.load %arg6[%swap3A_53, %swap3A_54, %swap3A_55, %swap3A_56] : memref<1x4x2000x32xf32, #tpu.memory_space<vmem>>, vector<1x1x2000x32xf32>
    %swap3A_58 = vector.shape_cast %swap3A_57 : vector<1x1x2000x32xf32> to vector<2000x32xf32>
    %swap3A_59 = vector.shape_cast %dot_general3A_52 : vector<2000x32xf32> to vector<1x1x2000x32xf32>
    tpu.vector_store %arg6[%swap3A_53, %swap3A_54, %swap3A_55, %swap3A_56], %swap3A_59 {strides = array<i32>} : memref<1x4x2000x32xf32, #tpu.memory_space<vmem>>, vector<1x1x2000x32xf32>,
    %get3A_60 = arith.constant 0 : index
    %get3A_61 = arith.constant 0 : index
    %get3A_62 = arith.constant 0 : index
    %get3A_63 = vector.load %arg4[%get3A_60, %get3A_61, %get3A_62] : memref<1x64x32xf32, #tpu.memory_space<vmem>>, vector<1x64x32xf32>
    %get3A_64 = vector.shape_cast %get3A_63 : vector<1x64x32xf32> to vector<64x32xf32>
    %dot_general3A_65 = arith.constant dense<0.000000e+00> : vector<2000x32xf32>
    %dot_general3A_66 = tpu.matmul %get3A_1, %get3A_64, %dot_general3A_65 {dimension_numbers = #tpu.dot_dimension_numbers<[1], [0], [0], [1], [0, 0, 1, 1], [], []>, transpose_lhs_hint = false} : vector<2000x64xf32>, vector<64x32xf32>, vector<2000x32xf32> -> vector<2000x32xf32>
    %get3A_67 = arith.constant 0 : index
    %get3A_68 = arith.constant 0 : index
    %get3A_69 = arith.constant 0 : index
    %get3A_70 = vector.load %arg5[%get3A_67, %get3A_68, %get3A_69] : memref<1x1x32xf32, #tpu.memory_space<vmem>>, vector<1x1x32xf32>
    %get3A_71 = vector.shape_cast %get3A_70 : vector<1x1x32xf32> to vector<1x32xf32>
    %add3A = vector.broadcast %get3A_71 : vector<1x32xf32> to vector<2000x32xf32>
    %add3A_72 = arith.addf %dot_general3A_66, %add3A : vector<2000x32xf32>
    %swap3A_73 = arith.constant 0 : index
    %swap3A_74 = arith.constant 0 : index
    %swap3A_75 = arith.constant 0 : index
    %swap3A_76 = vector.load %arg7[%swap3A_73, %swap3A_74, %swap3A_75] : memref<1x2000x32xf32, #tpu.memory_space<vmem>>, vector<1x2000x32xf32>
    %swap3A_77 = vector.shape_cast %swap3A_76 : vector<1x2000x32xf32> to vector<2000x32xf32>
    %swap3A_78 = vector.shape_cast %add3A_72 : vector<2000x32xf32> to vector<1x2000x32xf32>
    tpu.vector_store %arg7[%swap3A_73, %swap3A_74, %swap3A_75], %swap3A_78 {strides = array<i32>} : memref<1x2000x32xf32, #tpu.memory_space<vmem>>, vector<1x2000x32xf32>,
    return
  }
  func.func @transform_0(%arg0: i32, %arg1: i32) -> (i32, i32) {
    %c0_i32 = arith.constant 0 : i32
    %c0_i32_0 = arith.constant 0 : i32
    return %arg1, %c0_i32 : i32, i32
  }
  func.func @transform_1(%arg0: i32, %arg1: i32) -> (i32, i32, i32, i32) {
    %c0_i32 = arith.constant 0 : i32
    %c0_i32_0 = arith.constant 0 : i32
    %c0_i32_1 = arith.constant 0 : i32
    %c0_i32_2 = arith.constant 0 : i32
    return %arg0, %c0_i32, %c0_i32_0, %c0_i32_1 : i32, i32, i32, i32
  }
  func.func @transform_2(%arg0: i32, %arg1: i32) -> (i32, i32, i32) {
    %c0_i32 = arith.constant 0 : i32
    %c0_i32_0 = arith.constant 0 : i32
    %c0_i32_1 = arith.constant 0 : i32
    return %arg0, %c0_i32, %c0_i32_0 : i32, i32, i32
  }
  func.func @transform_3(%arg0: i32, %arg1: i32) -> (i32, i32, i32) {
    %c0_i32 = arith.constant 0 : i32
    %c0_i32_0 = arith.constant 0 : i32
    %c0_i32_1 = arith.constant 0 : i32
    return %arg0, %c0_i32, %c0_i32_0 : i32, i32, i32
  }
  func.func @transform_4(%arg0: i32, %arg1: i32) -> (i32, i32, i32, i32) {
    %c0_i32 = arith.constant 0 : i32
    %c0_i32_0 = arith.constant 0 : i32
    %c0_i32_1 = arith.constant 0 : i32
    return %arg0, %c0_i32, %arg1, %c0_i32_0 : i32, i32, i32, i32
  }
  func.func @transform_5(%arg0: i32, %arg1: i32) -> (i32, i32, i32) {
    %c0_i32 = arith.constant 0 : i32
    %c0_i32_0 = arith.constant 0 : i32
    return %arg0, %arg1, %c0_i32 : i32, i32, i32
  }
}

module attributes {stable_mosaic.version = 14 : i64} {
  func.func @_invc_kernel(%arg0: memref<2x1568x128xf32, #tpu.memory_space<vmem>>, %arg1: memref<1568x128xf32, #tpu.memory_space<vmem>>) attributes {dimension_semantics = [], scalar_prefetch = 0 : i64, scratch_operands = 0 : i64, tpu.core_type = #tpu.core_type<tc>} {
    %get3A = arith.constant 0 : index
    %get3A_0 = arith.constant 0 : index
    %get3A_1 = arith.constant 0 : index
    %get3A_2 = vector.load %arg0[%get3A, %get3A_0, %get3A_1] : memref<2x1568x128xf32, #tpu.memory_space<vmem>>, vector<1x1568x128xf32>
    %get3A_3 = vector.shape_cast %get3A_2 : vector<1x1568x128xf32> to vector<1568x128xf32>
    %get3A_4 = arith.constant 1 : index
    %get3A_5 = arith.constant 0 : index
    %get3A_6 = arith.constant 0 : index
    %get3A_7 = vector.load %arg0[%get3A_4, %get3A_5, %get3A_6] : memref<2x1568x128xf32, #tpu.memory_space<vmem>>, vector<1x1568x128xf32>
    %get3A_8 = vector.shape_cast %get3A_7 : vector<1x1568x128xf32> to vector<1568x128xf32>
    %add3A = arith.addf %get3A_3, %get3A_8 : vector<1568x128xf32>
    %max3A = arith.constant 1.000000e+00 : f32
    %max3A_9 = vector.broadcast %max3A : f32 to vector<1568x128xf32>
    %max3A_10 = arith.maximumf %add3A, %max3A_9 : vector<1568x128xf32>
    %div3A = arith.constant 1.000000e+00 : f32
    %div3A_11 = vector.broadcast %div3A : f32 to vector<1568x128xf32>
    %div3A_12 = arith.divf %div3A_11, %max3A_10 : vector<1568x128xf32>
    %iota3A = tpu.iota {dimensions = array<i32: 0>} : vector<1568x128xi32>
    %mul3A = arith.constant 128 : i32
    %mul3A_13 = vector.broadcast %mul3A : i32 to vector<1568x128xi32>
    %mul3A_14 = arith.muli %iota3A, %mul3A_13 : vector<1568x128xi32>
    %iota3A_15 = tpu.iota {dimensions = array<i32: 1>} : vector<1568x128xi32>
    %add3A_16 = arith.addi %mul3A_14, %iota3A_15 : vector<1568x128xi32>
    %lt3A = arith.constant 200000 : i32
    %lt3A_17 = vector.broadcast %lt3A : i32 to vector<1568x128xi32>
    %lt3A_18 = arith.cmpi slt, %add3A_16, %lt3A_17 : vector<1568x128xi32>
    %jit3A = arith.constant 0.000000e+00 : f32
    %broadcast_in_dim3A = vector.broadcast %jit3A : f32 to vector<1568x128xf32>
    %select_n3A = arith.select %lt3A_18, %div3A_12, %broadcast_in_dim3A : vector<1568x128xi1>, vector<1568x128xf32>
    %swap3A = arith.constant 0 : index
    %swap3A_19 = arith.constant 0 : index
    %swap3A_20 = vector.load %arg1[%swap3A, %swap3A_19] : memref<1568x128xf32, #tpu.memory_space<vmem>>, vector<1568x128xf32>
    tpu.vector_store %arg1[%swap3A, %swap3A_19], %select_n3A {strides = array<i32>} : memref<1568x128xf32, #tpu.memory_space<vmem>>, vector<1568x128xf32>,
    return
  }
}

module attributes {stable_mosaic.version = 14 : i64} {
  func.func @_dense2_kernel(%arg0: i32, %arg1: memref<1x3200x32xf32, #tpu.memory_space<vmem>>, %arg2: memref<1x3200x32xf32, #tpu.memory_space<vmem>>, %arg3: memref<32x8xf32, #tpu.memory_space<vmem>>, %arg4: memref<32x8xf32, #tpu.memory_space<vmem>>, %arg5: memref<1x8xf32, #tpu.memory_space<vmem>>, %arg6: memref<3200x8xf32, #tpu.memory_space<vmem>>) attributes {dimension_semantics = [#tpu.dimension_semantics<arbitrary>], iteration_bounds = array<i64: 16>, scalar_prefetch = 0 : i64, scratch_operands = 0 : i64, tpu.core_type = #tpu.core_type<tc>, window_params = [{transform_indices = @transform_0, window_bounds = array<i64: 1, 3200, 32>}, {transform_indices = @transform_1, window_bounds = array<i64: 1, 3200, 32>}, {transform_indices = @transform_2, window_bounds = array<i64: 32, 8>}, {transform_indices = @transform_3, window_bounds = array<i64: 32, 8>}, {pipeline_mode = #tpu.pipeline_mode<synchronous>, transform_indices = @transform_4, window_bounds = array<i64: 1, 8>}, {transform_indices = @transform_5, window_bounds = array<i64: 3200, 8>}]} {
    %get3A = arith.constant 0 : index
    %get3A_0 = arith.constant 0 : index
    %get3A_1 = arith.constant 0 : index
    %get3A_2 = vector.load %arg1[%get3A, %get3A_0, %get3A_1] : memref<1x3200x32xf32, #tpu.memory_space<vmem>>, vector<1x3200x32xf32>
    %get3A_3 = vector.shape_cast %get3A_2 : vector<1x3200x32xf32> to vector<3200x32xf32>
    %get3A_4 = arith.constant 0 : index
    %get3A_5 = arith.constant 0 : index
    %get3A_6 = vector.load %arg3[%get3A_4, %get3A_5] : memref<32x8xf32, #tpu.memory_space<vmem>>, vector<32x8xf32>
    %dot_general3A = arith.constant dense<0.000000e+00> : vector<3200x8xf32>
    %dot_general3A_7 = tpu.matmul %get3A_3, %get3A_6, %dot_general3A {dimension_numbers = #tpu.dot_dimension_numbers<[1], [0], [0], [1], [0, 0, 1, 1], [], []>, transpose_lhs_hint = false} : vector<3200x32xf32>, vector<32x8xf32>, vector<3200x8xf32> -> vector<3200x8xf32>
    %get3A_8 = arith.constant 0 : index
    %get3A_9 = arith.constant 0 : index
    %get3A_10 = arith.constant 0 : index
    %get3A_11 = vector.load %arg2[%get3A_8, %get3A_9, %get3A_10] : memref<1x3200x32xf32, #tpu.memory_space<vmem>>, vector<1x3200x32xf32>
    %get3A_12 = vector.shape_cast %get3A_11 : vector<1x3200x32xf32> to vector<3200x32xf32>
    %get3A_13 = arith.constant 0 : index
    %get3A_14 = arith.constant 0 : index
    %get3A_15 = vector.load %arg4[%get3A_13, %get3A_14] : memref<32x8xf32, #tpu.memory_space<vmem>>, vector<32x8xf32>
    %dot_general3A_16 = arith.constant dense<0.000000e+00> : vector<3200x8xf32>
    %dot_general3A_17 = tpu.matmul %get3A_12, %get3A_15, %dot_general3A_16 {dimension_numbers = #tpu.dot_dimension_numbers<[1], [0], [0], [1], [0, 0, 1, 1], [], []>, transpose_lhs_hint = false} : vector<3200x32xf32>, vector<32x8xf32>, vector<3200x8xf32> -> vector<3200x8xf32>
    %add3A = arith.addf %dot_general3A_7, %dot_general3A_17 : vector<3200x8xf32>
    %get3A_18 = arith.constant 0 : index
    %get3A_19 = arith.constant 0 : index
    %get3A_20 = vector.load %arg5[%get3A_18, %get3A_19] : memref<1x8xf32, #tpu.memory_space<vmem>>, vector<1x8xf32>
    %add3A_21 = vector.broadcast %get3A_20 : vector<1x8xf32> to vector<3200x8xf32>
    %add3A_22 = arith.addf %add3A, %add3A_21 : vector<3200x8xf32>
    %swap3A = arith.constant 0 : index
    %swap3A_23 = arith.constant 0 : index
    %swap3A_24 = vector.load %arg6[%swap3A, %swap3A_23] : memref<3200x8xf32, #tpu.memory_space<vmem>>, vector<3200x8xf32>
    tpu.vector_store %arg6[%swap3A, %swap3A_23], %add3A_22 {strides = array<i32>} : memref<3200x8xf32, #tpu.memory_space<vmem>>, vector<3200x8xf32>,
    return
  }
  func.func @transform_0(%arg0: i32) -> (i32, i32, i32) {
    %c0_i32 = arith.constant 0 : i32
    %c0_i32_0 = arith.constant 0 : i32
    %c0_i32_1 = arith.constant 0 : i32
    return %c0_i32, %arg0, %c0_i32_0 : i32, i32, i32
  }
  func.func @transform_1(%arg0: i32) -> (i32, i32, i32) {
    %c1_i32 = arith.constant 1 : i32
    %c0_i32 = arith.constant 0 : i32
    %c0_i32_0 = arith.constant 0 : i32
    return %c1_i32, %arg0, %c0_i32 : i32, i32, i32
  }
  func.func @transform_2(%arg0: i32) -> (i32, i32) {
    %c0_i32 = arith.constant 0 : i32
    %c0_i32_0 = arith.constant 0 : i32
    %c0_i32_1 = arith.constant 0 : i32
    return %c0_i32, %c0_i32_0 : i32, i32
  }
  func.func @transform_3(%arg0: i32) -> (i32, i32) {
    %c1_i32 = arith.constant 1 : i32
    %c0_i32 = arith.constant 0 : i32
    %c0_i32_0 = arith.constant 0 : i32
    return %c1_i32, %c0_i32 : i32, i32
  }
  func.func @transform_4(%arg0: i32) -> (i32, i32) {
    %c0_i32 = arith.constant 0 : i32
    %c0_i32_0 = arith.constant 0 : i32
    %c0_i32_1 = arith.constant 0 : i32
    return %c0_i32, %c0_i32_0 : i32, i32
  }
  func.func @transform_5(%arg0: i32) -> (i32, i32) {
    %c0_i32 = arith.constant 0 : i32
    %c0_i32_0 = arith.constant 0 : i32
    return %arg0, %c0_i32 : i32, i32
  }
}

module attributes {stable_mosaic.version = 14 : i64} {
  func.func @_fin_kernel(%arg0: memref<2x400x128xf32, #tpu.memory_space<vmem>>, %arg1: memref<400x128xf32, #tpu.memory_space<vmem>>) attributes {dimension_semantics = [], scalar_prefetch = 0 : i64, scratch_operands = 0 : i64, tpu.core_type = #tpu.core_type<tc>} {
    %get3A = arith.constant 0 : index
    %get3A_0 = arith.constant 0 : index
    %get3A_1 = arith.constant 0 : index
    %get3A_2 = vector.load %arg0[%get3A, %get3A_0, %get3A_1] : memref<2x400x128xf32, #tpu.memory_space<vmem>>, vector<1x400x128xf32>
    %get3A_3 = vector.shape_cast %get3A_2 : vector<1x400x128xf32> to vector<400x128xf32>
    %get3A_4 = arith.constant 1 : index
    %get3A_5 = arith.constant 0 : index
    %get3A_6 = arith.constant 0 : index
    %get3A_7 = vector.load %arg0[%get3A_4, %get3A_5, %get3A_6] : memref<2x400x128xf32, #tpu.memory_space<vmem>>, vector<1x400x128xf32>
    %get3A_8 = vector.shape_cast %get3A_7 : vector<1x400x128xf32> to vector<400x128xf32>
    %add3A = arith.addf %get3A_3, %get3A_8 : vector<400x128xf32>
    %swap3A = arith.constant 0 : index
    %swap3A_9 = arith.constant 0 : index
    %swap3A_10 = vector.load %arg1[%swap3A, %swap3A_9] : memref<400x128xf32, #tpu.memory_space<vmem>>, vector<400x128xf32>
    tpu.vector_store %arg1[%swap3A, %swap3A_9], %add3A {strides = array<i32>} : memref<400x128xf32, #tpu.memory_space<vmem>>, vector<400x128xf32>,
    return
  }
}

</mosaic_0001>

<sc_bundles>
// kernel: gather_offload_async_start.1
scs
__scs_entry_jumppad:
0x0: {  	(pc) =	sbr.rel $0x88, $3  }
0x1: {  	(tag) =	ssettag $0x0;
	lr =	simm.s32 $0x1  }
0x2: {  	[smem:$0x3F93] =	sst lr;
	_ =	strace $0xD0000000  }
0x3: {  	_ = 	snop  }
0x4: {  	_ = 	snop  }
0x5: {  	_ = 	snop  }
0x6: {  	_ = 	snop  }
0x7: {  	_ = 	snop  }
__scs_overlays_trampoline_lowered:
0x8: {  	[smem:$0x3FA2] =	sst s0  }
0x9: {  	[smem:$0x3FA3] =	sst s1  }
0xa: {  	[smem:$0x3FA4] =	sst s2  }
0xb: {  	[smem:$0x3FA5] =	sst s3  }
0xc: {  	[smem:$0x3FA6] =	sst s4  }
0xd: {  	[smem:$0x3FA7] =	sst s5  }
0xe: {  	[smem:$0x3FA8] =	sst s6  }
0xf: {  	[smem:$0x3FA9] =	sst s7  }
0x10: {  	[smem:$0x3FAA] =	sst s8  }
0x11: {  	[smem:$0x3FAB] =	sst s9;
	s0 =	simm.s32 @!p0 $0x0  }
0x12: {  	s1 =	sld [smem:$0x3F91];
	s0 =	simm.s32 @p0 $0x1  }
0x13: {  	[smem:$0x3FAC] =	sst s0;
	s0 =	simm.s32 @!p1 $0x0  }
0x14: {  	s2 =	sld [smem:$0x3F90];
	s0 =	simm.s32 @p1 $0x1  }
0x15: {  	[smem:$0x3FAD] =	sst s0;
	s0 =	simm.s32 @!p2 $0x0  }
0x16: {  	s3 =	sld [smem:$0x3FDB];
	s0 =	simm.s32 @p2 $0x1  }
0x17: {  	s4 =	simm.s32 $0x1BF5;
	[smem:$0x3FAF] =	sst s0  }
0x18: {  	s0 =	sld [smem:$0x3F92];
	_ =	swait.ge [sflag:s4], $0x0  }
0x19: {  	s7 =	sld [smem:$0x3F93]  }
0x1a: {  	s8 =	sadd.s32 $0xFFFFE003, lr  }
0x1b: {  	s9 =	sadd.s32 $0xFFFFFEF7, lr;
	s5 =	simm.s32 $0xFFFFFFFF;
	p2 =	slt.u32 s8, $0xFFFFF086  }
0x1c: {  	p1 =	slt.u32 s9, $0xF7A;
	s5 =	simm.s32 @!p2 $0x0  }
0x1d: {  	s5 =	simm.s32 @p1 $0x1;
	p0 =	seq.s32 s7, s2  }
0x1e: {  	s7 =	smul.u32 @!p0 $0xF7A, s2;
	p2 =	seq.s32 @!p0 s5, $0x0  }
0x1f: {  	s9 =	smul.u32 $0xF7A, s1;
	s8 =	simm.s32 @!p0 $0x1BF5;
	p2 =	por !p2, p0  }
0x20: {  	[sflag:s8] =	ssyncset.s32 @!p0 $0xFFFFF086;
	s6 =	sadd.s32 @!p0 s3, s7;
	s7 =	simm.s32 @!p0 $0x108  }
0x21: {  	s3 =	sadd.s32 s3, s9;
	s6 =	sadd.s32 @!p0 $0x88, s6;
	s7 =	simm.s32 @p2 $0x1082  }
0x22: {  	[simem:s7], [sflag:s8] =	dma.local @!p0 [hbm:s6], $0xF7A  }
0x23: {  	s9 =	sor.u32 $0xD0000000, s2;
	s6 =	simm.s32 $0x108;
	_ =	swait.ge @!p0 [sflag:s8], $0x0  }
0x24: {  	s3 =	sadd.s32 $0x88, s3;
	s6 =	simm.s32 @!p1 $0x1082;
	[sflag:s4] =	ssyncset.s32 $0xFFFFF086  }
0x25: {  	[simem:s6], [sflag:s4] =	dma.local [hbm:s3], $0xF7A  }
0x26: {  	[smem:$0x3F93] =	sst s1;
	(tag) =	ssettag s2;
	_ =	strace s9  }
0x27: {  	s1 =	sld [smem:$0x3FA3]  }
0x28: {  	s2 =	sld [smem:$0x3FA4]  }
0x29: {  	s4 =	sld [smem:$0x3FA6]  }
0x2a: {  	p0 =	seq.s32 s5, $0x0;
	s5 =	sld [smem:$0x3FA7]  }
0x2b: {  	s6 =	sld [smem:$0x3FA8]  }
0x2c: {  	s7 =	sld [smem:$0x3FA9]  }
0x2d: {  	s3 =	simm.s32 $0x108;
	s8 =	sld [smem:$0x3FAA]  }
0x2e: {  	s3 =	simm.s32 @!p0 $0x1082;
	s9 =	sld [smem:$0x3FAB]  }
0x2f: {  	lr =	sadd.s32 s0, s3;
	s0 =	sld [smem:$0x3FA2]  }
0x30: {  	s3 =	sld [smem:$0x3FA5]  }
0x31: {  	[smem:$0x3FAE] =	sst s10  }
0x32: {  	s10 =	sld [smem:$0x3FAC];
	_ =	sdelay $0x3  }
0x33: {  	p0 =	seq.s32 s10, $0x1;
	s10 =	sld [smem:$0x3FAE];
	_ =	sdelay $0x3  }
0x34: {  	[smem:$0x3FAE] =	sst s10  }
0x35: {  	s10 =	sld [smem:$0x3FAD];
	_ =	sdelay $0x3  }
0x36: {  	p1 =	seq.s32 s10, $0x1;
	s10 =	sld [smem:$0x3FAE];
	_ =	sdelay $0x3  }
0x37: {  	[smem:$0x3FAE] =	sst s10  }
0x38: {  	s10 =	sld [smem:$0x3FAF]  }
0x39: {  	_ = 	snop;
	(pc) =	sbr.ind lr, $3  }
0x3a: {  	_ = 	snop  }
0x3b: {  	_ = 	snop  }
0x3c: {  	p2 =	seq.s32 s10, $0x1;
	s10 =	sld [smem:$0x3FAE]  }
0x3d: {  	_ =	shalt  }
0x3e: {  	_ =	shalt  }
0x3f: {  	_ =	shalt  }
0x40: {  	_ =	shalt  }
0x41: {  	_ =	shalt  }
0x42: {  	_ =	shalt  }
0x43: {  	_ =	shalt  }
0x44: {  	_ =	shalt  }
0x45: {  	_ =	shalt  }
0x46: {  	_ =	shalt  }
0x47: {  	_ =	shalt  }
0x48: {  	_ =	shalt  }
0x49: {  	_ =	shalt  }
0x4a: {  	_ =	shalt  }
0x4b: {  	_ =	shalt  }
0x4c: {  	_ =	shalt  }
0x4d: {  	_ =	shalt  }
0x4e: {  	_ =	shalt  }
0x4f: {  	_ =	shalt  }
0x50: {  	_ =	shalt  }
0x51: {  	_ =	shalt  }
0x52: {  	_ =	shalt  }
0x53: {  	_ =	shalt  }
0x54: {  	_ =	shalt  }
0x55: {  	_ =	shalt  }
0x56: {  	_ =	shalt  }
0x57: {  	_ =	shalt  }
0x58: {  	_ =	shalt  }
0x59: {  	_ =	shalt  }
0x5a: {  	_ =	shalt  }
0x5b: {  	_ =	shalt  }
0x5c: {  	_ =	shalt  }
0x5d: {  	_ =	shalt  }
0x5e: {  	_ =	shalt  }
0x5f: {  	_ =	shalt  }
0x60: {  	_ =	shalt  }
0x61: {  	_ =	shalt  }
0x62: {  	_ =	shalt  }
0x63: {  	_ =	shalt  }
0x64: {  	_ =	shalt  }
0x65: {  	_ =	shalt  }
0x66: {  	_ =	shalt  }
0x67: {  	_ =	shalt  }
0x68: {  	_ =	shalt  }
0x69: {  	_ =	shalt  }
0x6a: {  	_ =	shalt  }
0x6b: {  	_ =	shalt  }
0x6c: {  	_ =	shalt  }
0x6d: {  	_ =	shalt  }
0x6e: {  	_ =	shalt  }
0x6f: {  	_ =	shalt  }
0x70: {  	_ =	shalt  }
0x71: {  	_ =	shalt  }
0x72: {  	_ =	shalt  }
0x73: {  	_ =	shalt  }
0x74: {  	_ =	shalt  }
0x75: {  	_ =	shalt  }
0x76: {  	_ =	shalt  }
0x77: {  	_ =	shalt  }
0x78: {  	_ =	shalt  }
0x79: {  	_ =	shalt  }
0x7a: {  	_ =	shalt  }
0x7b: {  	_ =	shalt  }
0x7c: {  	_ =	shalt  }
0x7d: {  	_ =	shalt  }
0x7e: {  	_ =	shalt  }
0x7f: {  	_ =	shalt  }
0x80: {  	_ =	shalt  }
0x81: {  	_ =	shalt  }
0x82: {  	_ =	shalt  }
0x83: {  	_ =	shalt  }
0x84: {  	_ =	shalt  }
0x85: {  	_ =	shalt  }
0x86: {  	_ =	shalt  }
0x87: {  	_ =	shalt  }
.Lfunc_end0:
.L_simem_size_0:
called_computation.1_lowered:
.L_overlay_start_0:
0x88: {  	s2 =	sld [smem:$0x3FD9]  }
0x89: {  	s3 =	sld [smem:$0x3FFE];
	_ =	sdelay $0x1  }
0x8a: {  	s1 =	srdreg.scid  }
0x8b: {  	s0 =	sand.u32 $0x1, s1  }
0x8c: {  	s16 =	sshll.u32 s0, $0xA;
	s2 =	sadd.s32 s3, s2  }
0x8d: {  	s2 =	sadd.s32 s2, s16  }
0x8e: {  	[smem:$0x3FBA] =	sst s2  }
0x8f: {  	_ = 	snop  }
0x90: {  	(tm) =	ssettm $0x1  }
0x91: {  	s17 =	sld [smem:$0x3FFB];
	_ =	sdelay $0x3  }
0x92: {  	_ =	strace s17  }
0x93: {  	s2 =	sld [smem:$0x3FFC];
	_ =	sdelay $0x3  }
0x94: {  	_ =	strace s2  }
0x95: {  	s2 =	sld [smem:$0x3FFD];
	_ =	sdelay $0x3  }
0x96: {  	_ =	strace s2  }
0x97: {  	_ =	strace $0x8FFFFFFF  }
0x98: {  	s18 =	sld [smem:$0x3FDB];
	_ =	sdelay $0x1  }
0x99: {  	s19 =	simm.s32 $_scs_section_size  }
0x9a: {  	s4 =	simm.s32 $_size__tile_overlayer_lowered;
	s5 =	simm.s32 $_tile_overlayer_lowered  }
0x9b: {  	s22 =	simm.s32 $0x1BFF;
	s21 =	sshll.u32 s5, $0x1;
	s2 =	sadd.s32 s19, s18  }
0x9c: {  	s6 =	simm.s32 $0x0;
	s20 =	sshll.u32 s4, $0x1;
	s4 =	sadd.s32 s21, s2  }
0x9d: {  	[timem:s6], [sflag:s22] =	dma.local [hbm:s4], s20  }
0x9e: {  	_ =	swait.ge [sflag:s22], s20  }
0x9f: {  	s3 =	ssub.s32 $0x0, s20;
	[sflag:s22] =	ssyncset.done $0x0  }
0xa0: {  	[sflag:s22] =	ssyncadd.s32 s3;
	_ =	sdelay $0x1  }
0xa1: {  	s23 =	simm.s32 $0x1B8B  }
0xa2: {  	_ =	swait.ge [sflag:s23], $0x1  }
0xa3: {  	[sflag:s23] =	ssyncset.done $0x0  }
0xa4: {  	s25 =	simm.s32 $0x1B8E;
	s24 =	sld [smem:$0x3FFE];
	[sflag:s23] =	ssyncadd.s32 $0xFFFFFFFF  }
0xa5: {  	s26 =	simm.s32 $execute0_lowered;
	[smem:$0x3FD2] =	sst s25  }
0xa6: {  	s4 =	sshll.u32 s26, $0x1;
	_ =	strace $0x80000046;
	[dreg:$0x1] =	wrdreg $0xFFFFFFFF  }
0xa7: {  	s28 =	simm.s32 $_size_execute0_lowered;
	s2 =	sadd.s32 s2, s4;
	[dreg:$0x0] =	wrdreg $0x0  }
0xa8: {  	s4 =	sshll.u32 s28, $0x1;
	[dreg:$0x2] =	wrdreg s2  }
0xa9: {  	[dreg:$0x3] =	wrdreg s4  }
0xaa: {  	[dreg:$0x4] =	wrdreg $0xC0  }
0xab: {  	_ =	task [dreg:s6], $0x5FFFF  }
0xac: {  	[dreg:$0x1] =	wrdreg $0xFFFFFFFF  }
0xad: {  	[dreg:$0x0] =	wrdreg $0x60  }
0xae: {  	[dreg:$0x2] =	wrdreg s24  }
0xaf: {  	[dreg:$0x3] =	wrdreg $0xA  }
0xb0: {  	_ =	task.clear_ibuf [dreg:s6], $0x4FFFF;
	_ =	strace $0x90000046  }
0xb1: {  	s29 =	simm.s32 $0xA;
	_ =	strace $0x80000048  }
0xb2: {  	_ =	swait.ge [sflag:s29], $0x1  }
0xb3: {  	[sflag:s29] =	ssyncadd.s32 $0xFFFFFFFF  }
0xb4: {  	_ =	strace $0x90000048  }
0xb5: {  	_ =	sfence  }
0xb6: {  	s30 =	sld [smem:$0x0];
	_ =	sdelay $0x2  }
0xb7: {  	s31 =	sshll.u32 s1, $0xD;
	s1 =	sshrl.u32 s1, $0x2  }
0xb8: {  	s3 =	sand.u32 $0x4000, s31;
	s1 =	sadd.s32 s1, s30  }
0xb9: {  	s0 =	sor.u32 s3, s0;
	s1 =	sshll.u32 s1, $0x11  }
0xba: {  	s0 =	sor.u32 s1, s0  }
0xbb: {  	s0 =	sadd.s32 $0x8F2B, s0  }
0xbc: {  	[sflag:s0] =	ssyncadd.remote.s32 $0x1  }
0xbd: {  	_ =	sfence.sel $0xFFFF  }
0xbe: {  	[dreg:$0x0] =	wrdreg $0xFFFFFFFF;
	(pc) =	sbr.abs _section_cstart, $3  }
0xbf: {  	[dreg:$0x1] =	wrdreg $0xFFFFFFFF  }
0xc0: {  	_ =	task.clear_ibuf [dreg:s6], $0x2FFFF;
	_ =	strace $0x9FFFFFFF  }
0xc1: {  	(tm) =	ssettm $0x7FFFFFFF  }
tec
execute0_lowered:
.L_overlay_start_1:
0x0: {  	(tag) =	ssettag $0x1  }
0x1: {  	s0 =	srdreg.scid  }
0x2: {  	s1 =	sshll.u32 s0, $0x4  }
0x3: {  	s0 =	stileid.u32;
	s1 =	sand.u32 $0x10, s1  }
0x4: {  	s2 =	sor.u32 s0, s1  }
0x5: {  	s1 =	smin.u32 s2, $0x12  }
0x6: {  	s1 =	sadd.s32 s2, s1  }
0x7: {  	p0 =	slt.u32 s2, $0x12;
	s2 =	simm.s32 $0x320;
	s1 =	smul.u32 $0x190, s1  }
0x8: {  	s2 =	simm.s32 @!p0 $0x190  }
0x9: {  	s2 =	sadd.s32 s2, s1  }
0xa: {  	s3 =	smin.u32 s2, $0x4E20  }
0xb: {  	s7 =	ssub.s32 s3, s1  }
0xc: {  	p0 =	sgt.s32 s7, $0x0  }
0xd: {  	s7 =	simm.s32 @!p0 $0x0  }
0xe: {  	s31 =	sand.u32 $0xFFF0, s7  }
0xf: {  	s2 =	sshrl.u32 s31, $0x4  }
0x10: {  	s2 =	smul.u32 $0xA3E, s2  }
0x11: {  	s9 =	rddreg [dreg:$0x0];
	s6 =	simm.s32 $0x1;
	s11 =	simm.s32 $0x3  }
0x12: {  	s13 =	simm.s32 $0x0;
	s12 =	simm.s32 $0x0;
	s8 =	sshrl.u32 s2, $0x10  }
0x13: {  	s4 =	sadd.s32 $0x35600, s9;
	s5 =	sadd.s32 $0x83800, s9;
	s10 =	smul.u32 $0x190, s8  }
.Ltmp0:
0x14: {  	s9 =	sadd.s32 $0x84200, s9;
	s2 =	rddreg [dreg:$0x1];
	(pc) =	sbr.rel .LBB2_1-.Ltmp0, $4  }
0x15: {  	_ =	strace $0x80000047;
	p0 =	sne.s32 s7, s10;
	s10 =	simm.s32 $0x1  }
0x16: {  	[sflag:s6] =	ssyncpa.u1 $0x0;
	s7 =	simm.s32 $0x2;
	s10 =	simm.s32 @!p0 $0x0  }
0x17: {  	[sflag:s7] =	ssyncpa.u1 $0x0;
	p0 =	por $0x0, $0x0;
	s8 =	sadd.s32 s8, s10  }
0x18: {  	vm0 =	vmmov $0xff;
	vm1 =	vcmask $0x3F20;
	[sflag:s11] =	ssyncpa.u1 $0x0;
	s11 =	smov.u32 s1;
	s10 =	sadd.s32 $0x1, s8  }
.LBB2_6:
0x19: {  	[hbm:s17] =	stream.linear.scatter [tilespmem:s14], [sflag:$0x3], $0x400, $0x38;
	[tilespmem:$0x19320] =	vst v63  }
.LBB2_7:
0x1a: {  	s13 =	sadd.s32 $0x190, s11  }
0x1b: {  	s15 =	smov.u32 s1;
	p2 =	slt.s32 s13, s3  }
0x1c: {  	s15 =	smov.u32 @p2 s13;
	p2 =	sne.s32 s12, s10  }
.Ltmp1:
0x1d: {  	p1 =	slt.u32 s12, $0x2;
	(pc) =	sbr.rel @!p2 .LBB2_8-.Ltmp1, $4  }
0x1e: {  	s14 =	simm.s32 @!p1 $0x3  }
0x1f: {  	s16 =	sadd.s32 $0x1, s12;
	_ =	swait.ge @!p1 [sflag:s14], $0xC800  }
0x20: {  	p0 =	por !p0, !p0;
	s13 =	smov.u32 s11;
	[sflag:s14] =	ssyncset.done @!p1 $0x0  }
0x21: {  	s12 =	smov.u32 s16;
	s11 =	smov.u32 s15;
	[sflag:s14] =	ssyncadd.s32 @!p1 $0xFFFF3800  }
.LBB2_1:
0x22: {  	p1 =	sge.u32 s12, s8  }
0x23: {  	s14 =	sxor.u32 @!p1 $0xFFFFFFFF, s12  }
0x24: {  	s14 =	sand.u32 @!p1 $0x1, s14  }
0x25: {  	s14 =	smul.u32 @!p1 $0x640, s14  }
0x26: {  	s31 =	sadd.s32 $0xFFFFFFFF, s12;
	s15 =	sshrl.u32 @!p1 s11, $0x3  }
0x27: {  	s16 =	sand.u32 @!p1 $0x7, s11;
	s15 =	sadd.s32 @!p1 s5, s15;
	s14 =	sshrl.u32 @!p1 s14, $0x2  }
0x28: {  	[tilespmem:s14], [sflag:$0x2] =	stream.linear.gather @!p1 [hbm4b:s15+s16], $0x190, $0x38;
	[tilespmem:$0x19320] =	vst v63  }
0x29: {  	p1 =	sge.u32 s31, s8  }
.Ltmp2:
0x2a: {  	_ = 	snop;
	(pc) =	sbr.rel @p1 .LBB2_7-.Ltmp2, $1  }
0x2b: {  	_ =	sdelay $0x3  }
0x2c: {  	s14 =	simm.s32 $0x1  }
0x2d: {  	s14 =	simm.s32 @!p0 $0x0  }
0x2e: {  	s15 =	smul.u32 $0x640, s14  }
0x2f: {  	_ =	swait.ge [sflag:s7], $0x190  }
0x30: {  	[sflag:s7] =	ssyncset.done $0x0;
	s16 =	sshrl.u32 s15, $0x2  }
0x31: {  	[sflag:s7] =	ssyncadd.s32 $0xFFFFFE70;
	s15 =	sadd.s32 $0x0, s16  }
0x32: {  	v0 =	vld.msk [tilespmem:s15+$0x0 ss:$0x1], $0xffff;
	_ =	sdelay $0x4  }
0x33: {  	vm2 =	vgt.s32 v0, $0x0  }
0x34: {  	v0 =	vnsel vm2, $0x0, v0  }
0x35: {  	v0 =	vmin.u32 v0, $0x4E1F  }
0x36: {  	v0 =	vshll.u32 v0, $0x4  }
0x37: {  	s14 =	smul.u32 $0x32000, s14;
	_ =	sdelay $0x1  }
0x38: {  	s14 =	sshrl.u32 s14, $0x2  }
0x39: {  	s14 =	sor.u32 $0x320, s14  }
0x3a: {  	[tilespmem:s14], [sflag:$0x1] =	stream.indirect_vreg.gather [hbm:s4], $0x80, v0, vm0, $0x38;
	[tilespmem:$0x19320] =	vst v63  }
0x3b: {  	s17 =	sadd.s32 $0x10, s16;
	s15 =	sadd.s32 $0x400, s14  }
0x3c: {  	[tilespmem:s15], [sflag:$0x1] =	stream.indirect_vreg.gather [hbm:s4], $0x80, v0, vm1, $0x38;
	[tilespmem:$0x19320] =	vst v63  }
0x3d: {  	s18 =	simm.s32 $0x80;
	v0 =	vld.msk [tilespmem:s17+$0x0 ss:$0x1], $0xffff;
	s17 =	smov.u32 s14  }
.LBB2_3:
0x3e: {  	p1 =	sne.s32 s18, $0x600;
	_ =	sdelay $0x4  }
0x3f: {  	vm2 =	vgt.s32 v0, $0x0  }
0x40: {  	v0 =	vnsel vm2, $0x0, v0  }
0x41: {  	v0 =	vmin.u32 v0, $0x4E1F  }
0x42: {  	v0 =	vshll.u32 v0, $0x4;
	_ =	sdelay $0x3  }
.Ltmp3:
0x43: {  	s19 =	sshra.s32 s18, $0x2;
	s17 =	sadd.s32 $0x800, s17;
	(pc) =	sbr.rel @p1 .LBB2_3-.Ltmp3, $4  }
0x44: {  	[tilespmem:s17], [sflag:$0x1] =	stream.indirect_vreg.gather [hbm:s4], $0x80, v0, vm0, $0x38;
	[tilespmem:$0x19320] =	vst v63  }
0x45: {  	s19 =	sadd.s32 s19, s16;
	s20 =	sadd.s32 $0x400, s17  }
0x46: {  	[tilespmem:s20], [sflag:$0x1] =	stream.indirect_vreg.gather [hbm:s4], $0x80, v0, vm1, $0x38;
	[tilespmem:$0x19320] =	vst v63  }
0x47: {  	s18 =	sadd.s32 $0x40, s18;
	v0 =	vld.msk [tilespmem:s19+$0x0 ss:$0x1], $0xffff  }
0x48: {  	_ =	sdelay $0x3  }
0x49: {  	vm2 =	vgt.s32 v0, $0x0  }
0x4a: {  	v0 =	vnsel vm2, $0x0, v0  }
0x4b: {  	v0 =	vmin.u32 v0, $0x4E1F  }
0x4c: {  	v0 =	vshll.u32 v0, $0x4;
	_ =	sdelay $0x3  }
0x4d: {  	s16 =	sadd.s32 $0x800, s17  }
0x4e: {  	[tilespmem:s16], [sflag:$0x1] =	stream.indirect_vreg.gather [hbm:s4], $0x80, v0, vm0, $0x38;
	[tilespmem:$0x19320] =	vst v63  }
0x4f: {  	s16 =	sadd.s32 $0x400, s16  }
0x50: {  	[tilespmem:s16], [sflag:$0x1] =	stream.indirect_vreg.gather [hbm:s4], $0x80, v0, vm1, $0x38;
	[tilespmem:$0x19320] =	vst v63  }
0x51: {  	s13 =	sshll.u32 s13, $0x4;
	_ =	swait.ge [sflag:s6], $0xC800  }
0x52: {  	s13 =	sadd.s32 s13, s9;
	[sflag:s6] =	ssyncset.done $0x0  }
0x53: {  	s17 =	sadd.s32 $0x0, s13;
	s16 =	simm.s32 $0x80;
	[sflag:s6] =	ssyncadd.s32 $0xFFFF3800  }
.LBB2_5:
0x54: {  	[hbm:s17] =	stream.linear.scatter [tilespmem:s14], [sflag:$0x3], $0x400, $0x38;
	[tilespmem:$0x19320] =	vst v63  }
0x55: {  	s17 =	smov.u32 s16;
	s14 =	smov.u32 s15;
	p1 =	sne.s32 s16, $0x1880  }
.Ltmp4:
0x56: {  	s16 =	sadd.s32 $0x80, s16;
	(pc) =	sbr.rel @p1 .LBB2_5-.Ltmp4, $2  }
0x57: {  	_ =	sdelay $0x2  }
0x58: {  	s15 =	sadd.s32 $0x400, s15;
	s17 =	sadd.s32 s17, s13  }
.Ltmp5:
0x59: {  	_ = 	snop;
	(pc) =	sbr.rel .LBB2_6-.Ltmp5, $1  }
0x5a: {  	_ =	sdelay $0x3  }
.LBB2_8:
0x5b: {  	_ =	sfence.sel $0x180000  }
0x5c: {  	s1 =	simm.s32 $0x2;
	[bflag:$0x0] =	sbarrier.arrive $0xFFFF  }
0x5d: {  	s30 =	simm.s32 $0x3;
	[sflag:s1] =	ssyncpa.u1 $0x1  }
0x5e: {  	s31 =	simm.s32 $0x1;
	[sflag:s30] =	ssyncpa.u1 $0x1  }
0x5f: {  	[sflag:s31] =	ssyncpa.u1 $0x1  }
0x60: {  	p0 =	sne.s32 s0, $0x0;
	_ =	strace $0x90000047  }
0x61: {  	s0 =	sadd.s32 @!p0 $0x100000, s2;
	[bflag:$0x2] =	sbarrier.arrive $0xFFFF  }
0x62: {  	[sflag:s0] =	ssyncadd.tile.s32 @!p0 $0x1;
	_ =	shalt  }
.Lfunc_end2:
_tile_overlayer_lowered:
.L_overlay_start_2:
0x63: {  	(tag) =	ssettag $0x2  }
0x64: {  	s0 =	rddreg [dreg:$0x0];
	s2 =	stileid.u32  }
0x65: {  	s1 =	rddreg [dreg:$0x1];
	p0 =	sne.s32 s2, $0x0  }
0x66: {  	s3 =	rddreg [dreg:$0x2];
	[bflag:$0x3] =	sbarrier.arrive $0xFFFF;
	s2 =	simm.s32 @!p0 $0x1C01  }
0x67: {  	[timem:s3], [sflag:s2] =	dma.local @!p0 [hbm:s0], s1  }
0x68: {  	s0 =	simm.s32 @!p0 $0x1  }
0x69: {  	_ =	swait.ge @!p0 [sflag:s0], s1  }
0x6a: {  	s1 =	ssub.s32 @!p0 $0x0, s1;
	[sflag:s0] =	ssyncset.done @!p0 $0x0  }
0x6b: {  	[sflag:s0] =	ssyncadd.s32 @!p0 s1  }
0x6c: {  	[bflag:$0x3] =	sbarrier.arrive $0xFFFF  }
0x6d: {  	_ =	shalt  }

// kernel: gather_offload_async_start
scs
__scs_entry_jumppad:
0x0: {  	(pc) =	sbr.rel $0x88, $3  }
0x1: {  	(tag) =	ssettag $0x0;
	lr =	simm.s32 $0x1  }
0x2: {  	[smem:$0x3F93] =	sst lr;
	_ =	strace $0xD0000000  }
0x3: {  	_ = 	snop  }
0x4: {  	_ = 	snop  }
0x5: {  	_ = 	snop  }
0x6: {  	_ = 	snop  }
0x7: {  	_ = 	snop  }
__scs_overlays_trampoline_lowered:
0x8: {  	[smem:$0x3FA2] =	sst s0  }
0x9: {  	[smem:$0x3FA3] =	sst s1  }
0xa: {  	[smem:$0x3FA4] =	sst s2  }
0xb: {  	[smem:$0x3FA5] =	sst s3  }
0xc: {  	[smem:$0x3FA6] =	sst s4  }
0xd: {  	[smem:$0x3FA7] =	sst s5  }
0xe: {  	[smem:$0x3FA8] =	sst s6  }
0xf: {  	[smem:$0x3FA9] =	sst s7  }
0x10: {  	[smem:$0x3FAA] =	sst s8  }
0x11: {  	[smem:$0x3FAB] =	sst s9;
	s0 =	simm.s32 @!p0 $0x0  }
0x12: {  	s1 =	sld [smem:$0x3F91];
	s0 =	simm.s32 @p0 $0x1  }
0x13: {  	[smem:$0x3FAC] =	sst s0;
	s0 =	simm.s32 @!p1 $0x0  }
0x14: {  	s2 =	sld [smem:$0x3F90];
	s0 =	simm.s32 @p1 $0x1  }
0x15: {  	[smem:$0x3FAD] =	sst s0;
	s0 =	simm.s32 @!p2 $0x0  }
0x16: {  	s3 =	sld [smem:$0x3FDB];
	s0 =	simm.s32 @p2 $0x1  }
0x17: {  	s4 =	simm.s32 $0x1BF5;
	[smem:$0x3FAF] =	sst s0  }
0x18: {  	s0 =	sld [smem:$0x3F92];
	_ =	swait.ge [sflag:s4], $0x0  }
0x19: {  	s7 =	sld [smem:$0x3F93]  }
0x1a: {  	s8 =	sadd.s32 $0xFFFFE003, lr  }
0x1b: {  	s9 =	sadd.s32 $0xFFFFFEF7, lr;
	s5 =	simm.s32 $0xFFFFFFFF;
	p2 =	slt.u32 s8, $0xFFFFF086  }
0x1c: {  	p1 =	slt.u32 s9, $0xF7A;
	s5 =	simm.s32 @!p2 $0x0  }
0x1d: {  	s5 =	simm.s32 @p1 $0x1;
	p0 =	seq.s32 s7, s2  }
0x1e: {  	s7 =	smul.u32 @!p0 $0xF7A, s2;
	p2 =	seq.s32 @!p0 s5, $0x0  }
0x1f: {  	s9 =	smul.u32 $0xF7A, s1;
	s8 =	simm.s32 @!p0 $0x1BF5;
	p2 =	por !p2, p0  }
0x20: {  	[sflag:s8] =	ssyncset.s32 @!p0 $0xFFFFF086;
	s6 =	sadd.s32 @!p0 s3, s7;
	s7 =	simm.s32 @!p0 $0x108  }
0x21: {  	s3 =	sadd.s32 s3, s9;
	s6 =	sadd.s32 @!p0 $0x88, s6;
	s7 =	simm.s32 @p2 $0x1082  }
0x22: {  	[simem:s7], [sflag:s8] =	dma.local @!p0 [hbm:s6], $0xF7A  }
0x23: {  	s9 =	sor.u32 $0xD0000000, s2;
	s6 =	simm.s32 $0x108;
	_ =	swait.ge @!p0 [sflag:s8], $0x0  }
0x24: {  	s3 =	sadd.s32 $0x88, s3;
	s6 =	simm.s32 @!p1 $0x1082;
	[sflag:s4] =	ssyncset.s32 $0xFFFFF086  }
0x25: {  	[simem:s6], [sflag:s4] =	dma.local [hbm:s3], $0xF7A  }
0x26: {  	[smem:$0x3F93] =	sst s1;
	(tag) =	ssettag s2;
	_ =	strace s9  }
0x27: {  	s1 =	sld [smem:$0x3FA3]  }
0x28: {  	s2 =	sld [smem:$0x3FA4]  }
0x29: {  	s4 =	sld [smem:$0x3FA6]  }
0x2a: {  	p0 =	seq.s32 s5, $0x0;
	s5 =	sld [smem:$0x3FA7]  }
0x2b: {  	s6 =	sld [smem:$0x3FA8]  }
0x2c: {  	s7 =	sld [smem:$0x3FA9]  }
0x2d: {  	s3 =	simm.s32 $0x108;
	s8 =	sld [smem:$0x3FAA]  }
0x2e: {  	s3 =	simm.s32 @!p0 $0x1082;
	s9 =	sld [smem:$0x3FAB]  }
0x2f: {  	lr =	sadd.s32 s0, s3;
	s0 =	sld [smem:$0x3FA2]  }
0x30: {  	s3 =	sld [smem:$0x3FA5]  }
0x31: {  	[smem:$0x3FAE] =	sst s10  }
0x32: {  	s10 =	sld [smem:$0x3FAC];
	_ =	sdelay $0x3  }
0x33: {  	p0 =	seq.s32 s10, $0x1;
	s10 =	sld [smem:$0x3FAE];
	_ =	sdelay $0x3  }
0x34: {  	[smem:$0x3FAE] =	sst s10  }
0x35: {  	s10 =	sld [smem:$0x3FAD];
	_ =	sdelay $0x3  }
0x36: {  	p1 =	seq.s32 s10, $0x1;
	s10 =	sld [smem:$0x3FAE];
	_ =	sdelay $0x3  }
0x37: {  	[smem:$0x3FAE] =	sst s10  }
0x38: {  	s10 =	sld [smem:$0x3FAF]  }
0x39: {  	_ = 	snop;
	(pc) =	sbr.ind lr, $3  }
0x3a: {  	_ = 	snop  }
0x3b: {  	_ = 	snop  }
0x3c: {  	p2 =	seq.s32 s10, $0x1;
	s10 =	sld [smem:$0x3FAE]  }
0x3d: {  	_ =	shalt  }
0x3e: {  	_ =	shalt  }
0x3f: {  	_ =	shalt  }
0x40: {  	_ =	shalt  }
0x41: {  	_ =	shalt  }
0x42: {  	_ =	shalt  }
0x43: {  	_ =	shalt  }
0x44: {  	_ =	shalt  }
0x45: {  	_ =	shalt  }
0x46: {  	_ =	shalt  }
0x47: {  	_ =	shalt  }
0x48: {  	_ =	shalt  }
0x49: {  	_ =	shalt  }
0x4a: {  	_ =	shalt  }
0x4b: {  	_ =	shalt  }
0x4c: {  	_ =	shalt  }
0x4d: {  	_ =	shalt  }
0x4e: {  	_ =	shalt  }
0x4f: {  	_ =	shalt  }
0x50: {  	_ =	shalt  }
0x51: {  	_ =	shalt  }
0x52: {  	_ =	shalt  }
0x53: {  	_ =	shalt  }
0x54: {  	_ =	shalt  }
0x55: {  	_ =	shalt  }
0x56: {  	_ =	shalt  }
0x57: {  	_ =	shalt  }
0x58: {  	_ =	shalt  }
0x59: {  	_ =	shalt  }
0x5a: {  	_ =	shalt  }
0x5b: {  	_ =	shalt  }
0x5c: {  	_ =	shalt  }
0x5d: {  	_ =	shalt  }
0x5e: {  	_ =	shalt  }
0x5f: {  	_ =	shalt  }
0x60: {  	_ =	shalt  }
0x61: {  	_ =	shalt  }
0x62: {  	_ =	shalt  }
0x63: {  	_ =	shalt  }
0x64: {  	_ =	shalt  }
0x65: {  	_ =	shalt  }
0x66: {  	_ =	shalt  }
0x67: {  	_ =	shalt  }
0x68: {  	_ =	shalt  }
0x69: {  	_ =	shalt  }
0x6a: {  	_ =	shalt  }
0x6b: {  	_ =	shalt  }
0x6c: {  	_ =	shalt  }
0x6d: {  	_ =	shalt  }
0x6e: {  	_ =	shalt  }
0x6f: {  	_ =	shalt  }
0x70: {  	_ =	shalt  }
0x71: {  	_ =	shalt  }
0x72: {  	_ =	shalt  }
0x73: {  	_ =	shalt  }
0x74: {  	_ =	shalt  }
0x75: {  	_ =	shalt  }
0x76: {  	_ =	shalt  }
0x77: {  	_ =	shalt  }
0x78: {  	_ =	shalt  }
0x79: {  	_ =	shalt  }
0x7a: {  	_ =	shalt  }
0x7b: {  	_ =	shalt  }
0x7c: {  	_ =	shalt  }
0x7d: {  	_ =	shalt  }
0x7e: {  	_ =	shalt  }
0x7f: {  	_ =	shalt  }
0x80: {  	_ =	shalt  }
0x81: {  	_ =	shalt  }
0x82: {  	_ =	shalt  }
0x83: {  	_ =	shalt  }
0x84: {  	_ =	shalt  }
0x85: {  	_ =	shalt  }
0x86: {  	_ =	shalt  }
0x87: {  	_ =	shalt  }
.Lfunc_end0:
.L_simem_size_0:
called_computation_lowered:
.L_overlay_start_0:
0x88: {  	s0 =	sld [smem:$0x3FD9]  }
0x89: {  	s1 =	sld [smem:$0x3FFE];
	_ =	sdelay $0x3  }
0x8a: {  	s0 =	sadd.s32 s1, s0  }
0x8b: {  	[smem:$0x3FBA] =	sst s0  }
0x8c: {  	_ = 	snop  }
0x8d: {  	s0 =	sld [smem:$0x3FD0];
	(tm) =	ssettm $0x1  }
0x8e: {  	s16 =	sld [smem:$0x3FFB];
	_ =	sdelay $0x3  }
0x8f: {  	_ =	strace s16  }
0x90: {  	s1 =	sld [smem:$0x3FFC];
	_ =	sdelay $0x3  }
0x91: {  	_ =	strace s1  }
0x92: {  	s1 =	sld [smem:$0x3FFD];
	_ =	sdelay $0x3  }
0x93: {  	_ =	strace s1  }
0x94: {  	_ =	strace $0x8FFFFFFF  }
0x95: {  	s17 =	sld [smem:$0x3FDB];
	_ =	sdelay $0x1  }
0x96: {  	s2 =	simm.s32 $_scs_section_size  }
0x97: {  	s3 =	simm.s32 $_size__tile_overlayer_lowered;
	s4 =	simm.s32 $_tile_overlayer_lowered  }
0x98: {  	s20 =	simm.s32 $0x1BFF;
	s19 =	sshll.u32 s4, $0x1;
	s1 =	sadd.s32 s2, s17  }
0x99: {  	s5 =	simm.s32 $0x0;
	s18 =	sshll.u32 s3, $0x1;
	s3 =	sadd.s32 s19, s1  }
0x9a: {  	[timem:s5], [sflag:s20] =	dma.local [hbm:s3], s18  }
0x9b: {  	_ =	swait.ge [sflag:s20], s18  }
0x9c: {  	s2 =	ssub.s32 $0x0, s18;
	[sflag:s20] =	ssyncset.done $0x0  }
0x9d: {  	[sflag:s20] =	ssyncadd.s32 s2;
	_ =	sdelay $0x1  }
0x9e: {  	s21 =	simm.s32 $0x1B8B  }
0x9f: {  	_ =	swait.ge [sflag:s21], $0x1  }
0xa0: {  	[sflag:s21] =	ssyncset.done $0x0  }
0xa1: {  	s23 =	simm.s32 $0x1B8E;
	s22 =	sld [smem:$0x3FFE];
	[sflag:s21] =	ssyncadd.s32 $0xFFFFFFFF  }
0xa2: {  	s24 =	simm.s32 $execute0_lowered;
	[smem:$0x3FD2] =	sst s23  }
0xa3: {  	s3 =	sshll.u32 s24, $0x1;
	_ =	strace $0x80000049;
	[dreg:$0x1] =	wrdreg $0xFFFFFFFF  }
0xa4: {  	s25 =	simm.s32 $_size_execute0_lowered;
	s1 =	sadd.s32 s1, s3;
	[dreg:$0x0] =	wrdreg $0x0  }
0xa5: {  	s3 =	sshll.u32 s25, $0x1;
	[dreg:$0x2] =	wrdreg s1  }
0xa6: {  	[dreg:$0x3] =	wrdreg s3  }
0xa7: {  	[dreg:$0x4] =	wrdreg $0xC0  }
0xa8: {  	_ =	task [dreg:s5], $0x5FFFF  }
0xa9: {  	[dreg:$0x1] =	wrdreg $0xFFFFFFFF  }
0xaa: {  	[dreg:$0x0] =	wrdreg $0x60  }
0xab: {  	[dreg:$0x2] =	wrdreg s22  }
0xac: {  	[dreg:$0x3] =	wrdreg s0  }
0xad: {  	[dreg:$0x4] =	wrdreg $0x9  }
0xae: {  	_ =	task.clear_ibuf [dreg:s5], $0x5FFFF;
	_ =	strace $0x90000049  }
0xaf: {  	s26 =	simm.s32 $0x9;
	_ =	strace $0x8000004B  }
0xb0: {  	_ =	swait.ge [sflag:s26], $0x1  }
0xb1: {  	[sflag:s26] =	ssyncadd.s32 $0xFFFFFFFF  }
0xb2: {  	_ =	strace $0x9000004B  }
0xb3: {  	_ =	sfence  }
0xb4: {  	s28 =	sld [smem:$0x0];
	_ =	sdelay $0x1  }
0xb5: {  	s29 =	srdreg.scid  }
0xb6: {  	s30 =	sshll.u32 s29, $0xD;
	s31 =	sshrl.u32 s29, $0x2  }
0xb7: {  	s2 =	sand.u32 $0x4000, s30;
	s1 =	sand.u32 $0x1, s29;
	s0 =	sadd.s32 s31, s28  }
0xb8: {  	s1 =	sor.u32 s2, s1;
	s0 =	sshll.u32 s0, $0x11  }
0xb9: {  	s0 =	sor.u32 s0, s1  }
0xba: {  	s0 =	sadd.s32 $0x8F2B, s0  }
0xbb: {  	[sflag:s0] =	ssyncadd.remote.s32 $0x1  }
0xbc: {  	_ =	sfence.sel $0xFFFF  }
0xbd: {  	[dreg:$0x0] =	wrdreg $0xFFFFFFFF;
	(pc) =	sbr.abs _section_cstart, $3  }
0xbe: {  	[dreg:$0x1] =	wrdreg $0xFFFFFFFF  }
0xbf: {  	_ =	task.clear_ibuf [dreg:s5], $0x2FFFF;
	_ =	strace $0x9FFFFFFF  }
0xc0: {  	(tm) =	ssettm $0x7FFFFFFF  }
0xc1: {  	_ =	shalt  }
tec
execute0_lowered:
.L_overlay_start_1:
0x0: {  	(tag) =	ssettag $0x1  }
0x1: {  	s0 =	stileid.u32  }
0x2: {  	s1 =	smin.u32 s0, $0xB;
	s2 =	sshll.u32 s0, $0x2  }
0x3: {  	s1 =	sadd.s32 s1, s2  }
0x4: {  	p0 =	slt.u32 s0, $0xB;
	s2 =	simm.s32 $0x7D0;
	s1 =	smul.u32 $0x190, s1  }
0x5: {  	s2 =	simm.s32 @!p0 $0x640  }
0x6: {  	s2 =	sadd.s32 s2, s1  }
0x7: {  	s3 =	smin.u32 s2, $0x7530  }
0x8: {  	s7 =	ssub.s32 s3, s1  }
0x9: {  	p0 =	sgt.s32 s7, $0x0  }
0xa: {  	s7 =	simm.s32 @!p0 $0x0  }
0xb: {  	s31 =	sand.u32 $0xFFF0, s7  }
0xc: {  	s2 =	sshrl.u32 s31, $0x4  }
0xd: {  	s9 =	rddreg [dreg:$0x0];
	s2 =	smul.u32 $0xA3E, s2  }
0xe: {  	s4 =	rddreg [dreg:$0x1];
	s6 =	simm.s32 $0x1  }
0xf: {  	s11 =	simm.s32 $0x3;
	s13 =	simm.s32 $0x0;
	s8 =	sshrl.u32 s2, $0x10  }
0x10: {  	s12 =	simm.s32 $0x0;
	s5 =	sadd.s32 $0xD2400, s9;
	s10 =	smul.u32 $0x190, s8  }
.Ltmp0:
0x11: {  	s9 =	sadd.s32 $0x147800, s9;
	s2 =	rddreg [dreg:$0x2];
	(pc) =	sbr.rel .LBB2_1-.Ltmp0, $4  }
0x12: {  	_ =	strace $0x8000004A;
	p0 =	sne.s32 s7, s10;
	s10 =	simm.s32 $0x1  }
0x13: {  	[sflag:s6] =	ssyncpa.u1 $0x0;
	s7 =	simm.s32 $0x2;
	s10 =	simm.s32 @!p0 $0x0  }
0x14: {  	[sflag:s7] =	ssyncpa.u1 $0x0;
	p0 =	por $0x0, $0x0;
	s8 =	sadd.s32 s8, s10  }
0x15: {  	vm0 =	vmmov $0xff;
	vm1 =	vcmask $0x3F20;
	[sflag:s11] =	ssyncpa.u1 $0x0;
	s11 =	smov.u32 s1;
	s10 =	sadd.s32 $0x1, s8  }
.LBB2_6:
0x16: {  	[hbm:s17] =	stream.linear.scatter [tilespmem:s14], [sflag:$0x3], $0x400, $0x38;
	[tilespmem:$0x19320] =	vst v63  }
.LBB2_7:
0x17: {  	s13 =	sadd.s32 $0x190, s11  }
0x18: {  	s15 =	smov.u32 s1;
	p2 =	slt.s32 s13, s3  }
0x19: {  	s15 =	smov.u32 @p2 s13;
	p2 =	sne.s32 s12, s10  }
.Ltmp1:
0x1a: {  	p1 =	slt.u32 s12, $0x2;
	(pc) =	sbr.rel @!p2 .LBB2_8-.Ltmp1, $4  }
0x1b: {  	s14 =	simm.s32 @!p1 $0x3  }
0x1c: {  	s16 =	sadd.s32 $0x1, s12;
	_ =	swait.ge @!p1 [sflag:s14], $0xC800  }
0x1d: {  	p0 =	por !p0, !p0;
	s13 =	smov.u32 s11;
	[sflag:s14] =	ssyncset.done @!p1 $0x0  }
0x1e: {  	s12 =	smov.u32 s16;
	s11 =	smov.u32 s15;
	[sflag:s14] =	ssyncadd.s32 @!p1 $0xFFFF3800  }
.LBB2_1:
0x1f: {  	p1 =	sge.u32 s12, s8  }
0x20: {  	s14 =	sxor.u32 @!p1 $0xFFFFFFFF, s12  }
0x21: {  	s14 =	sand.u32 @!p1 $0x1, s14  }
0x22: {  	s14 =	smul.u32 @!p1 $0x640, s14  }
0x23: {  	s31 =	sadd.s32 $0xFFFFFFFF, s12;
	s15 =	sshrl.u32 @!p1 s11, $0x3  }
0x24: {  	s16 =	sand.u32 @!p1 $0x7, s11;
	s15 =	sadd.s32 @!p1 s4, s15;
	s14 =	sshrl.u32 @!p1 s14, $0x2  }
0x25: {  	[tilespmem:s14], [sflag:$0x2] =	stream.linear.gather @!p1 [hbm4b:s15+s16], $0x190, $0x38;
	[tilespmem:$0x19320] =	vst v63  }
0x26: {  	p1 =	sge.u32 s31, s8  }
.Ltmp2:
0x27: {  	_ = 	snop;
	(pc) =	sbr.rel @p1 .LBB2_7-.Ltmp2, $1  }
0x28: {  	_ =	sdelay $0x3  }
0x29: {  	s14 =	simm.s32 $0x1  }
0x2a: {  	s14 =	simm.s32 @!p0 $0x0  }
0x2b: {  	s15 =	smul.u32 $0x640, s14  }
0x2c: {  	_ =	swait.ge [sflag:s7], $0x190  }
0x2d: {  	[sflag:s7] =	ssyncset.done $0x0;
	s16 =	sshrl.u32 s15, $0x2  }
0x2e: {  	[sflag:s7] =	ssyncadd.s32 $0xFFFFFE70;
	s15 =	sadd.s32 $0x0, s16  }
0x2f: {  	v0 =	vld.msk [tilespmem:s15+$0x0 ss:$0x1], $0xffff;
	_ =	sdelay $0x4  }
0x30: {  	vm2 =	vgt.s32 v0, $0x0  }
0x31: {  	v0 =	vnsel vm2, $0x0, v0  }
0x32: {  	v0 =	vmin.u32 v0, $0x752F  }
0x33: {  	v0 =	vshll.u32 v0, $0x4  }
0x34: {  	s14 =	smul.u32 $0x32000, s14;
	_ =	sdelay $0x1  }
0x35: {  	s14 =	sshrl.u32 s14, $0x2  }
0x36: {  	s14 =	sor.u32 $0x320, s14  }
0x37: {  	[tilespmem:s14], [sflag:$0x1] =	stream.indirect_vreg.gather [hbm:s5], $0x80, v0, vm0, $0x38;
	[tilespmem:$0x19320] =	vst v63  }
0x38: {  	s17 =	sadd.s32 $0x10, s16;
	s15 =	sadd.s32 $0x400, s14  }
0x39: {  	[tilespmem:s15], [sflag:$0x1] =	stream.indirect_vreg.gather [hbm:s5], $0x80, v0, vm1, $0x38;
	[tilespmem:$0x19320] =	vst v63  }
0x3a: {  	s18 =	simm.s32 $0x80;
	v0 =	vld.msk [tilespmem:s17+$0x0 ss:$0x1], $0xffff;
	s17 =	smov.u32 s14  }
.LBB2_3:
0x3b: {  	p1 =	sne.s32 s18, $0x600;
	_ =	sdelay $0x4  }
0x3c: {  	vm2 =	vgt.s32 v0, $0x0  }
0x3d: {  	v0 =	vnsel vm2, $0x0, v0  }
0x3e: {  	v0 =	vmin.u32 v0, $0x752F  }
0x3f: {  	v0 =	vshll.u32 v0, $0x4;
	_ =	sdelay $0x3  }
.Ltmp3:
0x40: {  	s19 =	sshra.s32 s18, $0x2;
	s17 =	sadd.s32 $0x800, s17;
	(pc) =	sbr.rel @p1 .LBB2_3-.Ltmp3, $4  }
0x41: {  	[tilespmem:s17], [sflag:$0x1] =	stream.indirect_vreg.gather [hbm:s5], $0x80, v0, vm0, $0x38;
	[tilespmem:$0x19320] =	vst v63  }
0x42: {  	s19 =	sadd.s32 s19, s16;
	s20 =	sadd.s32 $0x400, s17  }
0x43: {  	[tilespmem:s20], [sflag:$0x1] =	stream.indirect_vreg.gather [hbm:s5], $0x80, v0, vm1, $0x38;
	[tilespmem:$0x19320] =	vst v63  }
0x44: {  	s18 =	sadd.s32 $0x40, s18;
	v0 =	vld.msk [tilespmem:s19+$0x0 ss:$0x1], $0xffff  }
0x45: {  	_ =	sdelay $0x3  }
0x46: {  	vm2 =	vgt.s32 v0, $0x0  }
0x47: {  	v0 =	vnsel vm2, $0x0, v0  }
0x48: {  	v0 =	vmin.u32 v0, $0x752F  }
0x49: {  	v0 =	vshll.u32 v0, $0x4;
	_ =	sdelay $0x3  }
0x4a: {  	s16 =	sadd.s32 $0x800, s17  }
0x4b: {  	[tilespmem:s16], [sflag:$0x1] =	stream.indirect_vreg.gather [hbm:s5], $0x80, v0, vm0, $0x38;
	[tilespmem:$0x19320] =	vst v63  }
0x4c: {  	s16 =	sadd.s32 $0x400, s16  }
0x4d: {  	[tilespmem:s16], [sflag:$0x1] =	stream.indirect_vreg.gather [hbm:s5], $0x80, v0, vm1, $0x38;
	[tilespmem:$0x19320] =	vst v63  }
0x4e: {  	s13 =	sshll.u32 s13, $0x4;
	_ =	swait.ge [sflag:s6], $0xC800  }
0x4f: {  	s13 =	sadd.s32 s13, s9;
	[sflag:s6] =	ssyncset.done $0x0  }
0x50: {  	s17 =	sadd.s32 $0x0, s13;
	s16 =	simm.s32 $0x80;
	[sflag:s6] =	ssyncadd.s32 $0xFFFF3800  }
.LBB2_5:
0x51: {  	[hbm:s17] =	stream.linear.scatter [tilespmem:s14], [sflag:$0x3], $0x400, $0x38;
	[tilespmem:$0x19320] =	vst v63  }
0x52: {  	s17 =	smov.u32 s16;
	s14 =	smov.u32 s15;
	p1 =	sne.s32 s16, $0x1880  }
.Ltmp4:
0x53: {  	s16 =	sadd.s32 $0x80, s16;
	(pc) =	sbr.rel @p1 .LBB2_5-.Ltmp4, $2  }
0x54: {  	_ =	sdelay $0x2  }
0x55: {  	s15 =	sadd.s32 $0x400, s15;
	s17 =	sadd.s32 s17, s13  }
.Ltmp5:
0x56: {  	_ = 	snop;
	(pc) =	sbr.rel .LBB2_6-.Ltmp5, $1  }
0x57: {  	_ =	sdelay $0x3  }
.LBB2_8:
0x58: {  	_ =	sfence.sel $0x180000  }
0x59: {  	s1 =	simm.s32 $0x2;
	[bflag:$0x0] =	sbarrier.arrive $0xFFFF  }
0x5a: {  	s30 =	simm.s32 $0x3;
	[sflag:s1] =	ssyncpa.u1 $0x1  }
0x5b: {  	s31 =	simm.s32 $0x1;
	[sflag:s30] =	ssyncpa.u1 $0x1  }
0x5c: {  	[sflag:s31] =	ssyncpa.u1 $0x1  }
0x5d: {  	p0 =	sne.s32 s0, $0x0;
	_ =	strace $0x9000004A  }
0x5e: {  	s0 =	sadd.s32 @!p0 $0x100000, s2;
	[bflag:$0x2] =	sbarrier.arrive $0xFFFF  }
0x5f: {  	[sflag:s0] =	ssyncadd.tile.s32 @!p0 $0x1;
	_ =	shalt  }
.Lfunc_end2:
_tile_overlayer_lowered:
.L_overlay_start_2:
0x60: {  	(tag) =	ssettag $0x2  }
0x61: {  	s0 =	rddreg [dreg:$0x0];
	s2 =	stileid.u32  }
0x62: {  	s1 =	rddreg [dreg:$0x1];
	p0 =	sne.s32 s2, $0x0  }
0x63: {  	s3 =	rddreg [dreg:$0x2];
	[bflag:$0x3] =	sbarrier.arrive $0xFFFF;
	s2 =	simm.s32 @!p0 $0x1C01  }
0x64: {  	[timem:s3], [sflag:s2] =	dma.local @!p0 [hbm:s0], s1  }
0x65: {  	s0 =	simm.s32 @!p0 $0x1  }
0x66: {  	_ =	swait.ge @!p0 [sflag:s0], s1  }
0x67: {  	s1 =	ssub.s32 @!p0 $0x0, s1;
	[sflag:s0] =	ssyncset.done @!p0 $0x0  }
0x68: {  	[sflag:s0] =	ssyncadd.s32 @!p0 s1  }
0x69: {  	[bflag:$0x3] =	sbarrier.arrive $0xFFFF  }
0x6a: {  	_ =	shalt  }

// kernel: kernel.10.cloned.1.call-start
scs
__scs_entry_jumppad:
0x0: {  	(pc) =	sbr.rel $0x88, $3  }
0x1: {  	(tag) =	ssettag $0x0;
	lr =	simm.s32 $0x1  }
0x2: {  	[smem:$0x3F93] =	sst lr;
	_ =	strace $0xD0000000  }
0x3: {  	_ = 	snop  }
0x4: {  	_ = 	snop  }
0x5: {  	_ = 	snop  }
0x6: {  	_ = 	snop  }
0x7: {  	_ = 	snop  }
__scs_overlays_trampoline_lowered:
0x8: {  	[smem:$0x3FA2] =	sst s0  }
0x9: {  	[smem:$0x3FA3] =	sst s1  }
0xa: {  	[smem:$0x3FA4] =	sst s2  }
0xb: {  	[smem:$0x3FA5] =	sst s3  }
0xc: {  	[smem:$0x3FA6] =	sst s4  }
0xd: {  	[smem:$0x3FA7] =	sst s5  }
0xe: {  	[smem:$0x3FA8] =	sst s6  }
0xf: {  	[smem:$0x3FA9] =	sst s7  }
0x10: {  	[smem:$0x3FAA] =	sst s8  }
0x11: {  	[smem:$0x3FAB] =	sst s9;
	s0 =	simm.s32 @!p0 $0x0  }
0x12: {  	s1 =	sld [smem:$0x3F91];
	s0 =	simm.s32 @p0 $0x1  }
0x13: {  	[smem:$0x3FAC] =	sst s0;
	s0 =	simm.s32 @!p1 $0x0  }
0x14: {  	s2 =	sld [smem:$0x3F90];
	s0 =	simm.s32 @p1 $0x1  }
0x15: {  	[smem:$0x3FAD] =	sst s0;
	s0 =	simm.s32 @!p2 $0x0  }
0x16: {  	s3 =	sld [smem:$0x3FDB];
	s0 =	simm.s32 @p2 $0x1  }
0x17: {  	s4 =	simm.s32 $0x1BF5;
	[smem:$0x3FAF] =	sst s0  }
0x18: {  	s0 =	sld [smem:$0x3F92];
	_ =	swait.ge [sflag:s4], $0x0  }
0x19: {  	s7 =	sld [smem:$0x3F93]  }
0x1a: {  	s8 =	sadd.s32 $0xFFFFE003, lr  }
0x1b: {  	s9 =	sadd.s32 $0xFFFFFEF7, lr;
	s5 =	simm.s32 $0xFFFFFFFF;
	p2 =	slt.u32 s8, $0xFFFFF086  }
0x1c: {  	p1 =	slt.u32 s9, $0xF7A;
	s5 =	simm.s32 @!p2 $0x0  }
0x1d: {  	s5 =	simm.s32 @p1 $0x1;
	p0 =	seq.s32 s7, s2  }
0x1e: {  	s7 =	smul.u32 @!p0 $0xF7A, s2;
	p2 =	seq.s32 @!p0 s5, $0x0  }
0x1f: {  	s9 =	smul.u32 $0xF7A, s1;
	s8 =	simm.s32 @!p0 $0x1BF5;
	p2 =	por !p2, p0  }
0x20: {  	[sflag:s8] =	ssyncset.s32 @!p0 $0xFFFFF086;
	s6 =	sadd.s32 @!p0 s3, s7;
	s7 =	simm.s32 @!p0 $0x108  }
0x21: {  	s3 =	sadd.s32 s3, s9;
	s6 =	sadd.s32 @!p0 $0x88, s6;
	s7 =	simm.s32 @p2 $0x1082  }
0x22: {  	[simem:s7], [sflag:s8] =	dma.local @!p0 [hbm:s6], $0xF7A  }
0x23: {  	s9 =	sor.u32 $0xD0000000, s2;
	s6 =	simm.s32 $0x108;
	_ =	swait.ge @!p0 [sflag:s8], $0x0  }
0x24: {  	s3 =	sadd.s32 $0x88, s3;
	s6 =	simm.s32 @!p1 $0x1082;
	[sflag:s4] =	ssyncset.s32 $0xFFFFF086  }
0x25: {  	[simem:s6], [sflag:s4] =	dma.local [hbm:s3], $0xF7A  }
0x26: {  	[smem:$0x3F93] =	sst s1;
	(tag) =	ssettag s2;
	_ =	strace s9  }
0x27: {  	s1 =	sld [smem:$0x3FA3]  }
0x28: {  	s2 =	sld [smem:$0x3FA4]  }
0x29: {  	s4 =	sld [smem:$0x3FA6]  }
0x2a: {  	p0 =	seq.s32 s5, $0x0;
	s5 =	sld [smem:$0x3FA7]  }
0x2b: {  	s6 =	sld [smem:$0x3FA8]  }
0x2c: {  	s7 =	sld [smem:$0x3FA9]  }
0x2d: {  	s3 =	simm.s32 $0x108;
	s8 =	sld [smem:$0x3FAA]  }
0x2e: {  	s3 =	simm.s32 @!p0 $0x1082;
	s9 =	sld [smem:$0x3FAB]  }
0x2f: {  	lr =	sadd.s32 s0, s3;
	s0 =	sld [smem:$0x3FA2]  }
0x30: {  	s3 =	sld [smem:$0x3FA5]  }
0x31: {  	[smem:$0x3FAE] =	sst s10  }
0x32: {  	s10 =	sld [smem:$0x3FAC];
	_ =	sdelay $0x3  }
0x33: {  	p0 =	seq.s32 s10, $0x1;
	s10 =	sld [smem:$0x3FAE];
	_ =	sdelay $0x3  }
0x34: {  	[smem:$0x3FAE] =	sst s10  }
0x35: {  	s10 =	sld [smem:$0x3FAD];
	_ =	sdelay $0x3  }
0x36: {  	p1 =	seq.s32 s10, $0x1;
	s10 =	sld [smem:$0x3FAE];
	_ =	sdelay $0x3  }
0x37: {  	[smem:$0x3FAE] =	sst s10  }
0x38: {  	s10 =	sld [smem:$0x3FAF]  }
0x39: {  	_ = 	snop;
	(pc) =	sbr.ind lr, $3  }
0x3a: {  	_ = 	snop  }
0x3b: {  	_ = 	snop  }
0x3c: {  	p2 =	seq.s32 s10, $0x1;
	s10 =	sld [smem:$0x3FAE]  }
0x3d: {  	_ =	shalt  }
0x3e: {  	_ =	shalt  }
0x3f: {  	_ =	shalt  }
0x40: {  	_ =	shalt  }
0x41: {  	_ =	shalt  }
0x42: {  	_ =	shalt  }
0x43: {  	_ =	shalt  }
0x44: {  	_ =	shalt  }
0x45: {  	_ =	shalt  }
0x46: {  	_ =	shalt  }
0x47: {  	_ =	shalt  }
0x48: {  	_ =	shalt  }
0x49: {  	_ =	shalt  }
0x4a: {  	_ =	shalt  }
0x4b: {  	_ =	shalt  }
0x4c: {  	_ =	shalt  }
0x4d: {  	_ =	shalt  }
0x4e: {  	_ =	shalt  }
0x4f: {  	_ =	shalt  }
0x50: {  	_ =	shalt  }
0x51: {  	_ =	shalt  }
0x52: {  	_ =	shalt  }
0x53: {  	_ =	shalt  }
0x54: {  	_ =	shalt  }
0x55: {  	_ =	shalt  }
0x56: {  	_ =	shalt  }
0x57: {  	_ =	shalt  }
0x58: {  	_ =	shalt  }
0x59: {  	_ =	shalt  }
0x5a: {  	_ =	shalt  }
0x5b: {  	_ =	shalt  }
0x5c: {  	_ =	shalt  }
0x5d: {  	_ =	shalt  }
0x5e: {  	_ =	shalt  }
0x5f: {  	_ =	shalt  }
0x60: {  	_ =	shalt  }
0x61: {  	_ =	shalt  }
0x62: {  	_ =	shalt  }
0x63: {  	_ =	shalt  }
0x64: {  	_ =	shalt  }
0x65: {  	_ =	shalt  }
0x66: {  	_ =	shalt  }
0x67: {  	_ =	shalt  }
0x68: {  	_ =	shalt  }
0x69: {  	_ =	shalt  }
0x6a: {  	_ =	shalt  }
0x6b: {  	_ =	shalt  }
0x6c: {  	_ =	shalt  }
0x6d: {  	_ =	shalt  }
0x6e: {  	_ =	shalt  }
0x6f: {  	_ =	shalt  }
0x70: {  	_ =	shalt  }
0x71: {  	_ =	shalt  }
0x72: {  	_ =	shalt  }
0x73: {  	_ =	shalt  }
0x74: {  	_ =	shalt  }
0x75: {  	_ =	shalt  }
0x76: {  	_ =	shalt  }
0x77: {  	_ =	shalt  }
0x78: {  	_ =	shalt  }
0x79: {  	_ =	shalt  }
0x7a: {  	_ =	shalt  }
0x7b: {  	_ =	shalt  }
0x7c: {  	_ =	shalt  }
0x7d: {  	_ =	shalt  }
0x7e: {  	_ =	shalt  }
0x7f: {  	_ =	shalt  }
0x80: {  	_ =	shalt  }
0x81: {  	_ =	shalt  }
0x82: {  	_ =	shalt  }
0x83: {  	_ =	shalt  }
0x84: {  	_ =	shalt  }
0x85: {  	_ =	shalt  }
0x86: {  	_ =	shalt  }
0x87: {  	_ =	shalt  }
.Lfunc_end0:
.L_simem_size_0:
called_computation.2_lowered:
.L_overlay_start_0:
0x88: {  	s2 =	sld [smem:$0x3FD9]  }
0x89: {  	s3 =	sld [smem:$0x3FFE];
	_ =	sdelay $0x1  }
0x8a: {  	s1 =	srdreg.scid  }
0x8b: {  	s0 =	sand.u32 $0x1, s1  }
0x8c: {  	s17 =	sshll.u32 s0, $0xA;
	s2 =	sadd.s32 s3, s2  }
0x8d: {  	s2 =	sadd.s32 s2, s17  }
0x8e: {  	[smem:$0x3FBA] =	sst s2  }
0x8f: {  	_ = 	snop  }
0x90: {  	(tm) =	ssettm $0x1  }
0x91: {  	s18 =	sld [smem:$0x3FFB];
	_ =	sdelay $0x3  }
0x92: {  	_ =	strace s18  }
0x93: {  	s2 =	sld [smem:$0x3FFC];
	_ =	sdelay $0x3  }
0x94: {  	_ =	strace s2  }
0x95: {  	s2 =	sld [smem:$0x3FFD];
	_ =	sdelay $0x3  }
0x96: {  	_ =	strace s2  }
0x97: {  	_ =	strace $0x8FFFFFFF  }
0x98: {  	s19 =	sld [smem:$0x3FDB];
	_ =	sdelay $0x1  }
0x99: {  	s20 =	simm.s32 $_scs_section_size  }
0x9a: {  	s4 =	simm.s32 $_size__tile_overlayer_lowered;
	s5 =	simm.s32 $_tile_overlayer_lowered  }
0x9b: {  	s6 =	simm.s32 $0x1BFF;
	s21 =	sshll.u32 s5, $0x1;
	s3 =	sadd.s32 s20, s19  }
0x9c: {  	s22 =	simm.s32 $0x0;
	s4 =	sshll.u32 s4, $0x1;
	s5 =	sadd.s32 s21, s3  }
0x9d: {  	[timem:s22], [sflag:s6] =	dma.local [hbm:s5], s4  }
0x9e: {  	_ =	swait.ge [sflag:s6], s4  }
0x9f: {  	s4 =	ssub.s32 $0x0, s4;
	[sflag:s6] =	ssyncset.done $0x0  }
0xa0: {  	[sflag:s6] =	ssyncadd.s32 s4;
	_ =	sdelay $0x1  }
0xa1: {  	s23 =	simm.s32 $0x1B8B  }
0xa2: {  	_ =	swait.ge [sflag:s23], $0x1  }
0xa3: {  	[sflag:s23] =	ssyncset.done $0x0  }
0xa4: {  	[sflag:s23] =	ssyncadd.s32 $0xFFFFFFFF  }
0xa5: {  	s4 =	sld [smem:$0x0]  }
0xa6: {  	s5 =	sand.u32 $0xFFFFFFFE, s1  }
0xa7: {  	p0 =	sne.s32 s1, s5  }
0xa8: {  	s5 =	sshll.u32 @p0 s5, $0xE  }
0xa9: {  	s5 =	sadd.s32 @p0 $0x11B8D, s5;
	s6 =	sshll.u32 @p0 s4, $0x11  }
0xaa: {  	s5 =	sor.u32 @p0 s6, s5  }
0xab: {  	[sflag:s5] =	ssyncadd.remote.s32 @p0 $0x1;
	_ =	sdelay $0x1  }
0xac: {  	s5 =	simm.s32 @p0 $0x1B8D  }
0xad: {  	_ =	swait.eq @p0 [sflag:s5], $0x1  }
0xae: {  	[sflag:s5] =	ssyncadd.s32 @p0 $0xFFFFFFFF  }
0xaf: {  	s6 =	sshll.u32 @!p0 s1, $0xE  }
0xb0: {  	s6 =	sor.u32 @!p0 $0x4000, s6;
	s5 =	simm.s32 @!p0 $0x1B8D  }
0xb1: {  	s4 =	sshll.u32 @!p0 s4, $0x11;
	s6 =	sadd.s32 @!p0 $0x11B8D, s6;
	_ =	swait.eq @!p0 [sflag:s5], $0x1  }
0xb2: {  	s4 =	sor.u32 @!p0 s4, s6;
	[sflag:s5] =	ssyncadd.s32 @!p0 $0xFFFFFFFF  }
0xb3: {  	s25 =	simm.s32 $0x1B8E;
	s24 =	sld [smem:$0x3FFE];
	[sflag:s4] =	ssyncadd.remote.s32 @!p0 $0x1  }
0xb4: {  	s26 =	simm.s32 $execute0_lowered;
	[smem:$0x3FD2] =	sst s25  }
0xb5: {  	s5 =	sshll.u32 s26, $0x1;
	_ =	strace $0x8000004C;
	[dreg:$0x1] =	wrdreg $0xFFFFFFFF  }
0xb6: {  	s28 =	simm.s32 $_size_execute0_lowered;
	s3 =	sadd.s32 s3, s5;
	[dreg:$0x0] =	wrdreg $0x0  }
0xb7: {  	s5 =	sshll.u32 s28, $0x1;
	[dreg:$0x2] =	wrdreg s3  }
0xb8: {  	[dreg:$0x3] =	wrdreg s5  }
0xb9: {  	[dreg:$0x4] =	wrdreg $0xC0  }
0xba: {  	_ =	task [dreg:s22], $0x5FFFF  }
0xbb: {  	[dreg:$0x1] =	wrdreg $0xFFFFFFFF  }
0xbc: {  	[dreg:$0x0] =	wrdreg $0x60  }
0xbd: {  	[dreg:$0x2] =	wrdreg s24  }
0xbe: {  	[dreg:$0x3] =	wrdreg $0x0  }
0xbf: {  	[dreg:$0x4] =	wrdreg $0xB  }
0xc0: {  	_ =	task.clear_ibuf [dreg:s22], $0x5FFFF;
	_ =	strace $0x9000004C  }
0xc1: {  	s29 =	simm.s32 $0xB;
	_ =	strace $0x8000004E  }
0xc2: {  	_ =	swait.ge [sflag:s29], $0x1  }
0xc3: {  	[sflag:s29] =	ssyncadd.s32 $0xFFFFFFFF  }
0xc4: {  	_ =	strace $0x9000004E  }
0xc5: {  	_ =	sfence  }
0xc6: {  	s30 =	sld [smem:$0x0];
	_ =	sdelay $0x2  }
0xc7: {  	s31 =	sshll.u32 s1, $0xD;
	s1 =	sshrl.u32 s1, $0x2  }
0xc8: {  	s4 =	sand.u32 $0x4000, s31;
	s1 =	sadd.s32 s1, s30  }
0xc9: {  	s0 =	sor.u32 s4, s0;
	s1 =	sshll.u32 s1, $0x11  }
0xca: {  	s0 =	sor.u32 s1, s0  }
0xcb: {  	s0 =	sadd.s32 $0x8F2B, s0  }
0xcc: {  	[sflag:s0] =	ssyncadd.remote.s32 $0x1  }
0xcd: {  	_ =	sfence.sel $0xFFFF  }
0xce: {  	[dreg:$0x0] =	wrdreg $0xFFFFFFFF;
	(pc) =	sbr.abs _section_cstart, $3  }
0xcf: {  	[dreg:$0x1] =	wrdreg $0xFFFFFFFF  }
0xd0: {  	_ =	task.clear_ibuf [dreg:s22], $0x2FFFF;
	_ =	strace $0x9FFFFFFF  }
0xd1: {  	(tm) =	ssettm $0x7FFFFFFF  }
tec
execute0_lowered:
.L_overlay_start_1:
0x0: {  	(tag) =	ssettag $0x1  }
0x1: {  	s1 =	srdreg.scid;
	s4 =	rddreg [dreg:$0x0]  }
0x2: {  	s0 =	stileid.u32;
	s2 =	rddreg [dreg:$0x1];
	s3 =	simm.s32 $0x0  }
0x3: {  	s12 =	simm.s32 $0x4580;
	s13 =	simm.s32 $0x1;
	s14 =	simm.s32 $0x3100  }
0x4: {  	s15 =	simm.s32 $0x80;
	s16 =	simm.s32 $0x4500;
	s5 =	sand.u32 $0x1, s1  }
0x5: {  	s17 =	simm.s32 $0x0;
	s6 =	smul.u32 $0x3100, s0;
	s7 =	sshll.u32 s5, $0x4  }
0x6: {  	s1 =	rddreg [dreg:$0x2];
	s8 =	smul.u32 $0x31000, s5;
	s7 =	sor.u32 s0, s7  }
0x7: {  	[smem:$0x7FF] =	sst s3;
	s5 =	ssub.s32 $0x2, s5;
	s7 =	smul.u32 $0xC80, s7  }
0x8: {  	_ =	strace $0x8000004D;
	s30 =	sshrl.u32 s5, $0x1;
	s8 =	sadd.s32 s6, s8  }
0x9: {  	s31 =	ssub.s32 s5, s30;
	s8 =	sshrl.u32 s8, $0x3;
	s11 =	sadd.s32 s7, s4  }
0xa: {  	s29 =	sadd.s32 s8, s4;
	s4 =	sadd.s32 s6, s2;
	s6 =	smax.u32 s31, $0x1  }
0xb: {  	s5 =	sadd.s32 $0x1D600, s29;
	s7 =	sadd.s32 $0x4600, s11;
	s8 =	sadd.s32 $0x4880, s11  }
0xc: {  	v0 =	vimm.f32 $0.0e+00;
	v1 =	vimm.f32 $1.000000000e+00;
	s9 =	sadd.s32 $0x4B00, s11;
	s10 =	sadd.s32 $0x4D80, s11;
	s11 =	sadd.s32 $0x5000, s11  }
.LBB2_1:
0xd: {  	s18 =	simm.s32 $0x40;
	s19 =	simm.s32 $0x0  }
.LBB2_2:
0xe: {  	p0 =	sne.s32 s18, $0xC3C0;
	[tilespmem:s19+$0x4580] =	vst v0;
	s19 =	smov.u32 s18;
	s18 =	sadd.s32 $0x40, s18  }
.Ltmp0:
0xf: {  	(pc) =	sbr.rel @p0 .LBB2_2-.Ltmp0, $2  }
0x10: {  	_ =	sdelay $0x2  }
0x11: {  	s19 =	sshra.s32 s19, $0x2  }
0x12: {  	[tilespmem:s19+$0x4580] =	vst v0  }
0x13: {  	[spmem:s4] =	stream.linear.scatter [tilespmem:s12], [sflag:$0x1], $0x3100, $0x38;
	[tilespmem:$0x7680] =	vst v63  }
0x14: {  	_ =	swait.ge [sflag:s13], $0x3100  }
0x15: {  	[sflag:s13] =	ssyncset.done $0x0  }
0x16: {  	[sflag:s13] =	ssyncadd.s32 $0xFFFFCF00  }
0x17: {  	[tilespmem:$0x4500] =	vst v1  }
0x18: {  	[tilespmem:$0x4510] =	vst v1  }
0x19: {  	[tilespmem:$0x4520] =	vst v1  }
0x1a: {  	[tilespmem:$0x4530] =	vst v1  }
0x1b: {  	[tilespmem:$0x4540] =	vst v1  }
0x1c: {  	[tilespmem:$0x4550] =	vst v1  }
0x1d: {  	[tilespmem:$0x4560] =	vst v1  }
0x1e: {  	[tilespmem:$0x4570] =	vst v1  }
0x1f: {  	s18 =	simm.s32 $0x0;
	[bflag:$0x0] =	sbarrier.arrive $0xFFFF  }
0x20: {  	[tilespmem:s14], [sflag:$0x1] =	stream.linear.gather [hbm4b:s7+s18], $0x1400, $0x38;
	[tilespmem:$0x7680] =	vst v63  }
0x21: {  	_ =	swait.ge [sflag:s13], $0x1400  }
0x22: {  	[sflag:s13] =	ssyncset.done $0x0  }
0x23: {  	s31 =	simm.s32 $0x3100;
	[sflag:s13] =	ssyncadd.s32 $0xFFFFEC00  }
0x24: {  	[spmem:s2] =	stream.indirect.scatter.add.f32 [tilespmem:s16], [sflag:$0x1], $0x1, s31, s15, $0xb8;
	[tilespmem:$0x7680] =	vst v63  }
0x25: {  	s18 =	simm.s32 $0x200;
	_ =	swait.ge [sflag:s13], $0x80  }
.LBB2_4:
0x26: {  	s19 =	sshra.s32 s18, $0x2;
	[sflag:s13] =	ssyncset.done $0x0;
	p0 =	sne.s32 s18, $0x4E00  }
.Ltmp1:
0x27: {  	s19 =	sadd.s32 $0x3100, s19;
	[sflag:s13] =	ssyncadd.s32 $0xFFFFFF80;
	(pc) =	sbr.rel @p0 .LBB2_4-.Ltmp1, $3  }
0x28: {  	[spmem:s2] =	stream.indirect.scatter.add.f32 [tilespmem:s16], [sflag:$0x1], $0x1, s19, s15, $0xb8;
	[tilespmem:$0x7680] =	vst v63  }
0x29: {  	s18 =	sadd.s32 $0x200, s18;
	_ =	sdelay $0x1  }
0x2a: {  	_ =	swait.ge [sflag:s13], $0x80  }
0x2b: {  	[sflag:s13] =	ssyncset.done $0x0  }
0x2c: {  	s18 =	simm.s32 $0x0;
	[sflag:s13] =	ssyncadd.s32 $0xFFFFFF80  }
0x2d: {  	[tilespmem:s14], [sflag:$0x1] =	stream.linear.gather [hbm4b:s8+s18], $0x1400, $0x38;
	[tilespmem:$0x7680] =	vst v63  }
0x2e: {  	_ =	swait.ge [sflag:s13], $0x1400  }
0x2f: {  	[sflag:s13] =	ssyncset.done $0x0  }
0x30: {  	s31 =	simm.s32 $0x3100;
	[sflag:s13] =	ssyncadd.s32 $0xFFFFEC00  }
0x31: {  	[spmem:s2] =	stream.indirect.scatter.add.f32 [tilespmem:s16], [sflag:$0x1], $0x1, s31, s15, $0xb8;
	[tilespmem:$0x7680] =	vst v63  }
0x32: {  	s18 =	simm.s32 $0x200;
	_ =	swait.ge [sflag:s13], $0x80  }
.LBB2_6:
0x33: {  	s19 =	sshra.s32 s18, $0x2;
	[sflag:s13] =	ssyncset.done $0x0;
	p0 =	sne.s32 s18, $0x4E00  }
.Ltmp2:
0x34: {  	s19 =	sadd.s32 $0x3100, s19;
	[sflag:s13] =	ssyncadd.s32 $0xFFFFFF80;
	(pc) =	sbr.rel @p0 .LBB2_6-.Ltmp2, $3  }
0x35: {  	[spmem:s2] =	stream.indirect.scatter.add.f32 [tilespmem:s16], [sflag:$0x1], $0x1, s19, s15, $0xb8;
	[tilespmem:$0x7680] =	vst v63  }
0x36: {  	s18 =	sadd.s32 $0x200, s18;
	_ =	sdelay $0x1  }
0x37: {  	_ =	swait.ge [sflag:s13], $0x80  }
0x38: {  	[sflag:s13] =	ssyncset.done $0x0  }
0x39: {  	s18 =	simm.s32 $0x0;
	[sflag:s13] =	ssyncadd.s32 $0xFFFFFF80  }
0x3a: {  	[tilespmem:s14], [sflag:$0x1] =	stream.linear.gather [hbm4b:s9+s18], $0x1400, $0x38;
	[tilespmem:$0x7680] =	vst v63  }
0x3b: {  	_ =	swait.ge [sflag:s13], $0x1400  }
0x3c: {  	[sflag:s13] =	ssyncset.done $0x0  }
0x3d: {  	s31 =	simm.s32 $0x3100;
	[sflag:s13] =	ssyncadd.s32 $0xFFFFEC00  }
0x3e: {  	[spmem:s2] =	stream.indirect.scatter.add.f32 [tilespmem:s16], [sflag:$0x1], $0x1, s31, s15, $0xb8;
	[tilespmem:$0x7680] =	vst v63  }
0x3f: {  	s18 =	simm.s32 $0x200;
	_ =	swait.ge [sflag:s13], $0x80  }
.LBB2_8:
0x40: {  	s19 =	sshra.s32 s18, $0x2;
	[sflag:s13] =	ssyncset.done $0x0;
	p0 =	sne.s32 s18, $0x4E00  }
.Ltmp3:
0x41: {  	s19 =	sadd.s32 $0x3100, s19;
	[sflag:s13] =	ssyncadd.s32 $0xFFFFFF80;
	(pc) =	sbr.rel @p0 .LBB2_8-.Ltmp3, $3  }
0x42: {  	[spmem:s2] =	stream.indirect.scatter.add.f32 [tilespmem:s16], [sflag:$0x1], $0x1, s19, s15, $0xb8;
	[tilespmem:$0x7680] =	vst v63  }
0x43: {  	s18 =	sadd.s32 $0x200, s18;
	_ =	sdelay $0x1  }
0x44: {  	_ =	swait.ge [sflag:s13], $0x80  }
0x45: {  	[sflag:s13] =	ssyncset.done $0x0  }
0x46: {  	s18 =	simm.s32 $0x0;
	[sflag:s13] =	ssyncadd.s32 $0xFFFFFF80  }
0x47: {  	[tilespmem:s14], [sflag:$0x1] =	stream.linear.gather [hbm4b:s10+s18], $0x1400, $0x38;
	[tilespmem:$0x7680] =	vst v63  }
0x48: {  	_ =	swait.ge [sflag:s13], $0x1400  }
0x49: {  	[sflag:s13] =	ssyncset.done $0x0  }
0x4a: {  	s31 =	simm.s32 $0x3100;
	[sflag:s13] =	ssyncadd.s32 $0xFFFFEC00  }
0x4b: {  	[spmem:s2] =	stream.indirect.scatter.add.f32 [tilespmem:s16], [sflag:$0x1], $0x1, s31, s15, $0xb8;
	[tilespmem:$0x7680] =	vst v63  }
0x4c: {  	s18 =	simm.s32 $0x200;
	_ =	swait.ge [sflag:s13], $0x80  }
.LBB2_10:
0x4d: {  	s19 =	sshra.s32 s18, $0x2;
	[sflag:s13] =	ssyncset.done $0x0;
	p0 =	sne.s32 s18, $0x4E00  }
.Ltmp4:
0x4e: {  	s19 =	sadd.s32 $0x3100, s19;
	[sflag:s13] =	ssyncadd.s32 $0xFFFFFF80;
	(pc) =	sbr.rel @p0 .LBB2_10-.Ltmp4, $3  }
0x4f: {  	[spmem:s2] =	stream.indirect.scatter.add.f32 [tilespmem:s16], [sflag:$0x1], $0x1, s19, s15, $0xb8;
	[tilespmem:$0x7680] =	vst v63  }
0x50: {  	s18 =	sadd.s32 $0x200, s18;
	_ =	sdelay $0x1  }
0x51: {  	_ =	swait.ge [sflag:s13], $0x80  }
0x52: {  	[sflag:s13] =	ssyncset.done $0x0  }
0x53: {  	s18 =	simm.s32 $0x0;
	[sflag:s13] =	ssyncadd.s32 $0xFFFFFF80  }
0x54: {  	[tilespmem:s14], [sflag:$0x1] =	stream.linear.gather [hbm4b:s11+s18], $0x1400, $0x38;
	[tilespmem:$0x7680] =	vst v63  }
0x55: {  	_ =	swait.ge [sflag:s13], $0x1400  }
0x56: {  	[sflag:s13] =	ssyncset.done $0x0  }
0x57: {  	s31 =	simm.s32 $0x3100;
	[sflag:s13] =	ssyncadd.s32 $0xFFFFEC00  }
0x58: {  	[spmem:s2] =	stream.indirect.scatter.add.f32 [tilespmem:s16], [sflag:$0x1], $0x1, s31, s15, $0xb8;
	[tilespmem:$0x7680] =	vst v63  }
0x59: {  	s18 =	simm.s32 $0x200;
	_ =	swait.ge [sflag:s13], $0x80  }
.LBB2_12:
0x5a: {  	s19 =	sshra.s32 s18, $0x2;
	[sflag:s13] =	ssyncset.done $0x0;
	p0 =	sne.s32 s18, $0x4E00  }
.Ltmp5:
0x5b: {  	s19 =	sadd.s32 $0x3100, s19;
	[sflag:s13] =	ssyncadd.s32 $0xFFFFFF80;
	(pc) =	sbr.rel @p0 .LBB2_12-.Ltmp5, $3  }
0x5c: {  	[spmem:s2] =	stream.indirect.scatter.add.f32 [tilespmem:s16], [sflag:$0x1], $0x1, s19, s15, $0xb8;
	[tilespmem:$0x7680] =	vst v63  }
0x5d: {  	s18 =	sadd.s32 $0x200, s18;
	_ =	sdelay $0x1  }
0x5e: {  	_ =	swait.ge [sflag:s13], $0x80  }
0x5f: {  	[sflag:s13] =	ssyncset.done $0x0  }
0x60: {  	[sflag:s13] =	ssyncadd.s32 $0xFFFFFF80  }
0x61: {  	[bflag:$0x0] =	sbarrier.arrive $0xFFFF  }
0x62: {  	[tilespmem:s12], [sflag:$0x1] =	stream.linear.gather [spmem:s4], $0x3100, $0x38;
	[tilespmem:$0x7680] =	vst v63  }
0x63: {  	s17 =	sadd.s32 $0x1, s17;
	_ =	swait.ge [sflag:s13], $0x3100  }
0x64: {  	p0 =	sne.s32 s17, s6;
	[sflag:s13] =	ssyncset.done $0x0  }
.Ltmp6:
0x65: {  	[sflag:s13] =	ssyncadd.s32 $0xFFFFCF00;
	(pc) =	sbr.rel @p0 .LBB2_1-.Ltmp6, $4  }
0x66: {  	[hbm4b:s5+s3] =	stream.linear.scatter [tilespmem:s12], [sflag:$0x1], $0x3100, $0x38;
	[tilespmem:$0x7680] =	vst v63  }
0x67: {  	_ =	swait.ge [sflag:s13], $0x3100  }
0x68: {  	[sflag:s13] =	ssyncset.done $0x0  }
0x69: {  	[sflag:s13] =	ssyncadd.s32 $0xFFFFCF00  }
0x6a: {  	_ =	sfence.sel $0x180000  }
0x6b: {  	[bflag:$0x0] =	sbarrier.arrive $0xFFFF  }
0x6c: {  	p0 =	sne.s32 s0, $0x0;
	_ =	strace $0x9000004D  }
0x6d: {  	s0 =	sadd.s32 @!p0 $0x100000, s1;
	[bflag:$0x2] =	sbarrier.arrive $0xFFFF  }
0x6e: {  	[sflag:s0] =	ssyncadd.tile.s32 @!p0 $0x1;
	_ =	shalt  }
.Lfunc_end2:
_tile_overlayer_lowered:
.L_overlay_start_2:
0x6f: {  	(tag) =	ssettag $0x2  }
0x70: {  	s0 =	rddreg [dreg:$0x0];
	s2 =	stileid.u32  }
0x71: {  	s1 =	rddreg [dreg:$0x1];
	p0 =	sne.s32 s2, $0x0  }
0x72: {  	s3 =	rddreg [dreg:$0x2];
	[bflag:$0x3] =	sbarrier.arrive $0xFFFF;
	s2 =	simm.s32 @!p0 $0x1C01  }
0x73: {  	[timem:s3], [sflag:s2] =	dma.local @!p0 [hbm:s0], s1  }
0x74: {  	s0 =	simm.s32 @!p0 $0x1  }
0x75: {  	_ =	swait.ge @!p0 [sflag:s0], s1  }
0x76: {  	s1 =	ssub.s32 @!p0 $0x0, s1;
	[sflag:s0] =	ssyncset.done @!p0 $0x0  }
0x77: {  	[sflag:s0] =	ssyncadd.s32 @!p0 s1  }
0x78: {  	[bflag:$0x3] =	sbarrier.arrive $0xFFFF  }
0x79: {  	_ =	shalt  }

// kernel: kernel.13.cloned.1.call-start
scs
__scs_entry_jumppad:
0x0: {  	(pc) =	sbr.rel $0x88, $3  }
0x1: {  	(tag) =	ssettag $0x0;
	lr =	simm.s32 $0x1  }
0x2: {  	[smem:$0x3F93] =	sst lr;
	_ =	strace $0xD0000000  }
0x3: {  	_ = 	snop  }
0x4: {  	_ = 	snop  }
0x5: {  	_ = 	snop  }
0x6: {  	_ = 	snop  }
0x7: {  	_ = 	snop  }
__scs_overlays_trampoline_lowered:
0x8: {  	[smem:$0x3FA2] =	sst s0  }
0x9: {  	[smem:$0x3FA3] =	sst s1  }
0xa: {  	[smem:$0x3FA4] =	sst s2  }
0xb: {  	[smem:$0x3FA5] =	sst s3  }
0xc: {  	[smem:$0x3FA6] =	sst s4  }
0xd: {  	[smem:$0x3FA7] =	sst s5  }
0xe: {  	[smem:$0x3FA8] =	sst s6  }
0xf: {  	[smem:$0x3FA9] =	sst s7  }
0x10: {  	[smem:$0x3FAA] =	sst s8  }
0x11: {  	[smem:$0x3FAB] =	sst s9;
	s0 =	simm.s32 @!p0 $0x0  }
0x12: {  	s1 =	sld [smem:$0x3F91];
	s0 =	simm.s32 @p0 $0x1  }
0x13: {  	[smem:$0x3FAC] =	sst s0;
	s0 =	simm.s32 @!p1 $0x0  }
0x14: {  	s2 =	sld [smem:$0x3F90];
	s0 =	simm.s32 @p1 $0x1  }
0x15: {  	[smem:$0x3FAD] =	sst s0;
	s0 =	simm.s32 @!p2 $0x0  }
0x16: {  	s3 =	sld [smem:$0x3FDB];
	s0 =	simm.s32 @p2 $0x1  }
0x17: {  	s4 =	simm.s32 $0x1BF5;
	[smem:$0x3FAF] =	sst s0  }
0x18: {  	s0 =	sld [smem:$0x3F92];
	_ =	swait.ge [sflag:s4], $0x0  }
0x19: {  	s7 =	sld [smem:$0x3F93]  }
0x1a: {  	s8 =	sadd.s32 $0xFFFFE003, lr  }
0x1b: {  	s9 =	sadd.s32 $0xFFFFFEF7, lr;
	s5 =	simm.s32 $0xFFFFFFFF;
	p2 =	slt.u32 s8, $0xFFFFF086  }
0x1c: {  	p1 =	slt.u32 s9, $0xF7A;
	s5 =	simm.s32 @!p2 $0x0  }
0x1d: {  	s5 =	simm.s32 @p1 $0x1;
	p0 =	seq.s32 s7, s2  }
0x1e: {  	s7 =	smul.u32 @!p0 $0xF7A, s2;
	p2 =	seq.s32 @!p0 s5, $0x0  }
0x1f: {  	s9 =	smul.u32 $0xF7A, s1;
	s8 =	simm.s32 @!p0 $0x1BF5;
	p2 =	por !p2, p0  }
0x20: {  	[sflag:s8] =	ssyncset.s32 @!p0 $0xFFFFF086;
	s6 =	sadd.s32 @!p0 s3, s7;
	s7 =	simm.s32 @!p0 $0x108  }
0x21: {  	s3 =	sadd.s32 s3, s9;
	s6 =	sadd.s32 @!p0 $0x88, s6;
	s7 =	simm.s32 @p2 $0x1082  }
0x22: {  	[simem:s7], [sflag:s8] =	dma.local @!p0 [hbm:s6], $0xF7A  }
0x23: {  	s9 =	sor.u32 $0xD0000000, s2;
	s6 =	simm.s32 $0x108;
	_ =	swait.ge @!p0 [sflag:s8], $0x0  }
0x24: {  	s3 =	sadd.s32 $0x88, s3;
	s6 =	simm.s32 @!p1 $0x1082;
	[sflag:s4] =	ssyncset.s32 $0xFFFFF086  }
0x25: {  	[simem:s6], [sflag:s4] =	dma.local [hbm:s3], $0xF7A  }
0x26: {  	[smem:$0x3F93] =	sst s1;
	(tag) =	ssettag s2;
	_ =	strace s9  }
0x27: {  	s1 =	sld [smem:$0x3FA3]  }
0x28: {  	s2 =	sld [smem:$0x3FA4]  }
0x29: {  	s4 =	sld [smem:$0x3FA6]  }
0x2a: {  	p0 =	seq.s32 s5, $0x0;
	s5 =	sld [smem:$0x3FA7]  }
0x2b: {  	s6 =	sld [smem:$0x3FA8]  }
0x2c: {  	s7 =	sld [smem:$0x3FA9]  }
0x2d: {  	s3 =	simm.s32 $0x108;
	s8 =	sld [smem:$0x3FAA]  }
0x2e: {  	s3 =	simm.s32 @!p0 $0x1082;
	s9 =	sld [smem:$0x3FAB]  }
0x2f: {  	lr =	sadd.s32 s0, s3;
	s0 =	sld [smem:$0x3FA2]  }
0x30: {  	s3 =	sld [smem:$0x3FA5]  }
0x31: {  	[smem:$0x3FAE] =	sst s10  }
0x32: {  	s10 =	sld [smem:$0x3FAC];
	_ =	sdelay $0x3  }
0x33: {  	p0 =	seq.s32 s10, $0x1;
	s10 =	sld [smem:$0x3FAE];
	_ =	sdelay $0x3  }
0x34: {  	[smem:$0x3FAE] =	sst s10  }
0x35: {  	s10 =	sld [smem:$0x3FAD];
	_ =	sdelay $0x3  }
0x36: {  	p1 =	seq.s32 s10, $0x1;
	s10 =	sld [smem:$0x3FAE];
	_ =	sdelay $0x3  }
0x37: {  	[smem:$0x3FAE] =	sst s10  }
0x38: {  	s10 =	sld [smem:$0x3FAF]  }
0x39: {  	_ = 	snop;
	(pc) =	sbr.ind lr, $3  }
0x3a: {  	_ = 	snop  }
0x3b: {  	_ = 	snop  }
0x3c: {  	p2 =	seq.s32 s10, $0x1;
	s10 =	sld [smem:$0x3FAE]  }
0x3d: {  	_ =	shalt  }
0x3e: {  	_ =	shalt  }
0x3f: {  	_ =	shalt  }
0x40: {  	_ =	shalt  }
0x41: {  	_ =	shalt  }
0x42: {  	_ =	shalt  }
0x43: {  	_ =	shalt  }
0x44: {  	_ =	shalt  }
0x45: {  	_ =	shalt  }
0x46: {  	_ =	shalt  }
0x47: {  	_ =	shalt  }
0x48: {  	_ =	shalt  }
0x49: {  	_ =	shalt  }
0x4a: {  	_ =	shalt  }
0x4b: {  	_ =	shalt  }
0x4c: {  	_ =	shalt  }
0x4d: {  	_ =	shalt  }
0x4e: {  	_ =	shalt  }
0x4f: {  	_ =	shalt  }
0x50: {  	_ =	shalt  }
0x51: {  	_ =	shalt  }
0x52: {  	_ =	shalt  }
0x53: {  	_ =	shalt  }
0x54: {  	_ =	shalt  }
0x55: {  	_ =	shalt  }
0x56: {  	_ =	shalt  }
0x57: {  	_ =	shalt  }
0x58: {  	_ =	shalt  }
0x59: {  	_ =	shalt  }
0x5a: {  	_ =	shalt  }
0x5b: {  	_ =	shalt  }
0x5c: {  	_ =	shalt  }
0x5d: {  	_ =	shalt  }
0x5e: {  	_ =	shalt  }
0x5f: {  	_ =	shalt  }
0x60: {  	_ =	shalt  }
0x61: {  	_ =	shalt  }
0x62: {  	_ =	shalt  }
0x63: {  	_ =	shalt  }
0x64: {  	_ =	shalt  }
0x65: {  	_ =	shalt  }
0x66: {  	_ =	shalt  }
0x67: {  	_ =	shalt  }
0x68: {  	_ =	shalt  }
0x69: {  	_ =	shalt  }
0x6a: {  	_ =	shalt  }
0x6b: {  	_ =	shalt  }
0x6c: {  	_ =	shalt  }
0x6d: {  	_ =	shalt  }
0x6e: {  	_ =	shalt  }
0x6f: {  	_ =	shalt  }
0x70: {  	_ =	shalt  }
0x71: {  	_ =	shalt  }
0x72: {  	_ =	shalt  }
0x73: {  	_ =	shalt  }
0x74: {  	_ =	shalt  }
0x75: {  	_ =	shalt  }
0x76: {  	_ =	shalt  }
0x77: {  	_ =	shalt  }
0x78: {  	_ =	shalt  }
0x79: {  	_ =	shalt  }
0x7a: {  	_ =	shalt  }
0x7b: {  	_ =	shalt  }
0x7c: {  	_ =	shalt  }
0x7d: {  	_ =	shalt  }
0x7e: {  	_ =	shalt  }
0x7f: {  	_ =	shalt  }
0x80: {  	_ =	shalt  }
0x81: {  	_ =	shalt  }
0x82: {  	_ =	shalt  }
0x83: {  	_ =	shalt  }
0x84: {  	_ =	shalt  }
0x85: {  	_ =	shalt  }
0x86: {  	_ =	shalt  }
0x87: {  	_ =	shalt  }
.Lfunc_end0:
.L_simem_size_0:
called_computation.3_lowered:
.L_overlay_start_0:
0x88: {  	s2 =	sld [smem:$0x3FD9]  }
0x89: {  	s3 =	sld [smem:$0x3FFE];
	_ =	sdelay $0x1  }
0x8a: {  	s1 =	srdreg.scid  }
0x8b: {  	s0 =	sand.u32 $0x1, s1  }
0x8c: {  	s16 =	sshll.u32 s0, $0xA;
	s2 =	sadd.s32 s3, s2  }
0x8d: {  	s2 =	sadd.s32 s2, s16  }
0x8e: {  	[smem:$0x3FBA] =	sst s2  }
0x8f: {  	_ = 	snop  }
0x90: {  	(tm) =	ssettm $0x1  }
0x91: {  	s17 =	sld [smem:$0x3FFB];
	_ =	sdelay $0x3  }
0x92: {  	_ =	strace s17  }
0x93: {  	s2 =	sld [smem:$0x3FFC];
	_ =	sdelay $0x3  }
0x94: {  	_ =	strace s2  }
0x95: {  	s2 =	sld [smem:$0x3FFD];
	_ =	sdelay $0x3  }
0x96: {  	_ =	strace s2  }
0x97: {  	_ =	strace $0x8FFFFFFF  }
0x98: {  	s18 =	sld [smem:$0x3FDB];
	_ =	sdelay $0x1  }
0x99: {  	s19 =	simm.s32 $_scs_section_size  }
0x9a: {  	s4 =	simm.s32 $_size__tile_overlayer_lowered;
	s5 =	simm.s32 $_tile_overlayer_lowered  }
0x9b: {  	s22 =	simm.s32 $0x1BFF;
	s21 =	sshll.u32 s5, $0x1;
	s2 =	sadd.s32 s19, s18  }
0x9c: {  	s6 =	simm.s32 $0x0;
	s20 =	sshll.u32 s4, $0x1;
	s4 =	sadd.s32 s21, s2  }
0x9d: {  	[timem:s6], [sflag:s22] =	dma.local [hbm:s4], s20  }
0x9e: {  	_ =	swait.ge [sflag:s22], s20  }
0x9f: {  	s3 =	ssub.s32 $0x0, s20;
	[sflag:s22] =	ssyncset.done $0x0  }
0xa0: {  	[sflag:s22] =	ssyncadd.s32 s3;
	_ =	sdelay $0x1  }
0xa1: {  	s23 =	simm.s32 $0x1B8B  }
0xa2: {  	_ =	swait.ge [sflag:s23], $0x1  }
0xa3: {  	[sflag:s23] =	ssyncset.done $0x0  }
0xa4: {  	s25 =	simm.s32 $0x1B8E;
	s24 =	sld [smem:$0x3FFE];
	[sflag:s23] =	ssyncadd.s32 $0xFFFFFFFF  }
0xa5: {  	s26 =	simm.s32 $execute0_lowered;
	[smem:$0x3FD2] =	sst s25  }
0xa6: {  	s4 =	sshll.u32 s26, $0x1;
	_ =	strace $0x8000004F;
	[dreg:$0x1] =	wrdreg $0xFFFFFFFF  }
0xa7: {  	s28 =	simm.s32 $_size_execute0_lowered;
	s2 =	sadd.s32 s2, s4;
	[dreg:$0x0] =	wrdreg $0x0  }
0xa8: {  	s4 =	sshll.u32 s28, $0x1;
	[dreg:$0x2] =	wrdreg s2  }
0xa9: {  	[dreg:$0x3] =	wrdreg s4  }
0xaa: {  	[dreg:$0x4] =	wrdreg $0xC0  }
0xab: {  	_ =	task [dreg:s6], $0x5FFFF  }
0xac: {  	[dreg:$0x1] =	wrdreg $0xFFFFFFFF  }
0xad: {  	[dreg:$0x0] =	wrdreg $0x60  }
0xae: {  	[dreg:$0x2] =	wrdreg s24  }
0xaf: {  	[dreg:$0x3] =	wrdreg $0x0  }
0xb0: {  	[dreg:$0x4] =	wrdreg $0x9  }
0xb1: {  	_ =	task.clear_ibuf [dreg:s6], $0x5FFFF;
	_ =	strace $0x9000004F  }
0xb2: {  	s29 =	simm.s32 $0x9;
	_ =	strace $0x80000051  }
0xb3: {  	_ =	swait.ge [sflag:s29], $0x1  }
0xb4: {  	[sflag:s29] =	ssyncadd.s32 $0xFFFFFFFF  }
0xb5: {  	_ =	strace $0x90000051  }
0xb6: {  	_ =	sfence  }
0xb7: {  	s30 =	sld [smem:$0x0];
	_ =	sdelay $0x2  }
0xb8: {  	s31 =	sshll.u32 s1, $0xD;
	s1 =	sshrl.u32 s1, $0x2  }
0xb9: {  	s3 =	sand.u32 $0x4000, s31;
	s1 =	sadd.s32 s1, s30  }
0xba: {  	s0 =	sor.u32 s3, s0;
	s1 =	sshll.u32 s1, $0x11  }
0xbb: {  	s0 =	sor.u32 s1, s0  }
0xbc: {  	s0 =	sadd.s32 $0x8F2B, s0  }
0xbd: {  	[sflag:s0] =	ssyncadd.remote.s32 $0x1  }
0xbe: {  	_ =	sfence.sel $0xFFFF  }
0xbf: {  	[dreg:$0x0] =	wrdreg $0xFFFFFFFF;
	(pc) =	sbr.abs _section_cstart, $3  }
0xc0: {  	[dreg:$0x1] =	wrdreg $0xFFFFFFFF  }
0xc1: {  	_ =	task.clear_ibuf [dreg:s6], $0x2FFFF;
	_ =	strace $0x9FFFFFFF  }
0xc2: {  	(tm) =	ssettm $0x7FFFFFFF  }
0xc3: {  	_ =	shalt  }
tec
execute0_lowered:
.L_overlay_start_1:
0x0: {  	(tag) =	ssettag $0x1  }
0x1: {  	s0 =	rddreg [dreg:$0x0]  }
0x2: {  	s1 =	rddreg [dreg:$0x1];
	s3 =	srdreg.scid  }
0x3: {  	s2 =	simm.s32 $0x0;
	s12 =	stileid.u32;
	s14 =	simm.s32 $0x19600  }
0x4: {  	s15 =	simm.s32 $0x5;
	s16 =	simm.s32 $0x19000;
	s17 =	simm.s32 $0x19100  }
0x5: {  	s18 =	simm.s32 $0x19200;
	s19 =	simm.s32 $0x80;
	s22 =	simm.s32 $0x1A600  }
0x6: {  	s28 =	simm.s32 $0x19500;
	s29 =	simm.s32 $0x1B600;
	s21 =	simm.s32 $0x2  }
0x7: {  	s30 =	simm.s32 $0x4;
	s31 =	simm.s32 $0x0;
	s9 =	smul.u32 $0x19000, s12  }
0x8: {  	s3 =	sand.u32 $0x1, s3;
	[smem:$0x7FF] =	sst s2;
	s11 =	smul.u32 $0x64000, s12  }
0x9: {  	s4 =	sadd.s32 $0x1D5C00, s0;
	s5 =	sadd.s32 $0x4600, s0;
	s25 =	smul.u32 $0x1900, s12  }
0xa: {  	s6 =	sadd.s32 $0x1BCC00, s0;
	s12 =	simm.s32 $0x1;
	s7 =	smul.u32 $0xC3500, s3  }
0xb: {  	_ =	strace $0x80000050;
	s8 =	smul.u32 $0x190000, s3;
	s3 =	ssub.s32 $0x2, s3  }
0xc: {  	s24 =	sshrl.u32 s3, $0x1;
	[dreg:$0x3] =	wrdreg s25;
	s26 =	sshrl.u32 s11, $0x2  }
0xd: {  	s25 =	simm.s32 $0x19300;
	s10 =	sadd.s32 s7, s0;
	s7 =	sadd.s32 $0x1B0800, s0  }
0xe: {  	s8 =	sadd.s32 s9, s8;
	s3 =	ssub.s32 s3, s24;
	s20 =	sadd.s32 s26, s1  }
0xf: {  	s26 =	simm.s32 $0x19400;
	s24 =	simm.s32 $0x3;
	s8 =	sshrl.u32 s8, $0x3  }
0x10: {  	s3 =	smax.u32 s3, $0x1;
	[dreg:$0x5] =	wrdreg s20;
	s0 =	sadd.s32 s8, s0  }
0x11: {  	s9 =	sadd.s32 $0x29E00, s10;
	[dreg:$0x4] =	wrdreg s3;
	s11 =	sadd.s32 $0x37EC00, s0  }
0x12: {  	s8 =	simm.s32 $0x0;
	s13 =	sadd.s32 $0x1EEC00, s0;
	s0 =	simm.s32 $0x1C600  }
.LBB2_1:
0x13: {  	[dreg:$0x6] =	wrdreg s8;
	s3 =	sadd.s32 $0x0, s11  }
0x14: {  	[tilespmem:s14], [sflag:$0x5] =	stream.linear.gather [hbm4b:s3+s2], $0x1900, $0x38;
	[tilespmem:$0x1D800] =	vst v63  }
0x15: {  	_ =	swait.ge [sflag:s15], $0x1900  }
0x16: {  	[sflag:s15] =	ssyncset.done $0x0  }
0x17: {  	[sflag:s15] =	ssyncadd.s32 $0xFFFFE700  }
0x18: {  	[spmem:s20] =	stream.linear.scatter [tilespmem:s14], [sflag:$0x5], $0x1900, $0x38;
	[tilespmem:$0x1D800] =	vst v63  }
0x19: {  	s8 =	simm.s32 $0x320;
	_ =	swait.ge [sflag:s15], $0x1900  }
0x1a: {  	s10 =	simm.s32 $0x640;
	s3 =	sadd.s32 $0x1900, s20;
	[sflag:s15] =	ssyncset.done $0x0  }
.LBB2_2:
0x1b: {  	s20 =	sadd.s32 s8, s11  }
0x1c: {  	[sflag:s15] =	ssyncadd.s32 $0xFFFFE700;
	s8 =	smov.u32 s10;
	s23 =	sadd.s32 $0x320, s10  }
0x1d: {  	[tilespmem:s14], [sflag:$0x5] =	stream.linear.gather [hbm4b:s20+s2], $0x1900, $0x38;
	[tilespmem:$0x1D800] =	vst v63  }
0x1e: {  	p0 =	sne.s32 s10, $0x2EE0;
	_ =	swait.ge [sflag:s15], $0x1900  }
.Ltmp0:
0x1f: {  	[sflag:s15] =	ssyncset.done $0x0;
	(pc) =	sbr.rel @p0 .LBB2_2-.Ltmp0, $4  }
0x20: {  	[sflag:s15] =	ssyncadd.s32 $0xFFFFE700  }
0x21: {  	[spmem:s3] =	stream.linear.scatter [tilespmem:s14], [sflag:$0x5], $0x1900, $0x38;
	[tilespmem:$0x1D800] =	vst v63  }
0x22: {  	_ =	swait.ge [sflag:s15], $0x1900  }
0x23: {  	s10 =	smov.u32 s23;
	s3 =	sadd.s32 $0x1900, s3;
	[sflag:s15] =	ssyncset.done $0x0  }
0x24: {  	s8 =	sadd.s32 s8, s11;
	[sflag:s15] =	ssyncadd.s32 $0xFFFFE700  }
0x25: {  	[tilespmem:s14], [sflag:$0x5] =	stream.linear.gather [hbm4b:s8+s2], $0x1900, $0x38;
	[tilespmem:$0x1D800] =	vst v63  }
0x26: {  	_ =	swait.ge [sflag:s15], $0x1900  }
0x27: {  	[sflag:s15] =	ssyncset.done $0x0  }
0x28: {  	[sflag:s15] =	ssyncadd.s32 $0xFFFFE700  }
0x29: {  	[spmem:s3] =	stream.linear.scatter [tilespmem:s14], [sflag:$0x5], $0x1900, $0x38;
	[tilespmem:$0x1D800] =	vst v63  }
0x2a: {  	_ =	swait.ge [sflag:s15], $0x1900  }
0x2b: {  	[sflag:s15] =	ssyncset.done $0x0  }
0x2c: {  	[sflag:s15] =	ssyncadd.s32 $0xFFFFE700  }
0x2d: {  	s3 =	simm.s32 $0x0;
	[bflag:$0x0] =	sbarrier.arrive $0xFFFF  }
.LBB2_4:
0x2e: {  	s8 =	sshll.u32 s3, $0x6;
	s10 =	rddreg [dreg:$0x3]  }
0x2f: {  	s8 =	sadd.s32 s10, s8  }
0x30: {  	s10 =	sadd.s32 s4, s8  }
0x31: {  	[tilespmem:s16], [sflag:$0x5] =	stream.linear.gather [hbm4b:s10+s31], $0x100, $0x38;
	[tilespmem:$0x1D800] =	vst v63  }
0x32: {  	_ =	swait.ge [sflag:s15], $0x100  }
0x33: {  	[sflag:s15] =	ssyncset.done $0x0  }
0x34: {  	s23 =	sadd.s32 s5, s8;
	[sflag:s15] =	ssyncadd.s32 $0xFFFFFF00  }
0x35: {  	[tilespmem:s17], [sflag:$0x5] =	stream.linear.gather [hbm4b:s23+s31], $0x100, $0x38;
	[tilespmem:$0x1D800] =	vst v63  }
0x36: {  	_ =	swait.ge [sflag:s15], $0x100  }
0x37: {  	[sflag:s15] =	ssyncset.done $0x0  }
0x38: {  	s20 =	sadd.s32 s6, s8;
	[sflag:s15] =	ssyncadd.s32 $0xFFFFFF00  }
0x39: {  	[tilespmem:s18], [sflag:$0x5] =	stream.linear.gather [hbm4b:s20+s31], $0x100, $0x38;
	[tilespmem:$0x1D800] =	vst v63  }
0x3a: {  	_ =	swait.ge [sflag:s15], $0x100  }
0x3b: {  	[sflag:s15] =	ssyncset.done $0x0  }
0x3c: {  	[sflag:s15] =	ssyncadd.s32 $0xFFFFFF00  }
0x3d: {  	[tilespmem:s14], [sflag:$0x1] =	stream.indirect.gather [hbm4b:s9+s19], $0x20, s16, s19, $0xb8;
	[tilespmem:$0x1D800] =	vst v63  }
0x3e: {  	s23 =	simm.s32 $0x1D600  }
0x3f: {  	[tilespmem:s23], [sflag:$0x1] =	stream.indirect.gather [hbm4b:s7+s19], $0x1, s17, s19, $0xb8;
	[tilespmem:$0x1D800] =	vst v63  }
0x40: {  	s20 =	simm.s32 $0x19080  }
0x41: {  	[tilespmem:s22], [sflag:$0x1] =	stream.indirect.gather [hbm4b:s9+s19], $0x20, s20, s19, $0xb8;
	[tilespmem:$0x1D800] =	vst v63  }
0x42: {  	s8 =	sor.u32 $0x20, s8;
	s23 =	simm.s32 $0x19180;
	s20 =	simm.s32 $0x1D680  }
0x43: {  	[tilespmem:s20], [sflag:$0x1] =	stream.indirect.gather [hbm4b:s7+s19], $0x1, s23, s19, $0xb8;
	[tilespmem:$0x1D800] =	vst v63  }
0x44: {  	s20 =	sadd.s32 s4, s8  }
0x45: {  	[tilespmem:s25], [sflag:$0x5] =	stream.linear.gather [hbm4b:s20+s31], $0x100, $0x38;
	[tilespmem:$0x1D800] =	vst v63  }
0x46: {  	_ =	swait.ge [sflag:s15], $0x100  }
0x47: {  	[sflag:s15] =	ssyncset.done $0x0  }
0x48: {  	s23 =	sadd.s32 s5, s8;
	[sflag:s15] =	ssyncadd.s32 $0xFFFFFF00  }
0x49: {  	[tilespmem:s26], [sflag:$0x5] =	stream.linear.gather [hbm4b:s23+s31], $0x100, $0x38;
	[tilespmem:$0x1D800] =	vst v63  }
0x4a: {  	_ =	swait.ge [sflag:s15], $0x100  }
0x4b: {  	[sflag:s15] =	ssyncset.done $0x0  }
0x4c: {  	s8 =	sadd.s32 s6, s8;
	[sflag:s15] =	ssyncadd.s32 $0xFFFFFF00  }
0x4d: {  	[tilespmem:s28], [sflag:$0x5] =	stream.linear.gather [hbm4b:s8+s31], $0x100, $0x38;
	[tilespmem:$0x1D800] =	vst v63  }
0x4e: {  	_ =	swait.ge [sflag:s15], $0x100  }
0x4f: {  	[sflag:s15] =	ssyncset.done $0x0  }
0x50: {  	[sflag:s15] =	ssyncadd.s32 $0xFFFFFF00  }
0x51: {  	[tilespmem:s29], [sflag:$0x2] =	stream.indirect.gather [hbm4b:s9+s19], $0x20, s25, s19, $0xb8;
	[tilespmem:$0x1D800] =	vst v63  }
0x52: {  	s20 =	simm.s32 $0x1D700  }
0x53: {  	[tilespmem:s20], [sflag:$0x2] =	stream.indirect.gather [hbm4b:s7+s19], $0x1, s26, s19, $0xb8;
	[tilespmem:$0x1D800] =	vst v63  }
0x54: {  	s23 =	simm.s32 $0x19380  }
0x55: {  	[tilespmem:s0], [sflag:$0x2] =	stream.indirect.gather [hbm4b:s9+s19], $0x20, s23, s19, $0xb8;
	[tilespmem:$0x1D800] =	vst v63  }
0x56: {  	s10 =	simm.s32 $0x19480;
	s20 =	simm.s32 $0x1D780  }
0x57: {  	[tilespmem:s20], [sflag:$0x2] =	stream.indirect.gather [hbm4b:s7+s19], $0x1, s10, s19, $0xb8;
	[tilespmem:$0x1D800] =	vst v63  }
0x58: {  	_ =	swait.ge [sflag:s12], $0x1000  }
0x59: {  	[sflag:s12] =	ssyncset.done $0x0  }
0x5a: {  	[sflag:s12] =	ssyncadd.s32 $0xFFFFF000  }
0x5b: {  	_ =	swait.ge [sflag:s12], $0x80  }
0x5c: {  	[sflag:s12] =	ssyncset.done $0x0  }
0x5d: {  	[sflag:s12] =	ssyncadd.s32 $0xFFFFFF80  }
0x5e: {  	_ =	swait.ge [sflag:s12], $0x1000  }
0x5f: {  	[sflag:s12] =	ssyncset.done $0x0  }
0x60: {  	[sflag:s12] =	ssyncadd.s32 $0xFFFFF000  }
0x61: {  	_ =	swait.ge [sflag:s12], $0x80  }
0x62: {  	[sflag:s12] =	ssyncset.done $0x0  }
0x63: {  	s10 =	simm.s32 $0x19700;
	[sflag:s12] =	ssyncadd.s32 $0xFFFFFF80  }
0x64: {  	v5 =	vld [tilespmem:s10+$0xFFFFFFA0]  }
0x65: {  	v3 =	vld [tilespmem:s10+$0xFFFFFFF0]  }
0x66: {  	v0 =	vld [tilespmem:s10+$0xFFFFFF60]  }
0x67: {  	v6 =	vld [tilespmem:s10+$0xFFFFFFD0]  }
0x68: {  	v7 =	vld [tilespmem:s10+$0x80]  }
0x69: {  	v10 =	vld [tilespmem:s10+$0xFFFFFF10]  }
0x6a: {  	v14 =	vld [tilespmem:s10+$0xE0]  }
0x6b: {  	v9 =	vld [tilespmem:s10+$0xFFFFFF40]  }
0x6c: {  	s23 =	simm.s32 $0x0;
	v1 =	vld [tilespmem:s10+$0xFFFFFF90]  }
0x6d: {  	v2 =	vld [tilespmem:s23+$0x1D600]  }
0x6e: {  	v8 =	vld [tilespmem:s10+$0xFFFFFFC0]  }
0x6f: {  	v11 =	vld [tilespmem:s10+$0xFFFFFF00]  }
0x70: {  	v12 =	vld [tilespmem:s10+$0xD0]  }
0x71: {  	v21 =	vld [tilespmem:s10+$0xC0]  }
0x72: {  	v19 =	vld [tilespmem:s10+$0x90];
	v17 =	vbroadcast v2, $0x0;
	v4 =	vbroadcast v2, $0xF  }
0x73: {  	v20 =	vld [tilespmem:s10+$0xFFFFFF50];
	v18 =	vbroadcast v2, $0x2;
	v16 =	vbroadcast v2, $0xE  }
0x74: {  	v15 =	vld [tilespmem:s10+$0xB0];
	v13 =	vbroadcast v2, $0xC;
	v23 =	vmul.f32 v17, v11  }
0x75: {  	s20 =	simm.s32 $0x40;
	s23 =	simm.s32 $0x19700;
	v11 =	vbroadcast v2, $0xD;
	v22 =	vmul.f32 v9, v18;
	v9 =	vld [tilespmem:s10+$0x60]  }
.LBB2_5:
0x76: {  	p0 =	sne.s32 s20, $0x3C0  }
0x77: {  	[tilespmem:s10+$0xFFFFFF00] =	vst v23;
	v23 =	vld [tilespmem:s10+$0xFFFFFFB0];
	v21 =	vmul.f32 v21, v16;
	v14 =	vmul.f32 v14, v4;
	s23 =	sadd.s32 $0x200, s23;
	s8 =	smov.u32 s20;
	s20 =	sadd.s32 $0x40, s20  }
0x78: {  	[tilespmem:s10+$0xFFFFFF40] =	vst v22;
	v22 =	vbroadcast v2, $0xA;
	v19 =	vmul.f32 v19, v13;
	v24 =	vld [tilespmem:s10+$0xA0]  }
0x79: {  	v10 =	vmul.f32 v10, v17;
	v17 =	vmul.f32 v20, v18;
	v18 =	vld [tilespmem:s10+$0x70];
	[tilespmem:s10+$0xE0] =	vst v14  }
0x7a: {  	v14 =	vbroadcast v2, $0x5;
	v20 =	vld [tilespmem:s10+$0xFFFFFFE0];
	v15 =	vmul.f32 v15, v11;
	[tilespmem:s10+$0xC0] =	vst v21  }
0x7b: {  	v12 =	vmul.f32 v12, v16;
	[tilespmem:s10+$0xFFFFFF10] =	vst v10;
	v10 =	vbroadcast v2, $0x6;
	v21 =	vld [tilespmem:s10+$0x40]  }
0x7c: {  	v25 =	vbroadcast v2, $0xB;
	v5 =	vmul.f32 v5, v14;
	v16 =	vld [tilespmem:s10+$0xFFFFFF20];
	[tilespmem:s10+$0x90] =	vst v19  }
0x7d: {  	v19 =	vbroadcast v2, $0x9;
	[tilespmem:s10+$0xFFFFFF50] =	vst v17;
	v17 =	vld [tilespmem:s10+$0x20];
	v11 =	vmul.f32 v24, v11  }
0x7e: {  	v14 =	vmul.f32 v23, v14;
	v23 =	vld [tilespmem:s10+$0x50];
	v18 =	vmul.f32 v18, v25;
	[tilespmem:s10+$0xD0] =	vst v12  }
0x7f: {  	v7 =	vmul.f32 v7, v13;
	v12 =	vbroadcast v2, $0x7;
	v24 =	vld [tilespmem:s10+$0x30];
	[tilespmem:s10+$0xA0] =	vst v11  }
0x80: {  	v8 =	vmul.f32 v8, v10;
	v11 =	vbroadcast v2, $0x3;
	v13 =	vld [tilespmem:s10+$0x0];
	[tilespmem:s10+$0x70] =	vst v18  }
0x81: {  	v9 =	vmul.f32 v9, v25;
	v6 =	vmul.f32 v6, v10;
	v10 =	vld [tilespmem:s10+$0x10];
	[tilespmem:s10+$0x80] =	vst v7  }
0x82: {  	v18 =	vbroadcast v2, $0x8;
	v21 =	vmul.f32 v21, v22;
	v7 =	vld [tilespmem:s10+$0xFFFFFF30];
	[tilespmem:s10+$0xB0] =	vst v15  }
0x83: {  	v15 =	vbroadcast v2, $0x1;
	v25 =	vld [tilespmem:s10+$0xFFFFFF70];
	[tilespmem:s10+$0xFFFFFFD0] =	vst v6;
	v22 =	vmul.f32 v23, v22  }
0x84: {  	v3 =	vmul.f32 v3, v12;
	v6 =	vmul.f32 v20, v12;
	[tilespmem:s10+$0xFFFFFFC0] =	vst v8;
	v8 =	vld [tilespmem:s10+$0xF0]  }
0x85: {  	v20 =	vmul.f32 v24, v19;
	v12 =	vld [tilespmem:s10+$0xFFFFFF80];
	[tilespmem:s10+$0xFFFFFFA0] =	vst v5;
	v13 =	vmul.f32 v13, v18  }
0x86: {  	v5 =	vld [tilespmem:s23+$0xFFFFFFA0];
	[tilespmem:s10+$0xFFFFFFF0] =	vst v3;
	v18 =	vmul.f32 v10, v18;
	v10 =	vmul.f32 v17, v19  }
0x87: {  	v3 =	vmul.f32 v16, v15;
	v15 =	vmul.f32 v7, v15;
	[tilespmem:s10+$0x60] =	vst v9  }
0x88: {  	v0 =	vmul.f32 v0, v11;
	v7 =	vmul.f32 v25, v11;
	[tilespmem:s10+$0xFFFFFFB0] =	vst v14  }
0x89: {  	v2 =	vbroadcast v2, $0x4;
	[tilespmem:s10+$0xFFFFFF20] =	vst v3;
	v3 =	vmul.f32 v8, v4  }
0x8a: {  	[tilespmem:s10+$0xFFFFFF60] =	vst v0  }
0x8b: {  	v4 =	vmul.f32 v12, v2;
	v0 =	vmul.f32 v1, v2;
	[tilespmem:s10+$0x40] =	vst v21  }
0x8c: {  	[tilespmem:s10+$0xFFFFFFE0] =	vst v6  }
0x8d: {  	[tilespmem:s10+$0xF0] =	vst v3  }
0x8e: {  	[tilespmem:s10+$0xFFFFFF90] =	vst v0  }
0x8f: {  	v3 =	vld [tilespmem:s23+$0xFFFFFFF0];
	[tilespmem:s10+$0xFFFFFF70] =	vst v7  }
0x90: {  	v0 =	vld [tilespmem:s23+$0xFFFFFF60];
	[tilespmem:s10+$0x20] =	vst v10  }
0x91: {  	v6 =	vld [tilespmem:s23+$0xFFFFFFD0];
	[tilespmem:s10+$0x30] =	vst v20  }
0x92: {  	v7 =	vld [tilespmem:s23+$0x80];
	[tilespmem:s10+$0xFFFFFF80] =	vst v4  }
0x93: {  	v10 =	vld [tilespmem:s23+$0xFFFFFF10];
	[tilespmem:s10+$0x50] =	vst v22  }
0x94: {  	v14 =	vld [tilespmem:s23+$0xE0];
	[tilespmem:s10+$0x0] =	vst v13  }
0x95: {  	v9 =	vld [tilespmem:s23+$0xFFFFFF40];
	[tilespmem:s10+$0xFFFFFF30] =	vst v15  }
0x96: {  	s8 =	sshra.s32 s8, $0x2;
	v1 =	vld [tilespmem:s23+$0xFFFFFF90];
	[tilespmem:s10+$0x10] =	vst v18;
	s10 =	smov.u32 s23  }
0x97: {  	v2 =	vld [tilespmem:s8+$0x1D600]  }
0x98: {  	v8 =	vld [tilespmem:s23+$0xFFFFFFC0]  }
0x99: {  	v11 =	vld [tilespmem:s23+$0xFFFFFF00]  }
0x9a: {  	v12 =	vld [tilespmem:s23+$0xD0]  }
.Ltmp1:
0x9b: {  	v21 =	vld [tilespmem:s23+$0xC0];
	(pc) =	sbr.rel @p0 .LBB2_5-.Ltmp1, $4  }
0x9c: {  	v17 =	vbroadcast v2, $0x0;
	v19 =	vld [tilespmem:s23+$0x90];
	v4 =	vbroadcast v2, $0xF  }
0x9d: {  	v18 =	vbroadcast v2, $0x2;
	v16 =	vbroadcast v2, $0xE;
	v20 =	vld [tilespmem:s23+$0xFFFFFF50]  }
0x9e: {  	v23 =	vmul.f32 v17, v11;
	v11 =	vbroadcast v2, $0xD;
	v15 =	vld [tilespmem:s23+$0xB0]  }
0x9f: {  	v13 =	vbroadcast v2, $0xC;
	v22 =	vmul.f32 v9, v18;
	v9 =	vld [tilespmem:s23+$0x60]  }
0xa0: {  	[tilespmem:s10+$0xFFFFFF00] =	vst v23;
	v14 =	vmul.f32 v14, v4  }
0xa1: {  	v21 =	vmul.f32 v21, v16;
	[tilespmem:s10+$0xFFFFFF40] =	vst v22  }
0xa2: {  	v10 =	vmul.f32 v10, v17;
	[tilespmem:s10+$0xE0] =	vst v14  }
0xa3: {  	v17 =	vld [tilespmem:s10+$0x70];
	v7 =	vmul.f32 v7, v13;
	[tilespmem:s10+$0xC0] =	vst v21  }
0xa4: {  	v14 =	vmul.f32 v19, v13;
	v18 =	vmul.f32 v20, v18;
	[tilespmem:s10+$0xFFFFFF10] =	vst v10  }
0xa5: {  	v22 =	vld [tilespmem:s10+$0xA0];
	v10 =	vmul.f32 v12, v16;
	v16 =	vbroadcast v2, $0xB;
	[tilespmem:s10+$0x80] =	vst v7  }
0xa6: {  	[tilespmem:s10+$0x90] =	vst v14  }
0xa7: {  	v7 =	vbroadcast v2, $0x7;
	[tilespmem:s10+$0xFFFFFF50] =	vst v18;
	v9 =	vmul.f32 v9, v16  }
0xa8: {  	[tilespmem:s10+$0xD0] =	vst v10;
	v17 =	vmul.f32 v17, v16  }
0xa9: {  	v12 =	vld [tilespmem:s10+$0xFFFFFF20];
	v3 =	vmul.f32 v3, v7;
	[tilespmem:s10+$0x60] =	vst v9  }
0xaa: {  	v10 =	vbroadcast v2, $0x6;
	v18 =	vmul.f32 v22, v11;
	[tilespmem:s10+$0x70] =	vst v17  }
0xab: {  	v14 =	vld [tilespmem:s10+$0xFFFFFFE0];
	v11 =	vmul.f32 v15, v11;
	[tilespmem:s10+$0xFFFFFFF0] =	vst v3  }
0xac: {  	v19 =	vld [tilespmem:s10+$0xFFFFFFB0];
	v16 =	vbroadcast v2, $0x1;
	v6 =	vmul.f32 v6, v10;
	[tilespmem:s10+$0xA0] =	vst v18  }
0xad: {  	v15 =	vbroadcast v2, $0x5;
	v8 =	vmul.f32 v8, v10;
	[tilespmem:s10+$0xB0] =	vst v11  }
0xae: {  	v12 =	vmul.f32 v12, v16;
	[tilespmem:s10+$0xFFFFFFD0] =	vst v6  }
0xaf: {  	v20 =	vld [tilespmem:s10+$0x40];
	v5 =	vmul.f32 v5, v15;
	[tilespmem:s10+$0xFFFFFFC0] =	vst v8  }
0xb0: {  	v18 =	vld [tilespmem:s10+$0xF0];
	[tilespmem:s10+$0xFFFFFF20] =	vst v12;
	v7 =	vmul.f32 v14, v7;
	v12 =	vbroadcast v2, $0x4  }
0xb1: {  	v11 =	vld [tilespmem:s10+$0xFFFFFF70];
	[tilespmem:s10+$0xFFFFFFA0] =	vst v5;
	v5 =	vmul.f32 v19, v15;
	v15 =	vbroadcast v2, $0x3  }
0xb2: {  	v13 =	vld [tilespmem:s10+$0x20];
	v3 =	vbroadcast v2, $0xA;
	v1 =	vmul.f32 v1, v12;
	[tilespmem:s10+$0xFFFFFFE0] =	vst v7  }
0xb3: {  	v17 =	vld [tilespmem:s10+$0x30];
	v0 =	vmul.f32 v0, v15;
	[tilespmem:s10+$0xFFFFFFB0] =	vst v5  }
0xb4: {  	v6 =	vld [tilespmem:s10+$0xFFFFFF80];
	v5 =	vmul.f32 v20, v3;
	[tilespmem:s10+$0xFFFFFF90] =	vst v1  }
0xb5: {  	v21 =	vld [tilespmem:s10+$0x50];
	[tilespmem:s10+$0xFFFFFF60] =	vst v0;
	v0 =	vmul.f32 v18, v4;
	v4 =	vbroadcast v2, $0x9  }
0xb6: {  	v10 =	vld [tilespmem:s10+$0x0];
	[tilespmem:s10+$0x40] =	vst v5;
	v5 =	vmul.f32 v11, v15  }
0xb7: {  	v9 =	vld [tilespmem:s10+$0xFFFFFF30];
	[tilespmem:s10+$0xF0] =	vst v0;
	v0 =	vmul.f32 v13, v4  }
0xb8: {  	v8 =	vld [tilespmem:s10+$0x10];
	v1 =	vmul.f32 v17, v4;
	[tilespmem:s10+$0xFFFFFF70] =	vst v5  }
0xb9: {  	v2 =	vbroadcast v2, $0x8;
	v4 =	vmul.f32 v6, v12;
	[tilespmem:s10+$0x20] =	vst v0  }
0xba: {  	v0 =	vmul.f32 v21, v3;
	[tilespmem:s10+$0x30] =	vst v1  }
0xbb: {  	v1 =	vmul.f32 v10, v2;
	[tilespmem:s10+$0xFFFFFF80] =	vst v4  }
0xbc: {  	v3 =	vmul.f32 v9, v16;
	[tilespmem:s10+$0x50] =	vst v0  }
0xbd: {  	v0 =	vmul.f32 v8, v2;
	[tilespmem:s10+$0x0] =	vst v1  }
0xbe: {  	[tilespmem:s10+$0xFFFFFF30] =	vst v3  }
0xbf: {  	[tilespmem:s10+$0x10] =	vst v0  }
0xc0: {  	[spmem:s1] =	stream.indirect.scatter.add.f32 [tilespmem:s14], [sflag:$0x3], $0x20, s18, s19, $0xb8;
	[tilespmem:$0x1D800] =	vst v63  }
0xc1: {  	s8 =	simm.s32 $0x19280  }
0xc2: {  	[spmem:s1] =	stream.indirect.scatter.add.f32 [tilespmem:s22], [sflag:$0x3], $0x20, s8, s19, $0xb8;
	[tilespmem:$0x1D800] =	vst v63  }
0xc3: {  	_ =	swait.ge [sflag:s21], $0x1000  }
0xc4: {  	[sflag:s21] =	ssyncset.done $0x0  }
0xc5: {  	[sflag:s21] =	ssyncadd.s32 $0xFFFFF000  }
0xc6: {  	_ =	swait.ge [sflag:s21], $0x80  }
0xc7: {  	[sflag:s21] =	ssyncset.done $0x0  }
0xc8: {  	[sflag:s21] =	ssyncadd.s32 $0xFFFFFF80  }
0xc9: {  	_ =	swait.ge [sflag:s21], $0x1000  }
0xca: {  	[sflag:s21] =	ssyncset.done $0x0  }
0xcb: {  	[sflag:s21] =	ssyncadd.s32 $0xFFFFF000  }
0xcc: {  	_ =	swait.ge [sflag:s21], $0x80  }
0xcd: {  	[sflag:s21] =	ssyncset.done $0x0  }
0xce: {  	s10 =	simm.s32 $0x1B700;
	[sflag:s21] =	ssyncadd.s32 $0xFFFFFF80  }
0xcf: {  	v5 =	vld [tilespmem:s10+$0xFFFFFFA0]  }
0xd0: {  	v3 =	vld [tilespmem:s10+$0xFFFFFFF0]  }
0xd1: {  	v0 =	vld [tilespmem:s10+$0xFFFFFF60]  }
0xd2: {  	v6 =	vld [tilespmem:s10+$0xFFFFFFD0]  }
0xd3: {  	v7 =	vld [tilespmem:s10+$0x80]  }
0xd4: {  	v10 =	vld [tilespmem:s10+$0xFFFFFF10]  }
0xd5: {  	v14 =	vld [tilespmem:s10+$0xE0]  }
0xd6: {  	v9 =	vld [tilespmem:s10+$0xFFFFFF40]  }
0xd7: {  	s23 =	simm.s32 $0x0;
	v1 =	vld [tilespmem:s10+$0xFFFFFF90]  }
0xd8: {  	v2 =	vld [tilespmem:s23+$0x1D700]  }
0xd9: {  	v8 =	vld [tilespmem:s10+$0xFFFFFFC0]  }
0xda: {  	v11 =	vld [tilespmem:s10+$0xFFFFFF00]  }
0xdb: {  	v12 =	vld [tilespmem:s10+$0xD0]  }
0xdc: {  	v21 =	vld [tilespmem:s10+$0xC0]  }
0xdd: {  	v19 =	vld [tilespmem:s10+$0x90];
	v17 =	vbroadcast v2, $0x0;
	v4 =	vbroadcast v2, $0xF  }
0xde: {  	v20 =	vld [tilespmem:s10+$0xFFFFFF50];
	v18 =	vbroadcast v2, $0x2;
	v16 =	vbroadcast v2, $0xE  }
0xdf: {  	v15 =	vld [tilespmem:s10+$0xB0];
	v13 =	vbroadcast v2, $0xC;
	v23 =	vmul.f32 v17, v11  }
0xe0: {  	s20 =	simm.s32 $0x40;
	s23 =	simm.s32 $0x1B700;
	v11 =	vbroadcast v2, $0xD;
	v22 =	vmul.f32 v9, v18;
	v9 =	vld [tilespmem:s10+$0x60]  }
.LBB2_7:
0xe1: {  	p0 =	sne.s32 s20, $0x3C0  }
0xe2: {  	[tilespmem:s10+$0xFFFFFF00] =	vst v23;
	v23 =	vld [tilespmem:s10+$0xFFFFFFB0];
	v21 =	vmul.f32 v21, v16;
	v14 =	vmul.f32 v14, v4;
	s23 =	sadd.s32 $0x200, s23;
	s8 =	smov.u32 s20;
	s20 =	sadd.s32 $0x40, s20  }
0xe3: {  	[tilespmem:s10+$0xFFFFFF40] =	vst v22;
	v22 =	vbroadcast v2, $0xA;
	v19 =	vmul.f32 v19, v13;
	v24 =	vld [tilespmem:s10+$0xA0]  }
0xe4: {  	v10 =	vmul.f32 v10, v17;
	v17 =	vmul.f32 v20, v18;
	v18 =	vld [tilespmem:s10+$0x70];
	[tilespmem:s10+$0xE0] =	vst v14  }
0xe5: {  	v14 =	vbroadcast v2, $0x5;
	v20 =	vld [tilespmem:s10+$0xFFFFFFE0];
	v15 =	vmul.f32 v15, v11;
	[tilespmem:s10+$0xC0] =	vst v21  }
0xe6: {  	v12 =	vmul.f32 v12, v16;
	[tilespmem:s10+$0xFFFFFF10] =	vst v10;
	v10 =	vbroadcast v2, $0x6;
	v21 =	vld [tilespmem:s10+$0x40]  }
0xe7: {  	v25 =	vbroadcast v2, $0xB;
	v5 =	vmul.f32 v5, v14;
	v16 =	vld [tilespmem:s10+$0xFFFFFF20];
	[tilespmem:s10+$0x90] =	vst v19  }
0xe8: {  	v19 =	vbroadcast v2, $0x9;
	[tilespmem:s10+$0xFFFFFF50] =	vst v17;
	v17 =	vld [tilespmem:s10+$0x20];
	v11 =	vmul.f32 v24, v11  }
0xe9: {  	v14 =	vmul.f32 v23, v14;
	v23 =	vld [tilespmem:s10+$0x50];
	v18 =	vmul.f32 v18, v25;
	[tilespmem:s10+$0xD0] =	vst v12  }
0xea: {  	v7 =	vmul.f32 v7, v13;
	v12 =	vbroadcast v2, $0x7;
	v24 =	vld [tilespmem:s10+$0x30];
	[tilespmem:s10+$0xA0] =	vst v11  }
0xeb: {  	v8 =	vmul.f32 v8, v10;
	v11 =	vbroadcast v2, $0x3;
	v13 =	vld [tilespmem:s10+$0x0];
	[tilespmem:s10+$0x70] =	vst v18  }
0xec: {  	v9 =	vmul.f32 v9, v25;
	v6 =	vmul.f32 v6, v10;
	v10 =	vld [tilespmem:s10+$0x10];
	[tilespmem:s10+$0x80] =	vst v7  }
0xed: {  	v18 =	vbroadcast v2, $0x8;
	v21 =	vmul.f32 v21, v22;
	v7 =	vld [tilespmem:s10+$0xFFFFFF30];
	[tilespmem:s10+$0xB0] =	vst v15  }
0xee: {  	v15 =	vbroadcast v2, $0x1;
	v25 =	vld [tilespmem:s10+$0xFFFFFF70];
	[tilespmem:s10+$0xFFFFFFD0] =	vst v6;
	v22 =	vmul.f32 v23, v22  }
0xef: {  	v3 =	vmul.f32 v3, v12;
	v6 =	vmul.f32 v20, v12;
	[tilespmem:s10+$0xFFFFFFC0] =	vst v8;
	v8 =	vld [tilespmem:s10+$0xF0]  }
0xf0: {  	v20 =	vmul.f32 v24, v19;
	v12 =	vld [tilespmem:s10+$0xFFFFFF80];
	[tilespmem:s10+$0xFFFFFFA0] =	vst v5;
	v13 =	vmul.f32 v13, v18  }
0xf1: {  	v5 =	vld [tilespmem:s23+$0xFFFFFFA0];
	[tilespmem:s10+$0xFFFFFFF0] =	vst v3;
	v18 =	vmul.f32 v10, v18;
	v10 =	vmul.f32 v17, v19  }
0xf2: {  	v3 =	vmul.f32 v16, v15;
	v15 =	vmul.f32 v7, v15;
	[tilespmem:s10+$0x60] =	vst v9  }
0xf3: {  	v0 =	vmul.f32 v0, v11;
	v7 =	vmul.f32 v25, v11;
	[tilespmem:s10+$0xFFFFFFB0] =	vst v14  }
0xf4: {  	v2 =	vbroadcast v2, $0x4;
	[tilespmem:s10+$0xFFFFFF20] =	vst v3;
	v3 =	vmul.f32 v8, v4  }
0xf5: {  	[tilespmem:s10+$0xFFFFFF60] =	vst v0  }
0xf6: {  	v4 =	vmul.f32 v12, v2;
	v0 =	vmul.f32 v1, v2;
	[tilespmem:s10+$0x40] =	vst v21  }
0xf7: {  	[tilespmem:s10+$0xFFFFFFE0] =	vst v6  }
0xf8: {  	[tilespmem:s10+$0xF0] =	vst v3  }
0xf9: {  	[tilespmem:s10+$0xFFFFFF90] =	vst v0  }
0xfa: {  	v3 =	vld [tilespmem:s23+$0xFFFFFFF0];
	[tilespmem:s10+$0xFFFFFF70] =	vst v7  }
0xfb: {  	v0 =	vld [tilespmem:s23+$0xFFFFFF60];
	[tilespmem:s10+$0x20] =	vst v10  }
0xfc: {  	v6 =	vld [tilespmem:s23+$0xFFFFFFD0];
	[tilespmem:s10+$0x30] =	vst v20  }
0xfd: {  	v7 =	vld [tilespmem:s23+$0x80];
	[tilespmem:s10+$0xFFFFFF80] =	vst v4  }
0xfe: {  	v10 =	vld [tilespmem:s23+$0xFFFFFF10];
	[tilespmem:s10+$0x50] =	vst v22  }
0xff: {  	v14 =	vld [tilespmem:s23+$0xE0];
	[tilespmem:s10+$0x0] =	vst v13  }
0x100: {  	v9 =	vld [tilespmem:s23+$0xFFFFFF40];
	[tilespmem:s10+$0xFFFFFF30] =	vst v15  }
0x101: {  	s8 =	sshra.s32 s8, $0x2;
	v1 =	vld [tilespmem:s23+$0xFFFFFF90];
	[tilespmem:s10+$0x10] =	vst v18;
	s10 =	smov.u32 s23  }
0x102: {  	v2 =	vld [tilespmem:s8+$0x1D700]  }
0x103: {  	v8 =	vld [tilespmem:s23+$0xFFFFFFC0]  }
0x104: {  	v11 =	vld [tilespmem:s23+$0xFFFFFF00]  }
0x105: {  	v12 =	vld [tilespmem:s23+$0xD0]  }
.Ltmp2:
0x106: {  	v21 =	vld [tilespmem:s23+$0xC0];
	(pc) =	sbr.rel @p0 .LBB2_7-.Ltmp2, $4  }
0x107: {  	v17 =	vbroadcast v2, $0x0;
	v19 =	vld [tilespmem:s23+$0x90];
	v4 =	vbroadcast v2, $0xF  }
0x108: {  	v18 =	vbroadcast v2, $0x2;
	v16 =	vbroadcast v2, $0xE;
	v20 =	vld [tilespmem:s23+$0xFFFFFF50]  }
0x109: {  	v23 =	vmul.f32 v17, v11;
	v11 =	vbroadcast v2, $0xD;
	v15 =	vld [tilespmem:s23+$0xB0]  }
0x10a: {  	v13 =	vbroadcast v2, $0xC;
	v22 =	vmul.f32 v9, v18;
	v9 =	vld [tilespmem:s23+$0x60]  }
0x10b: {  	[tilespmem:s10+$0xFFFFFF00] =	vst v23;
	v14 =	vmul.f32 v14, v4  }
0x10c: {  	v21 =	vmul.f32 v21, v16;
	[tilespmem:s10+$0xFFFFFF40] =	vst v22  }
0x10d: {  	v10 =	vmul.f32 v10, v17;
	[tilespmem:s10+$0xE0] =	vst v14  }
0x10e: {  	v28 =	vmul.f32 v12, v16;
	[tilespmem:s10+$0xC0] =	vst v21  }
0x10f: {  	v26 =	vmul.f32 v19, v13;
	[tilespmem:s10+$0xFFFFFF10] =	vst v10  }
0x110: {  	v34 =	vbroadcast v2, $0x6;
	v7 =	vmul.f32 v7, v13;
	[tilespmem:s10+$0xD0] =	vst v28  }
0x111: {  	v18 =	vmul.f32 v20, v18;
	[tilespmem:s10+$0x90] =	vst v26  }
0x112: {  	v38 =	vbroadcast v2, $0x5;
	v6 =	vmul.f32 v6, v34;
	[tilespmem:s10+$0x80] =	vst v7  }
0x113: {  	v40 =	vbroadcast v2, $0x7;
	v8 =	vmul.f32 v8, v34;
	[tilespmem:s10+$0xFFFFFF50] =	vst v18  }
0x114: {  	v47 =	vbroadcast v2, $0x3;
	v5 =	vmul.f32 v5, v38;
	[tilespmem:s10+$0xFFFFFFD0] =	vst v6  }
0x115: {  	v24 =	vld [tilespmem:s10+$0xA0];
	v52 =	vbroadcast v2, $0x4;
	v3 =	vmul.f32 v3, v40;
	[tilespmem:s10+$0xFFFFFFC0] =	vst v8  }
0x116: {  	v25 =	vld [tilespmem:s10+$0x70];
	v0 =	vmul.f32 v0, v47;
	[tilespmem:s10+$0xFFFFFFA0] =	vst v5  }
0x117: {  	v27 =	vld [tilespmem:s10+$0xFFFFFFB0];
	v30 =	vbroadcast v2, $0xB;
	v1 =	vmul.f32 v1, v52;
	[tilespmem:s10+$0xFFFFFFF0] =	vst v3  }
0x118: {  	v29 =	vld [tilespmem:s10+$0xFFFFFF20];
	v36 =	vmul.f32 v15, v11;
	[tilespmem:s10+$0xFFFFFF60] =	vst v0  }
0x119: {  	v33 =	vld [tilespmem:s10+$0x40];
	v9 =	vmul.f32 v9, v30;
	[tilespmem:s10+$0xFFFFFF90] =	vst v1  }
0x11a: {  	v31 =	vld [tilespmem:s10+$0xFFFFFFE0];
	v32 =	vmul.f32 v24, v11;
	[tilespmem:s10+$0xB0] =	vst v36  }
0x11b: {  	v45 =	vbroadcast v2, $0x1;
	v48 =	vld [tilespmem:s10+$0xF0];
	v17 =	vmul.f32 v25, v30;
	[tilespmem:s10+$0x60] =	vst v9  }
0x11c: {  	v42 =	vld [tilespmem:s10+$0xFFFFFF70];
	v49 =	vbroadcast v2, $0xA;
	v46 =	vmul.f32 v27, v38;
	[tilespmem:s10+$0xA0] =	vst v32  }
0x11d: {  	v37 =	vld [tilespmem:s10+$0x20];
	v12 =	vmul.f32 v29, v45;
	[tilespmem:s10+$0x70] =	vst v17  }
0x11e: {  	v39 =	vld [tilespmem:s10+$0x30];
	v51 =	vmul.f32 v33, v49;
	[tilespmem:s10+$0xFFFFFFB0] =	vst v46  }
0x11f: {  	v43 =	vld [tilespmem:s10+$0xFFFFFF80];
	v7 =	vmul.f32 v31, v40;
	[tilespmem:s10+$0xFFFFFF20] =	vst v12  }
0x120: {  	v35 =	vld [tilespmem:s10+$0x50];
	v54 =	vbroadcast v2, $0x9;
	v53 =	vmul.f32 v48, v4;
	[tilespmem:s10+$0x40] =	vst v51  }
0x121: {  	v41 =	vld [tilespmem:s10+$0x0];
	v55 =	vmul.f32 v42, v47;
	[tilespmem:s10+$0xFFFFFFE0] =	vst v7  }
0x122: {  	v50 =	vld [tilespmem:s10+$0xFFFFFF30];
	v56 =	vmul.f32 v37, v54;
	[tilespmem:s10+$0xF0] =	vst v53  }
0x123: {  	v44 =	vld [tilespmem:s10+$0x10];
	v57 =	vmul.f32 v39, v54;
	[tilespmem:s10+$0xFFFFFF70] =	vst v55  }
0x124: {  	v58 =	vbroadcast v2, $0x8;
	v59 =	vmul.f32 v43, v52;
	[tilespmem:s10+$0x20] =	vst v56  }
0x125: {  	v60 =	vmul.f32 v35, v49;
	[tilespmem:s10+$0x30] =	vst v57  }
0x126: {  	v61 =	vmul.f32 v41, v58;
	[tilespmem:s10+$0xFFFFFF80] =	vst v59  }
0x127: {  	v62 =	vmul.f32 v50, v45;
	[tilespmem:s10+$0x50] =	vst v60  }
0x128: {  	v63 =	vmul.f32 v44, v58;
	[tilespmem:s10+$0x0] =	vst v61  }
0x129: {  	[tilespmem:s10+$0xFFFFFF30] =	vst v62  }
0x12a: {  	[tilespmem:s10+$0x10] =	vst v63  }
0x12b: {  	[spmem:s1] =	stream.indirect.scatter.add.f32 [tilespmem:s29], [sflag:$0x4], $0x20, s28, s19, $0xb8;
	[tilespmem:$0x1D800] =	vst v63  }
0x12c: {  	s8 =	simm.s32 $0x19580  }
0x12d: {  	[spmem:s1] =	stream.indirect.scatter.add.f32 [tilespmem:s0], [sflag:$0x4], $0x20, s8, s19, $0xb8;
	[tilespmem:$0x1D800] =	vst v63  }
0x12e: {  	_ =	swait.ge [sflag:s24], $0x1000  }
0x12f: {  	[sflag:s24] =	ssyncset.done $0x0  }
0x130: {  	[sflag:s24] =	ssyncadd.s32 $0xFFFFF000  }
0x131: {  	_ =	swait.ge [sflag:s24], $0x1000  }
0x132: {  	[sflag:s24] =	ssyncset.done $0x0  }
0x133: {  	s3 =	sadd.s32 $0x1, s3;
	[sflag:s24] =	ssyncadd.s32 $0xFFFFF000  }
0x134: {  	p0 =	sne.s32 s3, $0x64;
	_ =	swait.ge [sflag:s30], $0x1000  }
.Ltmp3:
0x135: {  	[sflag:s30] =	ssyncset.done $0x0;
	(pc) =	sbr.rel @p0 .LBB2_4-.Ltmp3, $4  }
0x136: {  	[sflag:s30] =	ssyncadd.s32 $0xFFFFF000  }
0x137: {  	_ =	swait.ge [sflag:s30], $0x1000  }
0x138: {  	[sflag:s30] =	ssyncset.done $0x0  }
0x139: {  	[sflag:s30] =	ssyncadd.s32 $0xFFFFF000  }
0x13a: {  	[bflag:$0x0] =	sbarrier.arrive $0xFFFF  }
0x13b: {  	s20 =	rddreg [dreg:$0x5]  }
0x13c: {  	[tilespmem:s14], [sflag:$0x5] =	stream.linear.gather [spmem:s20], $0x1900, $0x38;
	[tilespmem:$0x1D800] =	vst v63  }
0x13d: {  	_ =	swait.ge [sflag:s15], $0x1900  }
0x13e: {  	[sflag:s15] =	ssyncset.done $0x0  }
0x13f: {  	s3 =	sadd.s32 $0x0, s13;
	[sflag:s15] =	ssyncadd.s32 $0xFFFFE700  }
0x140: {  	[hbm4b:s3+s2] =	stream.linear.scatter [tilespmem:s14], [sflag:$0x5], $0x1900, $0x38;
	[tilespmem:$0x1D800] =	vst v63  }
0x141: {  	_ =	swait.ge [sflag:s15], $0x1900  }
0x142: {  	s8 =	smov.u32 s20;
	s3 =	simm.s32 $0x320;
	[sflag:s15] =	ssyncset.done $0x0  }
.LBB2_10:
0x143: {  	p0 =	sne.s32 s3, $0x2EE0;
	[sflag:s15] =	ssyncadd.s32 $0xFFFFE700;
	s8 =	sadd.s32 $0x1900, s8  }
0x144: {  	[tilespmem:s14], [sflag:$0x5] =	stream.linear.gather [spmem:s8], $0x1900, $0x38;
	[tilespmem:$0x1D800] =	vst v63  }
0x145: {  	s10 =	smov.u32 s3;
	s3 =	sadd.s32 $0x320, s3;
	_ =	swait.ge [sflag:s15], $0x1900  }
.Ltmp4:
0x146: {  	[sflag:s15] =	ssyncset.done $0x0;
	(pc) =	sbr.rel @p0 .LBB2_10-.Ltmp4, $4  }
0x147: {  	s10 =	sadd.s32 s10, s13;
	[sflag:s15] =	ssyncadd.s32 $0xFFFFE700  }
0x148: {  	[hbm4b:s10+s2] =	stream.linear.scatter [tilespmem:s14], [sflag:$0x5], $0x1900, $0x38;
	[tilespmem:$0x1D800] =	vst v63  }
0x149: {  	_ =	swait.ge [sflag:s15], $0x1900  }
0x14a: {  	[sflag:s15] =	ssyncset.done $0x0  }
0x14b: {  	s8 =	rddreg [dreg:$0x6]  }
0x14c: {  	s3 =	rddreg [dreg:$0x4];
	s8 =	sadd.s32 $0x1, s8  }
0x14d: {  	p0 =	sne.s32 s8, s3  }
.Ltmp5:
0x14e: {  	_ = 	snop;
	(pc) =	sbr.rel @p0 .LBB2_1-.Ltmp5, $2  }
0x14f: {  	_ =	sdelay $0x2  }
0x150: {  	[sflag:s15] =	ssyncadd.s32 $0xFFFFE700  }
0x151: {  	_ =	sfence.sel $0x180000  }
0x152: {  	[bflag:$0x0] =	sbarrier.arrive $0xFFFF  }
0x153: {  	_ =	strace $0x90000050  }
0x154: {  	s0 =	stileid.u32;
	[bflag:$0x2] =	sbarrier.arrive $0xFFFF  }
0x155: {  	p0 =	sne.s32 s0, $0x0;
	s0 =	rddreg [dreg:$0x2]  }
0x156: {  	s0 =	sadd.s32 @!p0 $0x100000, s0  }
0x157: {  	[sflag:s0] =	ssyncadd.tile.s32 @!p0 $0x1;
	_ =	shalt  }
.Lfunc_end2:
_tile_overlayer_lowered:
.L_overlay_start_2:
0x158: {  	(tag) =	ssettag $0x2  }
0x159: {  	s0 =	rddreg [dreg:$0x0];
	s2 =	stileid.u32  }
0x15a: {  	s1 =	rddreg [dreg:$0x1];
	p0 =	sne.s32 s2, $0x0  }
0x15b: {  	s3 =	rddreg [dreg:$0x2];
	[bflag:$0x3] =	sbarrier.arrive $0xFFFF;
	s2 =	simm.s32 @!p0 $0x1C05  }
0x15c: {  	[timem:s3], [sflag:s2] =	dma.local @!p0 [hbm:s0], s1  }
0x15d: {  	s0 =	simm.s32 @!p0 $0x5  }
0x15e: {  	_ =	swait.ge @!p0 [sflag:s0], s1  }
0x15f: {  	s1 =	ssub.s32 @!p0 $0x0, s1;
	[sflag:s0] =	ssyncset.done @!p0 $0x0  }
0x160: {  	[sflag:s0] =	ssyncadd.s32 @!p0 s1  }
0x161: {  	[bflag:$0x3] =	sbarrier.arrive $0xFFFF  }
0x162: {  	_ =	shalt  }

// kernel: kernel.16.cloned.1.call-start
scs
__scs_entry_jumppad:
0x0: {  	(pc) =	sbr.rel $0x88, $3  }
0x1: {  	(tag) =	ssettag $0x0;
	lr =	simm.s32 $0x1  }
0x2: {  	[smem:$0x3F93] =	sst lr;
	_ =	strace $0xD0000000  }
0x3: {  	_ = 	snop  }
0x4: {  	_ = 	snop  }
0x5: {  	_ = 	snop  }
0x6: {  	_ = 	snop  }
0x7: {  	_ = 	snop  }
__scs_overlays_trampoline_lowered:
0x8: {  	[smem:$0x3FA2] =	sst s0  }
0x9: {  	[smem:$0x3FA3] =	sst s1  }
0xa: {  	[smem:$0x3FA4] =	sst s2  }
0xb: {  	[smem:$0x3FA5] =	sst s3  }
0xc: {  	[smem:$0x3FA6] =	sst s4  }
0xd: {  	[smem:$0x3FA7] =	sst s5  }
0xe: {  	[smem:$0x3FA8] =	sst s6  }
0xf: {  	[smem:$0x3FA9] =	sst s7  }
0x10: {  	[smem:$0x3FAA] =	sst s8  }
0x11: {  	[smem:$0x3FAB] =	sst s9;
	s0 =	simm.s32 @!p0 $0x0  }
0x12: {  	s1 =	sld [smem:$0x3F91];
	s0 =	simm.s32 @p0 $0x1  }
0x13: {  	[smem:$0x3FAC] =	sst s0;
	s0 =	simm.s32 @!p1 $0x0  }
0x14: {  	s2 =	sld [smem:$0x3F90];
	s0 =	simm.s32 @p1 $0x1  }
0x15: {  	[smem:$0x3FAD] =	sst s0;
	s0 =	simm.s32 @!p2 $0x0  }
0x16: {  	s3 =	sld [smem:$0x3FDB];
	s0 =	simm.s32 @p2 $0x1  }
0x17: {  	s4 =	simm.s32 $0x1BF5;
	[smem:$0x3FAF] =	sst s0  }
0x18: {  	s0 =	sld [smem:$0x3F92];
	_ =	swait.ge [sflag:s4], $0x0  }
0x19: {  	s7 =	sld [smem:$0x3F93]  }
0x1a: {  	s8 =	sadd.s32 $0xFFFFE003, lr  }
0x1b: {  	s9 =	sadd.s32 $0xFFFFFEF7, lr;
	s5 =	simm.s32 $0xFFFFFFFF;
	p2 =	slt.u32 s8, $0xFFFFF086  }
0x1c: {  	p1 =	slt.u32 s9, $0xF7A;
	s5 =	simm.s32 @!p2 $0x0  }
0x1d: {  	s5 =	simm.s32 @p1 $0x1;
	p0 =	seq.s32 s7, s2  }
0x1e: {  	s7 =	smul.u32 @!p0 $0xF7A, s2;
	p2 =	seq.s32 @!p0 s5, $0x0  }
0x1f: {  	s9 =	smul.u32 $0xF7A, s1;
	s8 =	simm.s32 @!p0 $0x1BF5;
	p2 =	por !p2, p0  }
0x20: {  	[sflag:s8] =	ssyncset.s32 @!p0 $0xFFFFF086;
	s6 =	sadd.s32 @!p0 s3, s7;
	s7 =	simm.s32 @!p0 $0x108  }
0x21: {  	s3 =	sadd.s32 s3, s9;
	s6 =	sadd.s32 @!p0 $0x88, s6;
	s7 =	simm.s32 @p2 $0x1082  }
0x22: {  	[simem:s7], [sflag:s8] =	dma.local @!p0 [hbm:s6], $0xF7A  }
0x23: {  	s9 =	sor.u32 $0xD0000000, s2;
	s6 =	simm.s32 $0x108;
	_ =	swait.ge @!p0 [sflag:s8], $0x0  }
0x24: {  	s3 =	sadd.s32 $0x88, s3;
	s6 =	simm.s32 @!p1 $0x1082;
	[sflag:s4] =	ssyncset.s32 $0xFFFFF086  }
0x25: {  	[simem:s6], [sflag:s4] =	dma.local [hbm:s3], $0xF7A  }
0x26: {  	[smem:$0x3F93] =	sst s1;
	(tag) =	ssettag s2;
	_ =	strace s9  }
0x27: {  	s1 =	sld [smem:$0x3FA3]  }
0x28: {  	s2 =	sld [smem:$0x3FA4]  }
0x29: {  	s4 =	sld [smem:$0x3FA6]  }
0x2a: {  	p0 =	seq.s32 s5, $0x0;
	s5 =	sld [smem:$0x3FA7]  }
0x2b: {  	s6 =	sld [smem:$0x3FA8]  }
0x2c: {  	s7 =	sld [smem:$0x3FA9]  }
0x2d: {  	s3 =	simm.s32 $0x108;
	s8 =	sld [smem:$0x3FAA]  }
0x2e: {  	s3 =	simm.s32 @!p0 $0x1082;
	s9 =	sld [smem:$0x3FAB]  }
0x2f: {  	lr =	sadd.s32 s0, s3;
	s0 =	sld [smem:$0x3FA2]  }
0x30: {  	s3 =	sld [smem:$0x3FA5]  }
0x31: {  	[smem:$0x3FAE] =	sst s10  }
0x32: {  	s10 =	sld [smem:$0x3FAC];
	_ =	sdelay $0x3  }
0x33: {  	p0 =	seq.s32 s10, $0x1;
	s10 =	sld [smem:$0x3FAE];
	_ =	sdelay $0x3  }
0x34: {  	[smem:$0x3FAE] =	sst s10  }
0x35: {  	s10 =	sld [smem:$0x3FAD];
	_ =	sdelay $0x3  }
0x36: {  	p1 =	seq.s32 s10, $0x1;
	s10 =	sld [smem:$0x3FAE];
	_ =	sdelay $0x3  }
0x37: {  	[smem:$0x3FAE] =	sst s10  }
0x38: {  	s10 =	sld [smem:$0x3FAF]  }
0x39: {  	_ = 	snop;
	(pc) =	sbr.ind lr, $3  }
0x3a: {  	_ = 	snop  }
0x3b: {  	_ = 	snop  }
0x3c: {  	p2 =	seq.s32 s10, $0x1;
	s10 =	sld [smem:$0x3FAE]  }
0x3d: {  	_ =	shalt  }
0x3e: {  	_ =	shalt  }
0x3f: {  	_ =	shalt  }
0x40: {  	_ =	shalt  }
0x41: {  	_ =	shalt  }
0x42: {  	_ =	shalt  }
0x43: {  	_ =	shalt  }
0x44: {  	_ =	shalt  }
0x45: {  	_ =	shalt  }
0x46: {  	_ =	shalt  }
0x47: {  	_ =	shalt  }
0x48: {  	_ =	shalt  }
0x49: {  	_ =	shalt  }
0x4a: {  	_ =	shalt  }
0x4b: {  	_ =	shalt  }
0x4c: {  	_ =	shalt  }
0x4d: {  	_ =	shalt  }
0x4e: {  	_ =	shalt  }
0x4f: {  	_ =	shalt  }
0x50: {  	_ =	shalt  }
0x51: {  	_ =	shalt  }
0x52: {  	_ =	shalt  }
0x53: {  	_ =	shalt  }
0x54: {  	_ =	shalt  }
0x55: {  	_ =	shalt  }
0x56: {  	_ =	shalt  }
0x57: {  	_ =	shalt  }
0x58: {  	_ =	shalt  }
0x59: {  	_ =	shalt  }
0x5a: {  	_ =	shalt  }
0x5b: {  	_ =	shalt  }
0x5c: {  	_ =	shalt  }
0x5d: {  	_ =	shalt  }
0x5e: {  	_ =	shalt  }
0x5f: {  	_ =	shalt  }
0x60: {  	_ =	shalt  }
0x61: {  	_ =	shalt  }
0x62: {  	_ =	shalt  }
0x63: {  	_ =	shalt  }
0x64: {  	_ =	shalt  }
0x65: {  	_ =	shalt  }
0x66: {  	_ =	shalt  }
0x67: {  	_ =	shalt  }
0x68: {  	_ =	shalt  }
0x69: {  	_ =	shalt  }
0x6a: {  	_ =	shalt  }
0x6b: {  	_ =	shalt  }
0x6c: {  	_ =	shalt  }
0x6d: {  	_ =	shalt  }
0x6e: {  	_ =	shalt  }
0x6f: {  	_ =	shalt  }
0x70: {  	_ =	shalt  }
0x71: {  	_ =	shalt  }
0x72: {  	_ =	shalt  }
0x73: {  	_ =	shalt  }
0x74: {  	_ =	shalt  }
0x75: {  	_ =	shalt  }
0x76: {  	_ =	shalt  }
0x77: {  	_ =	shalt  }
0x78: {  	_ =	shalt  }
0x79: {  	_ =	shalt  }
0x7a: {  	_ =	shalt  }
0x7b: {  	_ =	shalt  }
0x7c: {  	_ =	shalt  }
0x7d: {  	_ =	shalt  }
0x7e: {  	_ =	shalt  }
0x7f: {  	_ =	shalt  }
0x80: {  	_ =	shalt  }
0x81: {  	_ =	shalt  }
0x82: {  	_ =	shalt  }
0x83: {  	_ =	shalt  }
0x84: {  	_ =	shalt  }
0x85: {  	_ =	shalt  }
0x86: {  	_ =	shalt  }
0x87: {  	_ =	shalt  }
.Lfunc_end0:
.L_simem_size_0:
called_computation.4_lowered:
.L_overlay_start_0:
0x88: {  	s2 =	sld [smem:$0x3FD9]  }
0x89: {  	s3 =	sld [smem:$0x3FFE];
	_ =	sdelay $0x1  }
0x8a: {  	s1 =	srdreg.scid  }
0x8b: {  	s0 =	sand.u32 $0x1, s1  }
0x8c: {  	s16 =	sshll.u32 s0, $0xA;
	s2 =	sadd.s32 s3, s2  }
0x8d: {  	s2 =	sadd.s32 s2, s16  }
0x8e: {  	[smem:$0x3FBA] =	sst s2  }
0x8f: {  	_ = 	snop  }
0x90: {  	(tm) =	ssettm $0x1  }
0x91: {  	s17 =	sld [smem:$0x3FFB];
	_ =	sdelay $0x3  }
0x92: {  	_ =	strace s17  }
0x93: {  	s2 =	sld [smem:$0x3FFC];
	_ =	sdelay $0x3  }
0x94: {  	_ =	strace s2  }
0x95: {  	s2 =	sld [smem:$0x3FFD];
	_ =	sdelay $0x3  }
0x96: {  	_ =	strace s2  }
0x97: {  	_ =	strace $0x8FFFFFFF  }
0x98: {  	s18 =	sld [smem:$0x3FDB];
	_ =	sdelay $0x1  }
0x99: {  	s19 =	simm.s32 $_scs_section_size  }
0x9a: {  	s4 =	simm.s32 $_size__tile_overlayer_lowered;
	s5 =	simm.s32 $_tile_overlayer_lowered  }
0x9b: {  	s22 =	simm.s32 $0x1BFF;
	s21 =	sshll.u32 s5, $0x1;
	s2 =	sadd.s32 s19, s18  }
0x9c: {  	s6 =	simm.s32 $0x0;
	s20 =	sshll.u32 s4, $0x1;
	s4 =	sadd.s32 s21, s2  }
0x9d: {  	[timem:s6], [sflag:s22] =	dma.local [hbm:s4], s20  }
0x9e: {  	_ =	swait.ge [sflag:s22], s20  }
0x9f: {  	s3 =	ssub.s32 $0x0, s20;
	[sflag:s22] =	ssyncset.done $0x0  }
0xa0: {  	[sflag:s22] =	ssyncadd.s32 s3;
	_ =	sdelay $0x1  }
0xa1: {  	s23 =	simm.s32 $0x1B8B  }
0xa2: {  	_ =	swait.ge [sflag:s23], $0x1  }
0xa3: {  	[sflag:s23] =	ssyncset.done $0x0  }
0xa4: {  	s25 =	simm.s32 $0x1B8E;
	s24 =	sld [smem:$0x3FFE];
	[sflag:s23] =	ssyncadd.s32 $0xFFFFFFFF  }
0xa5: {  	s26 =	simm.s32 $execute0_lowered;
	[smem:$0x3FD2] =	sst s25  }
0xa6: {  	s4 =	sshll.u32 s26, $0x1;
	_ =	strace $0x80000052;
	[dreg:$0x1] =	wrdreg $0xFFFFFFFF  }
0xa7: {  	s28 =	simm.s32 $_size_execute0_lowered;
	s2 =	sadd.s32 s2, s4;
	[dreg:$0x0] =	wrdreg $0x0  }
0xa8: {  	s4 =	sshll.u32 s28, $0x1;
	[dreg:$0x2] =	wrdreg s2  }
0xa9: {  	[dreg:$0x3] =	wrdreg s4  }
0xaa: {  	[dreg:$0x4] =	wrdreg $0xC0  }
0xab: {  	_ =	task [dreg:s6], $0x5FFFF  }
0xac: {  	[dreg:$0x1] =	wrdreg $0xFFFFFFFF  }
0xad: {  	[dreg:$0x0] =	wrdreg $0x60  }
0xae: {  	[dreg:$0x2] =	wrdreg s24  }
0xaf: {  	[dreg:$0x3] =	wrdreg $0x0  }
0xb0: {  	[dreg:$0x4] =	wrdreg $0x9  }
0xb1: {  	_ =	task.clear_ibuf [dreg:s6], $0x5FFFF;
	_ =	strace $0x90000052  }
0xb2: {  	s29 =	simm.s32 $0x9;
	_ =	strace $0x80000054  }
0xb3: {  	_ =	swait.ge [sflag:s29], $0x1  }
0xb4: {  	[sflag:s29] =	ssyncadd.s32 $0xFFFFFFFF  }
0xb5: {  	_ =	strace $0x90000054  }
0xb6: {  	_ =	sfence  }
0xb7: {  	s30 =	sld [smem:$0x0];
	_ =	sdelay $0x2  }
0xb8: {  	s31 =	sshll.u32 s1, $0xD;
	s1 =	sshrl.u32 s1, $0x2  }
0xb9: {  	s3 =	sand.u32 $0x4000, s31;
	s1 =	sadd.s32 s1, s30  }
0xba: {  	s0 =	sor.u32 s3, s0;
	s1 =	sshll.u32 s1, $0x11  }
0xbb: {  	s0 =	sor.u32 s1, s0  }
0xbc: {  	s0 =	sadd.s32 $0x8F2B, s0  }
0xbd: {  	[sflag:s0] =	ssyncadd.remote.s32 $0x1  }
0xbe: {  	_ =	sfence.sel $0xFFFF  }
0xbf: {  	[dreg:$0x0] =	wrdreg $0xFFFFFFFF;
	(pc) =	sbr.abs _section_cstart, $3  }
0xc0: {  	[dreg:$0x1] =	wrdreg $0xFFFFFFFF  }
0xc1: {  	_ =	task.clear_ibuf [dreg:s6], $0x2FFFF;
	_ =	strace $0x9FFFFFFF  }
0xc2: {  	(tm) =	ssettm $0x7FFFFFFF  }
0xc3: {  	_ =	shalt  }
tec
execute0_lowered:
.L_overlay_start_1:
0x0: {  	(tag) =	ssettag $0x1  }
0x1: {  	s0 =	rddreg [dreg:$0x0]  }
0x2: {  	s1 =	rddreg [dreg:$0x1];
	s2 =	simm.s32 $0x0  }
0x3: {  	s13 =	stileid.u32;
	s17 =	srdreg.scid;
	s31 =	simm.s32 $0x3480  }
0x4: {  	s30 =	simm.s32 $0x2780;
	s28 =	simm.s32 $0x2900;
	s29 =	simm.s32 $0x2980  }
0x5: {  	[smem:$0x7FF] =	sst s2;
	s4 =	sadd.s32 $0x1D5C00, s0;
	s5 =	sadd.s32 $0x4600, s0  }
0x6: {  	s2 =	sand.u32 $0x1, s17;
	s3 =	smul.u32 $0xC80, s13;
	s6 =	sadd.s32 $0x1BCC00, s0  }
0x7: {  	s7 =	sadd.s32 $0x1D600, s0;
	s8 =	sadd.s32 $0x1B0800, s0;
	s10 =	smul.u32 $0x190, s13  }
0x8: {  	_ =	strace $0x80000053;
	s9 =	smul.u32 $0xC800, s2;
	s11 =	sshll.u32 s2, $0x4  }
0x9: {  	s12 =	ssub.s32 $0x2, s2;
	p0 =	seq.s32 s2, $0x1;
	s11 =	sor.u32 s13, s11  }
0xa: {  	s18 =	sshrl.u32 s12, $0x1;
	s10 =	sadd.s32 s10, s0;
	s26 =	sadd.s32 s3, s1  }
0xb: {  	s13 =	simm.s32 $0x2B80;
	s9 =	sadd.s32 s3, s9;
	s14 =	smul.u32 $0x6400, s11  }
0xc: {  	s19 =	ssub.s32 s12, s18;
	s20 =	sadd.s32 $0x1B6A00, s10;
	s22 =	smul.u32 $0xC80, s11  }
0xd: {  	s18 =	simm.s32 $0x5;
	s12 =	simm.s32 $0x2800;
	s11 =	simm.s32 $0x1  }
0xe: {  	s10 =	simm.s32 $0x0;
	[dreg:$0x4] =	wrdreg s26;
	s9 =	sshrl.u32 s9, $0x3  }
0xf: {  	[dreg:$0x3] =	wrdreg s20;
	s25 =	smax.u32 s19, $0x1;
	s19 =	simm.s32 $0x2  }
0x10: {  	s20 =	simm.s32 $0x3;
	s0 =	sadd.s32 s9, s0;
	[dreg:$0x5] =	wrdreg s22  }
0x11: {  	s21 =	sshrl.u32 s14, $0x3;
	[dreg:$0xa] =	wrdreg s25;
	s22 =	simm.s32 $0x80  }
0x12: {  	s9 =	simm.s32 $0x2A80;
	s2 =	sadd.s32 $0xC00, s21;
	s0 =	sadd.s32 $0x1B8400, s0  }
0x13: {  	s14 =	simm.s32 $0x2B00;
	s23 =	sadd.s32 s4, s2;
	[dreg:$0x9] =	wrdreg s0  }
0x14: {  	s21 =	simm.s32 $0x4;
	s24 =	sadd.s32 s5, s2;
	[dreg:$0x6] =	wrdreg s23  }
0x15: {  	s2 =	sadd.s32 s6, s2;
	s0 =	simm.s32 $0x2A00;
	[dreg:$0x7] =	wrdreg s24  }
0x16: {  	v0 =	vimm.f32 $0.0e+00;
	[dreg:$0x8] =	wrdreg s2;
	s24 =	simm.s32 $0x2700;
	s2 =	simm.s32 $0x2C00  }
.LBB2_1:
.Ltmp0:
0x17: {  	(pc) =	sbr.rel @!p0 .LBB2_2-.Ltmp0, $2  }
0x18: {  	_ =	sdelay $0x2  }
0x19: {  	[dreg:$0xb] =	wrdreg s10  }
0x1a: {  	s3 =	simm.s32 $0x40;
	s23 =	simm.s32 $0x0  }
.LBB2_4:
0x1b: {  	p1 =	sne.s32 s3, $0x31C0;
	[tilespmem:s23+$0x3480] =	vst v0;
	s23 =	smov.u32 s3;
	s3 =	sadd.s32 $0x40, s3  }
.Ltmp1:
0x1c: {  	(pc) =	sbr.rel @p1 .LBB2_4-.Ltmp1, $2  }
0x1d: {  	_ =	sdelay $0x2  }
0x1e: {  	s23 =	sshra.s32 s23, $0x2  }
.Ltmp2:
0x1f: {  	(pc) =	sbr.rel .LBB2_6-.Ltmp2, $2  }
0x20: {  	_ =	sdelay $0x2  }
0x21: {  	[tilespmem:s23+$0x3480] =	vst v0  }
.LBB2_2:
0x22: {  	s3 =	simm.s32 $0x0;
	s16 =	rddreg [dreg:$0x3]  }
0x23: {  	[tilespmem:s31], [sflag:$0x5] =	stream.linear.gather [hbm4b:s16+s3], $0xC80, $0x38;
	[tilespmem:$0x4100] =	vst v63  }
0x24: {  	_ =	swait.ge [sflag:s18], $0xC80  }
0x25: {  	[sflag:s18] =	ssyncset.done $0x0  }
0x26: {  	[sflag:s18] =	ssyncadd.s32 $0xFFFFF380  }
.LBB2_6:
0x27: {  	[spmem:s26] =	stream.linear.scatter [tilespmem:s31], [sflag:$0x5], $0xC80, $0x38;
	[tilespmem:$0x4100] =	vst v63  }
0x28: {  	_ =	swait.ge [sflag:s18], $0xC80  }
0x29: {  	[sflag:s18] =	ssyncset.done $0x0  }
0x2a: {  	[sflag:s18] =	ssyncadd.s32 $0xFFFFF380  }
0x2b: {  	s23 =	simm.s32 $0x0;
	s26 =	simm.s32 $0x0;
	[bflag:$0x0] =	sbarrier.arrive $0xFFFF  }
.LBB2_7:
0x2c: {  	s3 =	sshll.u32 s26, $0x8;
	s16 =	rddreg [dreg:$0x5]  }
0x2d: {  	s3 =	sadd.s32 s16, s3  }
0x2e: {  	s25 =	simm.s32 $0xC80;
	s31 =	sadd.s32 s4, s3  }
0x2f: {  	[tilespmem:s25], [sflag:$0x5] =	stream.linear.gather [hbm4b:s31+s23], $0x400, $0x38;
	[tilespmem:$0x4100] =	vst v63  }
0x30: {  	_ =	swait.ge [sflag:s18], $0x400  }
0x31: {  	[sflag:s18] =	ssyncset.done $0x0  }
0x32: {  	s17 =	simm.s32 $0x1080;
	s31 =	sadd.s32 s5, s3;
	[sflag:s18] =	ssyncadd.s32 $0xFFFFFC00  }
0x33: {  	[tilespmem:s17], [sflag:$0x5] =	stream.linear.gather [hbm4b:s31+s23], $0x400, $0x38;
	[tilespmem:$0x4100] =	vst v63  }
0x34: {  	_ =	swait.ge [sflag:s18], $0x400  }
0x35: {  	[sflag:s18] =	ssyncset.done $0x0  }
0x36: {  	s15 =	simm.s32 $0x1480;
	s31 =	sadd.s32 s6, s3;
	[sflag:s18] =	ssyncadd.s32 $0xFFFFFC00  }
0x37: {  	[tilespmem:s15], [sflag:$0x5] =	stream.linear.gather [hbm4b:s31+s23], $0x400, $0x38;
	[tilespmem:$0x4100] =	vst v63  }
0x38: {  	_ =	swait.ge [sflag:s18], $0x400  }
0x39: {  	[sflag:s18] =	ssyncset.done $0x0  }
0x3a: {  	s15 =	simm.s32 $0x2480;
	[sflag:s18] =	ssyncadd.s32 $0xFFFFFC00  }
0x3b: {  	[tilespmem:s15], [sflag:$0x1] =	stream.indirect.gather [hbm4b:s7+s22], $0x1, s25, s22, $0xb8;
	[tilespmem:$0x4100] =	vst v63  }
0x3c: {  	s10 =	simm.s32 $0x2C80  }
0x3d: {  	[tilespmem:s10], [sflag:$0x1] =	stream.indirect.gather [hbm4b:s8+s22], $0x1, s17, s22, $0xb8;
	[tilespmem:$0x4100] =	vst v63  }
0x3e: {  	s25 =	simm.s32 $0xD00;
	s17 =	simm.s32 $0x2500  }
0x3f: {  	[tilespmem:s17], [sflag:$0x1] =	stream.indirect.gather [hbm4b:s7+s22], $0x1, s25, s22, $0xb8;
	[tilespmem:$0x4100] =	vst v63  }
0x40: {  	s31 =	simm.s32 $0x2D00;
	s10 =	simm.s32 $0x1100  }
0x41: {  	[tilespmem:s31], [sflag:$0x1] =	stream.indirect.gather [hbm4b:s8+s22], $0x1, s10, s22, $0xb8;
	[tilespmem:$0x4100] =	vst v63  }
0x42: {  	s25 =	simm.s32 $0xD80;
	s31 =	simm.s32 $0x2580  }
0x43: {  	[tilespmem:s31], [sflag:$0x1] =	stream.indirect.gather [hbm4b:s7+s22], $0x1, s25, s22, $0xb8;
	[tilespmem:$0x4100] =	vst v63  }
0x44: {  	s10 =	simm.s32 $0x1180;
	s31 =	simm.s32 $0x2D80  }
0x45: {  	[tilespmem:s31], [sflag:$0x1] =	stream.indirect.gather [hbm4b:s8+s22], $0x1, s10, s22, $0xb8;
	[tilespmem:$0x4100] =	vst v63  }
0x46: {  	s25 =	simm.s32 $0xE00;
	s31 =	simm.s32 $0x2600  }
0x47: {  	[tilespmem:s31], [sflag:$0x1] =	stream.indirect.gather [hbm4b:s7+s22], $0x1, s25, s22, $0xb8;
	[tilespmem:$0x4100] =	vst v63  }
0x48: {  	s10 =	simm.s32 $0x1200;
	s31 =	simm.s32 $0x2E00  }
0x49: {  	[tilespmem:s31], [sflag:$0x1] =	stream.indirect.gather [hbm4b:s8+s22], $0x1, s10, s22, $0xb8;
	[tilespmem:$0x4100] =	vst v63  }
0x4a: {  	s25 =	simm.s32 $0xE80;
	s31 =	simm.s32 $0x2680  }
0x4b: {  	[tilespmem:s31], [sflag:$0x1] =	stream.indirect.gather [hbm4b:s7+s22], $0x1, s25, s22, $0xb8;
	[tilespmem:$0x4100] =	vst v63  }
0x4c: {  	s10 =	simm.s32 $0x1280;
	s31 =	simm.s32 $0x2E80  }
0x4d: {  	[tilespmem:s31], [sflag:$0x1] =	stream.indirect.gather [hbm4b:s8+s22], $0x1, s10, s22, $0xb8;
	[tilespmem:$0x4100] =	vst v63  }
0x4e: {  	s25 =	simm.s32 $0xF00  }
0x4f: {  	[tilespmem:s24], [sflag:$0x1] =	stream.indirect.gather [hbm4b:s7+s22], $0x1, s25, s22, $0xb8;
	[tilespmem:$0x4100] =	vst v63  }
0x50: {  	s10 =	simm.s32 $0x1300;
	s31 =	simm.s32 $0x2F00  }
0x51: {  	[tilespmem:s31], [sflag:$0x1] =	stream.indirect.gather [hbm4b:s8+s22], $0x1, s10, s22, $0xb8;
	[tilespmem:$0x4100] =	vst v63  }
0x52: {  	s25 =	simm.s32 $0xF80  }
0x53: {  	[tilespmem:s30], [sflag:$0x1] =	stream.indirect.gather [hbm4b:s7+s22], $0x1, s25, s22, $0xb8;
	[tilespmem:$0x4100] =	vst v63  }
0x54: {  	s10 =	simm.s32 $0x1380;
	s31 =	simm.s32 $0x2F80  }
0x55: {  	[tilespmem:s31], [sflag:$0x1] =	stream.indirect.gather [hbm4b:s8+s22], $0x1, s10, s22, $0xb8;
	[tilespmem:$0x4100] =	vst v63  }
0x56: {  	s25 =	simm.s32 $0x1000  }
0x57: {  	[tilespmem:s12], [sflag:$0x1] =	stream.indirect.gather [hbm4b:s7+s22], $0x1, s25, s22, $0xb8;
	[tilespmem:$0x4100] =	vst v63  }
0x58: {  	s3 =	sadd.s32 $0x80, s3;
	s10 =	simm.s32 $0x1400;
	s31 =	simm.s32 $0x3000  }
0x59: {  	[tilespmem:s31], [sflag:$0x1] =	stream.indirect.gather [hbm4b:s8+s22], $0x1, s10, s22, $0xb8;
	[tilespmem:$0x4100] =	vst v63  }
0x5a: {  	s16 =	simm.s32 $0x1880;
	s31 =	sadd.s32 s4, s3  }
0x5b: {  	[tilespmem:s16], [sflag:$0x5] =	stream.linear.gather [hbm4b:s31+s23], $0x400, $0x38;
	[tilespmem:$0x4100] =	vst v63  }
0x5c: {  	_ =	swait.ge [sflag:s18], $0x400  }
0x5d: {  	[sflag:s18] =	ssyncset.done $0x0  }
0x5e: {  	s10 =	simm.s32 $0x1C80;
	s31 =	sadd.s32 s5, s3;
	[sflag:s18] =	ssyncadd.s32 $0xFFFFFC00  }
0x5f: {  	[tilespmem:s10], [sflag:$0x5] =	stream.linear.gather [hbm4b:s31+s23], $0x400, $0x38;
	[tilespmem:$0x4100] =	vst v63  }
0x60: {  	_ =	swait.ge [sflag:s18], $0x400  }
0x61: {  	[sflag:s18] =	ssyncset.done $0x0  }
0x62: {  	s25 =	simm.s32 $0x2080;
	s3 =	sadd.s32 s6, s3;
	[sflag:s18] =	ssyncadd.s32 $0xFFFFFC00  }
0x63: {  	[tilespmem:s25], [sflag:$0x5] =	stream.linear.gather [hbm4b:s3+s23], $0x400, $0x38;
	[tilespmem:$0x4100] =	vst v63  }
0x64: {  	_ =	swait.ge [sflag:s18], $0x400  }
0x65: {  	[sflag:s18] =	ssyncset.done $0x0  }
0x66: {  	s25 =	simm.s32 $0x2880;
	[sflag:s18] =	ssyncadd.s32 $0xFFFFFC00  }
0x67: {  	[tilespmem:s25], [sflag:$0x2] =	stream.indirect.gather [hbm4b:s7+s22], $0x1, s16, s22, $0xb8;
	[tilespmem:$0x4100] =	vst v63  }
0x68: {  	s16 =	simm.s32 $0x3080  }
0x69: {  	[tilespmem:s16], [sflag:$0x2] =	stream.indirect.gather [hbm4b:s8+s22], $0x1, s10, s22, $0xb8;
	[tilespmem:$0x4100] =	vst v63  }
0x6a: {  	s16 =	simm.s32 $0x1900  }
0x6b: {  	[tilespmem:s28], [sflag:$0x2] =	stream.indirect.gather [hbm4b:s7+s22], $0x1, s16, s22, $0xb8;
	[tilespmem:$0x4100] =	vst v63  }
0x6c: {  	s10 =	simm.s32 $0x1D00;
	s16 =	simm.s32 $0x3100  }
0x6d: {  	[tilespmem:s16], [sflag:$0x2] =	stream.indirect.gather [hbm4b:s8+s22], $0x1, s10, s22, $0xb8;
	[tilespmem:$0x4100] =	vst v63  }
0x6e: {  	s16 =	simm.s32 $0x1980  }
0x6f: {  	[tilespmem:s29], [sflag:$0x2] =	stream.indirect.gather [hbm4b:s7+s22], $0x1, s16, s22, $0xb8;
	[tilespmem:$0x4100] =	vst v63  }
0x70: {  	s10 =	simm.s32 $0x1D80;
	s16 =	simm.s32 $0x3180  }
0x71: {  	[tilespmem:s16], [sflag:$0x2] =	stream.indirect.gather [hbm4b:s8+s22], $0x1, s10, s22, $0xb8;
	[tilespmem:$0x4100] =	vst v63  }
0x72: {  	s16 =	simm.s32 $0x1A00  }
0x73: {  	[tilespmem:s0], [sflag:$0x2] =	stream.indirect.gather [hbm4b:s7+s22], $0x1, s16, s22, $0xb8;
	[tilespmem:$0x4100] =	vst v63  }
0x74: {  	s10 =	simm.s32 $0x1E00;
	s16 =	simm.s32 $0x3200  }
0x75: {  	[tilespmem:s16], [sflag:$0x2] =	stream.indirect.gather [hbm4b:s8+s22], $0x1, s10, s22, $0xb8;
	[tilespmem:$0x4100] =	vst v63  }
0x76: {  	s16 =	simm.s32 $0x1A80  }
0x77: {  	[tilespmem:s9], [sflag:$0x2] =	stream.indirect.gather [hbm4b:s7+s22], $0x1, s16, s22, $0xb8;
	[tilespmem:$0x4100] =	vst v63  }
0x78: {  	s10 =	simm.s32 $0x1E80;
	s16 =	simm.s32 $0x3280  }
0x79: {  	[tilespmem:s16], [sflag:$0x2] =	stream.indirect.gather [hbm4b:s8+s22], $0x1, s10, s22, $0xb8;
	[tilespmem:$0x4100] =	vst v63  }
0x7a: {  	s16 =	simm.s32 $0x1B00  }
0x7b: {  	[tilespmem:s14], [sflag:$0x2] =	stream.indirect.gather [hbm4b:s7+s22], $0x1, s16, s22, $0xb8;
	[tilespmem:$0x4100] =	vst v63  }
0x7c: {  	s10 =	simm.s32 $0x1F00;
	s16 =	simm.s32 $0x3300  }
0x7d: {  	[tilespmem:s16], [sflag:$0x2] =	stream.indirect.gather [hbm4b:s8+s22], $0x1, s10, s22, $0xb8;
	[tilespmem:$0x4100] =	vst v63  }
0x7e: {  	s16 =	simm.s32 $0x1B80  }
0x7f: {  	[tilespmem:s13], [sflag:$0x2] =	stream.indirect.gather [hbm4b:s7+s22], $0x1, s16, s22, $0xb8;
	[tilespmem:$0x4100] =	vst v63  }
0x80: {  	s10 =	simm.s32 $0x1F80;
	s16 =	simm.s32 $0x3380  }
0x81: {  	[tilespmem:s16], [sflag:$0x2] =	stream.indirect.gather [hbm4b:s8+s22], $0x1, s10, s22, $0xb8;
	[tilespmem:$0x4100] =	vst v63  }
0x82: {  	s16 =	simm.s32 $0x1C00  }
0x83: {  	[tilespmem:s2], [sflag:$0x2] =	stream.indirect.gather [hbm4b:s7+s22], $0x1, s16, s22, $0xb8;
	[tilespmem:$0x4100] =	vst v63  }
0x84: {  	s10 =	simm.s32 $0x2000;
	s16 =	simm.s32 $0x3400  }
0x85: {  	[tilespmem:s16], [sflag:$0x2] =	stream.indirect.gather [hbm4b:s8+s22], $0x1, s10, s22, $0xb8;
	[tilespmem:$0x4100] =	vst v63  }
0x86: {  	_ =	swait.ge [sflag:s11], $0x80  }
0x87: {  	[sflag:s11] =	ssyncset.done $0x0  }
0x88: {  	[sflag:s11] =	ssyncadd.s32 $0xFFFFFF80  }
0x89: {  	_ =	swait.ge [sflag:s11], $0x80  }
0x8a: {  	[sflag:s11] =	ssyncset.done $0x0  }
0x8b: {  	[sflag:s11] =	ssyncadd.s32 $0xFFFFFF80  }
0x8c: {  	_ =	swait.ge [sflag:s11], $0x80  }
0x8d: {  	[sflag:s11] =	ssyncset.done $0x0  }
0x8e: {  	[sflag:s11] =	ssyncadd.s32 $0xFFFFFF80  }
0x8f: {  	_ =	swait.ge [sflag:s11], $0x80  }
0x90: {  	[sflag:s11] =	ssyncset.done $0x0  }
0x91: {  	[sflag:s11] =	ssyncadd.s32 $0xFFFFFF80  }
0x92: {  	_ =	swait.ge [sflag:s11], $0x80  }
0x93: {  	[sflag:s11] =	ssyncset.done $0x0  }
0x94: {  	[sflag:s11] =	ssyncadd.s32 $0xFFFFFF80  }
0x95: {  	_ =	swait.ge [sflag:s11], $0x80  }
0x96: {  	[sflag:s11] =	ssyncset.done $0x0  }
0x97: {  	[sflag:s11] =	ssyncadd.s32 $0xFFFFFF80  }
0x98: {  	_ =	swait.ge [sflag:s11], $0x80  }
0x99: {  	[sflag:s11] =	ssyncset.done $0x0  }
0x9a: {  	[sflag:s11] =	ssyncadd.s32 $0xFFFFFF80  }
0x9b: {  	_ =	swait.ge [sflag:s11], $0x80  }
0x9c: {  	[sflag:s11] =	ssyncset.done $0x0  }
0x9d: {  	[sflag:s11] =	ssyncadd.s32 $0xFFFFFF80  }
0x9e: {  	_ =	swait.ge [sflag:s11], $0x80  }
0x9f: {  	[sflag:s11] =	ssyncset.done $0x0  }
0xa0: {  	[sflag:s11] =	ssyncadd.s32 $0xFFFFFF80  }
0xa1: {  	_ =	swait.ge [sflag:s11], $0x80  }
0xa2: {  	[sflag:s11] =	ssyncset.done $0x0  }
0xa3: {  	[sflag:s11] =	ssyncadd.s32 $0xFFFFFF80  }
0xa4: {  	_ =	swait.ge [sflag:s11], $0x80  }
0xa5: {  	[sflag:s11] =	ssyncset.done $0x0  }
0xa6: {  	[sflag:s11] =	ssyncadd.s32 $0xFFFFFF80  }
0xa7: {  	_ =	swait.ge [sflag:s11], $0x80  }
0xa8: {  	[sflag:s11] =	ssyncset.done $0x0  }
0xa9: {  	[sflag:s11] =	ssyncadd.s32 $0xFFFFFF80  }
0xaa: {  	_ =	swait.ge [sflag:s11], $0x80  }
0xab: {  	[sflag:s11] =	ssyncset.done $0x0  }
0xac: {  	[sflag:s11] =	ssyncadd.s32 $0xFFFFFF80  }
0xad: {  	_ =	swait.ge [sflag:s11], $0x80  }
0xae: {  	[sflag:s11] =	ssyncset.done $0x0  }
0xaf: {  	[sflag:s11] =	ssyncadd.s32 $0xFFFFFF80  }
0xb0: {  	_ =	swait.ge [sflag:s11], $0x80  }
0xb1: {  	[sflag:s11] =	ssyncset.done $0x0  }
0xb2: {  	[sflag:s11] =	ssyncadd.s32 $0xFFFFFF80  }
0xb3: {  	_ =	swait.ge [sflag:s11], $0x80  }
0xb4: {  	[sflag:s11] =	ssyncset.done $0x0  }
0xb5: {  	s31 =	simm.s32 $0x0;
	[sflag:s11] =	ssyncadd.s32 $0xFFFFFF80  }
0xb6: {  	s3 =	simm.s32 $0x40;
	v1 =	vld [tilespmem:s31+$0x2C80]  }
.LBB2_8:
0xb7: {  	p1 =	sne.s32 s3, $0xFC0;
	v2 =	vld [tilespmem:s31+$0x2480];
	_ =	sdelay $0x2  }
.Ltmp3:
0xb8: {  	(pc) =	sbr.rel @p1 .LBB2_8-.Ltmp3, $4  }
0xb9: {  	_ = 	snop  }
0xba: {  	v2 =	vmul.f32 v1, v2  }
0xbb: {  	s16 =	sshra.s32 s3, $0x2  }
0xbc: {  	s3 =	sadd.s32 $0x40, s3;
	v1 =	vld [tilespmem:s16+$0x2C80];
	[tilespmem:s31+$0x2480] =	vst v2;
	s31 =	smov.u32 s16  }
0xbd: {  	v2 =	vld [tilespmem:s31+$0x2480];
	_ =	sdelay $0x4  }
0xbe: {  	v1 =	vmul.f32 v1, v2;
	_ =	sdelay $0x1  }
0xbf: {  	s3 =	simm.s32 $0x1480;
	[tilespmem:s31+$0x2480] =	vst v1  }
0xc0: {  	[spmem:s1] =	stream.indirect.scatter.add.f32 [tilespmem:s15], [sflag:$0x3], $0x1, s3, s22, $0xb8;
	[tilespmem:$0x4100] =	vst v63  }
0xc1: {  	s16 =	simm.s32 $0x1500  }
0xc2: {  	[spmem:s1] =	stream.indirect.scatter.add.f32 [tilespmem:s17], [sflag:$0x3], $0x1, s16, s22, $0xb8;
	[tilespmem:$0x4100] =	vst v63  }
0xc3: {  	s10 =	simm.s32 $0x1580;
	s17 =	simm.s32 $0x2580  }
0xc4: {  	[spmem:s1] =	stream.indirect.scatter.add.f32 [tilespmem:s17], [sflag:$0x3], $0x1, s10, s22, $0xb8;
	[tilespmem:$0x4100] =	vst v63  }
0xc5: {  	s15 =	simm.s32 $0x1600;
	s10 =	simm.s32 $0x2600  }
0xc6: {  	[spmem:s1] =	stream.indirect.scatter.add.f32 [tilespmem:s10], [sflag:$0x3], $0x1, s15, s22, $0xb8;
	[tilespmem:$0x4100] =	vst v63  }
0xc7: {  	s16 =	simm.s32 $0x2680;
	s17 =	simm.s32 $0x1680  }
0xc8: {  	[spmem:s1] =	stream.indirect.scatter.add.f32 [tilespmem:s16], [sflag:$0x3], $0x1, s17, s22, $0xb8;
	[tilespmem:$0x4100] =	vst v63  }
0xc9: {  	s15 =	simm.s32 $0x1700  }
0xca: {  	[spmem:s1] =	stream.indirect.scatter.add.f32 [tilespmem:s24], [sflag:$0x3], $0x1, s15, s22, $0xb8;
	[tilespmem:$0x4100] =	vst v63  }
0xcb: {  	s16 =	simm.s32 $0x1780  }
0xcc: {  	[spmem:s1] =	stream.indirect.scatter.add.f32 [tilespmem:s30], [sflag:$0x3], $0x1, s16, s22, $0xb8;
	[tilespmem:$0x4100] =	vst v63  }
0xcd: {  	s17 =	simm.s32 $0x1800  }
0xce: {  	[spmem:s1] =	stream.indirect.scatter.add.f32 [tilespmem:s12], [sflag:$0x3], $0x1, s17, s22, $0xb8;
	[tilespmem:$0x4100] =	vst v63  }
0xcf: {  	_ =	swait.ge [sflag:s19], $0x80  }
0xd0: {  	[sflag:s19] =	ssyncset.done $0x0  }
0xd1: {  	[sflag:s19] =	ssyncadd.s32 $0xFFFFFF80  }
0xd2: {  	_ =	swait.ge [sflag:s19], $0x80  }
0xd3: {  	[sflag:s19] =	ssyncset.done $0x0  }
0xd4: {  	[sflag:s19] =	ssyncadd.s32 $0xFFFFFF80  }
0xd5: {  	_ =	swait.ge [sflag:s19], $0x80  }
0xd6: {  	[sflag:s19] =	ssyncset.done $0x0  }
0xd7: {  	[sflag:s19] =	ssyncadd.s32 $0xFFFFFF80  }
0xd8: {  	_ =	swait.ge [sflag:s19], $0x80  }
0xd9: {  	[sflag:s19] =	ssyncset.done $0x0  }
0xda: {  	[sflag:s19] =	ssyncadd.s32 $0xFFFFFF80  }
0xdb: {  	_ =	swait.ge [sflag:s19], $0x80  }
0xdc: {  	[sflag:s19] =	ssyncset.done $0x0  }
0xdd: {  	[sflag:s19] =	ssyncadd.s32 $0xFFFFFF80  }
0xde: {  	_ =	swait.ge [sflag:s19], $0x80  }
0xdf: {  	[sflag:s19] =	ssyncset.done $0x0  }
0xe0: {  	[sflag:s19] =	ssyncadd.s32 $0xFFFFFF80  }
0xe1: {  	_ =	swait.ge [sflag:s19], $0x80  }
0xe2: {  	[sflag:s19] =	ssyncset.done $0x0  }
0xe3: {  	[sflag:s19] =	ssyncadd.s32 $0xFFFFFF80  }
0xe4: {  	_ =	swait.ge [sflag:s19], $0x80  }
0xe5: {  	[sflag:s19] =	ssyncset.done $0x0  }
0xe6: {  	[sflag:s19] =	ssyncadd.s32 $0xFFFFFF80  }
0xe7: {  	_ =	swait.ge [sflag:s19], $0x80  }
0xe8: {  	[sflag:s19] =	ssyncset.done $0x0  }
0xe9: {  	[sflag:s19] =	ssyncadd.s32 $0xFFFFFF80  }
0xea: {  	_ =	swait.ge [sflag:s19], $0x80  }
0xeb: {  	[sflag:s19] =	ssyncset.done $0x0  }
0xec: {  	[sflag:s19] =	ssyncadd.s32 $0xFFFFFF80  }
0xed: {  	_ =	swait.ge [sflag:s19], $0x80  }
0xee: {  	[sflag:s19] =	ssyncset.done $0x0  }
0xef: {  	[sflag:s19] =	ssyncadd.s32 $0xFFFFFF80  }
0xf0: {  	_ =	swait.ge [sflag:s19], $0x80  }
0xf1: {  	[sflag:s19] =	ssyncset.done $0x0  }
0xf2: {  	[sflag:s19] =	ssyncadd.s32 $0xFFFFFF80  }
0xf3: {  	_ =	swait.ge [sflag:s19], $0x80  }
0xf4: {  	[sflag:s19] =	ssyncset.done $0x0  }
0xf5: {  	[sflag:s19] =	ssyncadd.s32 $0xFFFFFF80  }
0xf6: {  	_ =	swait.ge [sflag:s19], $0x80  }
0xf7: {  	[sflag:s19] =	ssyncset.done $0x0  }
0xf8: {  	[sflag:s19] =	ssyncadd.s32 $0xFFFFFF80  }
0xf9: {  	_ =	swait.ge [sflag:s19], $0x80  }
0xfa: {  	[sflag:s19] =	ssyncset.done $0x0  }
0xfb: {  	[sflag:s19] =	ssyncadd.s32 $0xFFFFFF80  }
0xfc: {  	_ =	swait.ge [sflag:s19], $0x80  }
0xfd: {  	[sflag:s19] =	ssyncset.done $0x0  }
0xfe: {  	s31 =	simm.s32 $0x0;
	[sflag:s19] =	ssyncadd.s32 $0xFFFFFF80  }
0xff: {  	s3 =	simm.s32 $0x40;
	v1 =	vld [tilespmem:s31+$0x3080]  }
.LBB2_10:
0x100: {  	p1 =	sne.s32 s3, $0xFC0;
	v2 =	vld [tilespmem:s31+$0x2880];
	_ =	sdelay $0x2  }
.Ltmp4:
0x101: {  	(pc) =	sbr.rel @p1 .LBB2_10-.Ltmp4, $4  }
0x102: {  	_ = 	snop  }
0x103: {  	v2 =	vmul.f32 v1, v2  }
0x104: {  	s16 =	sshra.s32 s3, $0x2  }
0x105: {  	s3 =	sadd.s32 $0x40, s3;
	v1 =	vld [tilespmem:s16+$0x3080];
	[tilespmem:s31+$0x2880] =	vst v2;
	s31 =	smov.u32 s16  }
0x106: {  	v2 =	vld [tilespmem:s31+$0x2880];
	_ =	sdelay $0x4  }
0x107: {  	v1 =	vmul.f32 v1, v2;
	_ =	sdelay $0x1  }
0x108: {  	s3 =	simm.s32 $0x2080;
	[tilespmem:s31+$0x2880] =	vst v1  }
0x109: {  	[spmem:s1] =	stream.indirect.scatter.add.f32 [tilespmem:s25], [sflag:$0x4], $0x1, s3, s22, $0xb8;
	[tilespmem:$0x4100] =	vst v63  }
0x10a: {  	s31 =	simm.s32 $0x2100  }
0x10b: {  	[spmem:s1] =	stream.indirect.scatter.add.f32 [tilespmem:s28], [sflag:$0x4], $0x1, s31, s22, $0xb8;
	[tilespmem:$0x4100] =	vst v63  }
0x10c: {  	s10 =	simm.s32 $0x2180  }
0x10d: {  	[spmem:s1] =	stream.indirect.scatter.add.f32 [tilespmem:s29], [sflag:$0x4], $0x1, s10, s22, $0xb8;
	[tilespmem:$0x4100] =	vst v63  }
0x10e: {  	s15 =	simm.s32 $0x2200  }
0x10f: {  	[spmem:s1] =	stream.indirect.scatter.add.f32 [tilespmem:s0], [sflag:$0x4], $0x1, s15, s22, $0xb8;
	[tilespmem:$0x4100] =	vst v63  }
0x110: {  	s16 =	simm.s32 $0x2280  }
0x111: {  	[spmem:s1] =	stream.indirect.scatter.add.f32 [tilespmem:s9], [sflag:$0x4], $0x1, s16, s22, $0xb8;
	[tilespmem:$0x4100] =	vst v63  }
0x112: {  	s17 =	simm.s32 $0x2300  }
0x113: {  	[spmem:s1] =	stream.indirect.scatter.add.f32 [tilespmem:s14], [sflag:$0x4], $0x1, s17, s22, $0xb8;
	[tilespmem:$0x4100] =	vst v63  }
0x114: {  	s25 =	simm.s32 $0x2380  }
0x115: {  	[spmem:s1] =	stream.indirect.scatter.add.f32 [tilespmem:s13], [sflag:$0x4], $0x1, s25, s22, $0xb8;
	[tilespmem:$0x4100] =	vst v63  }
0x116: {  	s31 =	simm.s32 $0x2400  }
0x117: {  	[spmem:s1] =	stream.indirect.scatter.add.f32 [tilespmem:s2], [sflag:$0x4], $0x1, s31, s22, $0xb8;
	[tilespmem:$0x4100] =	vst v63  }
0x118: {  	_ =	swait.ge [sflag:s20], $0x80  }
0x119: {  	[sflag:s20] =	ssyncset.done $0x0  }
0x11a: {  	[sflag:s20] =	ssyncadd.s32 $0xFFFFFF80  }
0x11b: {  	_ =	swait.ge [sflag:s20], $0x80  }
0x11c: {  	[sflag:s20] =	ssyncset.done $0x0  }
0x11d: {  	[sflag:s20] =	ssyncadd.s32 $0xFFFFFF80  }
0x11e: {  	_ =	swait.ge [sflag:s20], $0x80  }
0x11f: {  	[sflag:s20] =	ssyncset.done $0x0  }
0x120: {  	[sflag:s20] =	ssyncadd.s32 $0xFFFFFF80  }
0x121: {  	_ =	swait.ge [sflag:s20], $0x80  }
0x122: {  	[sflag:s20] =	ssyncset.done $0x0  }
0x123: {  	[sflag:s20] =	ssyncadd.s32 $0xFFFFFF80  }
0x124: {  	_ =	swait.ge [sflag:s20], $0x80  }
0x125: {  	[sflag:s20] =	ssyncset.done $0x0  }
0x126: {  	[sflag:s20] =	ssyncadd.s32 $0xFFFFFF80  }
0x127: {  	_ =	swait.ge [sflag:s20], $0x80  }
0x128: {  	[sflag:s20] =	ssyncset.done $0x0  }
0x129: {  	[sflag:s20] =	ssyncadd.s32 $0xFFFFFF80  }
0x12a: {  	_ =	swait.ge [sflag:s20], $0x80  }
0x12b: {  	[sflag:s20] =	ssyncset.done $0x0  }
0x12c: {  	[sflag:s20] =	ssyncadd.s32 $0xFFFFFF80  }
0x12d: {  	_ =	swait.ge [sflag:s20], $0x80  }
0x12e: {  	[sflag:s20] =	ssyncset.done $0x0  }
0x12f: {  	[sflag:s20] =	ssyncadd.s32 $0xFFFFFF80  }
0x130: {  	_ =	swait.ge [sflag:s21], $0x80  }
0x131: {  	[sflag:s21] =	ssyncset.done $0x0  }
0x132: {  	[sflag:s21] =	ssyncadd.s32 $0xFFFFFF80  }
0x133: {  	_ =	swait.ge [sflag:s21], $0x80  }
0x134: {  	[sflag:s21] =	ssyncset.done $0x0  }
0x135: {  	[sflag:s21] =	ssyncadd.s32 $0xFFFFFF80  }
0x136: {  	_ =	swait.ge [sflag:s21], $0x80  }
0x137: {  	[sflag:s21] =	ssyncset.done $0x0  }
0x138: {  	[sflag:s21] =	ssyncadd.s32 $0xFFFFFF80  }
0x139: {  	_ =	swait.ge [sflag:s21], $0x80  }
0x13a: {  	[sflag:s21] =	ssyncset.done $0x0  }
0x13b: {  	[sflag:s21] =	ssyncadd.s32 $0xFFFFFF80  }
0x13c: {  	_ =	swait.ge [sflag:s21], $0x80  }
0x13d: {  	[sflag:s21] =	ssyncset.done $0x0  }
0x13e: {  	[sflag:s21] =	ssyncadd.s32 $0xFFFFFF80  }
0x13f: {  	_ =	swait.ge [sflag:s21], $0x80  }
0x140: {  	[sflag:s21] =	ssyncset.done $0x0  }
0x141: {  	s26 =	sadd.s32 $0x1, s26;
	[sflag:s21] =	ssyncadd.s32 $0xFFFFFF80  }
0x142: {  	p1 =	sne.s32 s26, $0xC;
	_ =	swait.ge [sflag:s21], $0x80  }
.Ltmp5:
0x143: {  	[sflag:s21] =	ssyncset.done $0x0;
	(pc) =	sbr.rel @p1 .LBB2_7-.Ltmp5, $4  }
0x144: {  	[sflag:s21] =	ssyncadd.s32 $0xFFFFFF80  }
0x145: {  	_ =	swait.ge [sflag:s21], $0x80  }
0x146: {  	[sflag:s21] =	ssyncset.done $0x0  }
0x147: {  	[sflag:s21] =	ssyncadd.s32 $0xFFFFFF80  }
0x148: {  	s3 =	simm.s32 $0x0;
	s16 =	rddreg [dreg:$0x6];
	s23 =	simm.s32 $0xC80  }
0x149: {  	[tilespmem:s23], [sflag:$0x5] =	stream.linear.gather [hbm4b:s16+s3], $0x400, $0x38;
	[tilespmem:$0x4100] =	vst v63  }
0x14a: {  	_ =	swait.ge [sflag:s18], $0x400  }
0x14b: {  	[sflag:s18] =	ssyncset.done $0x0  }
0x14c: {  	s17 =	simm.s32 $0x1080;
	s25 =	rddreg [dreg:$0x7];
	[sflag:s18] =	ssyncadd.s32 $0xFFFFFC00  }
0x14d: {  	[tilespmem:s17], [sflag:$0x5] =	stream.linear.gather [hbm4b:s25+s3], $0x400, $0x38;
	[tilespmem:$0x4100] =	vst v63  }
0x14e: {  	_ =	swait.ge [sflag:s18], $0x400  }
0x14f: {  	[sflag:s18] =	ssyncset.done $0x0  }
0x150: {  	s15 =	simm.s32 $0x1480;
	s26 =	rddreg [dreg:$0x8];
	[sflag:s18] =	ssyncadd.s32 $0xFFFFFC00  }
0x151: {  	[tilespmem:s15], [sflag:$0x5] =	stream.linear.gather [hbm4b:s26+s3], $0x400, $0x38;
	[tilespmem:$0x4100] =	vst v63  }
0x152: {  	_ =	swait.ge [sflag:s18], $0x400  }
0x153: {  	[sflag:s18] =	ssyncset.done $0x0  }
0x154: {  	s15 =	simm.s32 $0x2480;
	[sflag:s18] =	ssyncadd.s32 $0xFFFFFC00  }
0x155: {  	[tilespmem:s15], [sflag:$0x1] =	stream.indirect.gather [hbm4b:s7+s22], $0x1, s23, s22, $0xb8;
	[tilespmem:$0x4100] =	vst v63  }
0x156: {  	s31 =	simm.s32 $0x2C80  }
0x157: {  	[tilespmem:s31], [sflag:$0x1] =	stream.indirect.gather [hbm4b:s8+s22], $0x1, s17, s22, $0xb8;
	[tilespmem:$0x4100] =	vst v63  }
0x158: {  	s10 =	simm.s32 $0xD00;
	s17 =	simm.s32 $0x2500  }
0x159: {  	[tilespmem:s17], [sflag:$0x1] =	stream.indirect.gather [hbm4b:s7+s22], $0x1, s10, s22, $0xb8;
	[tilespmem:$0x4100] =	vst v63  }
0x15a: {  	s16 =	simm.s32 $0x1100;
	s23 =	simm.s32 $0x2D00  }
0x15b: {  	[tilespmem:s23], [sflag:$0x1] =	stream.indirect.gather [hbm4b:s8+s22], $0x1, s16, s22, $0xb8;
	[tilespmem:$0x4100] =	vst v63  }
0x15c: {  	s25 =	simm.s32 $0xD80;
	s26 =	simm.s32 $0x2580  }
0x15d: {  	[tilespmem:s26], [sflag:$0x1] =	stream.indirect.gather [hbm4b:s7+s22], $0x1, s25, s22, $0xb8;
	[tilespmem:$0x4100] =	vst v63  }
0x15e: {  	s31 =	simm.s32 $0x1180;
	s10 =	simm.s32 $0x2D80  }
0x15f: {  	[tilespmem:s10], [sflag:$0x1] =	stream.indirect.gather [hbm4b:s8+s22], $0x1, s31, s22, $0xb8;
	[tilespmem:$0x4100] =	vst v63  }
0x160: {  	s16 =	simm.s32 $0xE00;
	s23 =	simm.s32 $0x2600  }
0x161: {  	[tilespmem:s23], [sflag:$0x1] =	stream.indirect.gather [hbm4b:s7+s22], $0x1, s16, s22, $0xb8;
	[tilespmem:$0x4100] =	vst v63  }
0x162: {  	s25 =	simm.s32 $0x1200;
	s26 =	simm.s32 $0x2E00  }
0x163: {  	[tilespmem:s26], [sflag:$0x1] =	stream.indirect.gather [hbm4b:s8+s22], $0x1, s25, s22, $0xb8;
	[tilespmem:$0x4100] =	vst v63  }
0x164: {  	s31 =	simm.s32 $0xE80;
	s10 =	simm.s32 $0x2680  }
0x165: {  	[tilespmem:s10], [sflag:$0x1] =	stream.indirect.gather [hbm4b:s7+s22], $0x1, s31, s22, $0xb8;
	[tilespmem:$0x4100] =	vst v63  }
0x166: {  	s16 =	simm.s32 $0x1280;
	s23 =	simm.s32 $0x2E80  }
0x167: {  	[tilespmem:s23], [sflag:$0x1] =	stream.indirect.gather [hbm4b:s8+s22], $0x1, s16, s22, $0xb8;
	[tilespmem:$0x4100] =	vst v63  }
0x168: {  	s25 =	simm.s32 $0xF00  }
0x169: {  	[tilespmem:s24], [sflag:$0x1] =	stream.indirect.gather [hbm4b:s7+s22], $0x1, s25, s22, $0xb8;
	[tilespmem:$0x4100] =	vst v63  }
0x16a: {  	s26 =	simm.s32 $0x1300;
	s31 =	simm.s32 $0x2F00  }
0x16b: {  	[tilespmem:s31], [sflag:$0x1] =	stream.indirect.gather [hbm4b:s8+s22], $0x1, s26, s22, $0xb8;
	[tilespmem:$0x4100] =	vst v63  }
0x16c: {  	s10 =	simm.s32 $0xF80  }
0x16d: {  	[tilespmem:s30], [sflag:$0x1] =	stream.indirect.gather [hbm4b:s7+s22], $0x1, s10, s22, $0xb8;
	[tilespmem:$0x4100] =	vst v63  }
0x16e: {  	s16 =	simm.s32 $0x1380;
	s23 =	simm.s32 $0x2F80  }
0x16f: {  	[tilespmem:s23], [sflag:$0x1] =	stream.indirect.gather [hbm4b:s8+s22], $0x1, s16, s22, $0xb8;
	[tilespmem:$0x4100] =	vst v63  }
0x170: {  	s25 =	simm.s32 $0x1000  }
0x171: {  	[tilespmem:s12], [sflag:$0x1] =	stream.indirect.gather [hbm4b:s7+s22], $0x1, s25, s22, $0xb8;
	[tilespmem:$0x4100] =	vst v63  }
0x172: {  	s26 =	simm.s32 $0x1400;
	s31 =	simm.s32 $0x3000  }
0x173: {  	[tilespmem:s31], [sflag:$0x1] =	stream.indirect.gather [hbm4b:s8+s22], $0x1, s26, s22, $0xb8;
	[tilespmem:$0x4100] =	vst v63  }
0x174: {  	_ =	swait.ge [sflag:s11], $0x80  }
0x175: {  	[sflag:s11] =	ssyncset.done $0x0  }
0x176: {  	[sflag:s11] =	ssyncadd.s32 $0xFFFFFF80  }
0x177: {  	_ =	swait.ge [sflag:s11], $0x80  }
0x178: {  	[sflag:s11] =	ssyncset.done $0x0  }
0x179: {  	[sflag:s11] =	ssyncadd.s32 $0xFFFFFF80  }
0x17a: {  	_ =	swait.ge [sflag:s11], $0x80  }
0x17b: {  	[sflag:s11] =	ssyncset.done $0x0  }
0x17c: {  	[sflag:s11] =	ssyncadd.s32 $0xFFFFFF80  }
0x17d: {  	_ =	swait.ge [sflag:s11], $0x80  }
0x17e: {  	[sflag:s11] =	ssyncset.done $0x0  }
0x17f: {  	[sflag:s11] =	ssyncadd.s32 $0xFFFFFF80  }
0x180: {  	_ =	swait.ge [sflag:s11], $0x80  }
0x181: {  	[sflag:s11] =	ssyncset.done $0x0  }
0x182: {  	[sflag:s11] =	ssyncadd.s32 $0xFFFFFF80  }
0x183: {  	_ =	swait.ge [sflag:s11], $0x80  }
0x184: {  	[sflag:s11] =	ssyncset.done $0x0  }
0x185: {  	[sflag:s11] =	ssyncadd.s32 $0xFFFFFF80  }
0x186: {  	_ =	swait.ge [sflag:s11], $0x80  }
0x187: {  	[sflag:s11] =	ssyncset.done $0x0  }
0x188: {  	[sflag:s11] =	ssyncadd.s32 $0xFFFFFF80  }
0x189: {  	_ =	swait.ge [sflag:s11], $0x80  }
0x18a: {  	[sflag:s11] =	ssyncset.done $0x0  }
0x18b: {  	[sflag:s11] =	ssyncadd.s32 $0xFFFFFF80  }
0x18c: {  	_ =	swait.ge [sflag:s11], $0x80  }
0x18d: {  	[sflag:s11] =	ssyncset.done $0x0  }
0x18e: {  	[sflag:s11] =	ssyncadd.s32 $0xFFFFFF80  }
0x18f: {  	_ =	swait.ge [sflag:s11], $0x80  }
0x190: {  	[sflag:s11] =	ssyncset.done $0x0  }
0x191: {  	[sflag:s11] =	ssyncadd.s32 $0xFFFFFF80  }
0x192: {  	_ =	swait.ge [sflag:s11], $0x80  }
0x193: {  	[sflag:s11] =	ssyncset.done $0x0  }
0x194: {  	[sflag:s11] =	ssyncadd.s32 $0xFFFFFF80  }
0x195: {  	_ =	swait.ge [sflag:s11], $0x80  }
0x196: {  	[sflag:s11] =	ssyncset.done $0x0  }
0x197: {  	[sflag:s11] =	ssyncadd.s32 $0xFFFFFF80  }
0x198: {  	_ =	swait.ge [sflag:s11], $0x80  }
0x199: {  	[sflag:s11] =	ssyncset.done $0x0  }
0x19a: {  	[sflag:s11] =	ssyncadd.s32 $0xFFFFFF80  }
0x19b: {  	_ =	swait.ge [sflag:s11], $0x80  }
0x19c: {  	[sflag:s11] =	ssyncset.done $0x0  }
0x19d: {  	[sflag:s11] =	ssyncadd.s32 $0xFFFFFF80  }
0x19e: {  	_ =	swait.ge [sflag:s11], $0x80  }
0x19f: {  	[sflag:s11] =	ssyncset.done $0x0  }
0x1a0: {  	[sflag:s11] =	ssyncadd.s32 $0xFFFFFF80  }
0x1a1: {  	_ =	swait.ge [sflag:s11], $0x80  }
0x1a2: {  	[sflag:s11] =	ssyncset.done $0x0  }
0x1a3: {  	s23 =	simm.s32 $0x0;
	[sflag:s11] =	ssyncadd.s32 $0xFFFFFF80  }
0x1a4: {  	s3 =	simm.s32 $0x40;
	v1 =	vld [tilespmem:s23+$0x2C80]  }
.LBB2_13:
0x1a5: {  	p1 =	sne.s32 s3, $0xFC0;
	v2 =	vld [tilespmem:s23+$0x2480];
	_ =	sdelay $0x2  }
.Ltmp6:
0x1a6: {  	(pc) =	sbr.rel @p1 .LBB2_13-.Ltmp6, $4  }
0x1a7: {  	_ = 	snop  }
0x1a8: {  	v2 =	vmul.f32 v1, v2  }
0x1a9: {  	s16 =	sshra.s32 s3, $0x2  }
0x1aa: {  	s3 =	sadd.s32 $0x40, s3;
	v1 =	vld [tilespmem:s16+$0x2C80];
	[tilespmem:s23+$0x2480] =	vst v2;
	s23 =	smov.u32 s16  }
0x1ab: {  	v2 =	vld [tilespmem:s23+$0x2480];
	_ =	sdelay $0x4  }
0x1ac: {  	v1 =	vmul.f32 v1, v2;
	_ =	sdelay $0x1  }
0x1ad: {  	s3 =	simm.s32 $0x1480;
	[tilespmem:s23+$0x2480] =	vst v1  }
0x1ae: {  	[spmem:s1] =	stream.indirect.scatter.add.f32 [tilespmem:s15], [sflag:$0x3], $0x1, s3, s22, $0xb8;
	[tilespmem:$0x4100] =	vst v63  }
0x1af: {  	s15 =	simm.s32 $0x1500  }
0x1b0: {  	[spmem:s1] =	stream.indirect.scatter.add.f32 [tilespmem:s17], [sflag:$0x3], $0x1, s15, s22, $0xb8;
	[tilespmem:$0x4100] =	vst v63  }
0x1b1: {  	s16 =	simm.s32 $0x2580;
	s10 =	simm.s32 $0x1580  }
0x1b2: {  	[spmem:s1] =	stream.indirect.scatter.add.f32 [tilespmem:s16], [sflag:$0x3], $0x1, s10, s22, $0xb8;
	[tilespmem:$0x4100] =	vst v63  }
0x1b3: {  	s23 =	simm.s32 $0x1600;
	s17 =	simm.s32 $0x2600  }
0x1b4: {  	[spmem:s1] =	stream.indirect.scatter.add.f32 [tilespmem:s17], [sflag:$0x3], $0x1, s23, s22, $0xb8;
	[tilespmem:$0x4100] =	vst v63  }
0x1b5: {  	s25 =	simm.s32 $0x2680;
	s26 =	simm.s32 $0x1680  }
0x1b6: {  	[spmem:s1] =	stream.indirect.scatter.add.f32 [tilespmem:s25], [sflag:$0x3], $0x1, s26, s22, $0xb8;
	[tilespmem:$0x4100] =	vst v63  }
0x1b7: {  	s10 =	simm.s32 $0x1700  }
0x1b8: {  	[spmem:s1] =	stream.indirect.scatter.add.f32 [tilespmem:s24], [sflag:$0x3], $0x1, s10, s22, $0xb8;
	[tilespmem:$0x4100] =	vst v63  }
0x1b9: {  	s15 =	simm.s32 $0x1780  }
0x1ba: {  	[spmem:s1] =	stream.indirect.scatter.add.f32 [tilespmem:s30], [sflag:$0x3], $0x1, s15, s22, $0xb8;
	[tilespmem:$0x4100] =	vst v63  }
0x1bb: {  	s16 =	simm.s32 $0x1800  }
0x1bc: {  	[spmem:s1] =	stream.indirect.scatter.add.f32 [tilespmem:s12], [sflag:$0x3], $0x1, s16, s22, $0xb8;
	[tilespmem:$0x4100] =	vst v63  }
0x1bd: {  	_ =	swait.ge [sflag:s20], $0x80  }
0x1be: {  	[sflag:s20] =	ssyncset.done $0x0  }
0x1bf: {  	[sflag:s20] =	ssyncadd.s32 $0xFFFFFF80  }
0x1c0: {  	_ =	swait.ge [sflag:s20], $0x80  }
0x1c1: {  	[sflag:s20] =	ssyncset.done $0x0  }
0x1c2: {  	[sflag:s20] =	ssyncadd.s32 $0xFFFFFF80  }
0x1c3: {  	_ =	swait.ge [sflag:s20], $0x80  }
0x1c4: {  	[sflag:s20] =	ssyncset.done $0x0  }
0x1c5: {  	[sflag:s20] =	ssyncadd.s32 $0xFFFFFF80  }
0x1c6: {  	_ =	swait.ge [sflag:s20], $0x80  }
0x1c7: {  	[sflag:s20] =	ssyncset.done $0x0  }
0x1c8: {  	[sflag:s20] =	ssyncadd.s32 $0xFFFFFF80  }
0x1c9: {  	_ =	swait.ge [sflag:s20], $0x80  }
0x1ca: {  	[sflag:s20] =	ssyncset.done $0x0  }
0x1cb: {  	[sflag:s20] =	ssyncadd.s32 $0xFFFFFF80  }
0x1cc: {  	_ =	swait.ge [sflag:s20], $0x80  }
0x1cd: {  	[sflag:s20] =	ssyncset.done $0x0  }
0x1ce: {  	[sflag:s20] =	ssyncadd.s32 $0xFFFFFF80  }
0x1cf: {  	_ =	swait.ge [sflag:s20], $0x80  }
0x1d0: {  	[sflag:s20] =	ssyncset.done $0x0  }
0x1d1: {  	[sflag:s20] =	ssyncadd.s32 $0xFFFFFF80  }
0x1d2: {  	_ =	swait.ge [sflag:s20], $0x80  }
0x1d3: {  	[sflag:s20] =	ssyncset.done $0x0  }
0x1d4: {  	[sflag:s20] =	ssyncadd.s32 $0xFFFFFF80  }
0x1d5: {  	[bflag:$0x0] =	sbarrier.arrive $0xFFFF  }
0x1d6: {  	s31 =	simm.s32 $0x3480;
	s26 =	rddreg [dreg:$0x4]  }
0x1d7: {  	[tilespmem:s31], [sflag:$0x5] =	stream.linear.gather [spmem:s26], $0xC80, $0x38;
	[tilespmem:$0x4100] =	vst v63  }
0x1d8: {  	_ =	swait.ge [sflag:s18], $0xC80  }
0x1d9: {  	[sflag:s18] =	ssyncset.done $0x0  }
0x1da: {  	s17 =	simm.s32 $0x0;
	s16 =	rddreg [dreg:$0x9];
	[sflag:s18] =	ssyncadd.s32 $0xFFFFF380  }
0x1db: {  	[hbm4b:s16+s17] =	stream.linear.scatter [tilespmem:s31], [sflag:$0x5], $0xC80, $0x38;
	[tilespmem:$0x4100] =	vst v63  }
0x1dc: {  	_ =	swait.ge [sflag:s18], $0xC80  }
0x1dd: {  	s23 =	rddreg [dreg:$0xb]  }
0x1de: {  	s25 =	rddreg [dreg:$0xa];
	s10 =	sadd.s32 $0x1, s23  }
0x1df: {  	p1 =	sne.s32 s10, s25  }
.Ltmp7:
0x1e0: {  	_ = 	snop;
	(pc) =	sbr.rel @p1 .LBB2_1-.Ltmp7, $3  }
0x1e1: {  	_ =	sdelay $0x1  }
0x1e2: {  	[sflag:s18] =	ssyncset.done $0x0  }
0x1e3: {  	[sflag:s18] =	ssyncadd.s32 $0xFFFFF380  }
0x1e4: {  	_ =	sfence.sel $0x180000  }
0x1e5: {  	[bflag:$0x0] =	sbarrier.arrive $0xFFFF  }
0x1e6: {  	_ =	strace $0x90000053  }
0x1e7: {  	s0 =	stileid.u32;
	[bflag:$0x2] =	sbarrier.arrive $0xFFFF  }
0x1e8: {  	p0 =	sne.s32 s0, $0x0;
	s0 =	rddreg [dreg:$0x2]  }
0x1e9: {  	s0 =	sadd.s32 @!p0 $0x100000, s0  }
0x1ea: {  	[sflag:s0] =	ssyncadd.tile.s32 @!p0 $0x1;
	_ =	shalt  }
.Lfunc_end2:
_tile_overlayer_lowered:
.L_overlay_start_2:
0x1eb: {  	(tag) =	ssettag $0x2  }
0x1ec: {  	s0 =	rddreg [dreg:$0x0];
	s2 =	stileid.u32  }
0x1ed: {  	s1 =	rddreg [dreg:$0x1];
	p0 =	sne.s32 s2, $0x0  }
0x1ee: {  	s3 =	rddreg [dreg:$0x2];
	[bflag:$0x3] =	sbarrier.arrive $0xFFFF;
	s2 =	simm.s32 @!p0 $0x1C05  }
0x1ef: {  	[timem:s3], [sflag:s2] =	dma.local @!p0 [hbm:s0], s1  }
0x1f0: {  	s0 =	simm.s32 @!p0 $0x5  }
0x1f1: {  	_ =	swait.ge @!p0 [sflag:s0], s1  }
0x1f2: {  	s1 =	ssub.s32 @!p0 $0x0, s1;
	[sflag:s0] =	ssyncset.done @!p0 $0x0  }
0x1f3: {  	[sflag:s0] =	ssyncadd.s32 @!p0 s1  }
0x1f4: {  	[bflag:$0x3] =	sbarrier.arrive $0xFFFF  }
0x1f5: {  	_ =	shalt  }

</sc_bundles>
